<compile_context>
chip_gen: v7x
topology: tpu7x:2x2x1
jax: 0.10.2.dev20260603
libtpu: 0.0.44.dev20260713+nightly
codegen_flags: <defaults>
</compile_context>

<pallas_src>
import functools

import jax
import jax.numpy as jnp
from jax.experimental import pallas as pl
from jax.experimental.pallas import tpu as pltpu
from jax.experimental.pallas import tpu_sc as plsc

_EPS = 1e-12
_WIN = 64


def _sc_gather_two(word_emb, ids, vorder_emb, vo, lo, cnt):
    h = word_emb.shape[1]
    mesh = plsc.VectorSubcoreMesh(core_axis_name="c", subcore_axis_name="s")
    nw = 32
    b_per_w = cnt // nw
    nch = b_per_w // _WIN

    @functools.partial(
        pl.kernel,
        out_type=(
            jax.ShapeDtypeStruct((cnt, h), word_emb.dtype),
            jax.ShapeDtypeStruct((cnt, h), vorder_emb.dtype),
        ),
        mesh=mesh,
        scratch_types=[
            pltpu.VMEM((b_per_w,), jnp.int32),
            pltpu.VMEM((_WIN, h), jnp.float32),
            pltpu.VMEM((_WIN, h), jnp.float32),
            pltpu.SemaphoreType.DMA,
            pltpu.SemaphoreType.DMA,
        ],
    )
    def k(w_hbm, i_hbm, v_hbm, j_hbm, o1_hbm, o2_hbm,
          idx_v, rows_a, rows_b, sem_a, sem_b):
        wid = jax.lax.axis_index("s") * 2 + jax.lax.axis_index("c")
        base = wid * b_per_w

        def one_table(t_hbm, x_hbm, o_hbm):
            pltpu.sync_copy(x_hbm.at[pl.ds(lo + base, b_per_w)], idx_v)

            def gat(ci, buf, sem):
                c = ci * _WIN
                pltpu.async_copy(t_hbm.at[idx_v.at[pl.ds(c, _WIN)]], buf, sem)

            def put(ci, buf, sem):
                c = ci * _WIN
                pltpu.make_async_copy(
                    t_hbm.at[pl.ds(0, _WIN)], buf, sem).wait()
                pltpu.sync_copy(buf, o_hbm.at[pl.ds(base + c, _WIN)])

            gat(0, rows_a, sem_a)

            @pl.loop(0, nch, step=2)
            def _(ci):
                @pl.when(ci + 1 < nch)
                def _():
                    gat(ci + 1, rows_b, sem_b)

                put(ci, rows_a, sem_a)

                @pl.when(ci + 2 < nch)
                def _():
                    gat(ci + 2, rows_a, sem_a)

                @pl.when(ci + 1 < nch)
                def _():
                    put(ci + 1, rows_b, sem_b)

        one_table(w_hbm, i_hbm, o1_hbm)
        one_table(v_hbm, j_hbm, o2_hbm)

    return k(word_emb, ids, vorder_emb, vo)


_TWO_PI = 6.283185307179586
_INV_TWO_PI = 0.15915494309189535
_PI = 3.141592653589793


def _fast_sin(x):
    k = jnp.round(x * _INV_TWO_PI)
    r = x - k * _TWO_PI
    a = jnp.abs(r)
    m = jnp.minimum(a, _PI - a)
    m2 = m * m
    p = m * (1.0 + m2 * (-1.6666667e-1 + m2 * (8.3333333e-3
             + m2 * (-1.9841270e-4 + m2 * 2.7557319e-6))))
    return jnp.sign(r) * p


def _tc_body(pos_per, blk0, has_acc, g1, g2, ta40, ta, pe, w0, wta, cw, cphi,
             vseg, gam, bet, *rest):
    out = rest[-1]
    blk = g1.shape[0]
    x = jnp.dot(g1[...].astype(jnp.bfloat16), w0[...],
                preferred_element_type=jnp.float32)
    pe_blk = pe[pl.ds(((blk0 + pl.program_id(0)) % pos_per) * blk, blk), :]
    vs = ta[:, 2:3]
    feat = _fast_sin(ta40[...] * cw[...] + cphi[...]).astype(jnp.bfloat16)
    x = x + jnp.dot(feat, wta[...], preferred_element_type=jnp.float32)
    y = jnp.tanh(x)
    seg_iota = jax.lax.broadcasted_iota(
        jnp.int32, (1, vseg.shape[0]), 1).astype(jnp.float32)
    oh = jnp.where(vs == seg_iota, 1.0, 0.0).astype(jnp.bfloat16)
    vs_e = jnp.dot(oh, vseg[...], preferred_element_type=jnp.float32)
    emb = y + g2[...] + pe_blk + vs_e
    mu = jnp.mean(emb, axis=1, keepdims=True)
    d = emb - mu
    var = jnp.mean(d * d, axis=1, keepdims=True)
    out[...] = d * jax.lax.rsqrt(var + _EPS) * gam[...] + bet[...]


def _tc_forward_chunk(g1, g2, ta40, ta, pe, w0, wta, cw, cphi, vseg, gam, bet,
                      blk, n, blk0, acc):
    nc, h = g1.shape
    s = pe.shape[0]
    nblk = nc // blk
    pos_per = s // blk
    in_specs = [
        pl.BlockSpec((blk, h), lambda i: (i, 0)),
        pl.BlockSpec((blk, h), lambda i: (i, 0)),
        pl.BlockSpec((blk, ta40.shape[1]), lambda i: (blk0 + i, 0)),
        pl.BlockSpec((blk, 4), lambda i: (blk0 + i, 0)),
        pl.BlockSpec((s, h), lambda i: (0, 0)),
        pl.BlockSpec(w0.shape, lambda i: (0, 0)),
        pl.BlockSpec(wta.shape, lambda i: (0, 0)),
        pl.BlockSpec(cw.shape, lambda i: (0, 0)),
        pl.BlockSpec(cphi.shape, lambda i: (0, 0)),
        pl.BlockSpec(vseg.shape, lambda i: (0, 0)),
        pl.BlockSpec(gam.shape, lambda i: (0, 0)),
        pl.BlockSpec(bet.shape, lambda i: (0, 0)),
    ]
    args = [g1, g2, ta40, ta, pe, w0, wta, cw, cphi, vseg, gam, bet]
    io_aliases = {}
    if acc is not None:
        in_specs.append(pl.BlockSpec(memory_space=pl.ANY))
        args.append(acc)
        io_aliases = {len(args) - 1: 0}
    body = functools.partial(_tc_body, pos_per, blk0, acc is not None)
    return pl.pallas_call(
        body,
        grid=(nblk,),
        in_specs=in_specs,
        out_specs=pl.BlockSpec((blk, h), lambda i: (blk0 + i, 0)),
        out_shape=jax.ShapeDtypeStruct((n, h), jnp.float32),
        input_output_aliases=io_aliases,
    )(*args)


def kernel(input_ids, time_stamps, ages, visit_orders, visit_segments,
           word_emb, pos_emb, type_emb, vorder_emb, vseg_emb,
           time_w, time_phi, age_w, age_phi, W, b, gamma, beta):
    bsz, s = input_ids.shape
    n = bsz * s
    h = word_emb.shape[1]

    ids = input_ids.reshape(n).astype(jnp.int32)
    vo = visit_orders.reshape(n).astype(jnp.int32)

    td = jnp.concatenate(
        [time_stamps[:, 0:1] * 0, time_stamps[:, 1:] - time_stamps[:, :-1]],
        axis=-1,
    )
    t = time_w.shape[1]
    ta40 = jnp.concatenate(
        [
            jnp.broadcast_to(td.reshape(n, 1), (n, t)),
            jnp.broadcast_to(ages.reshape(n, 1), (n, t)),
            jnp.zeros((n, 8), jnp.float32),
        ],
        axis=1,
    )
    ta = jnp.stack(
        [
            td.reshape(n),
            ages.reshape(n),
            visit_segments.reshape(n).astype(jnp.float32),
            jnp.zeros((n,), jnp.float32),
        ],
        axis=1,
    )
    zcol = jnp.zeros((1, 8), jnp.float32)
    cw = jnp.concatenate([time_w, age_w, zcol], axis=1)
    cphi = jnp.concatenate(
        [time_phi, age_phi,
         jnp.full((1, 1), _PI / 2, jnp.float32), jnp.zeros((1, 7), jnp.float32)],
        axis=1,
    )

    w0 = W[:h, :].astype(jnp.bfloat16)
    wta = jnp.concatenate(
        [W[h:, :], b.reshape(1, h), jnp.zeros((7, h), W.dtype)], axis=0
    ).astype(jnp.bfloat16)
    vseg2 = (vseg_emb + type_emb[0:1, :]).astype(jnp.bfloat16)
    gam = gamma.reshape(1, h)
    bet = beta.reshape(1, h)
    pe = pos_emb[:s]

    blk = 1024
    chunk_blocks = [8, 8, 16, 16, 16]
    acc = None
    blk0 = 0
    for cb in chunk_blocks:
        lo = blk0 * blk
        cnt = cb * blk
        g1, g2 = _sc_gather_two(word_emb, ids, vorder_emb, vo, lo, cnt)
        acc = _tc_forward_chunk(
            g1, g2, ta40, ta, pe,
            w0, wta, cw, cphi, vseg2, gam, bet,
            blk=blk, n=n, blk0=blk0, acc=acc,
        )
        blk0 += cb
    return acc.reshape(bsz, s, h)

# --- scband reference (transcript-rebuilt; emitter-appended) ---
"""Pipeline reference for scband-big-bird-embeddings-for-cehr-44375602103011 (READ-ONLY COPY).

The authoritative reference and input builder live on the scoring server;
editing this copy changes nothing except your own understanding.
"""

import jax, jax.numpy as jnp
import numpy as np

B, S = 32, 2048
V, H = 100000, 768
P = 4096
T = 16
VOS = 3
TYPES = 2
EPS = 1e-12


def setup_inputs(seed: int = 0) -> dict:
    key = jax.random.key(seed)
    ks = jax.random.split(key, 20)
    inp = {}
    inp['input_ids'] = jax.random.randint(ks[0], (B, S), 0, V)
    inp['time_stamps'] = jax.random.uniform(ks[1], (B, S), dtype=jnp.float32) * 1000.0
    inp['ages'] = jax.random.uniform(ks[2], (B, S), dtype=jnp.float32) * 100.0
    inp['visit_orders'] = jax.random.randint(ks[3], (B, S), 0, P)
    inp['visit_segments'] = jax.random.randint(ks[4], (B, S), 0, VOS)
    # parameters
    inp['word_emb'] = jax.random.normal(ks[5], (V, H), dtype=jnp.float32) * 0.02
    inp['pos_emb'] = jax.random.normal(ks[6], (P, H), dtype=jnp.float32) * 0.02
    inp['type_emb'] = jax.random.normal(ks[7], (TYPES, H), dtype=jnp.float32) * 0.02
    inp['vorder_emb'] = jax.random.normal(ks[8], (P, H), dtype=jnp.float32) * 0.02
    inp['vseg_emb'] = jax.random.normal(ks[9], (VOS, H), dtype=jnp.float32) * 0.02
    inp['time_w'] = jax.random.normal(ks[10], (1, T), dtype=jnp.float32) * 0.02
    inp['time_phi'] = jax.random.normal(ks[11], (1, T), dtype=jnp.float32) * 0.02
    inp['age_w'] = jax.random.normal(ks[12], (1, T), dtype=jnp.float32) * 0.02
    inp['age_phi'] = jax.random.normal(ks[13], (1, T), dtype=jnp.float32) * 0.02
    inp['W'] = jax.random.normal(ks[14], (H + 2 * T, H), dtype=jnp.float32) * 0.02
    inp['b'] = jnp.zeros((H,), dtype=jnp.float32)
    inp['gamma'] = jnp.ones((H,), dtype=jnp.float32)
    inp['beta'] = jnp.zeros((H,), dtype=jnp.float32)
    return inp


def reference(input_ids, time_stamps, ages, visit_orders, visit_segments,
              word_emb, pos_emb, type_emb, vorder_emb, vseg_emb,
              time_w, time_phi, age_w, age_phi, W, b, gamma, beta):
    # word embedding lookup (rescale_embeddings=False)
    inputs_embeds = jnp.take(word_emb, input_ids, axis=0)
    # time embedding with is_time_delta=True
    td = jnp.concatenate([time_stamps[:, 0:1] * 0,
                          time_stamps[:, 1:] - time_stamps[:, :-1]], axis=-1)
    time_e = jnp.sin(td[..., None] * time_w + time_phi)
    # age embedding (no delta)
    age_e = jnp.sin(ages[..., None] * age_w + age_phi)
    # visit segment / visit order lookups
    vseg_e = jnp.take(vseg_emb, visit_segments, axis=0)
    vord_e = jnp.take(vorder_emb, visit_orders, axis=0)
    # position ids = arange(S); token_type_ids = zeros
    pos_e = pos_emb[:S][None, :, :]
    tt_e = type_emb[0][None, None, :]
    # concat + linear + tanh
    x = jnp.concatenate([inputs_embeds, time_e, age_e], axis=-1)
    x = jnp.tanh(x @ W + b)
    emb = x + tt_e
    emb = emb + pos_e
    emb = emb + vord_e
    emb = emb + vseg_e
    # dropout is identity in eval mode
    mu = jnp.mean(emb, axis=-1, keepdims=True)
    var = jnp.var(emb, axis=-1, keepdims=True)
    emb = (emb - mu) / jnp.sqrt(var + EPS) * gamma + beta
    return emb

if __name__ == "__main__":
    import jax
    _d = setup_inputs()
    print(jax.jit(kernel)(*tuple(_d.values())))

</pallas_src>

<mosaic_0001>
#map = affine_map<(d0, d1) -> (0, 0)>
#map1 = affine_map<(d0, d1) -> (0)>
module attributes {stable_mosaic.version = 14 : i64} {
  func.func @k(%arg0: i32, %arg1: i32, %arg2: memref<100000x768xf32, #tpu.memory_space<hbm>>, %arg3: memref<65536xi32, #tpu.memory_space<hbm>>, %arg4: memref<4096x768xf32, #tpu.memory_space<hbm>>, %arg5: memref<65536xi32, #tpu.memory_space<hbm>>, %arg6: memref<16384x768xf32, #tpu.memory_space<hbm>>, %arg7: memref<16384x768xf32, #tpu.memory_space<hbm>>, %arg8: memref<512xi32, #tpu.memory_space<vmem>>, %arg9: memref<64x768xf32, #tpu.memory_space<vmem>>, %arg10: memref<64x768xf32, #tpu.memory_space<vmem>>, %arg11: memref<!tpu.dma_semaphore, #tpu.memory_space<semaphore_mem>>, %arg12: memref<!tpu.dma_semaphore, #tpu.memory_space<semaphore_mem>>) attributes {dimension_semantics = [#tpu.dimension_semantics<core_parallel>, #tpu.dimension_semantics<subcore_parallel>], iteration_bounds = array<i64: 2, 16>, scalar_prefetch = 0 : i64, scratch_operands = 5 : i64, tpu.core_type = #tpu.core_type<sc_vector_subcore>, window_params = [{transform_indices = #map}, {transform_indices = #map1}, {transform_indices = #map}, {transform_indices = #map1}, {transform_indices = #map}, {transform_indices = #map}]} {
    %mul3A = arith.constant 2 : i32
    %mul3A_0 = arith.muli %arg1, %mul3A : i32
    %add3A = arith.addi %mul3A_0, %arg0 : i32
    %mul3A_1 = arith.constant 512 : i32
    %mul3A_2 = arith.muli %add3A, %mul3A_1 : i32
    %add3A_3 = arith.constant 32768 : i32
    %add3A_4 = arith.addi %add3A_3, %mul3A_2 : i32
    "tpu.region"() ({
      %run_scoped3A = tpu.sem_alloc : memref<!tpu.dma_semaphore, #tpu.memory_space<semaphore_mem>>
      %dma_start3A_25 = tpu.memref_slice %arg3[%add3A_4] : memref<65536xi32, #tpu.memory_space<hbm>> -> memref<512xi32, #tpu.memory_space<hbm>>
      %dma_start3A_26 = tpu.memref_slice %arg3[%add3A_4] : memref<65536xi32, #tpu.memory_space<hbm>> -> memref<512xi32, #tpu.memory_space<hbm>>
      tpu.enqueue_dma source(%dma_start3A_26 : memref<512xi32, #tpu.memory_space<hbm>>) target(%arg8 : memref<512xi32, #tpu.memory_space<vmem>>) target_semaphore(%run_scoped3A : memref<!tpu.dma_semaphore, #tpu.memory_space<semaphore_mem>>)
      %dma_wait3A = tpu.memref_slice %arg3[%add3A_4] : memref<65536xi32, #tpu.memory_space<hbm>> -> memref<512xi32, #tpu.memory_space<hbm>>
      %dma_wait3A_27 = tpu.memref_slice %arg3[%add3A_4] : memref<65536xi32, #tpu.memory_space<hbm>> -> memref<512xi32, #tpu.memory_space<hbm>>
      tpu.wait_dma2 semaphore(%run_scoped3A : memref<!tpu.dma_semaphore, #tpu.memory_space<semaphore_mem>>) src(%dma_wait3A_27 : memref<512xi32, #tpu.memory_space<hbm>>) dst(%arg8 : memref<512xi32, #tpu.memory_space<vmem>>)
      tpu.yield
    }) : () -> ()
    %dma_start3A = arith.constant 0 : i32
    %dma_start3A_5 = tpu.memref_slice %arg8[%dma_start3A] : memref<512xi32, #tpu.memory_space<vmem>> -> memref<64xi32, #tpu.memory_space<vmem>>
    %dma_start3A_6 = arith.constant 0 : i32
    %dma_start3A_7 = arith.constant 0 : i32
    %dma_start3A_8 = tpu.memref_slice %arg2[%dma_start3A_6, %dma_start3A_7] : memref<100000x768xf32, #tpu.memory_space<hbm>> -> memref<100000x768xf32, #tpu.memory_space<hbm>>
    tpu.enqueue_indirect_dma source(%dma_start3A_8 : memref<100000x768xf32, #tpu.memory_space<hbm>>) target(%arg9 : memref<64x768xf32, #tpu.memory_space<vmem>>) offsets(%dma_start3A_5 : memref<64xi32, #tpu.memory_space<vmem>>) semaphore(%arg11 : memref<!tpu.dma_semaphore, #tpu.memory_space<semaphore_mem>>)
    %scan3A = arith.constant 0 : i32
    %scan3A_9 = arith.constant 4 : i32
    %scan3A_10 = arith.addi %scan3A, %scan3A_9 : i32
    %scan3A_11 = arith.constant 1 : i32
    scf.for %scan3A_25 = %scan3A to %scan3A_10 step %scan3A_11  : i32 {
      %mul3A_26 = arith.constant 2 : i32
      %mul3A_27 = arith.muli %scan3A_25, %mul3A_26 : i32
      %add3A_28 = arith.constant 0 : i32
      %add3A_29 = arith.addi %add3A_28, %mul3A_27 : i32
      %add3A_30 = arith.constant 1 : i32
      %add3A_31 = arith.addi %add3A_29, %add3A_30 : i32
      %lt3A = arith.constant 8 : i32
      %lt3A_32 = arith.cmpi slt, %add3A_31, %lt3A : i32
      %convert_element_type3A = arith.extui %lt3A_32 : i1 to i32
      %cond3A = arith.constant 0 : i32
      %cond3A_33 = arith.cmpi ne, %convert_element_type3A, %cond3A : i32
      scf.if %cond3A_33 {
        %add3A_56 = arith.constant 1 : i32
        %add3A_57 = arith.addi %add3A_29, %add3A_56 : i32
        %mul3A_58 = arith.constant 64 : i32
        %mul3A_59 = arith.muli %add3A_57, %mul3A_58 : i32
        %dma_start3A_60 = tpu.memref_slice %arg8[%mul3A_59] : memref<512xi32, #tpu.memory_space<vmem>> -> memref<64xi32, #tpu.memory_space<vmem>>
        %dma_start3A_61 = arith.constant 0 : i32
        %dma_start3A_62 = arith.constant 0 : i32
        %dma_start3A_63 = tpu.memref_slice %arg2[%dma_start3A_61, %dma_start3A_62] : memref<100000x768xf32, #tpu.memory_space<hbm>> -> memref<100000x768xf32, #tpu.memory_space<hbm>>
        tpu.enqueue_indirect_dma source(%dma_start3A_63 : memref<100000x768xf32, #tpu.memory_space<hbm>>) target(%arg10 : memref<64x768xf32, #tpu.memory_space<vmem>>) offsets(%dma_start3A_60 : memref<64xi32, #tpu.memory_space<vmem>>) semaphore(%arg12 : memref<!tpu.dma_semaphore, #tpu.memory_space<semaphore_mem>>)
      } else {
      }
      %mul3A_34 = arith.constant 64 : i32
      %mul3A_35 = arith.muli %add3A_29, %mul3A_34 : i32
      %dma_wait3A = arith.constant 0 : i32
      %dma_wait3A_36 = arith.constant 0 : i32
      %dma_wait3A_37 = tpu.memref_slice %arg2[%dma_wait3A, %dma_wait3A_36] : memref<100000x768xf32, #tpu.memory_space<hbm>> -> memref<64x768xf32, #tpu.memory_space<hbm>>
      %dma_wait3A_38 = arith.constant 0 : i32
      %dma_wait3A_39 = arith.constant 0 : i32
      %dma_wait3A_40 = tpu.memref_slice %arg2[%dma_wait3A_38, %dma_wait3A_39] : memref<100000x768xf32, #tpu.memory_space<hbm>> -> memref<64x768xf32, #tpu.memory_space<hbm>>
      tpu.wait_dma2 semaphore(%arg11 : memref<!tpu.dma_semaphore, #tpu.memory_space<semaphore_mem>>) src(%dma_wait3A_40 : memref<64x768xf32, #tpu.memory_space<hbm>>) dst(%arg9 : memref<64x768xf32, #tpu.memory_space<vmem>>)
      %add3A_41 = arith.addi %mul3A_2, %mul3A_35 : i32
      "tpu.region"() ({
        %run_scoped3A = tpu.sem_alloc : memref<!tpu.dma_semaphore, #tpu.memory_space<semaphore_mem>>
        %dma_start3A_56 = arith.constant 0 : i32
        %dma_start3A_57 = tpu.memref_slice %arg6[%add3A_41, %dma_start3A_56] : memref<16384x768xf32, #tpu.memory_space<hbm>> -> memref<64x768xf32, #tpu.memory_space<hbm>>
        %dma_start3A_58 = arith.constant 0 : i32
        %dma_start3A_59 = tpu.memref_slice %arg6[%add3A_41, %dma_start3A_58] : memref<16384x768xf32, #tpu.memory_space<hbm>> -> memref<64x768xf32, #tpu.memory_space<hbm>>
        tpu.enqueue_dma source(%arg9 : memref<64x768xf32, #tpu.memory_space<vmem>>) target(%dma_start3A_59 : memref<64x768xf32, #tpu.memory_space<hbm>>) target_semaphore(%run_scoped3A : memref<!tpu.dma_semaphore, #tpu.memory_space<semaphore_mem>>)
        %dma_wait3A_60 = arith.constant 0 : i32
        %dma_wait3A_61 = tpu.memref_slice %arg6[%add3A_41, %dma_wait3A_60] : memref<16384x768xf32, #tpu.memory_space<hbm>> -> memref<64x768xf32, #tpu.memory_space<hbm>>
        %dma_wait3A_62 = arith.constant 0 : i32
        %dma_wait3A_63 = tpu.memref_slice %arg6[%add3A_41, %dma_wait3A_62] : memref<16384x768xf32, #tpu.memory_space<hbm>> -> memref<64x768xf32, #tpu.memory_space<hbm>>
        tpu.wait_dma2 semaphore(%run_scoped3A : memref<!tpu.dma_semaphore, #tpu.memory_space<semaphore_mem>>) src(%arg9 : memref<64x768xf32, #tpu.memory_space<vmem>>) dst(%dma_wait3A_63 : memref<64x768xf32, #tpu.memory_space<hbm>>)
        tpu.yield
      }) : () -> ()
      %add3A_42 = arith.constant 2 : i32
      %add3A_43 = arith.addi %add3A_29, %add3A_42 : i32
      %lt3A_44 = arith.constant 8 : i32
      %lt3A_45 = arith.cmpi slt, %add3A_43, %lt3A_44 : i32
      %convert_element_type3A_46 = arith.extui %lt3A_45 : i1 to i32
      %cond3A_47 = arith.constant 0 : i32
      %cond3A_48 = arith.cmpi ne, %convert_element_type3A_46, %cond3A_47 : i32
      scf.if %cond3A_48 {
        %add3A_56 = arith.constant 2 : i32
        %add3A_57 = arith.addi %add3A_29, %add3A_56 : i32
        %mul3A_58 = arith.constant 64 : i32
        %mul3A_59 = arith.muli %add3A_57, %mul3A_58 : i32
        %dma_start3A_60 = tpu.memref_slice %arg8[%mul3A_59] : memref<512xi32, #tpu.memory_space<vmem>> -> memref<64xi32, #tpu.memory_space<vmem>>
        %dma_start3A_61 = arith.constant 0 : i32
        %dma_start3A_62 = arith.constant 0 : i32
        %dma_start3A_63 = tpu.memref_slice %arg2[%dma_start3A_61, %dma_start3A_62] : memref<100000x768xf32, #tpu.memory_space<hbm>> -> memref<100000x768xf32, #tpu.memory_space<hbm>>
        tpu.enqueue_indirect_dma source(%dma_start3A_63 : memref<100000x768xf32, #tpu.memory_space<hbm>>) target(%arg9 : memref<64x768xf32, #tpu.memory_space<vmem>>) offsets(%dma_start3A_60 : memref<64xi32, #tpu.memory_space<vmem>>) semaphore(%arg11 : memref<!tpu.dma_semaphore, #tpu.memory_space<semaphore_mem>>)
      } else {
      }
      %add3A_49 = arith.constant 1 : i32
      %add3A_50 = arith.addi %add3A_29, %add3A_49 : i32
      %lt3A_51 = arith.constant 8 : i32
      %lt3A_52 = arith.cmpi slt, %add3A_50, %lt3A_51 : i32
      %convert_element_type3A_53 = arith.extui %lt3A_52 : i1 to i32
      %cond3A_54 = arith.constant 0 : i32
      %cond3A_55 = arith.cmpi ne, %convert_element_type3A_53, %cond3A_54 : i32
      scf.if %cond3A_55 {
        %add3A_56 = arith.constant 1 : i32
        %add3A_57 = arith.addi %add3A_29, %add3A_56 : i32
        %mul3A_58 = arith.constant 64 : i32
        %mul3A_59 = arith.muli %add3A_57, %mul3A_58 : i32
        %dma_wait3A_60 = arith.constant 0 : i32
        %dma_wait3A_61 = arith.constant 0 : i32
        %dma_wait3A_62 = tpu.memref_slice %arg2[%dma_wait3A_60, %dma_wait3A_61] : memref<100000x768xf32, #tpu.memory_space<hbm>> -> memref<64x768xf32, #tpu.memory_space<hbm>>
        %dma_wait3A_63 = arith.constant 0 : i32
        %dma_wait3A_64 = arith.constant 0 : i32
        %dma_wait3A_65 = tpu.memref_slice %arg2[%dma_wait3A_63, %dma_wait3A_64] : memref<100000x768xf32, #tpu.memory_space<hbm>> -> memref<64x768xf32, #tpu.memory_space<hbm>>
        tpu.wait_dma2 semaphore(%arg12 : memref<!tpu.dma_semaphore, #tpu.memory_space<semaphore_mem>>) src(%dma_wait3A_65 : memref<64x768xf32, #tpu.memory_space<hbm>>) dst(%arg10 : memref<64x768xf32, #tpu.memory_space<vmem>>)
        %add3A_66 = arith.addi %mul3A_2, %mul3A_59 : i32
        "tpu.region"() ({
          %run_scoped3A = tpu.sem_alloc : memref<!tpu.dma_semaphore, #tpu.memory_space<semaphore_mem>>
          %dma_start3A_67 = arith.constant 0 : i32
          %dma_start3A_68 = tpu.memref_slice %arg6[%add3A_66, %dma_start3A_67] : memref<16384x768xf32, #tpu.memory_space<hbm>> -> memref<64x768xf32, #tpu.memory_space<hbm>>
          %dma_start3A_69 = arith.constant 0 : i32
          %dma_start3A_70 = tpu.memref_slice %arg6[%add3A_66, %dma_start3A_69] : memref<16384x768xf32, #tpu.memory_space<hbm>> -> memref<64x768xf32, #tpu.memory_space<hbm>>
          tpu.enqueue_dma source(%arg10 : memref<64x768xf32, #tpu.memory_space<vmem>>) target(%dma_start3A_70 : memref<64x768xf32, #tpu.memory_space<hbm>>) target_semaphore(%run_scoped3A : memref<!tpu.dma_semaphore, #tpu.memory_space<semaphore_mem>>)
          %dma_wait3A_71 = arith.constant 0 : i32
          %dma_wait3A_72 = tpu.memref_slice %arg6[%add3A_66, %dma_wait3A_71] : memref<16384x768xf32, #tpu.memory_space<hbm>> -> memref<64x768xf32, #tpu.memory_space<hbm>>
          %dma_wait3A_73 = arith.constant 0 : i32
          %dma_wait3A_74 = tpu.memref_slice %arg6[%add3A_66, %dma_wait3A_73] : memref<16384x768xf32, #tpu.memory_space<hbm>> -> memref<64x768xf32, #tpu.memory_space<hbm>>
          tpu.wait_dma2 semaphore(%run_scoped3A : memref<!tpu.dma_semaphore, #tpu.memory_space<semaphore_mem>>) src(%arg10 : memref<64x768xf32, #tpu.memory_space<vmem>>) dst(%dma_wait3A_74 : memref<64x768xf32, #tpu.memory_space<hbm>>)
          tpu.yield
        }) : () -> ()
      } else {
      }
    }
    %scan3A_12 = arith.constant 4 : i32
    %add3A_13 = arith.constant 32768 : i32
    %add3A_14 = arith.addi %add3A_13, %mul3A_2 : i32
    "tpu.region"() ({
      %run_scoped3A = tpu.sem_alloc : memref<!tpu.dma_semaphore, #tpu.memory_space<semaphore_mem>>
      %dma_start3A_25 = tpu.memref_slice %arg5[%add3A_14] : memref<65536xi32, #tpu.memory_space<hbm>> -> memref<512xi32, #tpu.memory_space<hbm>>
      %dma_start3A_26 = tpu.memref_slice %arg5[%add3A_14] : memref<65536xi32, #tpu.memory_space<hbm>> -> memref<512xi32, #tpu.memory_space<hbm>>
      tpu.enqueue_dma source(%dma_start3A_26 : memref<512xi32, #tpu.memory_space<hbm>>) target(%arg8 : memref<512xi32, #tpu.memory_space<vmem>>) target_semaphore(%run_scoped3A : memref<!tpu.dma_semaphore, #tpu.memory_space<semaphore_mem>>)
      %dma_wait3A = tpu.memref_slice %arg5[%add3A_14] : memref<65536xi32, #tpu.memory_space<hbm>> -> memref<512xi32, #tpu.memory_space<hbm>>
      %dma_wait3A_27 = tpu.memref_slice %arg5[%add3A_14] : memref<65536xi32, #tpu.memory_space<hbm>> -> memref<512xi32, #tpu.memory_space<hbm>>
      tpu.wait_dma2 semaphore(%run_scoped3A : memref<!tpu.dma_semaphore, #tpu.memory_space<semaphore_mem>>) src(%dma_wait3A_27 : memref<512xi32, #tpu.memory_space<hbm>>) dst(%arg8 : memref<512xi32, #tpu.memory_space<vmem>>)
      tpu.yield
    }) : () -> ()
    %dma_start3A_15 = arith.constant 0 : i32
    %dma_start3A_16 = tpu.memref_slice %arg8[%dma_start3A_15] : memref<512xi32, #tpu.memory_space<vmem>> -> memref<64xi32, #tpu.memory_space<vmem>>
    %dma_start3A_17 = arith.constant 0 : i32
    %dma_start3A_18 = arith.constant 0 : i32
    %dma_start3A_19 = tpu.memref_slice %arg4[%dma_start3A_17, %dma_start3A_18] : memref<4096x768xf32, #tpu.memory_space<hbm>> -> memref<4096x768xf32, #tpu.memory_space<hbm>>
    tpu.enqueue_indirect_dma source(%dma_start3A_19 : memref<4096x768xf32, #tpu.memory_space<hbm>>) target(%arg9 : memref<64x768xf32, #tpu.memory_space<vmem>>) offsets(%dma_start3A_16 : memref<64xi32, #tpu.memory_space<vmem>>) semaphore(%arg11 : memref<!tpu.dma_semaphore, #tpu.memory_space<semaphore_mem>>)
    %scan3A_20 = arith.constant 0 : i32
    %scan3A_21 = arith.constant 4 : i32
    %scan3A_22 = arith.addi %scan3A_20, %scan3A_21 : i32
    %scan3A_23 = arith.constant 1 : i32
    scf.for %scan3A_25 = %scan3A_20 to %scan3A_22 step %scan3A_23  : i32 {
      %mul3A_26 = arith.constant 2 : i32
      %mul3A_27 = arith.muli %scan3A_25, %mul3A_26 : i32
      %add3A_28 = arith.constant 0 : i32
      %add3A_29 = arith.addi %add3A_28, %mul3A_27 : i32
      %add3A_30 = arith.constant 1 : i32
      %add3A_31 = arith.addi %add3A_29, %add3A_30 : i32
      %lt3A = arith.constant 8 : i32
      %lt3A_32 = arith.cmpi slt, %add3A_31, %lt3A : i32
      %convert_element_type3A = arith.extui %lt3A_32 : i1 to i32
      %cond3A = arith.constant 0 : i32
      %cond3A_33 = arith.cmpi ne, %convert_element_type3A, %cond3A : i32
      scf.if %cond3A_33 {
        %add3A_56 = arith.constant 1 : i32
        %add3A_57 = arith.addi %add3A_29, %add3A_56 : i32
        %mul3A_58 = arith.constant 64 : i32
        %mul3A_59 = arith.muli %add3A_57, %mul3A_58 : i32
        %dma_start3A_60 = tpu.memref_slice %arg8[%mul3A_59] : memref<512xi32, #tpu.memory_space<vmem>> -> memref<64xi32, #tpu.memory_space<vmem>>
        %dma_start3A_61 = arith.constant 0 : i32
        %dma_start3A_62 = arith.constant 0 : i32
        %dma_start3A_63 = tpu.memref_slice %arg4[%dma_start3A_61, %dma_start3A_62] : memref<4096x768xf32, #tpu.memory_space<hbm>> -> memref<4096x768xf32, #tpu.memory_space<hbm>>
        tpu.enqueue_indirect_dma source(%dma_start3A_63 : memref<4096x768xf32, #tpu.memory_space<hbm>>) target(%arg10 : memref<64x768xf32, #tpu.memory_space<vmem>>) offsets(%dma_start3A_60 : memref<64xi32, #tpu.memory_space<vmem>>) semaphore(%arg12 : memref<!tpu.dma_semaphore, #tpu.memory_space<semaphore_mem>>)
      } else {
      }
      %mul3A_34 = arith.constant 64 : i32
      %mul3A_35 = arith.muli %add3A_29, %mul3A_34 : i32
      %dma_wait3A = arith.constant 0 : i32
      %dma_wait3A_36 = arith.constant 0 : i32
      %dma_wait3A_37 = tpu.memref_slice %arg4[%dma_wait3A, %dma_wait3A_36] : memref<4096x768xf32, #tpu.memory_space<hbm>> -> memref<64x768xf32, #tpu.memory_space<hbm>>
      %dma_wait3A_38 = arith.constant 0 : i32
      %dma_wait3A_39 = arith.constant 0 : i32
      %dma_wait3A_40 = tpu.memref_slice %arg4[%dma_wait3A_38, %dma_wait3A_39] : memref<4096x768xf32, #tpu.memory_space<hbm>> -> memref<64x768xf32, #tpu.memory_space<hbm>>
      tpu.wait_dma2 semaphore(%arg11 : memref<!tpu.dma_semaphore, #tpu.memory_space<semaphore_mem>>) src(%dma_wait3A_40 : memref<64x768xf32, #tpu.memory_space<hbm>>) dst(%arg9 : memref<64x768xf32, #tpu.memory_space<vmem>>)
      %add3A_41 = arith.addi %mul3A_2, %mul3A_35 : i32
      "tpu.region"() ({
        %run_scoped3A = tpu.sem_alloc : memref<!tpu.dma_semaphore, #tpu.memory_space<semaphore_mem>>
        %dma_start3A_56 = arith.constant 0 : i32
        %dma_start3A_57 = tpu.memref_slice %arg7[%add3A_41, %dma_start3A_56] : memref<16384x768xf32, #tpu.memory_space<hbm>> -> memref<64x768xf32, #tpu.memory_space<hbm>>
        %dma_start3A_58 = arith.constant 0 : i32
        %dma_start3A_59 = tpu.memref_slice %arg7[%add3A_41, %dma_start3A_58] : memref<16384x768xf32, #tpu.memory_space<hbm>> -> memref<64x768xf32, #tpu.memory_space<hbm>>
        tpu.enqueue_dma source(%arg9 : memref<64x768xf32, #tpu.memory_space<vmem>>) target(%dma_start3A_59 : memref<64x768xf32, #tpu.memory_space<hbm>>) target_semaphore(%run_scoped3A : memref<!tpu.dma_semaphore, #tpu.memory_space<semaphore_mem>>)
        %dma_wait3A_60 = arith.constant 0 : i32
        %dma_wait3A_61 = tpu.memref_slice %arg7[%add3A_41, %dma_wait3A_60] : memref<16384x768xf32, #tpu.memory_space<hbm>> -> memref<64x768xf32, #tpu.memory_space<hbm>>
        %dma_wait3A_62 = arith.constant 0 : i32
        %dma_wait3A_63 = tpu.memref_slice %arg7[%add3A_41, %dma_wait3A_62] : memref<16384x768xf32, #tpu.memory_space<hbm>> -> memref<64x768xf32, #tpu.memory_space<hbm>>
        tpu.wait_dma2 semaphore(%run_scoped3A : memref<!tpu.dma_semaphore, #tpu.memory_space<semaphore_mem>>) src(%arg9 : memref<64x768xf32, #tpu.memory_space<vmem>>) dst(%dma_wait3A_63 : memref<64x768xf32, #tpu.memory_space<hbm>>)
        tpu.yield
      }) : () -> ()
      %add3A_42 = arith.constant 2 : i32
      %add3A_43 = arith.addi %add3A_29, %add3A_42 : i32
      %lt3A_44 = arith.constant 8 : i32
      %lt3A_45 = arith.cmpi slt, %add3A_43, %lt3A_44 : i32
      %convert_element_type3A_46 = arith.extui %lt3A_45 : i1 to i32
      %cond3A_47 = arith.constant 0 : i32
      %cond3A_48 = arith.cmpi ne, %convert_element_type3A_46, %cond3A_47 : i32
      scf.if %cond3A_48 {
        %add3A_56 = arith.constant 2 : i32
        %add3A_57 = arith.addi %add3A_29, %add3A_56 : i32
        %mul3A_58 = arith.constant 64 : i32
        %mul3A_59 = arith.muli %add3A_57, %mul3A_58 : i32
        %dma_start3A_60 = tpu.memref_slice %arg8[%mul3A_59] : memref<512xi32, #tpu.memory_space<vmem>> -> memref<64xi32, #tpu.memory_space<vmem>>
        %dma_start3A_61 = arith.constant 0 : i32
        %dma_start3A_62 = arith.constant 0 : i32
        %dma_start3A_63 = tpu.memref_slice %arg4[%dma_start3A_61, %dma_start3A_62] : memref<4096x768xf32, #tpu.memory_space<hbm>> -> memref<4096x768xf32, #tpu.memory_space<hbm>>
        tpu.enqueue_indirect_dma source(%dma_start3A_63 : memref<4096x768xf32, #tpu.memory_space<hbm>>) target(%arg9 : memref<64x768xf32, #tpu.memory_space<vmem>>) offsets(%dma_start3A_60 : memref<64xi32, #tpu.memory_space<vmem>>) semaphore(%arg11 : memref<!tpu.dma_semaphore, #tpu.memory_space<semaphore_mem>>)
      } else {
      }
      %add3A_49 = arith.constant 1 : i32
      %add3A_50 = arith.addi %add3A_29, %add3A_49 : i32
      %lt3A_51 = arith.constant 8 : i32
      %lt3A_52 = arith.cmpi slt, %add3A_50, %lt3A_51 : i32
      %convert_element_type3A_53 = arith.extui %lt3A_52 : i1 to i32
      %cond3A_54 = arith.constant 0 : i32
      %cond3A_55 = arith.cmpi ne, %convert_element_type3A_53, %cond3A_54 : i32
      scf.if %cond3A_55 {
        %add3A_56 = arith.constant 1 : i32
        %add3A_57 = arith.addi %add3A_29, %add3A_56 : i32
        %mul3A_58 = arith.constant 64 : i32
        %mul3A_59 = arith.muli %add3A_57, %mul3A_58 : i32
        %dma_wait3A_60 = arith.constant 0 : i32
        %dma_wait3A_61 = arith.constant 0 : i32
        %dma_wait3A_62 = tpu.memref_slice %arg4[%dma_wait3A_60, %dma_wait3A_61] : memref<4096x768xf32, #tpu.memory_space<hbm>> -> memref<64x768xf32, #tpu.memory_space<hbm>>
        %dma_wait3A_63 = arith.constant 0 : i32
        %dma_wait3A_64 = arith.constant 0 : i32
        %dma_wait3A_65 = tpu.memref_slice %arg4[%dma_wait3A_63, %dma_wait3A_64] : memref<4096x768xf32, #tpu.memory_space<hbm>> -> memref<64x768xf32, #tpu.memory_space<hbm>>
        tpu.wait_dma2 semaphore(%arg12 : memref<!tpu.dma_semaphore, #tpu.memory_space<semaphore_mem>>) src(%dma_wait3A_65 : memref<64x768xf32, #tpu.memory_space<hbm>>) dst(%arg10 : memref<64x768xf32, #tpu.memory_space<vmem>>)
        %add3A_66 = arith.addi %mul3A_2, %mul3A_59 : i32
        "tpu.region"() ({
          %run_scoped3A = tpu.sem_alloc : memref<!tpu.dma_semaphore, #tpu.memory_space<semaphore_mem>>
          %dma_start3A_67 = arith.constant 0 : i32
          %dma_start3A_68 = tpu.memref_slice %arg7[%add3A_66, %dma_start3A_67] : memref<16384x768xf32, #tpu.memory_space<hbm>> -> memref<64x768xf32, #tpu.memory_space<hbm>>
          %dma_start3A_69 = arith.constant 0 : i32
          %dma_start3A_70 = tpu.memref_slice %arg7[%add3A_66, %dma_start3A_69] : memref<16384x768xf32, #tpu.memory_space<hbm>> -> memref<64x768xf32, #tpu.memory_space<hbm>>
          tpu.enqueue_dma source(%arg10 : memref<64x768xf32, #tpu.memory_space<vmem>>) target(%dma_start3A_70 : memref<64x768xf32, #tpu.memory_space<hbm>>) target_semaphore(%run_scoped3A : memref<!tpu.dma_semaphore, #tpu.memory_space<semaphore_mem>>)
          %dma_wait3A_71 = arith.constant 0 : i32
          %dma_wait3A_72 = tpu.memref_slice %arg7[%add3A_66, %dma_wait3A_71] : memref<16384x768xf32, #tpu.memory_space<hbm>> -> memref<64x768xf32, #tpu.memory_space<hbm>>
          %dma_wait3A_73 = arith.constant 0 : i32
          %dma_wait3A_74 = tpu.memref_slice %arg7[%add3A_66, %dma_wait3A_73] : memref<16384x768xf32, #tpu.memory_space<hbm>> -> memref<64x768xf32, #tpu.memory_space<hbm>>
          tpu.wait_dma2 semaphore(%run_scoped3A : memref<!tpu.dma_semaphore, #tpu.memory_space<semaphore_mem>>) src(%arg10 : memref<64x768xf32, #tpu.memory_space<vmem>>) dst(%dma_wait3A_74 : memref<64x768xf32, #tpu.memory_space<hbm>>)
          tpu.yield
        }) : () -> ()
      } else {
      }
    }
    %scan3A_24 = arith.constant 4 : i32
    return
  }
}

#map = affine_map<(d0, d1) -> (0, 0)>
#map1 = affine_map<(d0, d1) -> (0)>
module attributes {stable_mosaic.version = 14 : i64} {
  func.func @k(%arg0: i32, %arg1: i32, %arg2: memref<100000x768xf32, #tpu.memory_space<hbm>>, %arg3: memref<65536xi32, #tpu.memory_space<hbm>>, %arg4: memref<4096x768xf32, #tpu.memory_space<hbm>>, %arg5: memref<65536xi32, #tpu.memory_space<hbm>>, %arg6: memref<8192x768xf32, #tpu.memory_space<hbm>>, %arg7: memref<8192x768xf32, #tpu.memory_space<hbm>>, %arg8: memref<256xi32, #tpu.memory_space<vmem>>, %arg9: memref<64x768xf32, #tpu.memory_space<vmem>>, %arg10: memref<64x768xf32, #tpu.memory_space<vmem>>, %arg11: memref<!tpu.dma_semaphore, #tpu.memory_space<semaphore_mem>>, %arg12: memref<!tpu.dma_semaphore, #tpu.memory_space<semaphore_mem>>) attributes {dimension_semantics = [#tpu.dimension_semantics<core_parallel>, #tpu.dimension_semantics<subcore_parallel>], iteration_bounds = array<i64: 2, 16>, scalar_prefetch = 0 : i64, scratch_operands = 5 : i64, tpu.core_type = #tpu.core_type<sc_vector_subcore>, window_params = [{transform_indices = #map}, {transform_indices = #map1}, {transform_indices = #map}, {transform_indices = #map1}, {transform_indices = #map}, {transform_indices = #map}]} {
    %mul3A = arith.constant 2 : i32
    %mul3A_0 = arith.muli %arg1, %mul3A : i32
    %add3A = arith.addi %mul3A_0, %arg0 : i32
    %mul3A_1 = arith.constant 256 : i32
    %mul3A_2 = arith.muli %add3A, %mul3A_1 : i32
    %add3A_3 = arith.constant 8192 : i32
    %add3A_4 = arith.addi %add3A_3, %mul3A_2 : i32
    "tpu.region"() ({
      %run_scoped3A = tpu.sem_alloc : memref<!tpu.dma_semaphore, #tpu.memory_space<semaphore_mem>>
      %dma_start3A_25 = tpu.memref_slice %arg3[%add3A_4] : memref<65536xi32, #tpu.memory_space<hbm>> -> memref<256xi32, #tpu.memory_space<hbm>>
      %dma_start3A_26 = tpu.memref_slice %arg3[%add3A_4] : memref<65536xi32, #tpu.memory_space<hbm>> -> memref<256xi32, #tpu.memory_space<hbm>>
      tpu.enqueue_dma source(%dma_start3A_26 : memref<256xi32, #tpu.memory_space<hbm>>) target(%arg8 : memref<256xi32, #tpu.memory_space<vmem>>) target_semaphore(%run_scoped3A : memref<!tpu.dma_semaphore, #tpu.memory_space<semaphore_mem>>)
      %dma_wait3A = tpu.memref_slice %arg3[%add3A_4] : memref<65536xi32, #tpu.memory_space<hbm>> -> memref<256xi32, #tpu.memory_space<hbm>>
      %dma_wait3A_27 = tpu.memref_slice %arg3[%add3A_4] : memref<65536xi32, #tpu.memory_space<hbm>> -> memref<256xi32, #tpu.memory_space<hbm>>
      tpu.wait_dma2 semaphore(%run_scoped3A : memref<!tpu.dma_semaphore, #tpu.memory_space<semaphore_mem>>) src(%dma_wait3A_27 : memref<256xi32, #tpu.memory_space<hbm>>) dst(%arg8 : memref<256xi32, #tpu.memory_space<vmem>>)
      tpu.yield
    }) : () -> ()
    %dma_start3A = arith.constant 0 : i32
    %dma_start3A_5 = tpu.memref_slice %arg8[%dma_start3A] : memref<256xi32, #tpu.memory_space<vmem>> -> memref<64xi32, #tpu.memory_space<vmem>>
    %dma_start3A_6 = arith.constant 0 : i32
    %dma_start3A_7 = arith.constant 0 : i32
    %dma_start3A_8 = tpu.memref_slice %arg2[%dma_start3A_6, %dma_start3A_7] : memref<100000x768xf32, #tpu.memory_space<hbm>> -> memref<100000x768xf32, #tpu.memory_space<hbm>>
    tpu.enqueue_indirect_dma source(%dma_start3A_8 : memref<100000x768xf32, #tpu.memory_space<hbm>>) target(%arg9 : memref<64x768xf32, #tpu.memory_space<vmem>>) offsets(%dma_start3A_5 : memref<64xi32, #tpu.memory_space<vmem>>) semaphore(%arg11 : memref<!tpu.dma_semaphore, #tpu.memory_space<semaphore_mem>>)
    %scan3A = arith.constant 0 : i32
    %scan3A_9 = arith.constant 2 : i32
    %scan3A_10 = arith.addi %scan3A, %scan3A_9 : i32
    %scan3A_11 = arith.constant 1 : i32
    scf.for %scan3A_25 = %scan3A to %scan3A_10 step %scan3A_11  : i32 {
      %mul3A_26 = arith.constant 2 : i32
      %mul3A_27 = arith.muli %scan3A_25, %mul3A_26 : i32
      %add3A_28 = arith.constant 0 : i32
      %add3A_29 = arith.addi %add3A_28, %mul3A_27 : i32
      %add3A_30 = arith.constant 1 : i32
      %add3A_31 = arith.addi %add3A_29, %add3A_30 : i32
      %lt3A = arith.constant 4 : i32
      %lt3A_32 = arith.cmpi slt, %add3A_31, %lt3A : i32
      %convert_element_type3A = arith.extui %lt3A_32 : i1 to i32
      %cond3A = arith.constant 0 : i32
      %cond3A_33 = arith.cmpi ne, %convert_element_type3A, %cond3A : i32
      scf.if %cond3A_33 {
        %add3A_56 = arith.constant 1 : i32
        %add3A_57 = arith.addi %add3A_29, %add3A_56 : i32
        %mul3A_58 = arith.constant 64 : i32
        %mul3A_59 = arith.muli %add3A_57, %mul3A_58 : i32
        %dma_start3A_60 = tpu.memref_slice %arg8[%mul3A_59] : memref<256xi32, #tpu.memory_space<vmem>> -> memref<64xi32, #tpu.memory_space<vmem>>
        %dma_start3A_61 = arith.constant 0 : i32
        %dma_start3A_62 = arith.constant 0 : i32
        %dma_start3A_63 = tpu.memref_slice %arg2[%dma_start3A_61, %dma_start3A_62] : memref<100000x768xf32, #tpu.memory_space<hbm>> -> memref<100000x768xf32, #tpu.memory_space<hbm>>
        tpu.enqueue_indirect_dma source(%dma_start3A_63 : memref<100000x768xf32, #tpu.memory_space<hbm>>) target(%arg10 : memref<64x768xf32, #tpu.memory_space<vmem>>) offsets(%dma_start3A_60 : memref<64xi32, #tpu.memory_space<vmem>>) semaphore(%arg12 : memref<!tpu.dma_semaphore, #tpu.memory_space<semaphore_mem>>)
      } else {
      }
      %mul3A_34 = arith.constant 64 : i32
      %mul3A_35 = arith.muli %add3A_29, %mul3A_34 : i32
      %dma_wait3A = arith.constant 0 : i32
      %dma_wait3A_36 = arith.constant 0 : i32
      %dma_wait3A_37 = tpu.memref_slice %arg2[%dma_wait3A, %dma_wait3A_36] : memref<100000x768xf32, #tpu.memory_space<hbm>> -> memref<64x768xf32, #tpu.memory_space<hbm>>
      %dma_wait3A_38 = arith.constant 0 : i32
      %dma_wait3A_39 = arith.constant 0 : i32
      %dma_wait3A_40 = tpu.memref_slice %arg2[%dma_wait3A_38, %dma_wait3A_39] : memref<100000x768xf32, #tpu.memory_space<hbm>> -> memref<64x768xf32, #tpu.memory_space<hbm>>
      tpu.wait_dma2 semaphore(%arg11 : memref<!tpu.dma_semaphore, #tpu.memory_space<semaphore_mem>>) src(%dma_wait3A_40 : memref<64x768xf32, #tpu.memory_space<hbm>>) dst(%arg9 : memref<64x768xf32, #tpu.memory_space<vmem>>)
      %add3A_41 = arith.addi %mul3A_2, %mul3A_35 : i32
      "tpu.region"() ({
        %run_scoped3A = tpu.sem_alloc : memref<!tpu.dma_semaphore, #tpu.memory_space<semaphore_mem>>
        %dma_start3A_56 = arith.constant 0 : i32
        %dma_start3A_57 = tpu.memref_slice %arg6[%add3A_41, %dma_start3A_56] : memref<8192x768xf32, #tpu.memory_space<hbm>> -> memref<64x768xf32, #tpu.memory_space<hbm>>
        %dma_start3A_58 = arith.constant 0 : i32
        %dma_start3A_59 = tpu.memref_slice %arg6[%add3A_41, %dma_start3A_58] : memref<8192x768xf32, #tpu.memory_space<hbm>> -> memref<64x768xf32, #tpu.memory_space<hbm>>
        tpu.enqueue_dma source(%arg9 : memref<64x768xf32, #tpu.memory_space<vmem>>) target(%dma_start3A_59 : memref<64x768xf32, #tpu.memory_space<hbm>>) target_semaphore(%run_scoped3A : memref<!tpu.dma_semaphore, #tpu.memory_space<semaphore_mem>>)
        %dma_wait3A_60 = arith.constant 0 : i32
        %dma_wait3A_61 = tpu.memref_slice %arg6[%add3A_41, %dma_wait3A_60] : memref<8192x768xf32, #tpu.memory_space<hbm>> -> memref<64x768xf32, #tpu.memory_space<hbm>>
        %dma_wait3A_62 = arith.constant 0 : i32
        %dma_wait3A_63 = tpu.memref_slice %arg6[%add3A_41, %dma_wait3A_62] : memref<8192x768xf32, #tpu.memory_space<hbm>> -> memref<64x768xf32, #tpu.memory_space<hbm>>
        tpu.wait_dma2 semaphore(%run_scoped3A : memref<!tpu.dma_semaphore, #tpu.memory_space<semaphore_mem>>) src(%arg9 : memref<64x768xf32, #tpu.memory_space<vmem>>) dst(%dma_wait3A_63 : memref<64x768xf32, #tpu.memory_space<hbm>>)
        tpu.yield
      }) : () -> ()
      %add3A_42 = arith.constant 2 : i32
      %add3A_43 = arith.addi %add3A_29, %add3A_42 : i32
      %lt3A_44 = arith.constant 4 : i32
      %lt3A_45 = arith.cmpi slt, %add3A_43, %lt3A_44 : i32
      %convert_element_type3A_46 = arith.extui %lt3A_45 : i1 to i32
      %cond3A_47 = arith.constant 0 : i32
      %cond3A_48 = arith.cmpi ne, %convert_element_type3A_46, %cond3A_47 : i32
      scf.if %cond3A_48 {
        %add3A_56 = arith.constant 2 : i32
        %add3A_57 = arith.addi %add3A_29, %add3A_56 : i32
        %mul3A_58 = arith.constant 64 : i32
        %mul3A_59 = arith.muli %add3A_57, %mul3A_58 : i32
        %dma_start3A_60 = tpu.memref_slice %arg8[%mul3A_59] : memref<256xi32, #tpu.memory_space<vmem>> -> memref<64xi32, #tpu.memory_space<vmem>>
        %dma_start3A_61 = arith.constant 0 : i32
        %dma_start3A_62 = arith.constant 0 : i32
        %dma_start3A_63 = tpu.memref_slice %arg2[%dma_start3A_61, %dma_start3A_62] : memref<100000x768xf32, #tpu.memory_space<hbm>> -> memref<100000x768xf32, #tpu.memory_space<hbm>>
        tpu.enqueue_indirect_dma source(%dma_start3A_63 : memref<100000x768xf32, #tpu.memory_space<hbm>>) target(%arg9 : memref<64x768xf32, #tpu.memory_space<vmem>>) offsets(%dma_start3A_60 : memref<64xi32, #tpu.memory_space<vmem>>) semaphore(%arg11 : memref<!tpu.dma_semaphore, #tpu.memory_space<semaphore_mem>>)
      } else {
      }
      %add3A_49 = arith.constant 1 : i32
      %add3A_50 = arith.addi %add3A_29, %add3A_49 : i32
      %lt3A_51 = arith.constant 4 : i32
      %lt3A_52 = arith.cmpi slt, %add3A_50, %lt3A_51 : i32
      %convert_element_type3A_53 = arith.extui %lt3A_52 : i1 to i32
      %cond3A_54 = arith.constant 0 : i32
      %cond3A_55 = arith.cmpi ne, %convert_element_type3A_53, %cond3A_54 : i32
      scf.if %cond3A_55 {
        %add3A_56 = arith.constant 1 : i32
        %add3A_57 = arith.addi %add3A_29, %add3A_56 : i32
        %mul3A_58 = arith.constant 64 : i32
        %mul3A_59 = arith.muli %add3A_57, %mul3A_58 : i32
        %dma_wait3A_60 = arith.constant 0 : i32
        %dma_wait3A_61 = arith.constant 0 : i32
        %dma_wait3A_62 = tpu.memref_slice %arg2[%dma_wait3A_60, %dma_wait3A_61] : memref<100000x768xf32, #tpu.memory_space<hbm>> -> memref<64x768xf32, #tpu.memory_space<hbm>>
        %dma_wait3A_63 = arith.constant 0 : i32
        %dma_wait3A_64 = arith.constant 0 : i32
        %dma_wait3A_65 = tpu.memref_slice %arg2[%dma_wait3A_63, %dma_wait3A_64] : memref<100000x768xf32, #tpu.memory_space<hbm>> -> memref<64x768xf32, #tpu.memory_space<hbm>>
        tpu.wait_dma2 semaphore(%arg12 : memref<!tpu.dma_semaphore, #tpu.memory_space<semaphore_mem>>) src(%dma_wait3A_65 : memref<64x768xf32, #tpu.memory_space<hbm>>) dst(%arg10 : memref<64x768xf32, #tpu.memory_space<vmem>>)
        %add3A_66 = arith.addi %mul3A_2, %mul3A_59 : i32
        "tpu.region"() ({
          %run_scoped3A = tpu.sem_alloc : memref<!tpu.dma_semaphore, #tpu.memory_space<semaphore_mem>>
          %dma_start3A_67 = arith.constant 0 : i32
          %dma_start3A_68 = tpu.memref_slice %arg6[%add3A_66, %dma_start3A_67] : memref<8192x768xf32, #tpu.memory_space<hbm>> -> memref<64x768xf32, #tpu.memory_space<hbm>>
          %dma_start3A_69 = arith.constant 0 : i32
          %dma_start3A_70 = tpu.memref_slice %arg6[%add3A_66, %dma_start3A_69] : memref<8192x768xf32, #tpu.memory_space<hbm>> -> memref<64x768xf32, #tpu.memory_space<hbm>>
          tpu.enqueue_dma source(%arg10 : memref<64x768xf32, #tpu.memory_space<vmem>>) target(%dma_start3A_70 : memref<64x768xf32, #tpu.memory_space<hbm>>) target_semaphore(%run_scoped3A : memref<!tpu.dma_semaphore, #tpu.memory_space<semaphore_mem>>)
          %dma_wait3A_71 = arith.constant 0 : i32
          %dma_wait3A_72 = tpu.memref_slice %arg6[%add3A_66, %dma_wait3A_71] : memref<8192x768xf32, #tpu.memory_space<hbm>> -> memref<64x768xf32, #tpu.memory_space<hbm>>
          %dma_wait3A_73 = arith.constant 0 : i32
          %dma_wait3A_74 = tpu.memref_slice %arg6[%add3A_66, %dma_wait3A_73] : memref<8192x768xf32, #tpu.memory_space<hbm>> -> memref<64x768xf32, #tpu.memory_space<hbm>>
          tpu.wait_dma2 semaphore(%run_scoped3A : memref<!tpu.dma_semaphore, #tpu.memory_space<semaphore_mem>>) src(%arg10 : memref<64x768xf32, #tpu.memory_space<vmem>>) dst(%dma_wait3A_74 : memref<64x768xf32, #tpu.memory_space<hbm>>)
          tpu.yield
        }) : () -> ()
      } else {
      }
    }
    %scan3A_12 = arith.constant 2 : i32
    %add3A_13 = arith.constant 8192 : i32
    %add3A_14 = arith.addi %add3A_13, %mul3A_2 : i32
    "tpu.region"() ({
      %run_scoped3A = tpu.sem_alloc : memref<!tpu.dma_semaphore, #tpu.memory_space<semaphore_mem>>
      %dma_start3A_25 = tpu.memref_slice %arg5[%add3A_14] : memref<65536xi32, #tpu.memory_space<hbm>> -> memref<256xi32, #tpu.memory_space<hbm>>
      %dma_start3A_26 = tpu.memref_slice %arg5[%add3A_14] : memref<65536xi32, #tpu.memory_space<hbm>> -> memref<256xi32, #tpu.memory_space<hbm>>
      tpu.enqueue_dma source(%dma_start3A_26 : memref<256xi32, #tpu.memory_space<hbm>>) target(%arg8 : memref<256xi32, #tpu.memory_space<vmem>>) target_semaphore(%run_scoped3A : memref<!tpu.dma_semaphore, #tpu.memory_space<semaphore_mem>>)
      %dma_wait3A = tpu.memref_slice %arg5[%add3A_14] : memref<65536xi32, #tpu.memory_space<hbm>> -> memref<256xi32, #tpu.memory_space<hbm>>
      %dma_wait3A_27 = tpu.memref_slice %arg5[%add3A_14] : memref<65536xi32, #tpu.memory_space<hbm>> -> memref<256xi32, #tpu.memory_space<hbm>>
      tpu.wait_dma2 semaphore(%run_scoped3A : memref<!tpu.dma_semaphore, #tpu.memory_space<semaphore_mem>>) src(%dma_wait3A_27 : memref<256xi32, #tpu.memory_space<hbm>>) dst(%arg8 : memref<256xi32, #tpu.memory_space<vmem>>)
      tpu.yield
    }) : () -> ()
    %dma_start3A_15 = arith.constant 0 : i32
    %dma_start3A_16 = tpu.memref_slice %arg8[%dma_start3A_15] : memref<256xi32, #tpu.memory_space<vmem>> -> memref<64xi32, #tpu.memory_space<vmem>>
    %dma_start3A_17 = arith.constant 0 : i32
    %dma_start3A_18 = arith.constant 0 : i32
    %dma_start3A_19 = tpu.memref_slice %arg4[%dma_start3A_17, %dma_start3A_18] : memref<4096x768xf32, #tpu.memory_space<hbm>> -> memref<4096x768xf32, #tpu.memory_space<hbm>>
    tpu.enqueue_indirect_dma source(%dma_start3A_19 : memref<4096x768xf32, #tpu.memory_space<hbm>>) target(%arg9 : memref<64x768xf32, #tpu.memory_space<vmem>>) offsets(%dma_start3A_16 : memref<64xi32, #tpu.memory_space<vmem>>) semaphore(%arg11 : memref<!tpu.dma_semaphore, #tpu.memory_space<semaphore_mem>>)
    %scan3A_20 = arith.constant 0 : i32
    %scan3A_21 = arith.constant 2 : i32
    %scan3A_22 = arith.addi %scan3A_20, %scan3A_21 : i32
    %scan3A_23 = arith.constant 1 : i32
    scf.for %scan3A_25 = %scan3A_20 to %scan3A_22 step %scan3A_23  : i32 {
      %mul3A_26 = arith.constant 2 : i32
      %mul3A_27 = arith.muli %scan3A_25, %mul3A_26 : i32
      %add3A_28 = arith.constant 0 : i32
      %add3A_29 = arith.addi %add3A_28, %mul3A_27 : i32
      %add3A_30 = arith.constant 1 : i32
      %add3A_31 = arith.addi %add3A_29, %add3A_30 : i32
      %lt3A = arith.constant 4 : i32
      %lt3A_32 = arith.cmpi slt, %add3A_31, %lt3A : i32
      %convert_element_type3A = arith.extui %lt3A_32 : i1 to i32
      %cond3A = arith.constant 0 : i32
      %cond3A_33 = arith.cmpi ne, %convert_element_type3A, %cond3A : i32
      scf.if %cond3A_33 {
        %add3A_56 = arith.constant 1 : i32
        %add3A_57 = arith.addi %add3A_29, %add3A_56 : i32
        %mul3A_58 = arith.constant 64 : i32
        %mul3A_59 = arith.muli %add3A_57, %mul3A_58 : i32
        %dma_start3A_60 = tpu.memref_slice %arg8[%mul3A_59] : memref<256xi32, #tpu.memory_space<vmem>> -> memref<64xi32, #tpu.memory_space<vmem>>
        %dma_start3A_61 = arith.constant 0 : i32
        %dma_start3A_62 = arith.constant 0 : i32
        %dma_start3A_63 = tpu.memref_slice %arg4[%dma_start3A_61, %dma_start3A_62] : memref<4096x768xf32, #tpu.memory_space<hbm>> -> memref<4096x768xf32, #tpu.memory_space<hbm>>
        tpu.enqueue_indirect_dma source(%dma_start3A_63 : memref<4096x768xf32, #tpu.memory_space<hbm>>) target(%arg10 : memref<64x768xf32, #tpu.memory_space<vmem>>) offsets(%dma_start3A_60 : memref<64xi32, #tpu.memory_space<vmem>>) semaphore(%arg12 : memref<!tpu.dma_semaphore, #tpu.memory_space<semaphore_mem>>)
      } else {
      }
      %mul3A_34 = arith.constant 64 : i32
      %mul3A_35 = arith.muli %add3A_29, %mul3A_34 : i32
      %dma_wait3A = arith.constant 0 : i32
      %dma_wait3A_36 = arith.constant 0 : i32
      %dma_wait3A_37 = tpu.memref_slice %arg4[%dma_wait3A, %dma_wait3A_36] : memref<4096x768xf32, #tpu.memory_space<hbm>> -> memref<64x768xf32, #tpu.memory_space<hbm>>
      %dma_wait3A_38 = arith.constant 0 : i32
      %dma_wait3A_39 = arith.constant 0 : i32
      %dma_wait3A_40 = tpu.memref_slice %arg4[%dma_wait3A_38, %dma_wait3A_39] : memref<4096x768xf32, #tpu.memory_space<hbm>> -> memref<64x768xf32, #tpu.memory_space<hbm>>
      tpu.wait_dma2 semaphore(%arg11 : memref<!tpu.dma_semaphore, #tpu.memory_space<semaphore_mem>>) src(%dma_wait3A_40 : memref<64x768xf32, #tpu.memory_space<hbm>>) dst(%arg9 : memref<64x768xf32, #tpu.memory_space<vmem>>)
      %add3A_41 = arith.addi %mul3A_2, %mul3A_35 : i32
      "tpu.region"() ({
        %run_scoped3A = tpu.sem_alloc : memref<!tpu.dma_semaphore, #tpu.memory_space<semaphore_mem>>
        %dma_start3A_56 = arith.constant 0 : i32
        %dma_start3A_57 = tpu.memref_slice %arg7[%add3A_41, %dma_start3A_56] : memref<8192x768xf32, #tpu.memory_space<hbm>> -> memref<64x768xf32, #tpu.memory_space<hbm>>
        %dma_start3A_58 = arith.constant 0 : i32
        %dma_start3A_59 = tpu.memref_slice %arg7[%add3A_41, %dma_start3A_58] : memref<8192x768xf32, #tpu.memory_space<hbm>> -> memref<64x768xf32, #tpu.memory_space<hbm>>
        tpu.enqueue_dma source(%arg9 : memref<64x768xf32, #tpu.memory_space<vmem>>) target(%dma_start3A_59 : memref<64x768xf32, #tpu.memory_space<hbm>>) target_semaphore(%run_scoped3A : memref<!tpu.dma_semaphore, #tpu.memory_space<semaphore_mem>>)
        %dma_wait3A_60 = arith.constant 0 : i32
        %dma_wait3A_61 = tpu.memref_slice %arg7[%add3A_41, %dma_wait3A_60] : memref<8192x768xf32, #tpu.memory_space<hbm>> -> memref<64x768xf32, #tpu.memory_space<hbm>>
        %dma_wait3A_62 = arith.constant 0 : i32
        %dma_wait3A_63 = tpu.memref_slice %arg7[%add3A_41, %dma_wait3A_62] : memref<8192x768xf32, #tpu.memory_space<hbm>> -> memref<64x768xf32, #tpu.memory_space<hbm>>
        tpu.wait_dma2 semaphore(%run_scoped3A : memref<!tpu.dma_semaphore, #tpu.memory_space<semaphore_mem>>) src(%arg9 : memref<64x768xf32, #tpu.memory_space<vmem>>) dst(%dma_wait3A_63 : memref<64x768xf32, #tpu.memory_space<hbm>>)
        tpu.yield
      }) : () -> ()
      %add3A_42 = arith.constant 2 : i32
      %add3A_43 = arith.addi %add3A_29, %add3A_42 : i32
      %lt3A_44 = arith.constant 4 : i32
      %lt3A_45 = arith.cmpi slt, %add3A_43, %lt3A_44 : i32
      %convert_element_type3A_46 = arith.extui %lt3A_45 : i1 to i32
      %cond3A_47 = arith.constant 0 : i32
      %cond3A_48 = arith.cmpi ne, %convert_element_type3A_46, %cond3A_47 : i32
      scf.if %cond3A_48 {
        %add3A_56 = arith.constant 2 : i32
        %add3A_57 = arith.addi %add3A_29, %add3A_56 : i32
        %mul3A_58 = arith.constant 64 : i32
        %mul3A_59 = arith.muli %add3A_57, %mul3A_58 : i32
        %dma_start3A_60 = tpu.memref_slice %arg8[%mul3A_59] : memref<256xi32, #tpu.memory_space<vmem>> -> memref<64xi32, #tpu.memory_space<vmem>>
        %dma_start3A_61 = arith.constant 0 : i32
        %dma_start3A_62 = arith.constant 0 : i32
        %dma_start3A_63 = tpu.memref_slice %arg4[%dma_start3A_61, %dma_start3A_62] : memref<4096x768xf32, #tpu.memory_space<hbm>> -> memref<4096x768xf32, #tpu.memory_space<hbm>>
        tpu.enqueue_indirect_dma source(%dma_start3A_63 : memref<4096x768xf32, #tpu.memory_space<hbm>>) target(%arg9 : memref<64x768xf32, #tpu.memory_space<vmem>>) offsets(%dma_start3A_60 : memref<64xi32, #tpu.memory_space<vmem>>) semaphore(%arg11 : memref<!tpu.dma_semaphore, #tpu.memory_space<semaphore_mem>>)
      } else {
      }
      %add3A_49 = arith.constant 1 : i32
      %add3A_50 = arith.addi %add3A_29, %add3A_49 : i32
      %lt3A_51 = arith.constant 4 : i32
      %lt3A_52 = arith.cmpi slt, %add3A_50, %lt3A_51 : i32
      %convert_element_type3A_53 = arith.extui %lt3A_52 : i1 to i32
      %cond3A_54 = arith.constant 0 : i32
      %cond3A_55 = arith.cmpi ne, %convert_element_type3A_53, %cond3A_54 : i32
      scf.if %cond3A_55 {
        %add3A_56 = arith.constant 1 : i32
        %add3A_57 = arith.addi %add3A_29, %add3A_56 : i32
        %mul3A_58 = arith.constant 64 : i32
        %mul3A_59 = arith.muli %add3A_57, %mul3A_58 : i32
        %dma_wait3A_60 = arith.constant 0 : i32
        %dma_wait3A_61 = arith.constant 0 : i32
        %dma_wait3A_62 = tpu.memref_slice %arg4[%dma_wait3A_60, %dma_wait3A_61] : memref<4096x768xf32, #tpu.memory_space<hbm>> -> memref<64x768xf32, #tpu.memory_space<hbm>>
        %dma_wait3A_63 = arith.constant 0 : i32
        %dma_wait3A_64 = arith.constant 0 : i32
        %dma_wait3A_65 = tpu.memref_slice %arg4[%dma_wait3A_63, %dma_wait3A_64] : memref<4096x768xf32, #tpu.memory_space<hbm>> -> memref<64x768xf32, #tpu.memory_space<hbm>>
        tpu.wait_dma2 semaphore(%arg12 : memref<!tpu.dma_semaphore, #tpu.memory_space<semaphore_mem>>) src(%dma_wait3A_65 : memref<64x768xf32, #tpu.memory_space<hbm>>) dst(%arg10 : memref<64x768xf32, #tpu.memory_space<vmem>>)
        %add3A_66 = arith.addi %mul3A_2, %mul3A_59 : i32
        "tpu.region"() ({
          %run_scoped3A = tpu.sem_alloc : memref<!tpu.dma_semaphore, #tpu.memory_space<semaphore_mem>>
          %dma_start3A_67 = arith.constant 0 : i32
          %dma_start3A_68 = tpu.memref_slice %arg7[%add3A_66, %dma_start3A_67] : memref<8192x768xf32, #tpu.memory_space<hbm>> -> memref<64x768xf32, #tpu.memory_space<hbm>>
          %dma_start3A_69 = arith.constant 0 : i32
          %dma_start3A_70 = tpu.memref_slice %arg7[%add3A_66, %dma_start3A_69] : memref<8192x768xf32, #tpu.memory_space<hbm>> -> memref<64x768xf32, #tpu.memory_space<hbm>>
          tpu.enqueue_dma source(%arg10 : memref<64x768xf32, #tpu.memory_space<vmem>>) target(%dma_start3A_70 : memref<64x768xf32, #tpu.memory_space<hbm>>) target_semaphore(%run_scoped3A : memref<!tpu.dma_semaphore, #tpu.memory_space<semaphore_mem>>)
          %dma_wait3A_71 = arith.constant 0 : i32
          %dma_wait3A_72 = tpu.memref_slice %arg7[%add3A_66, %dma_wait3A_71] : memref<8192x768xf32, #tpu.memory_space<hbm>> -> memref<64x768xf32, #tpu.memory_space<hbm>>
          %dma_wait3A_73 = arith.constant 0 : i32
          %dma_wait3A_74 = tpu.memref_slice %arg7[%add3A_66, %dma_wait3A_73] : memref<8192x768xf32, #tpu.memory_space<hbm>> -> memref<64x768xf32, #tpu.memory_space<hbm>>
          tpu.wait_dma2 semaphore(%run_scoped3A : memref<!tpu.dma_semaphore, #tpu.memory_space<semaphore_mem>>) src(%arg10 : memref<64x768xf32, #tpu.memory_space<vmem>>) dst(%dma_wait3A_74 : memref<64x768xf32, #tpu.memory_space<hbm>>)
          tpu.yield
        }) : () -> ()
      } else {
      }
    }
    %scan3A_24 = arith.constant 2 : i32
    return
  }
}

#map = affine_map<(d0, d1) -> (0, 0)>
#map1 = affine_map<(d0, d1) -> (0)>
module attributes {stable_mosaic.version = 14 : i64} {
  func.func @k(%arg0: i32, %arg1: i32, %arg2: memref<100000x768xf32, #tpu.memory_space<hbm>>, %arg3: memref<65536xi32, #tpu.memory_space<hbm>>, %arg4: memref<4096x768xf32, #tpu.memory_space<hbm>>, %arg5: memref<65536xi32, #tpu.memory_space<hbm>>, %arg6: memref<16384x768xf32, #tpu.memory_space<hbm>>, %arg7: memref<16384x768xf32, #tpu.memory_space<hbm>>, %arg8: memref<512xi32, #tpu.memory_space<vmem>>, %arg9: memref<64x768xf32, #tpu.memory_space<vmem>>, %arg10: memref<64x768xf32, #tpu.memory_space<vmem>>, %arg11: memref<!tpu.dma_semaphore, #tpu.memory_space<semaphore_mem>>, %arg12: memref<!tpu.dma_semaphore, #tpu.memory_space<semaphore_mem>>) attributes {dimension_semantics = [#tpu.dimension_semantics<core_parallel>, #tpu.dimension_semantics<subcore_parallel>], iteration_bounds = array<i64: 2, 16>, scalar_prefetch = 0 : i64, scratch_operands = 5 : i64, tpu.core_type = #tpu.core_type<sc_vector_subcore>, window_params = [{transform_indices = #map}, {transform_indices = #map1}, {transform_indices = #map}, {transform_indices = #map1}, {transform_indices = #map}, {transform_indices = #map}]} {
    %mul3A = arith.constant 2 : i32
    %mul3A_0 = arith.muli %arg1, %mul3A : i32
    %add3A = arith.addi %mul3A_0, %arg0 : i32
    %mul3A_1 = arith.constant 512 : i32
    %mul3A_2 = arith.muli %add3A, %mul3A_1 : i32
    %add3A_3 = arith.constant 16384 : i32
    %add3A_4 = arith.addi %add3A_3, %mul3A_2 : i32
    "tpu.region"() ({
      %run_scoped3A = tpu.sem_alloc : memref<!tpu.dma_semaphore, #tpu.memory_space<semaphore_mem>>
      %dma_start3A_25 = tpu.memref_slice %arg3[%add3A_4] : memref<65536xi32, #tpu.memory_space<hbm>> -> memref<512xi32, #tpu.memory_space<hbm>>
      %dma_start3A_26 = tpu.memref_slice %arg3[%add3A_4] : memref<65536xi32, #tpu.memory_space<hbm>> -> memref<512xi32, #tpu.memory_space<hbm>>
      tpu.enqueue_dma source(%dma_start3A_26 : memref<512xi32, #tpu.memory_space<hbm>>) target(%arg8 : memref<512xi32, #tpu.memory_space<vmem>>) target_semaphore(%run_scoped3A : memref<!tpu.dma_semaphore, #tpu.memory_space<semaphore_mem>>)
      %dma_wait3A = tpu.memref_slice %arg3[%add3A_4] : memref<65536xi32, #tpu.memory_space<hbm>> -> memref<512xi32, #tpu.memory_space<hbm>>
      %dma_wait3A_27 = tpu.memref_slice %arg3[%add3A_4] : memref<65536xi32, #tpu.memory_space<hbm>> -> memref<512xi32, #tpu.memory_space<hbm>>
      tpu.wait_dma2 semaphore(%run_scoped3A : memref<!tpu.dma_semaphore, #tpu.memory_space<semaphore_mem>>) src(%dma_wait3A_27 : memref<512xi32, #tpu.memory_space<hbm>>) dst(%arg8 : memref<512xi32, #tpu.memory_space<vmem>>)
      tpu.yield
    }) : () -> ()
    %dma_start3A = arith.constant 0 : i32
    %dma_start3A_5 = tpu.memref_slice %arg8[%dma_start3A] : memref<512xi32, #tpu.memory_space<vmem>> -> memref<64xi32, #tpu.memory_space<vmem>>
    %dma_start3A_6 = arith.constant 0 : i32
    %dma_start3A_7 = arith.constant 0 : i32
    %dma_start3A_8 = tpu.memref_slice %arg2[%dma_start3A_6, %dma_start3A_7] : memref<100000x768xf32, #tpu.memory_space<hbm>> -> memref<100000x768xf32, #tpu.memory_space<hbm>>
    tpu.enqueue_indirect_dma source(%dma_start3A_8 : memref<100000x768xf32, #tpu.memory_space<hbm>>) target(%arg9 : memref<64x768xf32, #tpu.memory_space<vmem>>) offsets(%dma_start3A_5 : memref<64xi32, #tpu.memory_space<vmem>>) semaphore(%arg11 : memref<!tpu.dma_semaphore, #tpu.memory_space<semaphore_mem>>)
    %scan3A = arith.constant 0 : i32
    %scan3A_9 = arith.constant 4 : i32
    %scan3A_10 = arith.addi %scan3A, %scan3A_9 : i32
    %scan3A_11 = arith.constant 1 : i32
    scf.for %scan3A_25 = %scan3A to %scan3A_10 step %scan3A_11  : i32 {
      %mul3A_26 = arith.constant 2 : i32
      %mul3A_27 = arith.muli %scan3A_25, %mul3A_26 : i32
      %add3A_28 = arith.constant 0 : i32
      %add3A_29 = arith.addi %add3A_28, %mul3A_27 : i32
      %add3A_30 = arith.constant 1 : i32
      %add3A_31 = arith.addi %add3A_29, %add3A_30 : i32
      %lt3A = arith.constant 8 : i32
      %lt3A_32 = arith.cmpi slt, %add3A_31, %lt3A : i32
      %convert_element_type3A = arith.extui %lt3A_32 : i1 to i32
      %cond3A = arith.constant 0 : i32
      %cond3A_33 = arith.cmpi ne, %convert_element_type3A, %cond3A : i32
      scf.if %cond3A_33 {
        %add3A_56 = arith.constant 1 : i32
        %add3A_57 = arith.addi %add3A_29, %add3A_56 : i32
        %mul3A_58 = arith.constant 64 : i32
        %mul3A_59 = arith.muli %add3A_57, %mul3A_58 : i32
        %dma_start3A_60 = tpu.memref_slice %arg8[%mul3A_59] : memref<512xi32, #tpu.memory_space<vmem>> -> memref<64xi32, #tpu.memory_space<vmem>>
        %dma_start3A_61 = arith.constant 0 : i32
        %dma_start3A_62 = arith.constant 0 : i32
        %dma_start3A_63 = tpu.memref_slice %arg2[%dma_start3A_61, %dma_start3A_62] : memref<100000x768xf32, #tpu.memory_space<hbm>> -> memref<100000x768xf32, #tpu.memory_space<hbm>>
        tpu.enqueue_indirect_dma source(%dma_start3A_63 : memref<100000x768xf32, #tpu.memory_space<hbm>>) target(%arg10 : memref<64x768xf32, #tpu.memory_space<vmem>>) offsets(%dma_start3A_60 : memref<64xi32, #tpu.memory_space<vmem>>) semaphore(%arg12 : memref<!tpu.dma_semaphore, #tpu.memory_space<semaphore_mem>>)
      } else {
      }
      %mul3A_34 = arith.constant 64 : i32
      %mul3A_35 = arith.muli %add3A_29, %mul3A_34 : i32
      %dma_wait3A = arith.constant 0 : i32
      %dma_wait3A_36 = arith.constant 0 : i32
      %dma_wait3A_37 = tpu.memref_slice %arg2[%dma_wait3A, %dma_wait3A_36] : memref<100000x768xf32, #tpu.memory_space<hbm>> -> memref<64x768xf32, #tpu.memory_space<hbm>>
      %dma_wait3A_38 = arith.constant 0 : i32
      %dma_wait3A_39 = arith.constant 0 : i32
      %dma_wait3A_40 = tpu.memref_slice %arg2[%dma_wait3A_38, %dma_wait3A_39] : memref<100000x768xf32, #tpu.memory_space<hbm>> -> memref<64x768xf32, #tpu.memory_space<hbm>>
      tpu.wait_dma2 semaphore(%arg11 : memref<!tpu.dma_semaphore, #tpu.memory_space<semaphore_mem>>) src(%dma_wait3A_40 : memref<64x768xf32, #tpu.memory_space<hbm>>) dst(%arg9 : memref<64x768xf32, #tpu.memory_space<vmem>>)
      %add3A_41 = arith.addi %mul3A_2, %mul3A_35 : i32
      "tpu.region"() ({
        %run_scoped3A = tpu.sem_alloc : memref<!tpu.dma_semaphore, #tpu.memory_space<semaphore_mem>>
        %dma_start3A_56 = arith.constant 0 : i32
        %dma_start3A_57 = tpu.memref_slice %arg6[%add3A_41, %dma_start3A_56] : memref<16384x768xf32, #tpu.memory_space<hbm>> -> memref<64x768xf32, #tpu.memory_space<hbm>>
        %dma_start3A_58 = arith.constant 0 : i32
        %dma_start3A_59 = tpu.memref_slice %arg6[%add3A_41, %dma_start3A_58] : memref<16384x768xf32, #tpu.memory_space<hbm>> -> memref<64x768xf32, #tpu.memory_space<hbm>>
        tpu.enqueue_dma source(%arg9 : memref<64x768xf32, #tpu.memory_space<vmem>>) target(%dma_start3A_59 : memref<64x768xf32, #tpu.memory_space<hbm>>) target_semaphore(%run_scoped3A : memref<!tpu.dma_semaphore, #tpu.memory_space<semaphore_mem>>)
        %dma_wait3A_60 = arith.constant 0 : i32
        %dma_wait3A_61 = tpu.memref_slice %arg6[%add3A_41, %dma_wait3A_60] : memref<16384x768xf32, #tpu.memory_space<hbm>> -> memref<64x768xf32, #tpu.memory_space<hbm>>
        %dma_wait3A_62 = arith.constant 0 : i32
        %dma_wait3A_63 = tpu.memref_slice %arg6[%add3A_41, %dma_wait3A_62] : memref<16384x768xf32, #tpu.memory_space<hbm>> -> memref<64x768xf32, #tpu.memory_space<hbm>>
        tpu.wait_dma2 semaphore(%run_scoped3A : memref<!tpu.dma_semaphore, #tpu.memory_space<semaphore_mem>>) src(%arg9 : memref<64x768xf32, #tpu.memory_space<vmem>>) dst(%dma_wait3A_63 : memref<64x768xf32, #tpu.memory_space<hbm>>)
        tpu.yield
      }) : () -> ()
      %add3A_42 = arith.constant 2 : i32
      %add3A_43 = arith.addi %add3A_29, %add3A_42 : i32
      %lt3A_44 = arith.constant 8 : i32
      %lt3A_45 = arith.cmpi slt, %add3A_43, %lt3A_44 : i32
      %convert_element_type3A_46 = arith.extui %lt3A_45 : i1 to i32
      %cond3A_47 = arith.constant 0 : i32
      %cond3A_48 = arith.cmpi ne, %convert_element_type3A_46, %cond3A_47 : i32
      scf.if %cond3A_48 {
        %add3A_56 = arith.constant 2 : i32
        %add3A_57 = arith.addi %add3A_29, %add3A_56 : i32
        %mul3A_58 = arith.constant 64 : i32
        %mul3A_59 = arith.muli %add3A_57, %mul3A_58 : i32
        %dma_start3A_60 = tpu.memref_slice %arg8[%mul3A_59] : memref<512xi32, #tpu.memory_space<vmem>> -> memref<64xi32, #tpu.memory_space<vmem>>
        %dma_start3A_61 = arith.constant 0 : i32
        %dma_start3A_62 = arith.constant 0 : i32
        %dma_start3A_63 = tpu.memref_slice %arg2[%dma_start3A_61, %dma_start3A_62] : memref<100000x768xf32, #tpu.memory_space<hbm>> -> memref<100000x768xf32, #tpu.memory_space<hbm>>
        tpu.enqueue_indirect_dma source(%dma_start3A_63 : memref<100000x768xf32, #tpu.memory_space<hbm>>) target(%arg9 : memref<64x768xf32, #tpu.memory_space<vmem>>) offsets(%dma_start3A_60 : memref<64xi32, #tpu.memory_space<vmem>>) semaphore(%arg11 : memref<!tpu.dma_semaphore, #tpu.memory_space<semaphore_mem>>)
      } else {
      }
      %add3A_49 = arith.constant 1 : i32
      %add3A_50 = arith.addi %add3A_29, %add3A_49 : i32
      %lt3A_51 = arith.constant 8 : i32
      %lt3A_52 = arith.cmpi slt, %add3A_50, %lt3A_51 : i32
      %convert_element_type3A_53 = arith.extui %lt3A_52 : i1 to i32
      %cond3A_54 = arith.constant 0 : i32
      %cond3A_55 = arith.cmpi ne, %convert_element_type3A_53, %cond3A_54 : i32
      scf.if %cond3A_55 {
        %add3A_56 = arith.constant 1 : i32
        %add3A_57 = arith.addi %add3A_29, %add3A_56 : i32
        %mul3A_58 = arith.constant 64 : i32
        %mul3A_59 = arith.muli %add3A_57, %mul3A_58 : i32
        %dma_wait3A_60 = arith.constant 0 : i32
        %dma_wait3A_61 = arith.constant 0 : i32
        %dma_wait3A_62 = tpu.memref_slice %arg2[%dma_wait3A_60, %dma_wait3A_61] : memref<100000x768xf32, #tpu.memory_space<hbm>> -> memref<64x768xf32, #tpu.memory_space<hbm>>
        %dma_wait3A_63 = arith.constant 0 : i32
        %dma_wait3A_64 = arith.constant 0 : i32
        %dma_wait3A_65 = tpu.memref_slice %arg2[%dma_wait3A_63, %dma_wait3A_64] : memref<100000x768xf32, #tpu.memory_space<hbm>> -> memref<64x768xf32, #tpu.memory_space<hbm>>
        tpu.wait_dma2 semaphore(%arg12 : memref<!tpu.dma_semaphore, #tpu.memory_space<semaphore_mem>>) src(%dma_wait3A_65 : memref<64x768xf32, #tpu.memory_space<hbm>>) dst(%arg10 : memref<64x768xf32, #tpu.memory_space<vmem>>)
        %add3A_66 = arith.addi %mul3A_2, %mul3A_59 : i32
        "tpu.region"() ({
          %run_scoped3A = tpu.sem_alloc : memref<!tpu.dma_semaphore, #tpu.memory_space<semaphore_mem>>
          %dma_start3A_67 = arith.constant 0 : i32
          %dma_start3A_68 = tpu.memref_slice %arg6[%add3A_66, %dma_start3A_67] : memref<16384x768xf32, #tpu.memory_space<hbm>> -> memref<64x768xf32, #tpu.memory_space<hbm>>
          %dma_start3A_69 = arith.constant 0 : i32
          %dma_start3A_70 = tpu.memref_slice %arg6[%add3A_66, %dma_start3A_69] : memref<16384x768xf32, #tpu.memory_space<hbm>> -> memref<64x768xf32, #tpu.memory_space<hbm>>
          tpu.enqueue_dma source(%arg10 : memref<64x768xf32, #tpu.memory_space<vmem>>) target(%dma_start3A_70 : memref<64x768xf32, #tpu.memory_space<hbm>>) target_semaphore(%run_scoped3A : memref<!tpu.dma_semaphore, #tpu.memory_space<semaphore_mem>>)
          %dma_wait3A_71 = arith.constant 0 : i32
          %dma_wait3A_72 = tpu.memref_slice %arg6[%add3A_66, %dma_wait3A_71] : memref<16384x768xf32, #tpu.memory_space<hbm>> -> memref<64x768xf32, #tpu.memory_space<hbm>>
          %dma_wait3A_73 = arith.constant 0 : i32
          %dma_wait3A_74 = tpu.memref_slice %arg6[%add3A_66, %dma_wait3A_73] : memref<16384x768xf32, #tpu.memory_space<hbm>> -> memref<64x768xf32, #tpu.memory_space<hbm>>
          tpu.wait_dma2 semaphore(%run_scoped3A : memref<!tpu.dma_semaphore, #tpu.memory_space<semaphore_mem>>) src(%arg10 : memref<64x768xf32, #tpu.memory_space<vmem>>) dst(%dma_wait3A_74 : memref<64x768xf32, #tpu.memory_space<hbm>>)
          tpu.yield
        }) : () -> ()
      } else {
      }
    }
    %scan3A_12 = arith.constant 4 : i32
    %add3A_13 = arith.constant 16384 : i32
    %add3A_14 = arith.addi %add3A_13, %mul3A_2 : i32
    "tpu.region"() ({
      %run_scoped3A = tpu.sem_alloc : memref<!tpu.dma_semaphore, #tpu.memory_space<semaphore_mem>>
      %dma_start3A_25 = tpu.memref_slice %arg5[%add3A_14] : memref<65536xi32, #tpu.memory_space<hbm>> -> memref<512xi32, #tpu.memory_space<hbm>>
      %dma_start3A_26 = tpu.memref_slice %arg5[%add3A_14] : memref<65536xi32, #tpu.memory_space<hbm>> -> memref<512xi32, #tpu.memory_space<hbm>>
      tpu.enqueue_dma source(%dma_start3A_26 : memref<512xi32, #tpu.memory_space<hbm>>) target(%arg8 : memref<512xi32, #tpu.memory_space<vmem>>) target_semaphore(%run_scoped3A : memref<!tpu.dma_semaphore, #tpu.memory_space<semaphore_mem>>)
      %dma_wait3A = tpu.memref_slice %arg5[%add3A_14] : memref<65536xi32, #tpu.memory_space<hbm>> -> memref<512xi32, #tpu.memory_space<hbm>>
      %dma_wait3A_27 = tpu.memref_slice %arg5[%add3A_14] : memref<65536xi32, #tpu.memory_space<hbm>> -> memref<512xi32, #tpu.memory_space<hbm>>
      tpu.wait_dma2 semaphore(%run_scoped3A : memref<!tpu.dma_semaphore, #tpu.memory_space<semaphore_mem>>) src(%dma_wait3A_27 : memref<512xi32, #tpu.memory_space<hbm>>) dst(%arg8 : memref<512xi32, #tpu.memory_space<vmem>>)
      tpu.yield
    }) : () -> ()
    %dma_start3A_15 = arith.constant 0 : i32
    %dma_start3A_16 = tpu.memref_slice %arg8[%dma_start3A_15] : memref<512xi32, #tpu.memory_space<vmem>> -> memref<64xi32, #tpu.memory_space<vmem>>
    %dma_start3A_17 = arith.constant 0 : i32
    %dma_start3A_18 = arith.constant 0 : i32
    %dma_start3A_19 = tpu.memref_slice %arg4[%dma_start3A_17, %dma_start3A_18] : memref<4096x768xf32, #tpu.memory_space<hbm>> -> memref<4096x768xf32, #tpu.memory_space<hbm>>
    tpu.enqueue_indirect_dma source(%dma_start3A_19 : memref<4096x768xf32, #tpu.memory_space<hbm>>) target(%arg9 : memref<64x768xf32, #tpu.memory_space<vmem>>) offsets(%dma_start3A_16 : memref<64xi32, #tpu.memory_space<vmem>>) semaphore(%arg11 : memref<!tpu.dma_semaphore, #tpu.memory_space<semaphore_mem>>)
    %scan3A_20 = arith.constant 0 : i32
    %scan3A_21 = arith.constant 4 : i32
    %scan3A_22 = arith.addi %scan3A_20, %scan3A_21 : i32
    %scan3A_23 = arith.constant 1 : i32
    scf.for %scan3A_25 = %scan3A_20 to %scan3A_22 step %scan3A_23  : i32 {
      %mul3A_26 = arith.constant 2 : i32
      %mul3A_27 = arith.muli %scan3A_25, %mul3A_26 : i32
      %add3A_28 = arith.constant 0 : i32
      %add3A_29 = arith.addi %add3A_28, %mul3A_27 : i32
      %add3A_30 = arith.constant 1 : i32
      %add3A_31 = arith.addi %add3A_29, %add3A_30 : i32
      %lt3A = arith.constant 8 : i32
      %lt3A_32 = arith.cmpi slt, %add3A_31, %lt3A : i32
      %convert_element_type3A = arith.extui %lt3A_32 : i1 to i32
      %cond3A = arith.constant 0 : i32
      %cond3A_33 = arith.cmpi ne, %convert_element_type3A, %cond3A : i32
      scf.if %cond3A_33 {
        %add3A_56 = arith.constant 1 : i32
        %add3A_57 = arith.addi %add3A_29, %add3A_56 : i32
        %mul3A_58 = arith.constant 64 : i32
        %mul3A_59 = arith.muli %add3A_57, %mul3A_58 : i32
        %dma_start3A_60 = tpu.memref_slice %arg8[%mul3A_59] : memref<512xi32, #tpu.memory_space<vmem>> -> memref<64xi32, #tpu.memory_space<vmem>>
        %dma_start3A_61 = arith.constant 0 : i32
        %dma_start3A_62 = arith.constant 0 : i32
        %dma_start3A_63 = tpu.memref_slice %arg4[%dma_start3A_61, %dma_start3A_62] : memref<4096x768xf32, #tpu.memory_space<hbm>> -> memref<4096x768xf32, #tpu.memory_space<hbm>>
        tpu.enqueue_indirect_dma source(%dma_start3A_63 : memref<4096x768xf32, #tpu.memory_space<hbm>>) target(%arg10 : memref<64x768xf32, #tpu.memory_space<vmem>>) offsets(%dma_start3A_60 : memref<64xi32, #tpu.memory_space<vmem>>) semaphore(%arg12 : memref<!tpu.dma_semaphore, #tpu.memory_space<semaphore_mem>>)
      } else {
      }
      %mul3A_34 = arith.constant 64 : i32
      %mul3A_35 = arith.muli %add3A_29, %mul3A_34 : i32
      %dma_wait3A = arith.constant 0 : i32
      %dma_wait3A_36 = arith.constant 0 : i32
      %dma_wait3A_37 = tpu.memref_slice %arg4[%dma_wait3A, %dma_wait3A_36] : memref<4096x768xf32, #tpu.memory_space<hbm>> -> memref<64x768xf32, #tpu.memory_space<hbm>>
      %dma_wait3A_38 = arith.constant 0 : i32
      %dma_wait3A_39 = arith.constant 0 : i32
      %dma_wait3A_40 = tpu.memref_slice %arg4[%dma_wait3A_38, %dma_wait3A_39] : memref<4096x768xf32, #tpu.memory_space<hbm>> -> memref<64x768xf32, #tpu.memory_space<hbm>>
      tpu.wait_dma2 semaphore(%arg11 : memref<!tpu.dma_semaphore, #tpu.memory_space<semaphore_mem>>) src(%dma_wait3A_40 : memref<64x768xf32, #tpu.memory_space<hbm>>) dst(%arg9 : memref<64x768xf32, #tpu.memory_space<vmem>>)
      %add3A_41 = arith.addi %mul3A_2, %mul3A_35 : i32
      "tpu.region"() ({
        %run_scoped3A = tpu.sem_alloc : memref<!tpu.dma_semaphore, #tpu.memory_space<semaphore_mem>>
        %dma_start3A_56 = arith.constant 0 : i32
        %dma_start3A_57 = tpu.memref_slice %arg7[%add3A_41, %dma_start3A_56] : memref<16384x768xf32, #tpu.memory_space<hbm>> -> memref<64x768xf32, #tpu.memory_space<hbm>>
        %dma_start3A_58 = arith.constant 0 : i32
        %dma_start3A_59 = tpu.memref_slice %arg7[%add3A_41, %dma_start3A_58] : memref<16384x768xf32, #tpu.memory_space<hbm>> -> memref<64x768xf32, #tpu.memory_space<hbm>>
        tpu.enqueue_dma source(%arg9 : memref<64x768xf32, #tpu.memory_space<vmem>>) target(%dma_start3A_59 : memref<64x768xf32, #tpu.memory_space<hbm>>) target_semaphore(%run_scoped3A : memref<!tpu.dma_semaphore, #tpu.memory_space<semaphore_mem>>)
        %dma_wait3A_60 = arith.constant 0 : i32
        %dma_wait3A_61 = tpu.memref_slice %arg7[%add3A_41, %dma_wait3A_60] : memref<16384x768xf32, #tpu.memory_space<hbm>> -> memref<64x768xf32, #tpu.memory_space<hbm>>
        %dma_wait3A_62 = arith.constant 0 : i32
        %dma_wait3A_63 = tpu.memref_slice %arg7[%add3A_41, %dma_wait3A_62] : memref<16384x768xf32, #tpu.memory_space<hbm>> -> memref<64x768xf32, #tpu.memory_space<hbm>>
        tpu.wait_dma2 semaphore(%run_scoped3A : memref<!tpu.dma_semaphore, #tpu.memory_space<semaphore_mem>>) src(%arg9 : memref<64x768xf32, #tpu.memory_space<vmem>>) dst(%dma_wait3A_63 : memref<64x768xf32, #tpu.memory_space<hbm>>)
        tpu.yield
      }) : () -> ()
      %add3A_42 = arith.constant 2 : i32
      %add3A_43 = arith.addi %add3A_29, %add3A_42 : i32
      %lt3A_44 = arith.constant 8 : i32
      %lt3A_45 = arith.cmpi slt, %add3A_43, %lt3A_44 : i32
      %convert_element_type3A_46 = arith.extui %lt3A_45 : i1 to i32
      %cond3A_47 = arith.constant 0 : i32
      %cond3A_48 = arith.cmpi ne, %convert_element_type3A_46, %cond3A_47 : i32
      scf.if %cond3A_48 {
        %add3A_56 = arith.constant 2 : i32
        %add3A_57 = arith.addi %add3A_29, %add3A_56 : i32
        %mul3A_58 = arith.constant 64 : i32
        %mul3A_59 = arith.muli %add3A_57, %mul3A_58 : i32
        %dma_start3A_60 = tpu.memref_slice %arg8[%mul3A_59] : memref<512xi32, #tpu.memory_space<vmem>> -> memref<64xi32, #tpu.memory_space<vmem>>
        %dma_start3A_61 = arith.constant 0 : i32
        %dma_start3A_62 = arith.constant 0 : i32
        %dma_start3A_63 = tpu.memref_slice %arg4[%dma_start3A_61, %dma_start3A_62] : memref<4096x768xf32, #tpu.memory_space<hbm>> -> memref<4096x768xf32, #tpu.memory_space<hbm>>
        tpu.enqueue_indirect_dma source(%dma_start3A_63 : memref<4096x768xf32, #tpu.memory_space<hbm>>) target(%arg9 : memref<64x768xf32, #tpu.memory_space<vmem>>) offsets(%dma_start3A_60 : memref<64xi32, #tpu.memory_space<vmem>>) semaphore(%arg11 : memref<!tpu.dma_semaphore, #tpu.memory_space<semaphore_mem>>)
      } else {
      }
      %add3A_49 = arith.constant 1 : i32
      %add3A_50 = arith.addi %add3A_29, %add3A_49 : i32
      %lt3A_51 = arith.constant 8 : i32
      %lt3A_52 = arith.cmpi slt, %add3A_50, %lt3A_51 : i32
      %convert_element_type3A_53 = arith.extui %lt3A_52 : i1 to i32
      %cond3A_54 = arith.constant 0 : i32
      %cond3A_55 = arith.cmpi ne, %convert_element_type3A_53, %cond3A_54 : i32
      scf.if %cond3A_55 {
        %add3A_56 = arith.constant 1 : i32
        %add3A_57 = arith.addi %add3A_29, %add3A_56 : i32
        %mul3A_58 = arith.constant 64 : i32
        %mul3A_59 = arith.muli %add3A_57, %mul3A_58 : i32
        %dma_wait3A_60 = arith.constant 0 : i32
        %dma_wait3A_61 = arith.constant 0 : i32
        %dma_wait3A_62 = tpu.memref_slice %arg4[%dma_wait3A_60, %dma_wait3A_61] : memref<4096x768xf32, #tpu.memory_space<hbm>> -> memref<64x768xf32, #tpu.memory_space<hbm>>
        %dma_wait3A_63 = arith.constant 0 : i32
        %dma_wait3A_64 = arith.constant 0 : i32
        %dma_wait3A_65 = tpu.memref_slice %arg4[%dma_wait3A_63, %dma_wait3A_64] : memref<4096x768xf32, #tpu.memory_space<hbm>> -> memref<64x768xf32, #tpu.memory_space<hbm>>
        tpu.wait_dma2 semaphore(%arg12 : memref<!tpu.dma_semaphore, #tpu.memory_space<semaphore_mem>>) src(%dma_wait3A_65 : memref<64x768xf32, #tpu.memory_space<hbm>>) dst(%arg10 : memref<64x768xf32, #tpu.memory_space<vmem>>)
        %add3A_66 = arith.addi %mul3A_2, %mul3A_59 : i32
        "tpu.region"() ({
          %run_scoped3A = tpu.sem_alloc : memref<!tpu.dma_semaphore, #tpu.memory_space<semaphore_mem>>
          %dma_start3A_67 = arith.constant 0 : i32
          %dma_start3A_68 = tpu.memref_slice %arg7[%add3A_66, %dma_start3A_67] : memref<16384x768xf32, #tpu.memory_space<hbm>> -> memref<64x768xf32, #tpu.memory_space<hbm>>
          %dma_start3A_69 = arith.constant 0 : i32
          %dma_start3A_70 = tpu.memref_slice %arg7[%add3A_66, %dma_start3A_69] : memref<16384x768xf32, #tpu.memory_space<hbm>> -> memref<64x768xf32, #tpu.memory_space<hbm>>
          tpu.enqueue_dma source(%arg10 : memref<64x768xf32, #tpu.memory_space<vmem>>) target(%dma_start3A_70 : memref<64x768xf32, #tpu.memory_space<hbm>>) target_semaphore(%run_scoped3A : memref<!tpu.dma_semaphore, #tpu.memory_space<semaphore_mem>>)
          %dma_wait3A_71 = arith.constant 0 : i32
          %dma_wait3A_72 = tpu.memref_slice %arg7[%add3A_66, %dma_wait3A_71] : memref<16384x768xf32, #tpu.memory_space<hbm>> -> memref<64x768xf32, #tpu.memory_space<hbm>>
          %dma_wait3A_73 = arith.constant 0 : i32
          %dma_wait3A_74 = tpu.memref_slice %arg7[%add3A_66, %dma_wait3A_73] : memref<16384x768xf32, #tpu.memory_space<hbm>> -> memref<64x768xf32, #tpu.memory_space<hbm>>
          tpu.wait_dma2 semaphore(%run_scoped3A : memref<!tpu.dma_semaphore, #tpu.memory_space<semaphore_mem>>) src(%arg10 : memref<64x768xf32, #tpu.memory_space<vmem>>) dst(%dma_wait3A_74 : memref<64x768xf32, #tpu.memory_space<hbm>>)
          tpu.yield
        }) : () -> ()
      } else {
      }
    }
    %scan3A_24 = arith.constant 4 : i32
    return
  }
}

#map = affine_map<(d0, d1) -> (0, 0)>
#map1 = affine_map<(d0, d1) -> (0)>
module attributes {stable_mosaic.version = 14 : i64} {
  func.func @k(%arg0: i32, %arg1: i32, %arg2: memref<100000x768xf32, #tpu.memory_space<hbm>>, %arg3: memref<65536xi32, #tpu.memory_space<hbm>>, %arg4: memref<4096x768xf32, #tpu.memory_space<hbm>>, %arg5: memref<65536xi32, #tpu.memory_space<hbm>>, %arg6: memref<8192x768xf32, #tpu.memory_space<hbm>>, %arg7: memref<8192x768xf32, #tpu.memory_space<hbm>>, %arg8: memref<256xi32, #tpu.memory_space<vmem>>, %arg9: memref<64x768xf32, #tpu.memory_space<vmem>>, %arg10: memref<64x768xf32, #tpu.memory_space<vmem>>, %arg11: memref<!tpu.dma_semaphore, #tpu.memory_space<semaphore_mem>>, %arg12: memref<!tpu.dma_semaphore, #tpu.memory_space<semaphore_mem>>) attributes {dimension_semantics = [#tpu.dimension_semantics<core_parallel>, #tpu.dimension_semantics<subcore_parallel>], iteration_bounds = array<i64: 2, 16>, scalar_prefetch = 0 : i64, scratch_operands = 5 : i64, tpu.core_type = #tpu.core_type<sc_vector_subcore>, window_params = [{transform_indices = #map}, {transform_indices = #map1}, {transform_indices = #map}, {transform_indices = #map1}, {transform_indices = #map}, {transform_indices = #map}]} {
    %mul3A = arith.constant 2 : i32
    %mul3A_0 = arith.muli %arg1, %mul3A : i32
    %add3A = arith.addi %mul3A_0, %arg0 : i32
    %mul3A_1 = arith.constant 256 : i32
    %mul3A_2 = arith.muli %add3A, %mul3A_1 : i32
    %add3A_3 = arith.constant 0 : i32
    %add3A_4 = arith.addi %add3A_3, %mul3A_2 : i32
    "tpu.region"() ({
      %run_scoped3A = tpu.sem_alloc : memref<!tpu.dma_semaphore, #tpu.memory_space<semaphore_mem>>
      %dma_start3A_25 = tpu.memref_slice %arg3[%add3A_4] : memref<65536xi32, #tpu.memory_space<hbm>> -> memref<256xi32, #tpu.memory_space<hbm>>
      %dma_start3A_26 = tpu.memref_slice %arg3[%add3A_4] : memref<65536xi32, #tpu.memory_space<hbm>> -> memref<256xi32, #tpu.memory_space<hbm>>
      tpu.enqueue_dma source(%dma_start3A_26 : memref<256xi32, #tpu.memory_space<hbm>>) target(%arg8 : memref<256xi32, #tpu.memory_space<vmem>>) target_semaphore(%run_scoped3A : memref<!tpu.dma_semaphore, #tpu.memory_space<semaphore_mem>>)
      %dma_wait3A = tpu.memref_slice %arg3[%add3A_4] : memref<65536xi32, #tpu.memory_space<hbm>> -> memref<256xi32, #tpu.memory_space<hbm>>
      %dma_wait3A_27 = tpu.memref_slice %arg3[%add3A_4] : memref<65536xi32, #tpu.memory_space<hbm>> -> memref<256xi32, #tpu.memory_space<hbm>>
      tpu.wait_dma2 semaphore(%run_scoped3A : memref<!tpu.dma_semaphore, #tpu.memory_space<semaphore_mem>>) src(%dma_wait3A_27 : memref<256xi32, #tpu.memory_space<hbm>>) dst(%arg8 : memref<256xi32, #tpu.memory_space<vmem>>)
      tpu.yield
    }) : () -> ()
    %dma_start3A = arith.constant 0 : i32
    %dma_start3A_5 = tpu.memref_slice %arg8[%dma_start3A] : memref<256xi32, #tpu.memory_space<vmem>> -> memref<64xi32, #tpu.memory_space<vmem>>
    %dma_start3A_6 = arith.constant 0 : i32
    %dma_start3A_7 = arith.constant 0 : i32
    %dma_start3A_8 = tpu.memref_slice %arg2[%dma_start3A_6, %dma_start3A_7] : memref<100000x768xf32, #tpu.memory_space<hbm>> -> memref<100000x768xf32, #tpu.memory_space<hbm>>
    tpu.enqueue_indirect_dma source(%dma_start3A_8 : memref<100000x768xf32, #tpu.memory_space<hbm>>) target(%arg9 : memref<64x768xf32, #tpu.memory_space<vmem>>) offsets(%dma_start3A_5 : memref<64xi32, #tpu.memory_space<vmem>>) semaphore(%arg11 : memref<!tpu.dma_semaphore, #tpu.memory_space<semaphore_mem>>)
    %scan3A = arith.constant 0 : i32
    %scan3A_9 = arith.constant 2 : i32
    %scan3A_10 = arith.addi %scan3A, %scan3A_9 : i32
    %scan3A_11 = arith.constant 1 : i32
    scf.for %scan3A_25 = %scan3A to %scan3A_10 step %scan3A_11  : i32 {
      %mul3A_26 = arith.constant 2 : i32
      %mul3A_27 = arith.muli %scan3A_25, %mul3A_26 : i32
      %add3A_28 = arith.constant 0 : i32
      %add3A_29 = arith.addi %add3A_28, %mul3A_27 : i32
      %add3A_30 = arith.constant 1 : i32
      %add3A_31 = arith.addi %add3A_29, %add3A_30 : i32
      %lt3A = arith.constant 4 : i32
      %lt3A_32 = arith.cmpi slt, %add3A_31, %lt3A : i32
      %convert_element_type3A = arith.extui %lt3A_32 : i1 to i32
      %cond3A = arith.constant 0 : i32
      %cond3A_33 = arith.cmpi ne, %convert_element_type3A, %cond3A : i32
      scf.if %cond3A_33 {
        %add3A_56 = arith.constant 1 : i32
        %add3A_57 = arith.addi %add3A_29, %add3A_56 : i32
        %mul3A_58 = arith.constant 64 : i32
        %mul3A_59 = arith.muli %add3A_57, %mul3A_58 : i32
        %dma_start3A_60 = tpu.memref_slice %arg8[%mul3A_59] : memref<256xi32, #tpu.memory_space<vmem>> -> memref<64xi32, #tpu.memory_space<vmem>>
        %dma_start3A_61 = arith.constant 0 : i32
        %dma_start3A_62 = arith.constant 0 : i32
        %dma_start3A_63 = tpu.memref_slice %arg2[%dma_start3A_61, %dma_start3A_62] : memref<100000x768xf32, #tpu.memory_space<hbm>> -> memref<100000x768xf32, #tpu.memory_space<hbm>>
        tpu.enqueue_indirect_dma source(%dma_start3A_63 : memref<100000x768xf32, #tpu.memory_space<hbm>>) target(%arg10 : memref<64x768xf32, #tpu.memory_space<vmem>>) offsets(%dma_start3A_60 : memref<64xi32, #tpu.memory_space<vmem>>) semaphore(%arg12 : memref<!tpu.dma_semaphore, #tpu.memory_space<semaphore_mem>>)
      } else {
      }
      %mul3A_34 = arith.constant 64 : i32
      %mul3A_35 = arith.muli %add3A_29, %mul3A_34 : i32
      %dma_wait3A = arith.constant 0 : i32
      %dma_wait3A_36 = arith.constant 0 : i32
      %dma_wait3A_37 = tpu.memref_slice %arg2[%dma_wait3A, %dma_wait3A_36] : memref<100000x768xf32, #tpu.memory_space<hbm>> -> memref<64x768xf32, #tpu.memory_space<hbm>>
      %dma_wait3A_38 = arith.constant 0 : i32
      %dma_wait3A_39 = arith.constant 0 : i32
      %dma_wait3A_40 = tpu.memref_slice %arg2[%dma_wait3A_38, %dma_wait3A_39] : memref<100000x768xf32, #tpu.memory_space<hbm>> -> memref<64x768xf32, #tpu.memory_space<hbm>>
      tpu.wait_dma2 semaphore(%arg11 : memref<!tpu.dma_semaphore, #tpu.memory_space<semaphore_mem>>) src(%dma_wait3A_40 : memref<64x768xf32, #tpu.memory_space<hbm>>) dst(%arg9 : memref<64x768xf32, #tpu.memory_space<vmem>>)
      %add3A_41 = arith.addi %mul3A_2, %mul3A_35 : i32
      "tpu.region"() ({
        %run_scoped3A = tpu.sem_alloc : memref<!tpu.dma_semaphore, #tpu.memory_space<semaphore_mem>>
        %dma_start3A_56 = arith.constant 0 : i32
        %dma_start3A_57 = tpu.memref_slice %arg6[%add3A_41, %dma_start3A_56] : memref<8192x768xf32, #tpu.memory_space<hbm>> -> memref<64x768xf32, #tpu.memory_space<hbm>>
        %dma_start3A_58 = arith.constant 0 : i32
        %dma_start3A_59 = tpu.memref_slice %arg6[%add3A_41, %dma_start3A_58] : memref<8192x768xf32, #tpu.memory_space<hbm>> -> memref<64x768xf32, #tpu.memory_space<hbm>>
        tpu.enqueue_dma source(%arg9 : memref<64x768xf32, #tpu.memory_space<vmem>>) target(%dma_start3A_59 : memref<64x768xf32, #tpu.memory_space<hbm>>) target_semaphore(%run_scoped3A : memref<!tpu.dma_semaphore, #tpu.memory_space<semaphore_mem>>)
        %dma_wait3A_60 = arith.constant 0 : i32
        %dma_wait3A_61 = tpu.memref_slice %arg6[%add3A_41, %dma_wait3A_60] : memref<8192x768xf32, #tpu.memory_space<hbm>> -> memref<64x768xf32, #tpu.memory_space<hbm>>
        %dma_wait3A_62 = arith.constant 0 : i32
        %dma_wait3A_63 = tpu.memref_slice %arg6[%add3A_41, %dma_wait3A_62] : memref<8192x768xf32, #tpu.memory_space<hbm>> -> memref<64x768xf32, #tpu.memory_space<hbm>>
        tpu.wait_dma2 semaphore(%run_scoped3A : memref<!tpu.dma_semaphore, #tpu.memory_space<semaphore_mem>>) src(%arg9 : memref<64x768xf32, #tpu.memory_space<vmem>>) dst(%dma_wait3A_63 : memref<64x768xf32, #tpu.memory_space<hbm>>)
        tpu.yield
      }) : () -> ()
      %add3A_42 = arith.constant 2 : i32
      %add3A_43 = arith.addi %add3A_29, %add3A_42 : i32
      %lt3A_44 = arith.constant 4 : i32
      %lt3A_45 = arith.cmpi slt, %add3A_43, %lt3A_44 : i32
      %convert_element_type3A_46 = arith.extui %lt3A_45 : i1 to i32
      %cond3A_47 = arith.constant 0 : i32
      %cond3A_48 = arith.cmpi ne, %convert_element_type3A_46, %cond3A_47 : i32
      scf.if %cond3A_48 {
        %add3A_56 = arith.constant 2 : i32
        %add3A_57 = arith.addi %add3A_29, %add3A_56 : i32
        %mul3A_58 = arith.constant 64 : i32
        %mul3A_59 = arith.muli %add3A_57, %mul3A_58 : i32
        %dma_start3A_60 = tpu.memref_slice %arg8[%mul3A_59] : memref<256xi32, #tpu.memory_space<vmem>> -> memref<64xi32, #tpu.memory_space<vmem>>
        %dma_start3A_61 = arith.constant 0 : i32
        %dma_start3A_62 = arith.constant 0 : i32
        %dma_start3A_63 = tpu.memref_slice %arg2[%dma_start3A_61, %dma_start3A_62] : memref<100000x768xf32, #tpu.memory_space<hbm>> -> memref<100000x768xf32, #tpu.memory_space<hbm>>
        tpu.enqueue_indirect_dma source(%dma_start3A_63 : memref<100000x768xf32, #tpu.memory_space<hbm>>) target(%arg9 : memref<64x768xf32, #tpu.memory_space<vmem>>) offsets(%dma_start3A_60 : memref<64xi32, #tpu.memory_space<vmem>>) semaphore(%arg11 : memref<!tpu.dma_semaphore, #tpu.memory_space<semaphore_mem>>)
      } else {
      }
      %add3A_49 = arith.constant 1 : i32
      %add3A_50 = arith.addi %add3A_29, %add3A_49 : i32
      %lt3A_51 = arith.constant 4 : i32
      %lt3A_52 = arith.cmpi slt, %add3A_50, %lt3A_51 : i32
      %convert_element_type3A_53 = arith.extui %lt3A_52 : i1 to i32
      %cond3A_54 = arith.constant 0 : i32
      %cond3A_55 = arith.cmpi ne, %convert_element_type3A_53, %cond3A_54 : i32
      scf.if %cond3A_55 {
        %add3A_56 = arith.constant 1 : i32
        %add3A_57 = arith.addi %add3A_29, %add3A_56 : i32
        %mul3A_58 = arith.constant 64 : i32
        %mul3A_59 = arith.muli %add3A_57, %mul3A_58 : i32
        %dma_wait3A_60 = arith.constant 0 : i32
        %dma_wait3A_61 = arith.constant 0 : i32
        %dma_wait3A_62 = tpu.memref_slice %arg2[%dma_wait3A_60, %dma_wait3A_61] : memref<100000x768xf32, #tpu.memory_space<hbm>> -> memref<64x768xf32, #tpu.memory_space<hbm>>
        %dma_wait3A_63 = arith.constant 0 : i32
        %dma_wait3A_64 = arith.constant 0 : i32
        %dma_wait3A_65 = tpu.memref_slice %arg2[%dma_wait3A_63, %dma_wait3A_64] : memref<100000x768xf32, #tpu.memory_space<hbm>> -> memref<64x768xf32, #tpu.memory_space<hbm>>
        tpu.wait_dma2 semaphore(%arg12 : memref<!tpu.dma_semaphore, #tpu.memory_space<semaphore_mem>>) src(%dma_wait3A_65 : memref<64x768xf32, #tpu.memory_space<hbm>>) dst(%arg10 : memref<64x768xf32, #tpu.memory_space<vmem>>)
        %add3A_66 = arith.addi %mul3A_2, %mul3A_59 : i32
        "tpu.region"() ({
          %run_scoped3A = tpu.sem_alloc : memref<!tpu.dma_semaphore, #tpu.memory_space<semaphore_mem>>
          %dma_start3A_67 = arith.constant 0 : i32
          %dma_start3A_68 = tpu.memref_slice %arg6[%add3A_66, %dma_start3A_67] : memref<8192x768xf32, #tpu.memory_space<hbm>> -> memref<64x768xf32, #tpu.memory_space<hbm>>
          %dma_start3A_69 = arith.constant 0 : i32
          %dma_start3A_70 = tpu.memref_slice %arg6[%add3A_66, %dma_start3A_69] : memref<8192x768xf32, #tpu.memory_space<hbm>> -> memref<64x768xf32, #tpu.memory_space<hbm>>
          tpu.enqueue_dma source(%arg10 : memref<64x768xf32, #tpu.memory_space<vmem>>) target(%dma_start3A_70 : memref<64x768xf32, #tpu.memory_space<hbm>>) target_semaphore(%run_scoped3A : memref<!tpu.dma_semaphore, #tpu.memory_space<semaphore_mem>>)
          %dma_wait3A_71 = arith.constant 0 : i32
          %dma_wait3A_72 = tpu.memref_slice %arg6[%add3A_66, %dma_wait3A_71] : memref<8192x768xf32, #tpu.memory_space<hbm>> -> memref<64x768xf32, #tpu.memory_space<hbm>>
          %dma_wait3A_73 = arith.constant 0 : i32
          %dma_wait3A_74 = tpu.memref_slice %arg6[%add3A_66, %dma_wait3A_73] : memref<8192x768xf32, #tpu.memory_space<hbm>> -> memref<64x768xf32, #tpu.memory_space<hbm>>
          tpu.wait_dma2 semaphore(%run_scoped3A : memref<!tpu.dma_semaphore, #tpu.memory_space<semaphore_mem>>) src(%arg10 : memref<64x768xf32, #tpu.memory_space<vmem>>) dst(%dma_wait3A_74 : memref<64x768xf32, #tpu.memory_space<hbm>>)
          tpu.yield
        }) : () -> ()
      } else {
      }
    }
    %scan3A_12 = arith.constant 2 : i32
    %add3A_13 = arith.constant 0 : i32
    %add3A_14 = arith.addi %add3A_13, %mul3A_2 : i32
    "tpu.region"() ({
      %run_scoped3A = tpu.sem_alloc : memref<!tpu.dma_semaphore, #tpu.memory_space<semaphore_mem>>
      %dma_start3A_25 = tpu.memref_slice %arg5[%add3A_14] : memref<65536xi32, #tpu.memory_space<hbm>> -> memref<256xi32, #tpu.memory_space<hbm>>
      %dma_start3A_26 = tpu.memref_slice %arg5[%add3A_14] : memref<65536xi32, #tpu.memory_space<hbm>> -> memref<256xi32, #tpu.memory_space<hbm>>
      tpu.enqueue_dma source(%dma_start3A_26 : memref<256xi32, #tpu.memory_space<hbm>>) target(%arg8 : memref<256xi32, #tpu.memory_space<vmem>>) target_semaphore(%run_scoped3A : memref<!tpu.dma_semaphore, #tpu.memory_space<semaphore_mem>>)
      %dma_wait3A = tpu.memref_slice %arg5[%add3A_14] : memref<65536xi32, #tpu.memory_space<hbm>> -> memref<256xi32, #tpu.memory_space<hbm>>
      %dma_wait3A_27 = tpu.memref_slice %arg5[%add3A_14] : memref<65536xi32, #tpu.memory_space<hbm>> -> memref<256xi32, #tpu.memory_space<hbm>>
      tpu.wait_dma2 semaphore(%run_scoped3A : memref<!tpu.dma_semaphore, #tpu.memory_space<semaphore_mem>>) src(%dma_wait3A_27 : memref<256xi32, #tpu.memory_space<hbm>>) dst(%arg8 : memref<256xi32, #tpu.memory_space<vmem>>)
      tpu.yield
    }) : () -> ()
    %dma_start3A_15 = arith.constant 0 : i32
    %dma_start3A_16 = tpu.memref_slice %arg8[%dma_start3A_15] : memref<256xi32, #tpu.memory_space<vmem>> -> memref<64xi32, #tpu.memory_space<vmem>>
    %dma_start3A_17 = arith.constant 0 : i32
    %dma_start3A_18 = arith.constant 0 : i32
    %dma_start3A_19 = tpu.memref_slice %arg4[%dma_start3A_17, %dma_start3A_18] : memref<4096x768xf32, #tpu.memory_space<hbm>> -> memref<4096x768xf32, #tpu.memory_space<hbm>>
    tpu.enqueue_indirect_dma source(%dma_start3A_19 : memref<4096x768xf32, #tpu.memory_space<hbm>>) target(%arg9 : memref<64x768xf32, #tpu.memory_space<vmem>>) offsets(%dma_start3A_16 : memref<64xi32, #tpu.memory_space<vmem>>) semaphore(%arg11 : memref<!tpu.dma_semaphore, #tpu.memory_space<semaphore_mem>>)
    %scan3A_20 = arith.constant 0 : i32
    %scan3A_21 = arith.constant 2 : i32
    %scan3A_22 = arith.addi %scan3A_20, %scan3A_21 : i32
    %scan3A_23 = arith.constant 1 : i32
    scf.for %scan3A_25 = %scan3A_20 to %scan3A_22 step %scan3A_23  : i32 {
      %mul3A_26 = arith.constant 2 : i32
      %mul3A_27 = arith.muli %scan3A_25, %mul3A_26 : i32
      %add3A_28 = arith.constant 0 : i32
      %add3A_29 = arith.addi %add3A_28, %mul3A_27 : i32
      %add3A_30 = arith.constant 1 : i32
      %add3A_31 = arith.addi %add3A_29, %add3A_30 : i32
      %lt3A = arith.constant 4 : i32
      %lt3A_32 = arith.cmpi slt, %add3A_31, %lt3A : i32
      %convert_element_type3A = arith.extui %lt3A_32 : i1 to i32
      %cond3A = arith.constant 0 : i32
      %cond3A_33 = arith.cmpi ne, %convert_element_type3A, %cond3A : i32
      scf.if %cond3A_33 {
        %add3A_56 = arith.constant 1 : i32
        %add3A_57 = arith.addi %add3A_29, %add3A_56 : i32
        %mul3A_58 = arith.constant 64 : i32
        %mul3A_59 = arith.muli %add3A_57, %mul3A_58 : i32
        %dma_start3A_60 = tpu.memref_slice %arg8[%mul3A_59] : memref<256xi32, #tpu.memory_space<vmem>> -> memref<64xi32, #tpu.memory_space<vmem>>
        %dma_start3A_61 = arith.constant 0 : i32
        %dma_start3A_62 = arith.constant 0 : i32
        %dma_start3A_63 = tpu.memref_slice %arg4[%dma_start3A_61, %dma_start3A_62] : memref<4096x768xf32, #tpu.memory_space<hbm>> -> memref<4096x768xf32, #tpu.memory_space<hbm>>
        tpu.enqueue_indirect_dma source(%dma_start3A_63 : memref<4096x768xf32, #tpu.memory_space<hbm>>) target(%arg10 : memref<64x768xf32, #tpu.memory_space<vmem>>) offsets(%dma_start3A_60 : memref<64xi32, #tpu.memory_space<vmem>>) semaphore(%arg12 : memref<!tpu.dma_semaphore, #tpu.memory_space<semaphore_mem>>)
      } else {
      }
      %mul3A_34 = arith.constant 64 : i32
      %mul3A_35 = arith.muli %add3A_29, %mul3A_34 : i32
      %dma_wait3A = arith.constant 0 : i32
      %dma_wait3A_36 = arith.constant 0 : i32
      %dma_wait3A_37 = tpu.memref_slice %arg4[%dma_wait3A, %dma_wait3A_36] : memref<4096x768xf32, #tpu.memory_space<hbm>> -> memref<64x768xf32, #tpu.memory_space<hbm>>
      %dma_wait3A_38 = arith.constant 0 : i32
      %dma_wait3A_39 = arith.constant 0 : i32
      %dma_wait3A_40 = tpu.memref_slice %arg4[%dma_wait3A_38, %dma_wait3A_39] : memref<4096x768xf32, #tpu.memory_space<hbm>> -> memref<64x768xf32, #tpu.memory_space<hbm>>
      tpu.wait_dma2 semaphore(%arg11 : memref<!tpu.dma_semaphore, #tpu.memory_space<semaphore_mem>>) src(%dma_wait3A_40 : memref<64x768xf32, #tpu.memory_space<hbm>>) dst(%arg9 : memref<64x768xf32, #tpu.memory_space<vmem>>)
      %add3A_41 = arith.addi %mul3A_2, %mul3A_35 : i32
      "tpu.region"() ({
        %run_scoped3A = tpu.sem_alloc : memref<!tpu.dma_semaphore, #tpu.memory_space<semaphore_mem>>
        %dma_start3A_56 = arith.constant 0 : i32
        %dma_start3A_57 = tpu.memref_slice %arg7[%add3A_41, %dma_start3A_56] : memref<8192x768xf32, #tpu.memory_space<hbm>> -> memref<64x768xf32, #tpu.memory_space<hbm>>
        %dma_start3A_58 = arith.constant 0 : i32
        %dma_start3A_59 = tpu.memref_slice %arg7[%add3A_41, %dma_start3A_58] : memref<8192x768xf32, #tpu.memory_space<hbm>> -> memref<64x768xf32, #tpu.memory_space<hbm>>
        tpu.enqueue_dma source(%arg9 : memref<64x768xf32, #tpu.memory_space<vmem>>) target(%dma_start3A_59 : memref<64x768xf32, #tpu.memory_space<hbm>>) target_semaphore(%run_scoped3A : memref<!tpu.dma_semaphore, #tpu.memory_space<semaphore_mem>>)
        %dma_wait3A_60 = arith.constant 0 : i32
        %dma_wait3A_61 = tpu.memref_slice %arg7[%add3A_41, %dma_wait3A_60] : memref<8192x768xf32, #tpu.memory_space<hbm>> -> memref<64x768xf32, #tpu.memory_space<hbm>>
        %dma_wait3A_62 = arith.constant 0 : i32
        %dma_wait3A_63 = tpu.memref_slice %arg7[%add3A_41, %dma_wait3A_62] : memref<8192x768xf32, #tpu.memory_space<hbm>> -> memref<64x768xf32, #tpu.memory_space<hbm>>
        tpu.wait_dma2 semaphore(%run_scoped3A : memref<!tpu.dma_semaphore, #tpu.memory_space<semaphore_mem>>) src(%arg9 : memref<64x768xf32, #tpu.memory_space<vmem>>) dst(%dma_wait3A_63 : memref<64x768xf32, #tpu.memory_space<hbm>>)
        tpu.yield
      }) : () -> ()
      %add3A_42 = arith.constant 2 : i32
      %add3A_43 = arith.addi %add3A_29, %add3A_42 : i32
      %lt3A_44 = arith.constant 4 : i32
      %lt3A_45 = arith.cmpi slt, %add3A_43, %lt3A_44 : i32
      %convert_element_type3A_46 = arith.extui %lt3A_45 : i1 to i32
      %cond3A_47 = arith.constant 0 : i32
      %cond3A_48 = arith.cmpi ne, %convert_element_type3A_46, %cond3A_47 : i32
      scf.if %cond3A_48 {
        %add3A_56 = arith.constant 2 : i32
        %add3A_57 = arith.addi %add3A_29, %add3A_56 : i32
        %mul3A_58 = arith.constant 64 : i32
        %mul3A_59 = arith.muli %add3A_57, %mul3A_58 : i32
        %dma_start3A_60 = tpu.memref_slice %arg8[%mul3A_59] : memref<256xi32, #tpu.memory_space<vmem>> -> memref<64xi32, #tpu.memory_space<vmem>>
        %dma_start3A_61 = arith.constant 0 : i32
        %dma_start3A_62 = arith.constant 0 : i32
        %dma_start3A_63 = tpu.memref_slice %arg4[%dma_start3A_61, %dma_start3A_62] : memref<4096x768xf32, #tpu.memory_space<hbm>> -> memref<4096x768xf32, #tpu.memory_space<hbm>>
        tpu.enqueue_indirect_dma source(%dma_start3A_63 : memref<4096x768xf32, #tpu.memory_space<hbm>>) target(%arg9 : memref<64x768xf32, #tpu.memory_space<vmem>>) offsets(%dma_start3A_60 : memref<64xi32, #tpu.memory_space<vmem>>) semaphore(%arg11 : memref<!tpu.dma_semaphore, #tpu.memory_space<semaphore_mem>>)
      } else {
      }
      %add3A_49 = arith.constant 1 : i32
      %add3A_50 = arith.addi %add3A_29, %add3A_49 : i32
      %lt3A_51 = arith.constant 4 : i32
      %lt3A_52 = arith.cmpi slt, %add3A_50, %lt3A_51 : i32
      %convert_element_type3A_53 = arith.extui %lt3A_52 : i1 to i32
      %cond3A_54 = arith.constant 0 : i32
      %cond3A_55 = arith.cmpi ne, %convert_element_type3A_53, %cond3A_54 : i32
      scf.if %cond3A_55 {
        %add3A_56 = arith.constant 1 : i32
        %add3A_57 = arith.addi %add3A_29, %add3A_56 : i32
        %mul3A_58 = arith.constant 64 : i32
        %mul3A_59 = arith.muli %add3A_57, %mul3A_58 : i32
        %dma_wait3A_60 = arith.constant 0 : i32
        %dma_wait3A_61 = arith.constant 0 : i32
        %dma_wait3A_62 = tpu.memref_slice %arg4[%dma_wait3A_60, %dma_wait3A_61] : memref<4096x768xf32, #tpu.memory_space<hbm>> -> memref<64x768xf32, #tpu.memory_space<hbm>>
        %dma_wait3A_63 = arith.constant 0 : i32
        %dma_wait3A_64 = arith.constant 0 : i32
        %dma_wait3A_65 = tpu.memref_slice %arg4[%dma_wait3A_63, %dma_wait3A_64] : memref<4096x768xf32, #tpu.memory_space<hbm>> -> memref<64x768xf32, #tpu.memory_space<hbm>>
        tpu.wait_dma2 semaphore(%arg12 : memref<!tpu.dma_semaphore, #tpu.memory_space<semaphore_mem>>) src(%dma_wait3A_65 : memref<64x768xf32, #tpu.memory_space<hbm>>) dst(%arg10 : memref<64x768xf32, #tpu.memory_space<vmem>>)
        %add3A_66 = arith.addi %mul3A_2, %mul3A_59 : i32
        "tpu.region"() ({
          %run_scoped3A = tpu.sem_alloc : memref<!tpu.dma_semaphore, #tpu.memory_space<semaphore_mem>>
          %dma_start3A_67 = arith.constant 0 : i32
          %dma_start3A_68 = tpu.memref_slice %arg7[%add3A_66, %dma_start3A_67] : memref<8192x768xf32, #tpu.memory_space<hbm>> -> memref<64x768xf32, #tpu.memory_space<hbm>>
          %dma_start3A_69 = arith.constant 0 : i32
          %dma_start3A_70 = tpu.memref_slice %arg7[%add3A_66, %dma_start3A_69] : memref<8192x768xf32, #tpu.memory_space<hbm>> -> memref<64x768xf32, #tpu.memory_space<hbm>>
          tpu.enqueue_dma source(%arg10 : memref<64x768xf32, #tpu.memory_space<vmem>>) target(%dma_start3A_70 : memref<64x768xf32, #tpu.memory_space<hbm>>) target_semaphore(%run_scoped3A : memref<!tpu.dma_semaphore, #tpu.memory_space<semaphore_mem>>)
          %dma_wait3A_71 = arith.constant 0 : i32
          %dma_wait3A_72 = tpu.memref_slice %arg7[%add3A_66, %dma_wait3A_71] : memref<8192x768xf32, #tpu.memory_space<hbm>> -> memref<64x768xf32, #tpu.memory_space<hbm>>
          %dma_wait3A_73 = arith.constant 0 : i32
          %dma_wait3A_74 = tpu.memref_slice %arg7[%add3A_66, %dma_wait3A_73] : memref<8192x768xf32, #tpu.memory_space<hbm>> -> memref<64x768xf32, #tpu.memory_space<hbm>>
          tpu.wait_dma2 semaphore(%run_scoped3A : memref<!tpu.dma_semaphore, #tpu.memory_space<semaphore_mem>>) src(%arg10 : memref<64x768xf32, #tpu.memory_space<vmem>>) dst(%dma_wait3A_74 : memref<64x768xf32, #tpu.memory_space<hbm>>)
          tpu.yield
        }) : () -> ()
      } else {
      }
    }
    %scan3A_24 = arith.constant 2 : i32
    return
  }
}

#map = affine_map<(d0, d1) -> (0, 0)>
#map1 = affine_map<(d0, d1) -> (0)>
module attributes {stable_mosaic.version = 14 : i64} {
  func.func @k(%arg0: i32, %arg1: i32, %arg2: memref<100000x768xf32, #tpu.memory_space<hbm>>, %arg3: memref<65536xi32, #tpu.memory_space<hbm>>, %arg4: memref<4096x768xf32, #tpu.memory_space<hbm>>, %arg5: memref<65536xi32, #tpu.memory_space<hbm>>, %arg6: memref<16384x768xf32, #tpu.memory_space<hbm>>, %arg7: memref<16384x768xf32, #tpu.memory_space<hbm>>, %arg8: memref<512xi32, #tpu.memory_space<vmem>>, %arg9: memref<64x768xf32, #tpu.memory_space<vmem>>, %arg10: memref<64x768xf32, #tpu.memory_space<vmem>>, %arg11: memref<!tpu.dma_semaphore, #tpu.memory_space<semaphore_mem>>, %arg12: memref<!tpu.dma_semaphore, #tpu.memory_space<semaphore_mem>>) attributes {dimension_semantics = [#tpu.dimension_semantics<core_parallel>, #tpu.dimension_semantics<subcore_parallel>], iteration_bounds = array<i64: 2, 16>, scalar_prefetch = 0 : i64, scratch_operands = 5 : i64, tpu.core_type = #tpu.core_type<sc_vector_subcore>, window_params = [{transform_indices = #map}, {transform_indices = #map1}, {transform_indices = #map}, {transform_indices = #map1}, {transform_indices = #map}, {transform_indices = #map}]} {
    %mul3A = arith.constant 2 : i32
    %mul3A_0 = arith.muli %arg1, %mul3A : i32
    %add3A = arith.addi %mul3A_0, %arg0 : i32
    %mul3A_1 = arith.constant 512 : i32
    %mul3A_2 = arith.muli %add3A, %mul3A_1 : i32
    %add3A_3 = arith.constant 49152 : i32
    %add3A_4 = arith.addi %add3A_3, %mul3A_2 : i32
    "tpu.region"() ({
      %run_scoped3A = tpu.sem_alloc : memref<!tpu.dma_semaphore, #tpu.memory_space<semaphore_mem>>
      %dma_start3A_25 = tpu.memref_slice %arg3[%add3A_4] : memref<65536xi32, #tpu.memory_space<hbm>> -> memref<512xi32, #tpu.memory_space<hbm>>
      %dma_start3A_26 = tpu.memref_slice %arg3[%add3A_4] : memref<65536xi32, #tpu.memory_space<hbm>> -> memref<512xi32, #tpu.memory_space<hbm>>
      tpu.enqueue_dma source(%dma_start3A_26 : memref<512xi32, #tpu.memory_space<hbm>>) target(%arg8 : memref<512xi32, #tpu.memory_space<vmem>>) target_semaphore(%run_scoped3A : memref<!tpu.dma_semaphore, #tpu.memory_space<semaphore_mem>>)
      %dma_wait3A = tpu.memref_slice %arg3[%add3A_4] : memref<65536xi32, #tpu.memory_space<hbm>> -> memref<512xi32, #tpu.memory_space<hbm>>
      %dma_wait3A_27 = tpu.memref_slice %arg3[%add3A_4] : memref<65536xi32, #tpu.memory_space<hbm>> -> memref<512xi32, #tpu.memory_space<hbm>>
      tpu.wait_dma2 semaphore(%run_scoped3A : memref<!tpu.dma_semaphore, #tpu.memory_space<semaphore_mem>>) src(%dma_wait3A_27 : memref<512xi32, #tpu.memory_space<hbm>>) dst(%arg8 : memref<512xi32, #tpu.memory_space<vmem>>)
      tpu.yield
    }) : () -> ()
    %dma_start3A = arith.constant 0 : i32
    %dma_start3A_5 = tpu.memref_slice %arg8[%dma_start3A] : memref<512xi32, #tpu.memory_space<vmem>> -> memref<64xi32, #tpu.memory_space<vmem>>
    %dma_start3A_6 = arith.constant 0 : i32
    %dma_start3A_7 = arith.constant 0 : i32
    %dma_start3A_8 = tpu.memref_slice %arg2[%dma_start3A_6, %dma_start3A_7] : memref<100000x768xf32, #tpu.memory_space<hbm>> -> memref<100000x768xf32, #tpu.memory_space<hbm>>
    tpu.enqueue_indirect_dma source(%dma_start3A_8 : memref<100000x768xf32, #tpu.memory_space<hbm>>) target(%arg9 : memref<64x768xf32, #tpu.memory_space<vmem>>) offsets(%dma_start3A_5 : memref<64xi32, #tpu.memory_space<vmem>>) semaphore(%arg11 : memref<!tpu.dma_semaphore, #tpu.memory_space<semaphore_mem>>)
    %scan3A = arith.constant 0 : i32
    %scan3A_9 = arith.constant 4 : i32
    %scan3A_10 = arith.addi %scan3A, %scan3A_9 : i32
    %scan3A_11 = arith.constant 1 : i32
    scf.for %scan3A_25 = %scan3A to %scan3A_10 step %scan3A_11  : i32 {
      %mul3A_26 = arith.constant 2 : i32
      %mul3A_27 = arith.muli %scan3A_25, %mul3A_26 : i32
      %add3A_28 = arith.constant 0 : i32
      %add3A_29 = arith.addi %add3A_28, %mul3A_27 : i32
      %add3A_30 = arith.constant 1 : i32
      %add3A_31 = arith.addi %add3A_29, %add3A_30 : i32
      %lt3A = arith.constant 8 : i32
      %lt3A_32 = arith.cmpi slt, %add3A_31, %lt3A : i32
      %convert_element_type3A = arith.extui %lt3A_32 : i1 to i32
      %cond3A = arith.constant 0 : i32
      %cond3A_33 = arith.cmpi ne, %convert_element_type3A, %cond3A : i32
      scf.if %cond3A_33 {
        %add3A_56 = arith.constant 1 : i32
        %add3A_57 = arith.addi %add3A_29, %add3A_56 : i32
        %mul3A_58 = arith.constant 64 : i32
        %mul3A_59 = arith.muli %add3A_57, %mul3A_58 : i32
        %dma_start3A_60 = tpu.memref_slice %arg8[%mul3A_59] : memref<512xi32, #tpu.memory_space<vmem>> -> memref<64xi32, #tpu.memory_space<vmem>>
        %dma_start3A_61 = arith.constant 0 : i32
        %dma_start3A_62 = arith.constant 0 : i32
        %dma_start3A_63 = tpu.memref_slice %arg2[%dma_start3A_61, %dma_start3A_62] : memref<100000x768xf32, #tpu.memory_space<hbm>> -> memref<100000x768xf32, #tpu.memory_space<hbm>>
        tpu.enqueue_indirect_dma source(%dma_start3A_63 : memref<100000x768xf32, #tpu.memory_space<hbm>>) target(%arg10 : memref<64x768xf32, #tpu.memory_space<vmem>>) offsets(%dma_start3A_60 : memref<64xi32, #tpu.memory_space<vmem>>) semaphore(%arg12 : memref<!tpu.dma_semaphore, #tpu.memory_space<semaphore_mem>>)
      } else {
      }
      %mul3A_34 = arith.constant 64 : i32
      %mul3A_35 = arith.muli %add3A_29, %mul3A_34 : i32
      %dma_wait3A = arith.constant 0 : i32
      %dma_wait3A_36 = arith.constant 0 : i32
      %dma_wait3A_37 = tpu.memref_slice %arg2[%dma_wait3A, %dma_wait3A_36] : memref<100000x768xf32, #tpu.memory_space<hbm>> -> memref<64x768xf32, #tpu.memory_space<hbm>>
      %dma_wait3A_38 = arith.constant 0 : i32
      %dma_wait3A_39 = arith.constant 0 : i32
      %dma_wait3A_40 = tpu.memref_slice %arg2[%dma_wait3A_38, %dma_wait3A_39] : memref<100000x768xf32, #tpu.memory_space<hbm>> -> memref<64x768xf32, #tpu.memory_space<hbm>>
      tpu.wait_dma2 semaphore(%arg11 : memref<!tpu.dma_semaphore, #tpu.memory_space<semaphore_mem>>) src(%dma_wait3A_40 : memref<64x768xf32, #tpu.memory_space<hbm>>) dst(%arg9 : memref<64x768xf32, #tpu.memory_space<vmem>>)
      %add3A_41 = arith.addi %mul3A_2, %mul3A_35 : i32
      "tpu.region"() ({
        %run_scoped3A = tpu.sem_alloc : memref<!tpu.dma_semaphore, #tpu.memory_space<semaphore_mem>>
        %dma_start3A_56 = arith.constant 0 : i32
        %dma_start3A_57 = tpu.memref_slice %arg6[%add3A_41, %dma_start3A_56] : memref<16384x768xf32, #tpu.memory_space<hbm>> -> memref<64x768xf32, #tpu.memory_space<hbm>>
        %dma_start3A_58 = arith.constant 0 : i32
        %dma_start3A_59 = tpu.memref_slice %arg6[%add3A_41, %dma_start3A_58] : memref<16384x768xf32, #tpu.memory_space<hbm>> -> memref<64x768xf32, #tpu.memory_space<hbm>>
        tpu.enqueue_dma source(%arg9 : memref<64x768xf32, #tpu.memory_space<vmem>>) target(%dma_start3A_59 : memref<64x768xf32, #tpu.memory_space<hbm>>) target_semaphore(%run_scoped3A : memref<!tpu.dma_semaphore, #tpu.memory_space<semaphore_mem>>)
        %dma_wait3A_60 = arith.constant 0 : i32
        %dma_wait3A_61 = tpu.memref_slice %arg6[%add3A_41, %dma_wait3A_60] : memref<16384x768xf32, #tpu.memory_space<hbm>> -> memref<64x768xf32, #tpu.memory_space<hbm>>
        %dma_wait3A_62 = arith.constant 0 : i32
        %dma_wait3A_63 = tpu.memref_slice %arg6[%add3A_41, %dma_wait3A_62] : memref<16384x768xf32, #tpu.memory_space<hbm>> -> memref<64x768xf32, #tpu.memory_space<hbm>>
        tpu.wait_dma2 semaphore(%run_scoped3A : memref<!tpu.dma_semaphore, #tpu.memory_space<semaphore_mem>>) src(%arg9 : memref<64x768xf32, #tpu.memory_space<vmem>>) dst(%dma_wait3A_63 : memref<64x768xf32, #tpu.memory_space<hbm>>)
        tpu.yield
      }) : () -> ()
      %add3A_42 = arith.constant 2 : i32
      %add3A_43 = arith.addi %add3A_29, %add3A_42 : i32
      %lt3A_44 = arith.constant 8 : i32
      %lt3A_45 = arith.cmpi slt, %add3A_43, %lt3A_44 : i32
      %convert_element_type3A_46 = arith.extui %lt3A_45 : i1 to i32
      %cond3A_47 = arith.constant 0 : i32
      %cond3A_48 = arith.cmpi ne, %convert_element_type3A_46, %cond3A_47 : i32
      scf.if %cond3A_48 {
        %add3A_56 = arith.constant 2 : i32
        %add3A_57 = arith.addi %add3A_29, %add3A_56 : i32
        %mul3A_58 = arith.constant 64 : i32
        %mul3A_59 = arith.muli %add3A_57, %mul3A_58 : i32
        %dma_start3A_60 = tpu.memref_slice %arg8[%mul3A_59] : memref<512xi32, #tpu.memory_space<vmem>> -> memref<64xi32, #tpu.memory_space<vmem>>
        %dma_start3A_61 = arith.constant 0 : i32
        %dma_start3A_62 = arith.constant 0 : i32
        %dma_start3A_63 = tpu.memref_slice %arg2[%dma_start3A_61, %dma_start3A_62] : memref<100000x768xf32, #tpu.memory_space<hbm>> -> memref<100000x768xf32, #tpu.memory_space<hbm>>
        tpu.enqueue_indirect_dma source(%dma_start3A_63 : memref<100000x768xf32, #tpu.memory_space<hbm>>) target(%arg9 : memref<64x768xf32, #tpu.memory_space<vmem>>) offsets(%dma_start3A_60 : memref<64xi32, #tpu.memory_space<vmem>>) semaphore(%arg11 : memref<!tpu.dma_semaphore, #tpu.memory_space<semaphore_mem>>)
      } else {
      }
      %add3A_49 = arith.constant 1 : i32
      %add3A_50 = arith.addi %add3A_29, %add3A_49 : i32
      %lt3A_51 = arith.constant 8 : i32
      %lt3A_52 = arith.cmpi slt, %add3A_50, %lt3A_51 : i32
      %convert_element_type3A_53 = arith.extui %lt3A_52 : i1 to i32
      %cond3A_54 = arith.constant 0 : i32
      %cond3A_55 = arith.cmpi ne, %convert_element_type3A_53, %cond3A_54 : i32
      scf.if %cond3A_55 {
        %add3A_56 = arith.constant 1 : i32
        %add3A_57 = arith.addi %add3A_29, %add3A_56 : i32
        %mul3A_58 = arith.constant 64 : i32
        %mul3A_59 = arith.muli %add3A_57, %mul3A_58 : i32
        %dma_wait3A_60 = arith.constant 0 : i32
        %dma_wait3A_61 = arith.constant 0 : i32
        %dma_wait3A_62 = tpu.memref_slice %arg2[%dma_wait3A_60, %dma_wait3A_61] : memref<100000x768xf32, #tpu.memory_space<hbm>> -> memref<64x768xf32, #tpu.memory_space<hbm>>
        %dma_wait3A_63 = arith.constant 0 : i32
        %dma_wait3A_64 = arith.constant 0 : i32
        %dma_wait3A_65 = tpu.memref_slice %arg2[%dma_wait3A_63, %dma_wait3A_64] : memref<100000x768xf32, #tpu.memory_space<hbm>> -> memref<64x768xf32, #tpu.memory_space<hbm>>
        tpu.wait_dma2 semaphore(%arg12 : memref<!tpu.dma_semaphore, #tpu.memory_space<semaphore_mem>>) src(%dma_wait3A_65 : memref<64x768xf32, #tpu.memory_space<hbm>>) dst(%arg10 : memref<64x768xf32, #tpu.memory_space<vmem>>)
        %add3A_66 = arith.addi %mul3A_2, %mul3A_59 : i32
        "tpu.region"() ({
          %run_scoped3A = tpu.sem_alloc : memref<!tpu.dma_semaphore, #tpu.memory_space<semaphore_mem>>
          %dma_start3A_67 = arith.constant 0 : i32
          %dma_start3A_68 = tpu.memref_slice %arg6[%add3A_66, %dma_start3A_67] : memref<16384x768xf32, #tpu.memory_space<hbm>> -> memref<64x768xf32, #tpu.memory_space<hbm>>
          %dma_start3A_69 = arith.constant 0 : i32
          %dma_start3A_70 = tpu.memref_slice %arg6[%add3A_66, %dma_start3A_69] : memref<16384x768xf32, #tpu.memory_space<hbm>> -> memref<64x768xf32, #tpu.memory_space<hbm>>
          tpu.enqueue_dma source(%arg10 : memref<64x768xf32, #tpu.memory_space<vmem>>) target(%dma_start3A_70 : memref<64x768xf32, #tpu.memory_space<hbm>>) target_semaphore(%run_scoped3A : memref<!tpu.dma_semaphore, #tpu.memory_space<semaphore_mem>>)
          %dma_wait3A_71 = arith.constant 0 : i32
          %dma_wait3A_72 = tpu.memref_slice %arg6[%add3A_66, %dma_wait3A_71] : memref<16384x768xf32, #tpu.memory_space<hbm>> -> memref<64x768xf32, #tpu.memory_space<hbm>>
          %dma_wait3A_73 = arith.constant 0 : i32
          %dma_wait3A_74 = tpu.memref_slice %arg6[%add3A_66, %dma_wait3A_73] : memref<16384x768xf32, #tpu.memory_space<hbm>> -> memref<64x768xf32, #tpu.memory_space<hbm>>
          tpu.wait_dma2 semaphore(%run_scoped3A : memref<!tpu.dma_semaphore, #tpu.memory_space<semaphore_mem>>) src(%arg10 : memref<64x768xf32, #tpu.memory_space<vmem>>) dst(%dma_wait3A_74 : memref<64x768xf32, #tpu.memory_space<hbm>>)
          tpu.yield
        }) : () -> ()
      } else {
      }
    }
    %scan3A_12 = arith.constant 4 : i32
    %add3A_13 = arith.constant 49152 : i32
    %add3A_14 = arith.addi %add3A_13, %mul3A_2 : i32
    "tpu.region"() ({
      %run_scoped3A = tpu.sem_alloc : memref<!tpu.dma_semaphore, #tpu.memory_space<semaphore_mem>>
      %dma_start3A_25 = tpu.memref_slice %arg5[%add3A_14] : memref<65536xi32, #tpu.memory_space<hbm>> -> memref<512xi32, #tpu.memory_space<hbm>>
      %dma_start3A_26 = tpu.memref_slice %arg5[%add3A_14] : memref<65536xi32, #tpu.memory_space<hbm>> -> memref<512xi32, #tpu.memory_space<hbm>>
      tpu.enqueue_dma source(%dma_start3A_26 : memref<512xi32, #tpu.memory_space<hbm>>) target(%arg8 : memref<512xi32, #tpu.memory_space<vmem>>) target_semaphore(%run_scoped3A : memref<!tpu.dma_semaphore, #tpu.memory_space<semaphore_mem>>)
      %dma_wait3A = tpu.memref_slice %arg5[%add3A_14] : memref<65536xi32, #tpu.memory_space<hbm>> -> memref<512xi32, #tpu.memory_space<hbm>>
      %dma_wait3A_27 = tpu.memref_slice %arg5[%add3A_14] : memref<65536xi32, #tpu.memory_space<hbm>> -> memref<512xi32, #tpu.memory_space<hbm>>
      tpu.wait_dma2 semaphore(%run_scoped3A : memref<!tpu.dma_semaphore, #tpu.memory_space<semaphore_mem>>) src(%dma_wait3A_27 : memref<512xi32, #tpu.memory_space<hbm>>) dst(%arg8 : memref<512xi32, #tpu.memory_space<vmem>>)
      tpu.yield
    }) : () -> ()
    %dma_start3A_15 = arith.constant 0 : i32
    %dma_start3A_16 = tpu.memref_slice %arg8[%dma_start3A_15] : memref<512xi32, #tpu.memory_space<vmem>> -> memref<64xi32, #tpu.memory_space<vmem>>
    %dma_start3A_17 = arith.constant 0 : i32
    %dma_start3A_18 = arith.constant 0 : i32
    %dma_start3A_19 = tpu.memref_slice %arg4[%dma_start3A_17, %dma_start3A_18] : memref<4096x768xf32, #tpu.memory_space<hbm>> -> memref<4096x768xf32, #tpu.memory_space<hbm>>
    tpu.enqueue_indirect_dma source(%dma_start3A_19 : memref<4096x768xf32, #tpu.memory_space<hbm>>) target(%arg9 : memref<64x768xf32, #tpu.memory_space<vmem>>) offsets(%dma_start3A_16 : memref<64xi32, #tpu.memory_space<vmem>>) semaphore(%arg11 : memref<!tpu.dma_semaphore, #tpu.memory_space<semaphore_mem>>)
    %scan3A_20 = arith.constant 0 : i32
    %scan3A_21 = arith.constant 4 : i32
    %scan3A_22 = arith.addi %scan3A_20, %scan3A_21 : i32
    %scan3A_23 = arith.constant 1 : i32
    scf.for %scan3A_25 = %scan3A_20 to %scan3A_22 step %scan3A_23  : i32 {
      %mul3A_26 = arith.constant 2 : i32
      %mul3A_27 = arith.muli %scan3A_25, %mul3A_26 : i32
      %add3A_28 = arith.constant 0 : i32
      %add3A_29 = arith.addi %add3A_28, %mul3A_27 : i32
      %add3A_30 = arith.constant 1 : i32
      %add3A_31 = arith.addi %add3A_29, %add3A_30 : i32
      %lt3A = arith.constant 8 : i32
      %lt3A_32 = arith.cmpi slt, %add3A_31, %lt3A : i32
      %convert_element_type3A = arith.extui %lt3A_32 : i1 to i32
      %cond3A = arith.constant 0 : i32
      %cond3A_33 = arith.cmpi ne, %convert_element_type3A, %cond3A : i32
      scf.if %cond3A_33 {
        %add3A_56 = arith.constant 1 : i32
        %add3A_57 = arith.addi %add3A_29, %add3A_56 : i32
        %mul3A_58 = arith.constant 64 : i32
        %mul3A_59 = arith.muli %add3A_57, %mul3A_58 : i32
        %dma_start3A_60 = tpu.memref_slice %arg8[%mul3A_59] : memref<512xi32, #tpu.memory_space<vmem>> -> memref<64xi32, #tpu.memory_space<vmem>>
        %dma_start3A_61 = arith.constant 0 : i32
        %dma_start3A_62 = arith.constant 0 : i32
        %dma_start3A_63 = tpu.memref_slice %arg4[%dma_start3A_61, %dma_start3A_62] : memref<4096x768xf32, #tpu.memory_space<hbm>> -> memref<4096x768xf32, #tpu.memory_space<hbm>>
        tpu.enqueue_indirect_dma source(%dma_start3A_63 : memref<4096x768xf32, #tpu.memory_space<hbm>>) target(%arg10 : memref<64x768xf32, #tpu.memory_space<vmem>>) offsets(%dma_start3A_60 : memref<64xi32, #tpu.memory_space<vmem>>) semaphore(%arg12 : memref<!tpu.dma_semaphore, #tpu.memory_space<semaphore_mem>>)
      } else {
      }
      %mul3A_34 = arith.constant 64 : i32
      %mul3A_35 = arith.muli %add3A_29, %mul3A_34 : i32
      %dma_wait3A = arith.constant 0 : i32
      %dma_wait3A_36 = arith.constant 0 : i32
      %dma_wait3A_37 = tpu.memref_slice %arg4[%dma_wait3A, %dma_wait3A_36] : memref<4096x768xf32, #tpu.memory_space<hbm>> -> memref<64x768xf32, #tpu.memory_space<hbm>>
      %dma_wait3A_38 = arith.constant 0 : i32
      %dma_wait3A_39 = arith.constant 0 : i32
      %dma_wait3A_40 = tpu.memref_slice %arg4[%dma_wait3A_38, %dma_wait3A_39] : memref<4096x768xf32, #tpu.memory_space<hbm>> -> memref<64x768xf32, #tpu.memory_space<hbm>>
      tpu.wait_dma2 semaphore(%arg11 : memref<!tpu.dma_semaphore, #tpu.memory_space<semaphore_mem>>) src(%dma_wait3A_40 : memref<64x768xf32, #tpu.memory_space<hbm>>) dst(%arg9 : memref<64x768xf32, #tpu.memory_space<vmem>>)
      %add3A_41 = arith.addi %mul3A_2, %mul3A_35 : i32
      "tpu.region"() ({
        %run_scoped3A = tpu.sem_alloc : memref<!tpu.dma_semaphore, #tpu.memory_space<semaphore_mem>>
        %dma_start3A_56 = arith.constant 0 : i32
        %dma_start3A_57 = tpu.memref_slice %arg7[%add3A_41, %dma_start3A_56] : memref<16384x768xf32, #tpu.memory_space<hbm>> -> memref<64x768xf32, #tpu.memory_space<hbm>>
        %dma_start3A_58 = arith.constant 0 : i32
        %dma_start3A_59 = tpu.memref_slice %arg7[%add3A_41, %dma_start3A_58] : memref<16384x768xf32, #tpu.memory_space<hbm>> -> memref<64x768xf32, #tpu.memory_space<hbm>>
        tpu.enqueue_dma source(%arg9 : memref<64x768xf32, #tpu.memory_space<vmem>>) target(%dma_start3A_59 : memref<64x768xf32, #tpu.memory_space<hbm>>) target_semaphore(%run_scoped3A : memref<!tpu.dma_semaphore, #tpu.memory_space<semaphore_mem>>)
        %dma_wait3A_60 = arith.constant 0 : i32
        %dma_wait3A_61 = tpu.memref_slice %arg7[%add3A_41, %dma_wait3A_60] : memref<16384x768xf32, #tpu.memory_space<hbm>> -> memref<64x768xf32, #tpu.memory_space<hbm>>
        %dma_wait3A_62 = arith.constant 0 : i32
        %dma_wait3A_63 = tpu.memref_slice %arg7[%add3A_41, %dma_wait3A_62] : memref<16384x768xf32, #tpu.memory_space<hbm>> -> memref<64x768xf32, #tpu.memory_space<hbm>>
        tpu.wait_dma2 semaphore(%run_scoped3A : memref<!tpu.dma_semaphore, #tpu.memory_space<semaphore_mem>>) src(%arg9 : memref<64x768xf32, #tpu.memory_space<vmem>>) dst(%dma_wait3A_63 : memref<64x768xf32, #tpu.memory_space<hbm>>)
        tpu.yield
      }) : () -> ()
      %add3A_42 = arith.constant 2 : i32
      %add3A_43 = arith.addi %add3A_29, %add3A_42 : i32
      %lt3A_44 = arith.constant 8 : i32
      %lt3A_45 = arith.cmpi slt, %add3A_43, %lt3A_44 : i32
      %convert_element_type3A_46 = arith.extui %lt3A_45 : i1 to i32
      %cond3A_47 = arith.constant 0 : i32
      %cond3A_48 = arith.cmpi ne, %convert_element_type3A_46, %cond3A_47 : i32
      scf.if %cond3A_48 {
        %add3A_56 = arith.constant 2 : i32
        %add3A_57 = arith.addi %add3A_29, %add3A_56 : i32
        %mul3A_58 = arith.constant 64 : i32
        %mul3A_59 = arith.muli %add3A_57, %mul3A_58 : i32
        %dma_start3A_60 = tpu.memref_slice %arg8[%mul3A_59] : memref<512xi32, #tpu.memory_space<vmem>> -> memref<64xi32, #tpu.memory_space<vmem>>
        %dma_start3A_61 = arith.constant 0 : i32
        %dma_start3A_62 = arith.constant 0 : i32
        %dma_start3A_63 = tpu.memref_slice %arg4[%dma_start3A_61, %dma_start3A_62] : memref<4096x768xf32, #tpu.memory_space<hbm>> -> memref<4096x768xf32, #tpu.memory_space<hbm>>
        tpu.enqueue_indirect_dma source(%dma_start3A_63 : memref<4096x768xf32, #tpu.memory_space<hbm>>) target(%arg9 : memref<64x768xf32, #tpu.memory_space<vmem>>) offsets(%dma_start3A_60 : memref<64xi32, #tpu.memory_space<vmem>>) semaphore(%arg11 : memref<!tpu.dma_semaphore, #tpu.memory_space<semaphore_mem>>)
      } else {
      }
      %add3A_49 = arith.constant 1 : i32
      %add3A_50 = arith.addi %add3A_29, %add3A_49 : i32
      %lt3A_51 = arith.constant 8 : i32
      %lt3A_52 = arith.cmpi slt, %add3A_50, %lt3A_51 : i32
      %convert_element_type3A_53 = arith.extui %lt3A_52 : i1 to i32
      %cond3A_54 = arith.constant 0 : i32
      %cond3A_55 = arith.cmpi ne, %convert_element_type3A_53, %cond3A_54 : i32
      scf.if %cond3A_55 {
        %add3A_56 = arith.constant 1 : i32
        %add3A_57 = arith.addi %add3A_29, %add3A_56 : i32
        %mul3A_58 = arith.constant 64 : i32
        %mul3A_59 = arith.muli %add3A_57, %mul3A_58 : i32
        %dma_wait3A_60 = arith.constant 0 : i32
        %dma_wait3A_61 = arith.constant 0 : i32
        %dma_wait3A_62 = tpu.memref_slice %arg4[%dma_wait3A_60, %dma_wait3A_61] : memref<4096x768xf32, #tpu.memory_space<hbm>> -> memref<64x768xf32, #tpu.memory_space<hbm>>
        %dma_wait3A_63 = arith.constant 0 : i32
        %dma_wait3A_64 = arith.constant 0 : i32
        %dma_wait3A_65 = tpu.memref_slice %arg4[%dma_wait3A_63, %dma_wait3A_64] : memref<4096x768xf32, #tpu.memory_space<hbm>> -> memref<64x768xf32, #tpu.memory_space<hbm>>
        tpu.wait_dma2 semaphore(%arg12 : memref<!tpu.dma_semaphore, #tpu.memory_space<semaphore_mem>>) src(%dma_wait3A_65 : memref<64x768xf32, #tpu.memory_space<hbm>>) dst(%arg10 : memref<64x768xf32, #tpu.memory_space<vmem>>)
        %add3A_66 = arith.addi %mul3A_2, %mul3A_59 : i32
        "tpu.region"() ({
          %run_scoped3A = tpu.sem_alloc : memref<!tpu.dma_semaphore, #tpu.memory_space<semaphore_mem>>
          %dma_start3A_67 = arith.constant 0 : i32
          %dma_start3A_68 = tpu.memref_slice %arg7[%add3A_66, %dma_start3A_67] : memref<16384x768xf32, #tpu.memory_space<hbm>> -> memref<64x768xf32, #tpu.memory_space<hbm>>
          %dma_start3A_69 = arith.constant 0 : i32
          %dma_start3A_70 = tpu.memref_slice %arg7[%add3A_66, %dma_start3A_69] : memref<16384x768xf32, #tpu.memory_space<hbm>> -> memref<64x768xf32, #tpu.memory_space<hbm>>
          tpu.enqueue_dma source(%arg10 : memref<64x768xf32, #tpu.memory_space<vmem>>) target(%dma_start3A_70 : memref<64x768xf32, #tpu.memory_space<hbm>>) target_semaphore(%run_scoped3A : memref<!tpu.dma_semaphore, #tpu.memory_space<semaphore_mem>>)
          %dma_wait3A_71 = arith.constant 0 : i32
          %dma_wait3A_72 = tpu.memref_slice %arg7[%add3A_66, %dma_wait3A_71] : memref<16384x768xf32, #tpu.memory_space<hbm>> -> memref<64x768xf32, #tpu.memory_space<hbm>>
          %dma_wait3A_73 = arith.constant 0 : i32
          %dma_wait3A_74 = tpu.memref_slice %arg7[%add3A_66, %dma_wait3A_73] : memref<16384x768xf32, #tpu.memory_space<hbm>> -> memref<64x768xf32, #tpu.memory_space<hbm>>
          tpu.wait_dma2 semaphore(%run_scoped3A : memref<!tpu.dma_semaphore, #tpu.memory_space<semaphore_mem>>) src(%arg10 : memref<64x768xf32, #tpu.memory_space<vmem>>) dst(%dma_wait3A_74 : memref<64x768xf32, #tpu.memory_space<hbm>>)
          tpu.yield
        }) : () -> ()
      } else {
      }
    }
    %scan3A_24 = arith.constant 4 : i32
    return
  }
}

module attributes {stable_mosaic.version = 14 : i64} {
  func.func @_tc_body(%arg0: i32, %arg1: memref<1024x768xf32, #tpu.memory_space<vmem>>, %arg2: memref<1024x768xf32, #tpu.memory_space<vmem>>, %arg3: memref<1024x40xf32, #tpu.memory_space<vmem>>, %arg4: memref<1024x4xf32, #tpu.memory_space<vmem>>, %arg5: memref<2048x768xf32, #tpu.memory_space<vmem>>, %arg6: memref<768x768xbf16, #tpu.memory_space<vmem>>, %arg7: memref<40x768xbf16, #tpu.memory_space<vmem>>, %arg8: memref<1x40xf32, #tpu.memory_space<vmem>>, %arg9: memref<1x40xf32, #tpu.memory_space<vmem>>, %arg10: memref<3x768xbf16, #tpu.memory_space<vmem>>, %arg11: memref<1x768xf32, #tpu.memory_space<vmem>>, %arg12: memref<1x768xf32, #tpu.memory_space<vmem>>, %arg13: memref<1024x768xf32, #tpu.memory_space<vmem>>) attributes {dimension_semantics = [#tpu.dimension_semantics<arbitrary>], iteration_bounds = array<i64: 8>, scalar_prefetch = 0 : i64, scratch_operands = 0 : i64, tpu.core_type = #tpu.core_type<tc>, window_params = [{transform_indices = @transform_0, window_bounds = array<i64: 1024, 768>}, {transform_indices = @transform_1, window_bounds = array<i64: 1024, 768>}, {transform_indices = @transform_2, window_bounds = array<i64: 1024, 40>}, {transform_indices = @transform_3, window_bounds = array<i64: 1024, 4>}, {pipeline_mode = #tpu.pipeline_mode<synchronous>, transform_indices = @transform_4, window_bounds = array<i64: 2048, 768>}, {pipeline_mode = #tpu.pipeline_mode<synchronous>, transform_indices = @transform_5, window_bounds = array<i64: 768, 768>}, {pipeline_mode = #tpu.pipeline_mode<synchronous>, transform_indices = @transform_6, window_bounds = array<i64: 40, 768>}, {pipeline_mode = #tpu.pipeline_mode<synchronous>, transform_indices = @transform_7, window_bounds = array<i64: 1, 40>}, {pipeline_mode = #tpu.pipeline_mode<synchronous>, transform_indices = @transform_8, window_bounds = array<i64: 1, 40>}, {pipeline_mode = #tpu.pipeline_mode<synchronous>, transform_indices = @transform_9, window_bounds = array<i64: 3, 768>}, {pipeline_mode = #tpu.pipeline_mode<synchronous>, transform_indices = @transform_10, window_bounds = array<i64: 1, 768>}, {pipeline_mode = #tpu.pipeline_mode<synchronous>, transform_indices = @transform_11, window_bounds = array<i64: 1, 768>}, {transform_indices = @transform_12, window_bounds = array<i64: 1024, 768>}]} {
    %get3A = arith.constant 0 : index
    %get3A_0 = arith.constant 0 : index
    %get3A_1 = vector.load %arg1[%get3A, %get3A_0] : memref<1024x768xf32, #tpu.memory_space<vmem>>, vector<1024x768xf32>
    %convert_element_type3A = arith.truncf %get3A_1 : vector<1024x768xf32> to vector<1024x768xbf16>
    %get3A_2 = arith.constant 0 : index
    %get3A_3 = arith.constant 0 : index
    %get3A_4 = vector.load %arg6[%get3A_2, %get3A_3] : memref<768x768xbf16, #tpu.memory_space<vmem>>, vector<768x768xbf16>
    %dot_general3A = arith.constant dense<0.000000e+00> : vector<1024x768xf32>
    %dot_general3A_5 = tpu.matmul %convert_element_type3A, %get3A_4, %dot_general3A {dimension_numbers = #tpu.dot_dimension_numbers<[1], [0], [0], [1], [0, 0, 1, 1], [], []>, transpose_lhs_hint = false} : vector<1024x768xbf16>, vector<768x768xbf16>, vector<1024x768xf32> -> vector<1024x768xf32>
    %add3A = arith.constant 0 : i32
    %add3A_6 = arith.addi %add3A, %arg0 : i32
    %jit3A = arith.constant 2 : i32
    %eq3A = arith.constant 0 : i32
    %eq3A_7 = arith.cmpi eq, %jit3A, %eq3A : i32
    %jit3A_8 = arith.constant 1 : i32
    %select_n3A = arith.select %eq3A_7, %jit3A_8, %jit3A : i32
    %rem3A = arith.remsi %add3A_6, %select_n3A : i32
    %ne3A = arith.constant 0 : i32
    %ne3A_9 = arith.cmpi ne, %rem3A, %ne3A : i32
    %lt3A = arith.constant 0 : i32
    %lt3A_10 = arith.cmpi slt, %rem3A, %lt3A : i32
    %lt3A_11 = arith.constant 0 : i32
    %lt3A_12 = arith.cmpi slt, %select_n3A, %lt3A_11 : i32
    %ne3A_13 = arith.xori %lt3A_10, %lt3A_12 : i1
    %and3A = arith.andi %ne3A_13, %ne3A_9 : i1
    %add3A_14 = arith.addi %rem3A, %select_n3A : i32
    %select_n3A_15 = arith.select %and3A, %add3A_14, %rem3A : i32
    %mul3A = arith.constant 1024 : i32
    %mul3A_16 = arith.muli %select_n3A_15, %mul3A : i32
    %get3A_17 = arith.index_cast %mul3A_16 : i32 to index
    %get3A_18 = arith.constant 0 : index
    %get3A_19 = vector.load %arg5[%get3A_17, %get3A_18] : memref<2048x768xf32, #tpu.memory_space<vmem>>, vector<1024x768xf32>
    %get3A_20 = arith.constant 0 : index
    %get3A_21 = arith.constant 2 : index
    %get3A_22 = vector.load %arg4[%get3A_20, %get3A_21] : memref<1024x4xf32, #tpu.memory_space<vmem>>, vector<1024x1xf32>
    %get3A_23 = arith.constant 0 : index
    %get3A_24 = arith.constant 0 : index
    %get3A_25 = vector.load %arg3[%get3A_23, %get3A_24] : memref<1024x40xf32, #tpu.memory_space<vmem>>, vector<1024x40xf32>
    %get3A_26 = arith.constant 0 : index
    %get3A_27 = arith.constant 0 : index
    %get3A_28 = vector.load %arg8[%get3A_26, %get3A_27] : memref<1x40xf32, #tpu.memory_space<vmem>>, vector<1x40xf32>
    %mul3A_29 = vector.broadcast %get3A_28 : vector<1x40xf32> to vector<1024x40xf32>
    %mul3A_30 = arith.mulf %get3A_25, %mul3A_29 : vector<1024x40xf32>
    %get3A_31 = arith.constant 0 : index
    %get3A_32 = arith.constant 0 : index
    %get3A_33 = vector.load %arg9[%get3A_31, %get3A_32] : memref<1x40xf32, #tpu.memory_space<vmem>>, vector<1x40xf32>
    %add3A_34 = vector.broadcast %get3A_33 : vector<1x40xf32> to vector<1024x40xf32>
    %add3A_35 = arith.addf %mul3A_30, %add3A_34 : vector<1024x40xf32>
    %mul3A_36 = arith.constant 0.159154937 : f32
    %mul3A_37 = vector.broadcast %mul3A_36 : f32 to vector<1024x40xf32>
    %mul3A_38 = arith.mulf %add3A_35, %mul3A_37 : vector<1024x40xf32>
    %round3A = math.roundeven %mul3A_38 : vector<1024x40xf32>
    %mul3A_39 = arith.constant 6.28318548 : f32
    %mul3A_40 = vector.broadcast %mul3A_39 : f32 to vector<1024x40xf32>
    %mul3A_41 = arith.mulf %round3A, %mul3A_40 : vector<1024x40xf32>
    %sub3A = arith.subf %add3A_35, %mul3A_41 : vector<1024x40xf32>
    %abs3A = math.absf %sub3A : vector<1024x40xf32>
    %sub3A_42 = arith.constant 3.14159274 : f32
    %sub3A_43 = vector.broadcast %sub3A_42 : f32 to vector<1024x40xf32>
    %sub3A_44 = arith.subf %sub3A_43, %abs3A : vector<1024x40xf32>
    %min3A = arith.minimumf %abs3A, %sub3A_44 : vector<1024x40xf32>
    %mul3A_45 = arith.mulf %min3A, %min3A : vector<1024x40xf32>
    %mul3A_46 = arith.constant 2.75573188E-6 : f32
    %mul3A_47 = vector.broadcast %mul3A_46 : f32 to vector<1024x40xf32>
    %mul3A_48 = arith.mulf %mul3A_45, %mul3A_47 : vector<1024x40xf32>
    %add3A_49 = arith.constant -1.98412701E-4 : f32
    %add3A_50 = vector.broadcast %add3A_49 : f32 to vector<1024x40xf32>
    %add3A_51 = arith.addf %add3A_50, %mul3A_48 : vector<1024x40xf32>
    %mul3A_52 = arith.mulf %mul3A_45, %add3A_51 : vector<1024x40xf32>
    %add3A_53 = arith.constant 0.00833333284 : f32
    %add3A_54 = vector.broadcast %add3A_53 : f32 to vector<1024x40xf32>
    %add3A_55 = arith.addf %add3A_54, %mul3A_52 : vector<1024x40xf32>
    %mul3A_56 = arith.mulf %mul3A_45, %add3A_55 : vector<1024x40xf32>
    %add3A_57 = arith.constant -0.166666672 : f32
    %add3A_58 = vector.broadcast %add3A_57 : f32 to vector<1024x40xf32>
    %add3A_59 = arith.addf %add3A_58, %mul3A_56 : vector<1024x40xf32>
    %mul3A_60 = arith.mulf %mul3A_45, %add3A_59 : vector<1024x40xf32>
    %add3A_61 = arith.constant 1.000000e+00 : f32
    %add3A_62 = vector.broadcast %add3A_61 : f32 to vector<1024x40xf32>
    %add3A_63 = arith.addf %add3A_62, %mul3A_60 : vector<1024x40xf32>
    %mul3A_64 = arith.mulf %min3A, %add3A_63 : vector<1024x40xf32>
    %sign3A = tpu.bitcast %sub3A : vector<1024x40xf32> -> vector<1024x40xi32>
    %sign3A_65 = arith.constant -2147483648 : i32
    %sign3A_66 = vector.broadcast %sign3A_65 : i32 to vector<1024x40xi32>
    %sign3A_67 = arith.andi %sign3A, %sign3A_66 : vector<1024x40xi32>
    %sign3A_68 = arith.constant 1065353216 : i32
    %sign3A_69 = vector.broadcast %sign3A_68 : i32 to vector<1024x40xi32>
    %sign3A_70 = arith.ori %sign3A_69, %sign3A_67 : vector<1024x40xi32>
    %sign3A_71 = tpu.bitcast %sign3A_70 : vector<1024x40xi32> -> vector<1024x40xf32>
    %sign3A_72 = math.absf %sub3A : vector<1024x40xf32>
    %sign3A_73 = arith.constant 0.000000e+00 : f32
    %sign3A_74 = vector.broadcast %sign3A_73 : f32 to vector<1024x40xf32>
    %sign3A_75 = arith.cmpf ogt, %sign3A_72, %sign3A_74 : vector<1024x40xf32>
    %sign3A_76 = arith.select %sign3A_75, %sign3A_71, %sub3A : vector<1024x40xi1>, vector<1024x40xf32>
    %mul3A_77 = arith.mulf %sign3A_76, %mul3A_64 : vector<1024x40xf32>
    %convert_element_type3A_78 = arith.truncf %mul3A_77 : vector<1024x40xf32> to vector<1024x40xbf16>
    %get3A_79 = arith.constant 0 : index
    %get3A_80 = arith.constant 0 : index
    %get3A_81 = vector.load %arg7[%get3A_79, %get3A_80] : memref<40x768xbf16, #tpu.memory_space<vmem>>, vector<40x768xbf16>
    %dot_general3A_82 = arith.constant dense<0.000000e+00> : vector<1024x768xf32>
    %dot_general3A_83 = tpu.matmul %convert_element_type3A_78, %get3A_81, %dot_general3A_82 {dimension_numbers = #tpu.dot_dimension_numbers<[1], [0], [0], [1], [0, 0, 1, 1], [], []>, transpose_lhs_hint = false} : vector<1024x40xbf16>, vector<40x768xbf16>, vector<1024x768xf32> -> vector<1024x768xf32>
    %add3A_84 = arith.addf %dot_general3A_5, %dot_general3A_83 : vector<1024x768xf32>
    %tanh3A = math.tanh %add3A_84 : vector<1024x768xf32>
    %iota3A = tpu.iota {dimensions = array<i32: 1>} : vector<1x3xi32>
    %convert_element_type3A_85 = arith.sitofp %iota3A : vector<1x3xi32> to vector<1x3xf32>
    %eq3A_86 = vector.broadcast %get3A_22 : vector<1024x1xf32> to vector<1024x3xf32>
    %eq3A_87 = vector.broadcast %convert_element_type3A_85 : vector<1x3xf32> to vector<1024x3xf32>
    %eq3A_88 = arith.cmpf oeq, %eq3A_86, %eq3A_87 : vector<1024x3xf32>
    %jit3A_89 = arith.constant 1.000000e+00 : f32
    %jit3A_90 = arith.constant 0.000000e+00 : f32
    %broadcast_in_dim3A = vector.broadcast %jit3A_89 : f32 to vector<1024x3xf32>
    %broadcast_in_dim3A_91 = vector.broadcast %jit3A_90 : f32 to vector<1024x3xf32>
    %select_n3A_92 = arith.select %eq3A_88, %broadcast_in_dim3A, %broadcast_in_dim3A_91 : vector<1024x3xi1>, vector<1024x3xf32>
    %convert_element_type3A_93 = arith.truncf %select_n3A_92 : vector<1024x3xf32> to vector<1024x3xbf16>
    %get3A_94 = arith.constant 0 : index
    %get3A_95 = arith.constant 0 : index
    %get3A_96 = vector.load %arg10[%get3A_94, %get3A_95] : memref<3x768xbf16, #tpu.memory_space<vmem>>, vector<3x768xbf16>
    %dot_general3A_97 = arith.constant dense<0.000000e+00> : vector<1024x768xf32>
    %dot_general3A_98 = tpu.matmul %convert_element_type3A_93, %get3A_96, %dot_general3A_97 {dimension_numbers = #tpu.dot_dimension_numbers<[1], [0], [0], [1], [0, 0, 1, 1], [], []>, transpose_lhs_hint = false} : vector<1024x3xbf16>, vector<3x768xbf16>, vector<1024x768xf32> -> vector<1024x768xf32>
    %get3A_99 = arith.constant 0 : index
    %get3A_100 = arith.constant 0 : index
    %get3A_101 = vector.load %arg2[%get3A_99, %get3A_100] : memref<1024x768xf32, #tpu.memory_space<vmem>>, vector<1024x768xf32>
    %add3A_102 = arith.addf %tanh3A, %get3A_101 : vector<1024x768xf32>
    %add3A_103 = arith.addf %add3A_102, %get3A_19 : vector<1024x768xf32>
    %add3A_104 = arith.addf %add3A_103, %dot_general3A_98 : vector<1024x768xf32>
    %reduce_sum3A = arith.constant dense<0.000000e+00> : vector<1024xf32>
    %reduce_sum3A_105 = vector.multi_reduction <add>, %add3A_104, %reduce_sum3A [1] : vector<1024x768xf32> to vector<1024xf32>
    %broadcast_in_dim3A_106 = vector.shape_cast %reduce_sum3A_105 : vector<1024xf32> to vector<1024x1xf32>
    %div3A = arith.constant 7.680000e+02 : f32
    %div3A_107 = vector.broadcast %div3A : f32 to vector<1024x1xf32>
    %div3A_108 = arith.divf %broadcast_in_dim3A_106, %div3A_107 : vector<1024x1xf32>
    %sub3A_109 = vector.broadcast %div3A_108 : vector<1024x1xf32> to vector<1024x768xf32>
    %sub3A_110 = arith.subf %add3A_104, %sub3A_109 : vector<1024x768xf32>
    %mul3A_111 = arith.mulf %sub3A_110, %sub3A_110 : vector<1024x768xf32>
    %reduce_sum3A_112 = arith.constant dense<0.000000e+00> : vector<1024xf32>
    %reduce_sum3A_113 = vector.multi_reduction <add>, %mul3A_111, %reduce_sum3A_112 [1] : vector<1024x768xf32> to vector<1024xf32>
    %broadcast_in_dim3A_114 = vector.shape_cast %reduce_sum3A_113 : vector<1024xf32> to vector<1024x1xf32>
    %div3A_115 = arith.constant 7.680000e+02 : f32
    %div3A_116 = vector.broadcast %div3A_115 : f32 to vector<1024x1xf32>
    %div3A_117 = arith.divf %broadcast_in_dim3A_114, %div3A_116 : vector<1024x1xf32>
    %add3A_118 = arith.constant 9.99999996E-13 : f32
    %add3A_119 = vector.broadcast %add3A_118 : f32 to vector<1024x1xf32>
    %add3A_120 = arith.addf %div3A_117, %add3A_119 : vector<1024x1xf32>
    %rsqrt3A = math.rsqrt %add3A_120 : vector<1024x1xf32>
    %mul3A_121 = vector.broadcast %rsqrt3A : vector<1024x1xf32> to vector<1024x768xf32>
    %mul3A_122 = arith.mulf %sub3A_110, %mul3A_121 : vector<1024x768xf32>
    %get3A_123 = arith.constant 0 : index
    %get3A_124 = arith.constant 0 : index
    %get3A_125 = vector.load %arg11[%get3A_123, %get3A_124] : memref<1x768xf32, #tpu.memory_space<vmem>>, vector<1x768xf32>
    %mul3A_126 = vector.broadcast %get3A_125 : vector<1x768xf32> to vector<1024x768xf32>
    %mul3A_127 = arith.mulf %mul3A_122, %mul3A_126 : vector<1024x768xf32>
    %get3A_128 = arith.constant 0 : index
    %get3A_129 = arith.constant 0 : index
    %get3A_130 = vector.load %arg12[%get3A_128, %get3A_129] : memref<1x768xf32, #tpu.memory_space<vmem>>, vector<1x768xf32>
    %add3A_131 = vector.broadcast %get3A_130 : vector<1x768xf32> to vector<1024x768xf32>
    %add3A_132 = arith.addf %mul3A_127, %add3A_131 : vector<1024x768xf32>
    %swap3A = arith.constant 0 : index
    %swap3A_133 = arith.constant 0 : index
    %swap3A_134 = vector.load %arg13[%swap3A, %swap3A_133] : memref<1024x768xf32, #tpu.memory_space<vmem>>, vector<1024x768xf32>
    tpu.vector_store %arg13[%swap3A, %swap3A_133], %add3A_132 {strides = array<i32>} : memref<1024x768xf32, #tpu.memory_space<vmem>>, vector<1024x768xf32>,
    return
  }
  func.func @transform_0(%arg0: i32) -> (i32, i32) {
    %c0_i32 = arith.constant 0 : i32
    %c0_i32_0 = arith.constant 0 : i32
    return %arg0, %c0_i32 : i32, i32
  }
  func.func @transform_1(%arg0: i32) -> (i32, i32) {
    %c0_i32 = arith.constant 0 : i32
    %c0_i32_0 = arith.constant 0 : i32
    return %arg0, %c0_i32 : i32, i32
  }
  func.func @transform_2(%arg0: i32) -> (i32, i32) {
    %add3A = arith.constant 0 : i32
    %add3A_0 = arith.addi %add3A, %arg0 : i32
    %c0_i32 = arith.constant 0 : i32
    %c0_i32_1 = arith.constant 0 : i32
    return %add3A_0, %c0_i32 : i32, i32
  }
  func.func @transform_3(%arg0: i32) -> (i32, i32) {
    %add3A = arith.constant 0 : i32
    %add3A_0 = arith.addi %add3A, %arg0 : i32
    %c0_i32 = arith.constant 0 : i32
    %c0_i32_1 = arith.constant 0 : i32
    return %add3A_0, %c0_i32 : i32, i32
  }
  func.func @transform_4(%arg0: i32) -> (i32, i32) {
    %c0_i32 = arith.constant 0 : i32
    %c0_i32_0 = arith.constant 0 : i32
    %c0_i32_1 = arith.constant 0 : i32
    return %c0_i32, %c0_i32_0 : i32, i32
  }
  func.func @transform_5(%arg0: i32) -> (i32, i32) {
    %c0_i32 = arith.constant 0 : i32
    %c0_i32_0 = arith.constant 0 : i32
    %c0_i32_1 = arith.constant 0 : i32
    return %c0_i32, %c0_i32_0 : i32, i32
  }
  func.func @transform_6(%arg0: i32) -> (i32, i32) {
    %c0_i32 = arith.constant 0 : i32
    %c0_i32_0 = arith.constant 0 : i32
    %c0_i32_1 = arith.constant 0 : i32
    return %c0_i32, %c0_i32_0 : i32, i32
  }
  func.func @transform_7(%arg0: i32) -> (i32, i32) {
    %c0_i32 = arith.constant 0 : i32
    %c0_i32_0 = arith.constant 0 : i32
    %c0_i32_1 = arith.constant 0 : i32
    return %c0_i32, %c0_i32_0 : i32, i32
  }
  func.func @transform_8(%arg0: i32) -> (i32, i32) {
    %c0_i32 = arith.constant 0 : i32
    %c0_i32_0 = arith.constant 0 : i32
    %c0_i32_1 = arith.constant 0 : i32
    return %c0_i32, %c0_i32_0 : i32, i32
  }
  func.func @transform_9(%arg0: i32) -> (i32, i32) {
    %c0_i32 = arith.constant 0 : i32
    %c0_i32_0 = arith.constant 0 : i32
    %c0_i32_1 = arith.constant 0 : i32
    return %c0_i32, %c0_i32_0 : i32, i32
  }
  func.func @transform_10(%arg0: i32) -> (i32, i32) {
    %c0_i32 = arith.constant 0 : i32
    %c0_i32_0 = arith.constant 0 : i32
    %c0_i32_1 = arith.constant 0 : i32
    return %c0_i32, %c0_i32_0 : i32, i32
  }
  func.func @transform_11(%arg0: i32) -> (i32, i32) {
    %c0_i32 = arith.constant 0 : i32
    %c0_i32_0 = arith.constant 0 : i32
    %c0_i32_1 = arith.constant 0 : i32
    return %c0_i32, %c0_i32_0 : i32, i32
  }
  func.func @transform_12(%arg0: i32) -> (i32, i32) {
    %add3A = arith.constant 0 : i32
    %add3A_0 = arith.addi %add3A, %arg0 : i32
    %c0_i32 = arith.constant 0 : i32
    %c0_i32_1 = arith.constant 0 : i32
    return %add3A_0, %c0_i32 : i32, i32
  }
}

module attributes {stable_mosaic.version = 14 : i64} {
  func.func @_tc_body(%arg0: i32, %arg1: memref<1024x768xf32, #tpu.memory_space<vmem>>, %arg2: memref<1024x768xf32, #tpu.memory_space<vmem>>, %arg3: memref<1024x40xf32, #tpu.memory_space<vmem>>, %arg4: memref<1024x4xf32, #tpu.memory_space<vmem>>, %arg5: memref<2048x768xf32, #tpu.memory_space<vmem>>, %arg6: memref<768x768xbf16, #tpu.memory_space<vmem>>, %arg7: memref<40x768xbf16, #tpu.memory_space<vmem>>, %arg8: memref<1x40xf32, #tpu.memory_space<vmem>>, %arg9: memref<1x40xf32, #tpu.memory_space<vmem>>, %arg10: memref<3x768xbf16, #tpu.memory_space<vmem>>, %arg11: memref<1x768xf32, #tpu.memory_space<vmem>>, %arg12: memref<1x768xf32, #tpu.memory_space<vmem>>, %arg13: memref<65536x768xf32, #tpu.memory_space<any>>, %arg14: memref<1024x768xf32, #tpu.memory_space<vmem>>) attributes {dimension_semantics = [#tpu.dimension_semantics<arbitrary>], iteration_bounds = array<i64: 8>, scalar_prefetch = 0 : i64, scratch_operands = 0 : i64, tpu.core_type = #tpu.core_type<tc>, window_params = [{transform_indices = @transform_0, window_bounds = array<i64: 1024, 768>}, {transform_indices = @transform_1, window_bounds = array<i64: 1024, 768>}, {transform_indices = @transform_2, window_bounds = array<i64: 1024, 40>}, {transform_indices = @transform_3, window_bounds = array<i64: 1024, 4>}, {pipeline_mode = #tpu.pipeline_mode<synchronous>, transform_indices = @transform_4, window_bounds = array<i64: 2048, 768>}, {pipeline_mode = #tpu.pipeline_mode<synchronous>, transform_indices = @transform_5, window_bounds = array<i64: 768, 768>}, {pipeline_mode = #tpu.pipeline_mode<synchronous>, transform_indices = @transform_6, window_bounds = array<i64: 40, 768>}, {pipeline_mode = #tpu.pipeline_mode<synchronous>, transform_indices = @transform_7, window_bounds = array<i64: 1, 40>}, {pipeline_mode = #tpu.pipeline_mode<synchronous>, transform_indices = @transform_8, window_bounds = array<i64: 1, 40>}, {pipeline_mode = #tpu.pipeline_mode<synchronous>, transform_indices = @transform_9, window_bounds = array<i64: 3, 768>}, {pipeline_mode = #tpu.pipeline_mode<synchronous>, transform_indices = @transform_10, window_bounds = array<i64: 1, 768>}, {pipeline_mode = #tpu.pipeline_mode<synchronous>, transform_indices = @transform_11, window_bounds = array<i64: 1, 768>}, {}, {transform_indices = @transform_13, window_bounds = array<i64: 1024, 768>}]} {
    %get3A = arith.constant 0 : index
    %get3A_0 = arith.constant 0 : index
    %get3A_1 = vector.load %arg1[%get3A, %get3A_0] : memref<1024x768xf32, #tpu.memory_space<vmem>>, vector<1024x768xf32>
    %convert_element_type3A = arith.truncf %get3A_1 : vector<1024x768xf32> to vector<1024x768xbf16>
    %get3A_2 = arith.constant 0 : index
    %get3A_3 = arith.constant 0 : index
    %get3A_4 = vector.load %arg6[%get3A_2, %get3A_3] : memref<768x768xbf16, #tpu.memory_space<vmem>>, vector<768x768xbf16>
    %dot_general3A = arith.constant dense<0.000000e+00> : vector<1024x768xf32>
    %dot_general3A_5 = tpu.matmul %convert_element_type3A, %get3A_4, %dot_general3A {dimension_numbers = #tpu.dot_dimension_numbers<[1], [0], [0], [1], [0, 0, 1, 1], [], []>, transpose_lhs_hint = false} : vector<1024x768xbf16>, vector<768x768xbf16>, vector<1024x768xf32> -> vector<1024x768xf32>
    %add3A = arith.constant 8 : i32
    %add3A_6 = arith.addi %add3A, %arg0 : i32
    %jit3A = arith.constant 2 : i32
    %eq3A = arith.constant 0 : i32
    %eq3A_7 = arith.cmpi eq, %jit3A, %eq3A : i32
    %jit3A_8 = arith.constant 1 : i32
    %select_n3A = arith.select %eq3A_7, %jit3A_8, %jit3A : i32
    %rem3A = arith.remsi %add3A_6, %select_n3A : i32
    %ne3A = arith.constant 0 : i32
    %ne3A_9 = arith.cmpi ne, %rem3A, %ne3A : i32
    %lt3A = arith.constant 0 : i32
    %lt3A_10 = arith.cmpi slt, %rem3A, %lt3A : i32
    %lt3A_11 = arith.constant 0 : i32
    %lt3A_12 = arith.cmpi slt, %select_n3A, %lt3A_11 : i32
    %ne3A_13 = arith.xori %lt3A_10, %lt3A_12 : i1
    %and3A = arith.andi %ne3A_13, %ne3A_9 : i1
    %add3A_14 = arith.addi %rem3A, %select_n3A : i32
    %select_n3A_15 = arith.select %and3A, %add3A_14, %rem3A : i32
    %mul3A = arith.constant 1024 : i32
    %mul3A_16 = arith.muli %select_n3A_15, %mul3A : i32
    %get3A_17 = arith.index_cast %mul3A_16 : i32 to index
    %get3A_18 = arith.constant 0 : index
    %get3A_19 = vector.load %arg5[%get3A_17, %get3A_18] : memref<2048x768xf32, #tpu.memory_space<vmem>>, vector<1024x768xf32>
    %get3A_20 = arith.constant 0 : index
    %get3A_21 = arith.constant 2 : index
    %get3A_22 = vector.load %arg4[%get3A_20, %get3A_21] : memref<1024x4xf32, #tpu.memory_space<vmem>>, vector<1024x1xf32>
    %get3A_23 = arith.constant 0 : index
    %get3A_24 = arith.constant 0 : index
    %get3A_25 = vector.load %arg3[%get3A_23, %get3A_24] : memref<1024x40xf32, #tpu.memory_space<vmem>>, vector<1024x40xf32>
    %get3A_26 = arith.constant 0 : index
    %get3A_27 = arith.constant 0 : index
    %get3A_28 = vector.load %arg8[%get3A_26, %get3A_27] : memref<1x40xf32, #tpu.memory_space<vmem>>, vector<1x40xf32>
    %mul3A_29 = vector.broadcast %get3A_28 : vector<1x40xf32> to vector<1024x40xf32>
    %mul3A_30 = arith.mulf %get3A_25, %mul3A_29 : vector<1024x40xf32>
    %get3A_31 = arith.constant 0 : index
    %get3A_32 = arith.constant 0 : index
    %get3A_33 = vector.load %arg9[%get3A_31, %get3A_32] : memref<1x40xf32, #tpu.memory_space<vmem>>, vector<1x40xf32>
    %add3A_34 = vector.broadcast %get3A_33 : vector<1x40xf32> to vector<1024x40xf32>
    %add3A_35 = arith.addf %mul3A_30, %add3A_34 : vector<1024x40xf32>
    %mul3A_36 = arith.constant 0.159154937 : f32
    %mul3A_37 = vector.broadcast %mul3A_36 : f32 to vector<1024x40xf32>
    %mul3A_38 = arith.mulf %add3A_35, %mul3A_37 : vector<1024x40xf32>
    %round3A = math.roundeven %mul3A_38 : vector<1024x40xf32>
    %mul3A_39 = arith.constant 6.28318548 : f32
    %mul3A_40 = vector.broadcast %mul3A_39 : f32 to vector<1024x40xf32>
    %mul3A_41 = arith.mulf %round3A, %mul3A_40 : vector<1024x40xf32>
    %sub3A = arith.subf %add3A_35, %mul3A_41 : vector<1024x40xf32>
    %abs3A = math.absf %sub3A : vector<1024x40xf32>
    %sub3A_42 = arith.constant 3.14159274 : f32
    %sub3A_43 = vector.broadcast %sub3A_42 : f32 to vector<1024x40xf32>
    %sub3A_44 = arith.subf %sub3A_43, %abs3A : vector<1024x40xf32>
    %min3A = arith.minimumf %abs3A, %sub3A_44 : vector<1024x40xf32>
    %mul3A_45 = arith.mulf %min3A, %min3A : vector<1024x40xf32>
    %mul3A_46 = arith.constant 2.75573188E-6 : f32
    %mul3A_47 = vector.broadcast %mul3A_46 : f32 to vector<1024x40xf32>
    %mul3A_48 = arith.mulf %mul3A_45, %mul3A_47 : vector<1024x40xf32>
    %add3A_49 = arith.constant -1.98412701E-4 : f32
    %add3A_50 = vector.broadcast %add3A_49 : f32 to vector<1024x40xf32>
    %add3A_51 = arith.addf %add3A_50, %mul3A_48 : vector<1024x40xf32>
    %mul3A_52 = arith.mulf %mul3A_45, %add3A_51 : vector<1024x40xf32>
    %add3A_53 = arith.constant 0.00833333284 : f32
    %add3A_54 = vector.broadcast %add3A_53 : f32 to vector<1024x40xf32>
    %add3A_55 = arith.addf %add3A_54, %mul3A_52 : vector<1024x40xf32>
    %mul3A_56 = arith.mulf %mul3A_45, %add3A_55 : vector<1024x40xf32>
    %add3A_57 = arith.constant -0.166666672 : f32
    %add3A_58 = vector.broadcast %add3A_57 : f32 to vector<1024x40xf32>
    %add3A_59 = arith.addf %add3A_58, %mul3A_56 : vector<1024x40xf32>
    %mul3A_60 = arith.mulf %mul3A_45, %add3A_59 : vector<1024x40xf32>
    %add3A_61 = arith.constant 1.000000e+00 : f32
    %add3A_62 = vector.broadcast %add3A_61 : f32 to vector<1024x40xf32>
    %add3A_63 = arith.addf %add3A_62, %mul3A_60 : vector<1024x40xf32>
    %mul3A_64 = arith.mulf %min3A, %add3A_63 : vector<1024x40xf32>
    %sign3A = tpu.bitcast %sub3A : vector<1024x40xf32> -> vector<1024x40xi32>
    %sign3A_65 = arith.constant -2147483648 : i32
    %sign3A_66 = vector.broadcast %sign3A_65 : i32 to vector<1024x40xi32>
    %sign3A_67 = arith.andi %sign3A, %sign3A_66 : vector<1024x40xi32>
    %sign3A_68 = arith.constant 1065353216 : i32
    %sign3A_69 = vector.broadcast %sign3A_68 : i32 to vector<1024x40xi32>
    %sign3A_70 = arith.ori %sign3A_69, %sign3A_67 : vector<1024x40xi32>
    %sign3A_71 = tpu.bitcast %sign3A_70 : vector<1024x40xi32> -> vector<1024x40xf32>
    %sign3A_72 = math.absf %sub3A : vector<1024x40xf32>
    %sign3A_73 = arith.constant 0.000000e+00 : f32
    %sign3A_74 = vector.broadcast %sign3A_73 : f32 to vector<1024x40xf32>
    %sign3A_75 = arith.cmpf ogt, %sign3A_72, %sign3A_74 : vector<1024x40xf32>
    %sign3A_76 = arith.select %sign3A_75, %sign3A_71, %sub3A : vector<1024x40xi1>, vector<1024x40xf32>
    %mul3A_77 = arith.mulf %sign3A_76, %mul3A_64 : vector<1024x40xf32>
    %convert_element_type3A_78 = arith.truncf %mul3A_77 : vector<1024x40xf32> to vector<1024x40xbf16>
    %get3A_79 = arith.constant 0 : index
    %get3A_80 = arith.constant 0 : index
    %get3A_81 = vector.load %arg7[%get3A_79, %get3A_80] : memref<40x768xbf16, #tpu.memory_space<vmem>>, vector<40x768xbf16>
    %dot_general3A_82 = arith.constant dense<0.000000e+00> : vector<1024x768xf32>
    %dot_general3A_83 = tpu.matmul %convert_element_type3A_78, %get3A_81, %dot_general3A_82 {dimension_numbers = #tpu.dot_dimension_numbers<[1], [0], [0], [1], [0, 0, 1, 1], [], []>, transpose_lhs_hint = false} : vector<1024x40xbf16>, vector<40x768xbf16>, vector<1024x768xf32> -> vector<1024x768xf32>
    %add3A_84 = arith.addf %dot_general3A_5, %dot_general3A_83 : vector<1024x768xf32>
    %tanh3A = math.tanh %add3A_84 : vector<1024x768xf32>
    %iota3A = tpu.iota {dimensions = array<i32: 1>} : vector<1x3xi32>
    %convert_element_type3A_85 = arith.sitofp %iota3A : vector<1x3xi32> to vector<1x3xf32>
    %eq3A_86 = vector.broadcast %get3A_22 : vector<1024x1xf32> to vector<1024x3xf32>
    %eq3A_87 = vector.broadcast %convert_element_type3A_85 : vector<1x3xf32> to vector<1024x3xf32>
    %eq3A_88 = arith.cmpf oeq, %eq3A_86, %eq3A_87 : vector<1024x3xf32>
    %jit3A_89 = arith.constant 1.000000e+00 : f32
    %jit3A_90 = arith.constant 0.000000e+00 : f32
    %broadcast_in_dim3A = vector.broadcast %jit3A_89 : f32 to vector<1024x3xf32>
    %broadcast_in_dim3A_91 = vector.broadcast %jit3A_90 : f32 to vector<1024x3xf32>
    %select_n3A_92 = arith.select %eq3A_88, %broadcast_in_dim3A, %broadcast_in_dim3A_91 : vector<1024x3xi1>, vector<1024x3xf32>
    %convert_element_type3A_93 = arith.truncf %select_n3A_92 : vector<1024x3xf32> to vector<1024x3xbf16>
    %get3A_94 = arith.constant 0 : index
    %get3A_95 = arith.constant 0 : index
    %get3A_96 = vector.load %arg10[%get3A_94, %get3A_95] : memref<3x768xbf16, #tpu.memory_space<vmem>>, vector<3x768xbf16>
    %dot_general3A_97 = arith.constant dense<0.000000e+00> : vector<1024x768xf32>
    %dot_general3A_98 = tpu.matmul %convert_element_type3A_93, %get3A_96, %dot_general3A_97 {dimension_numbers = #tpu.dot_dimension_numbers<[1], [0], [0], [1], [0, 0, 1, 1], [], []>, transpose_lhs_hint = false} : vector<1024x3xbf16>, vector<3x768xbf16>, vector<1024x768xf32> -> vector<1024x768xf32>
    %get3A_99 = arith.constant 0 : index
    %get3A_100 = arith.constant 0 : index
    %get3A_101 = vector.load %arg2[%get3A_99, %get3A_100] : memref<1024x768xf32, #tpu.memory_space<vmem>>, vector<1024x768xf32>
    %add3A_102 = arith.addf %tanh3A, %get3A_101 : vector<1024x768xf32>
    %add3A_103 = arith.addf %add3A_102, %get3A_19 : vector<1024x768xf32>
    %add3A_104 = arith.addf %add3A_103, %dot_general3A_98 : vector<1024x768xf32>
    %reduce_sum3A = arith.constant dense<0.000000e+00> : vector<1024xf32>
    %reduce_sum3A_105 = vector.multi_reduction <add>, %add3A_104, %reduce_sum3A [1] : vector<1024x768xf32> to vector<1024xf32>
    %broadcast_in_dim3A_106 = vector.shape_cast %reduce_sum3A_105 : vector<1024xf32> to vector<1024x1xf32>
    %div3A = arith.constant 7.680000e+02 : f32
    %div3A_107 = vector.broadcast %div3A : f32 to vector<1024x1xf32>
    %div3A_108 = arith.divf %broadcast_in_dim3A_106, %div3A_107 : vector<1024x1xf32>
    %sub3A_109 = vector.broadcast %div3A_108 : vector<1024x1xf32> to vector<1024x768xf32>
    %sub3A_110 = arith.subf %add3A_104, %sub3A_109 : vector<1024x768xf32>
    %mul3A_111 = arith.mulf %sub3A_110, %sub3A_110 : vector<1024x768xf32>
    %reduce_sum3A_112 = arith.constant dense<0.000000e+00> : vector<1024xf32>
    %reduce_sum3A_113 = vector.multi_reduction <add>, %mul3A_111, %reduce_sum3A_112 [1] : vector<1024x768xf32> to vector<1024xf32>
    %broadcast_in_dim3A_114 = vector.shape_cast %reduce_sum3A_113 : vector<1024xf32> to vector<1024x1xf32>
    %div3A_115 = arith.constant 7.680000e+02 : f32
    %div3A_116 = vector.broadcast %div3A_115 : f32 to vector<1024x1xf32>
    %div3A_117 = arith.divf %broadcast_in_dim3A_114, %div3A_116 : vector<1024x1xf32>
    %add3A_118 = arith.constant 9.99999996E-13 : f32
    %add3A_119 = vector.broadcast %add3A_118 : f32 to vector<1024x1xf32>
    %add3A_120 = arith.addf %div3A_117, %add3A_119 : vector<1024x1xf32>
    %rsqrt3A = math.rsqrt %add3A_120 : vector<1024x1xf32>
    %mul3A_121 = vector.broadcast %rsqrt3A : vector<1024x1xf32> to vector<1024x768xf32>
    %mul3A_122 = arith.mulf %sub3A_110, %mul3A_121 : vector<1024x768xf32>
    %get3A_123 = arith.constant 0 : index
    %get3A_124 = arith.constant 0 : index
    %get3A_125 = vector.load %arg11[%get3A_123, %get3A_124] : memref<1x768xf32, #tpu.memory_space<vmem>>, vector<1x768xf32>
    %mul3A_126 = vector.broadcast %get3A_125 : vector<1x768xf32> to vector<1024x768xf32>
    %mul3A_127 = arith.mulf %mul3A_122, %mul3A_126 : vector<1024x768xf32>
    %get3A_128 = arith.constant 0 : index
    %get3A_129 = arith.constant 0 : index
    %get3A_130 = vector.load %arg12[%get3A_128, %get3A_129] : memref<1x768xf32, #tpu.memory_space<vmem>>, vector<1x768xf32>
    %add3A_131 = vector.broadcast %get3A_130 : vector<1x768xf32> to vector<1024x768xf32>
    %add3A_132 = arith.addf %mul3A_127, %add3A_131 : vector<1024x768xf32>
    %swap3A = arith.constant 0 : index
    %swap3A_133 = arith.constant 0 : index
    %swap3A_134 = vector.load %arg14[%swap3A, %swap3A_133] : memref<1024x768xf32, #tpu.memory_space<vmem>>, vector<1024x768xf32>
    tpu.vector_store %arg14[%swap3A, %swap3A_133], %add3A_132 {strides = array<i32>} : memref<1024x768xf32, #tpu.memory_space<vmem>>, vector<1024x768xf32>,
    return
  }
  func.func @transform_0(%arg0: i32) -> (i32, i32) {
    %c0_i32 = arith.constant 0 : i32
    %c0_i32_0 = arith.constant 0 : i32
    return %arg0, %c0_i32 : i32, i32
  }
  func.func @transform_1(%arg0: i32) -> (i32, i32) {
    %c0_i32 = arith.constant 0 : i32
    %c0_i32_0 = arith.constant 0 : i32
    return %arg0, %c0_i32 : i32, i32
  }
  func.func @transform_2(%arg0: i32) -> (i32, i32) {
    %add3A = arith.constant 8 : i32
    %add3A_0 = arith.addi %add3A, %arg0 : i32
    %c0_i32 = arith.constant 0 : i32
    %c0_i32_1 = arith.constant 0 : i32
    return %add3A_0, %c0_i32 : i32, i32
  }
  func.func @transform_3(%arg0: i32) -> (i32, i32) {
    %add3A = arith.constant 8 : i32
    %add3A_0 = arith.addi %add3A, %arg0 : i32
    %c0_i32 = arith.constant 0 : i32
    %c0_i32_1 = arith.constant 0 : i32
    return %add3A_0, %c0_i32 : i32, i32
  }
  func.func @transform_4(%arg0: i32) -> (i32, i32) {
    %c0_i32 = arith.constant 0 : i32
    %c0_i32_0 = arith.constant 0 : i32
    %c0_i32_1 = arith.constant 0 : i32
    return %c0_i32, %c0_i32_0 : i32, i32
  }
  func.func @transform_5(%arg0: i32) -> (i32, i32) {
    %c0_i32 = arith.constant 0 : i32
    %c0_i32_0 = arith.constant 0 : i32
    %c0_i32_1 = arith.constant 0 : i32
    return %c0_i32, %c0_i32_0 : i32, i32
  }
  func.func @transform_6(%arg0: i32) -> (i32, i32) {
    %c0_i32 = arith.constant 0 : i32
    %c0_i32_0 = arith.constant 0 : i32
    %c0_i32_1 = arith.constant 0 : i32
    return %c0_i32, %c0_i32_0 : i32, i32
  }
  func.func @transform_7(%arg0: i32) -> (i32, i32) {
    %c0_i32 = arith.constant 0 : i32
    %c0_i32_0 = arith.constant 0 : i32
    %c0_i32_1 = arith.constant 0 : i32
    return %c0_i32, %c0_i32_0 : i32, i32
  }
  func.func @transform_8(%arg0: i32) -> (i32, i32) {
    %c0_i32 = arith.constant 0 : i32
    %c0_i32_0 = arith.constant 0 : i32
    %c0_i32_1 = arith.constant 0 : i32
    return %c0_i32, %c0_i32_0 : i32, i32
  }
  func.func @transform_9(%arg0: i32) -> (i32, i32) {
    %c0_i32 = arith.constant 0 : i32
    %c0_i32_0 = arith.constant 0 : i32
    %c0_i32_1 = arith.constant 0 : i32
    return %c0_i32, %c0_i32_0 : i32, i32
  }
  func.func @transform_10(%arg0: i32) -> (i32, i32) {
    %c0_i32 = arith.constant 0 : i32
    %c0_i32_0 = arith.constant 0 : i32
    %c0_i32_1 = arith.constant 0 : i32
    return %c0_i32, %c0_i32_0 : i32, i32
  }
  func.func @transform_11(%arg0: i32) -> (i32, i32) {
    %c0_i32 = arith.constant 0 : i32
    %c0_i32_0 = arith.constant 0 : i32
    %c0_i32_1 = arith.constant 0 : i32
    return %c0_i32, %c0_i32_0 : i32, i32
  }
  func.func @transform_13(%arg0: i32) -> (i32, i32) {
    %add3A = arith.constant 8 : i32
    %add3A_0 = arith.addi %add3A, %arg0 : i32
    %c0_i32 = arith.constant 0 : i32
    %c0_i32_1 = arith.constant 0 : i32
    return %add3A_0, %c0_i32 : i32, i32
  }
}

module attributes {stable_mosaic.version = 14 : i64} {
  func.func @_tc_body(%arg0: i32, %arg1: memref<1024x768xf32, #tpu.memory_space<vmem>>, %arg2: memref<1024x768xf32, #tpu.memory_space<vmem>>, %arg3: memref<1024x40xf32, #tpu.memory_space<vmem>>, %arg4: memref<1024x4xf32, #tpu.memory_space<vmem>>, %arg5: memref<2048x768xf32, #tpu.memory_space<vmem>>, %arg6: memref<768x768xbf16, #tpu.memory_space<vmem>>, %arg7: memref<40x768xbf16, #tpu.memory_space<vmem>>, %arg8: memref<1x40xf32, #tpu.memory_space<vmem>>, %arg9: memref<1x40xf32, #tpu.memory_space<vmem>>, %arg10: memref<3x768xbf16, #tpu.memory_space<vmem>>, %arg11: memref<1x768xf32, #tpu.memory_space<vmem>>, %arg12: memref<1x768xf32, #tpu.memory_space<vmem>>, %arg13: memref<65536x768xf32, #tpu.memory_space<any>>, %arg14: memref<1024x768xf32, #tpu.memory_space<vmem>>) attributes {dimension_semantics = [#tpu.dimension_semantics<arbitrary>], iteration_bounds = array<i64: 16>, scalar_prefetch = 0 : i64, scratch_operands = 0 : i64, tpu.core_type = #tpu.core_type<tc>, window_params = [{transform_indices = @transform_0, window_bounds = array<i64: 1024, 768>}, {transform_indices = @transform_1, window_bounds = array<i64: 1024, 768>}, {transform_indices = @transform_2, window_bounds = array<i64: 1024, 40>}, {transform_indices = @transform_3, window_bounds = array<i64: 1024, 4>}, {pipeline_mode = #tpu.pipeline_mode<synchronous>, transform_indices = @transform_4, window_bounds = array<i64: 2048, 768>}, {pipeline_mode = #tpu.pipeline_mode<synchronous>, transform_indices = @transform_5, window_bounds = array<i64: 768, 768>}, {pipeline_mode = #tpu.pipeline_mode<synchronous>, transform_indices = @transform_6, window_bounds = array<i64: 40, 768>}, {pipeline_mode = #tpu.pipeline_mode<synchronous>, transform_indices = @transform_7, window_bounds = array<i64: 1, 40>}, {pipeline_mode = #tpu.pipeline_mode<synchronous>, transform_indices = @transform_8, window_bounds = array<i64: 1, 40>}, {pipeline_mode = #tpu.pipeline_mode<synchronous>, transform_indices = @transform_9, window_bounds = array<i64: 3, 768>}, {pipeline_mode = #tpu.pipeline_mode<synchronous>, transform_indices = @transform_10, window_bounds = array<i64: 1, 768>}, {pipeline_mode = #tpu.pipeline_mode<synchronous>, transform_indices = @transform_11, window_bounds = array<i64: 1, 768>}, {}, {transform_indices = @transform_13, window_bounds = array<i64: 1024, 768>}]} {
    %get3A = arith.constant 0 : index
    %get3A_0 = arith.constant 0 : index
    %get3A_1 = vector.load %arg1[%get3A, %get3A_0] : memref<1024x768xf32, #tpu.memory_space<vmem>>, vector<1024x768xf32>
    %convert_element_type3A = arith.truncf %get3A_1 : vector<1024x768xf32> to vector<1024x768xbf16>
    %get3A_2 = arith.constant 0 : index
    %get3A_3 = arith.constant 0 : index
    %get3A_4 = vector.load %arg6[%get3A_2, %get3A_3] : memref<768x768xbf16, #tpu.memory_space<vmem>>, vector<768x768xbf16>
    %dot_general3A = arith.constant dense<0.000000e+00> : vector<1024x768xf32>
    %dot_general3A_5 = tpu.matmul %convert_element_type3A, %get3A_4, %dot_general3A {dimension_numbers = #tpu.dot_dimension_numbers<[1], [0], [0], [1], [0, 0, 1, 1], [], []>, transpose_lhs_hint = false} : vector<1024x768xbf16>, vector<768x768xbf16>, vector<1024x768xf32> -> vector<1024x768xf32>
    %add3A = arith.constant 16 : i32
    %add3A_6 = arith.addi %add3A, %arg0 : i32
    %jit3A = arith.constant 2 : i32
    %eq3A = arith.constant 0 : i32
    %eq3A_7 = arith.cmpi eq, %jit3A, %eq3A : i32
    %jit3A_8 = arith.constant 1 : i32
    %select_n3A = arith.select %eq3A_7, %jit3A_8, %jit3A : i32
    %rem3A = arith.remsi %add3A_6, %select_n3A : i32
    %ne3A = arith.constant 0 : i32
    %ne3A_9 = arith.cmpi ne, %rem3A, %ne3A : i32
    %lt3A = arith.constant 0 : i32
    %lt3A_10 = arith.cmpi slt, %rem3A, %lt3A : i32
    %lt3A_11 = arith.constant 0 : i32
    %lt3A_12 = arith.cmpi slt, %select_n3A, %lt3A_11 : i32
    %ne3A_13 = arith.xori %lt3A_10, %lt3A_12 : i1
    %and3A = arith.andi %ne3A_13, %ne3A_9 : i1
    %add3A_14 = arith.addi %rem3A, %select_n3A : i32
    %select_n3A_15 = arith.select %and3A, %add3A_14, %rem3A : i32
    %mul3A = arith.constant 1024 : i32
    %mul3A_16 = arith.muli %select_n3A_15, %mul3A : i32
    %get3A_17 = arith.index_cast %mul3A_16 : i32 to index
    %get3A_18 = arith.constant 0 : index
    %get3A_19 = vector.load %arg5[%get3A_17, %get3A_18] : memref<2048x768xf32, #tpu.memory_space<vmem>>, vector<1024x768xf32>
    %get3A_20 = arith.constant 0 : index
    %get3A_21 = arith.constant 2 : index
    %get3A_22 = vector.load %arg4[%get3A_20, %get3A_21] : memref<1024x4xf32, #tpu.memory_space<vmem>>, vector<1024x1xf32>
    %get3A_23 = arith.constant 0 : index
    %get3A_24 = arith.constant 0 : index
    %get3A_25 = vector.load %arg3[%get3A_23, %get3A_24] : memref<1024x40xf32, #tpu.memory_space<vmem>>, vector<1024x40xf32>
    %get3A_26 = arith.constant 0 : index
    %get3A_27 = arith.constant 0 : index
    %get3A_28 = vector.load %arg8[%get3A_26, %get3A_27] : memref<1x40xf32, #tpu.memory_space<vmem>>, vector<1x40xf32>
    %mul3A_29 = vector.broadcast %get3A_28 : vector<1x40xf32> to vector<1024x40xf32>
    %mul3A_30 = arith.mulf %get3A_25, %mul3A_29 : vector<1024x40xf32>
    %get3A_31 = arith.constant 0 : index
    %get3A_32 = arith.constant 0 : index
    %get3A_33 = vector.load %arg9[%get3A_31, %get3A_32] : memref<1x40xf32, #tpu.memory_space<vmem>>, vector<1x40xf32>
    %add3A_34 = vector.broadcast %get3A_33 : vector<1x40xf32> to vector<1024x40xf32>
    %add3A_35 = arith.addf %mul3A_30, %add3A_34 : vector<1024x40xf32>
    %mul3A_36 = arith.constant 0.159154937 : f32
    %mul3A_37 = vector.broadcast %mul3A_36 : f32 to vector<1024x40xf32>
    %mul3A_38 = arith.mulf %add3A_35, %mul3A_37 : vector<1024x40xf32>
    %round3A = math.roundeven %mul3A_38 : vector<1024x40xf32>
    %mul3A_39 = arith.constant 6.28318548 : f32
    %mul3A_40 = vector.broadcast %mul3A_39 : f32 to vector<1024x40xf32>
    %mul3A_41 = arith.mulf %round3A, %mul3A_40 : vector<1024x40xf32>
    %sub3A = arith.subf %add3A_35, %mul3A_41 : vector<1024x40xf32>
    %abs3A = math.absf %sub3A : vector<1024x40xf32>
    %sub3A_42 = arith.constant 3.14159274 : f32
    %sub3A_43 = vector.broadcast %sub3A_42 : f32 to vector<1024x40xf32>
    %sub3A_44 = arith.subf %sub3A_43, %abs3A : vector<1024x40xf32>
    %min3A = arith.minimumf %abs3A, %sub3A_44 : vector<1024x40xf32>
    %mul3A_45 = arith.mulf %min3A, %min3A : vector<1024x40xf32>
    %mul3A_46 = arith.constant 2.75573188E-6 : f32
    %mul3A_47 = vector.broadcast %mul3A_46 : f32 to vector<1024x40xf32>
    %mul3A_48 = arith.mulf %mul3A_45, %mul3A_47 : vector<1024x40xf32>
    %add3A_49 = arith.constant -1.98412701E-4 : f32
    %add3A_50 = vector.broadcast %add3A_49 : f32 to vector<1024x40xf32>
    %add3A_51 = arith.addf %add3A_50, %mul3A_48 : vector<1024x40xf32>
    %mul3A_52 = arith.mulf %mul3A_45, %add3A_51 : vector<1024x40xf32>
    %add3A_53 = arith.constant 0.00833333284 : f32
    %add3A_54 = vector.broadcast %add3A_53 : f32 to vector<1024x40xf32>
    %add3A_55 = arith.addf %add3A_54, %mul3A_52 : vector<1024x40xf32>
    %mul3A_56 = arith.mulf %mul3A_45, %add3A_55 : vector<1024x40xf32>
    %add3A_57 = arith.constant -0.166666672 : f32
    %add3A_58 = vector.broadcast %add3A_57 : f32 to vector<1024x40xf32>
    %add3A_59 = arith.addf %add3A_58, %mul3A_56 : vector<1024x40xf32>
    %mul3A_60 = arith.mulf %mul3A_45, %add3A_59 : vector<1024x40xf32>
    %add3A_61 = arith.constant 1.000000e+00 : f32
    %add3A_62 = vector.broadcast %add3A_61 : f32 to vector<1024x40xf32>
    %add3A_63 = arith.addf %add3A_62, %mul3A_60 : vector<1024x40xf32>
    %mul3A_64 = arith.mulf %min3A, %add3A_63 : vector<1024x40xf32>
    %sign3A = tpu.bitcast %sub3A : vector<1024x40xf32> -> vector<1024x40xi32>
    %sign3A_65 = arith.constant -2147483648 : i32
    %sign3A_66 = vector.broadcast %sign3A_65 : i32 to vector<1024x40xi32>
    %sign3A_67 = arith.andi %sign3A, %sign3A_66 : vector<1024x40xi32>
    %sign3A_68 = arith.constant 1065353216 : i32
    %sign3A_69 = vector.broadcast %sign3A_68 : i32 to vector<1024x40xi32>
    %sign3A_70 = arith.ori %sign3A_69, %sign3A_67 : vector<1024x40xi32>
    %sign3A_71 = tpu.bitcast %sign3A_70 : vector<1024x40xi32> -> vector<1024x40xf32>
    %sign3A_72 = math.absf %sub3A : vector<1024x40xf32>
    %sign3A_73 = arith.constant 0.000000e+00 : f32
    %sign3A_74 = vector.broadcast %sign3A_73 : f32 to vector<1024x40xf32>
    %sign3A_75 = arith.cmpf ogt, %sign3A_72, %sign3A_74 : vector<1024x40xf32>
    %sign3A_76 = arith.select %sign3A_75, %sign3A_71, %sub3A : vector<1024x40xi1>, vector<1024x40xf32>
    %mul3A_77 = arith.mulf %sign3A_76, %mul3A_64 : vector<1024x40xf32>
    %convert_element_type3A_78 = arith.truncf %mul3A_77 : vector<1024x40xf32> to vector<1024x40xbf16>
    %get3A_79 = arith.constant 0 : index
    %get3A_80 = arith.constant 0 : index
    %get3A_81 = vector.load %arg7[%get3A_79, %get3A_80] : memref<40x768xbf16, #tpu.memory_space<vmem>>, vector<40x768xbf16>
    %dot_general3A_82 = arith.constant dense<0.000000e+00> : vector<1024x768xf32>
    %dot_general3A_83 = tpu.matmul %convert_element_type3A_78, %get3A_81, %dot_general3A_82 {dimension_numbers = #tpu.dot_dimension_numbers<[1], [0], [0], [1], [0, 0, 1, 1], [], []>, transpose_lhs_hint = false} : vector<1024x40xbf16>, vector<40x768xbf16>, vector<1024x768xf32> -> vector<1024x768xf32>
    %add3A_84 = arith.addf %dot_general3A_5, %dot_general3A_83 : vector<1024x768xf32>
    %tanh3A = math.tanh %add3A_84 : vector<1024x768xf32>
    %iota3A = tpu.iota {dimensions = array<i32: 1>} : vector<1x3xi32>
    %convert_element_type3A_85 = arith.sitofp %iota3A : vector<1x3xi32> to vector<1x3xf32>
    %eq3A_86 = vector.broadcast %get3A_22 : vector<1024x1xf32> to vector<1024x3xf32>
    %eq3A_87 = vector.broadcast %convert_element_type3A_85 : vector<1x3xf32> to vector<1024x3xf32>
    %eq3A_88 = arith.cmpf oeq, %eq3A_86, %eq3A_87 : vector<1024x3xf32>
    %jit3A_89 = arith.constant 1.000000e+00 : f32
    %jit3A_90 = arith.constant 0.000000e+00 : f32
    %broadcast_in_dim3A = vector.broadcast %jit3A_89 : f32 to vector<1024x3xf32>
    %broadcast_in_dim3A_91 = vector.broadcast %jit3A_90 : f32 to vector<1024x3xf32>
    %select_n3A_92 = arith.select %eq3A_88, %broadcast_in_dim3A, %broadcast_in_dim3A_91 : vector<1024x3xi1>, vector<1024x3xf32>
    %convert_element_type3A_93 = arith.truncf %select_n3A_92 : vector<1024x3xf32> to vector<1024x3xbf16>
    %get3A_94 = arith.constant 0 : index
    %get3A_95 = arith.constant 0 : index
    %get3A_96 = vector.load %arg10[%get3A_94, %get3A_95] : memref<3x768xbf16, #tpu.memory_space<vmem>>, vector<3x768xbf16>
    %dot_general3A_97 = arith.constant dense<0.000000e+00> : vector<1024x768xf32>
    %dot_general3A_98 = tpu.matmul %convert_element_type3A_93, %get3A_96, %dot_general3A_97 {dimension_numbers = #tpu.dot_dimension_numbers<[1], [0], [0], [1], [0, 0, 1, 1], [], []>, transpose_lhs_hint = false} : vector<1024x3xbf16>, vector<3x768xbf16>, vector<1024x768xf32> -> vector<1024x768xf32>
    %get3A_99 = arith.constant 0 : index
    %get3A_100 = arith.constant 0 : index
    %get3A_101 = vector.load %arg2[%get3A_99, %get3A_100] : memref<1024x768xf32, #tpu.memory_space<vmem>>, vector<1024x768xf32>
    %add3A_102 = arith.addf %tanh3A, %get3A_101 : vector<1024x768xf32>
    %add3A_103 = arith.addf %add3A_102, %get3A_19 : vector<1024x768xf32>
    %add3A_104 = arith.addf %add3A_103, %dot_general3A_98 : vector<1024x768xf32>
    %reduce_sum3A = arith.constant dense<0.000000e+00> : vector<1024xf32>
    %reduce_sum3A_105 = vector.multi_reduction <add>, %add3A_104, %reduce_sum3A [1] : vector<1024x768xf32> to vector<1024xf32>
    %broadcast_in_dim3A_106 = vector.shape_cast %reduce_sum3A_105 : vector<1024xf32> to vector<1024x1xf32>
    %div3A = arith.constant 7.680000e+02 : f32
    %div3A_107 = vector.broadcast %div3A : f32 to vector<1024x1xf32>
    %div3A_108 = arith.divf %broadcast_in_dim3A_106, %div3A_107 : vector<1024x1xf32>
    %sub3A_109 = vector.broadcast %div3A_108 : vector<1024x1xf32> to vector<1024x768xf32>
    %sub3A_110 = arith.subf %add3A_104, %sub3A_109 : vector<1024x768xf32>
    %mul3A_111 = arith.mulf %sub3A_110, %sub3A_110 : vector<1024x768xf32>
    %reduce_sum3A_112 = arith.constant dense<0.000000e+00> : vector<1024xf32>
    %reduce_sum3A_113 = vector.multi_reduction <add>, %mul3A_111, %reduce_sum3A_112 [1] : vector<1024x768xf32> to vector<1024xf32>
    %broadcast_in_dim3A_114 = vector.shape_cast %reduce_sum3A_113 : vector<1024xf32> to vector<1024x1xf32>
    %div3A_115 = arith.constant 7.680000e+02 : f32
    %div3A_116 = vector.broadcast %div3A_115 : f32 to vector<1024x1xf32>
    %div3A_117 = arith.divf %broadcast_in_dim3A_114, %div3A_116 : vector<1024x1xf32>
    %add3A_118 = arith.constant 9.99999996E-13 : f32
    %add3A_119 = vector.broadcast %add3A_118 : f32 to vector<1024x1xf32>
    %add3A_120 = arith.addf %div3A_117, %add3A_119 : vector<1024x1xf32>
    %rsqrt3A = math.rsqrt %add3A_120 : vector<1024x1xf32>
    %mul3A_121 = vector.broadcast %rsqrt3A : vector<1024x1xf32> to vector<1024x768xf32>
    %mul3A_122 = arith.mulf %sub3A_110, %mul3A_121 : vector<1024x768xf32>
    %get3A_123 = arith.constant 0 : index
    %get3A_124 = arith.constant 0 : index
    %get3A_125 = vector.load %arg11[%get3A_123, %get3A_124] : memref<1x768xf32, #tpu.memory_space<vmem>>, vector<1x768xf32>
    %mul3A_126 = vector.broadcast %get3A_125 : vector<1x768xf32> to vector<1024x768xf32>
    %mul3A_127 = arith.mulf %mul3A_122, %mul3A_126 : vector<1024x768xf32>
    %get3A_128 = arith.constant 0 : index
    %get3A_129 = arith.constant 0 : index
    %get3A_130 = vector.load %arg12[%get3A_128, %get3A_129] : memref<1x768xf32, #tpu.memory_space<vmem>>, vector<1x768xf32>
    %add3A_131 = vector.broadcast %get3A_130 : vector<1x768xf32> to vector<1024x768xf32>
    %add3A_132 = arith.addf %mul3A_127, %add3A_131 : vector<1024x768xf32>
    %swap3A = arith.constant 0 : index
    %swap3A_133 = arith.constant 0 : index
    %swap3A_134 = vector.load %arg14[%swap3A, %swap3A_133] : memref<1024x768xf32, #tpu.memory_space<vmem>>, vector<1024x768xf32>
    tpu.vector_store %arg14[%swap3A, %swap3A_133], %add3A_132 {strides = array<i32>} : memref<1024x768xf32, #tpu.memory_space<vmem>>, vector<1024x768xf32>,
    return
  }
  func.func @transform_0(%arg0: i32) -> (i32, i32) {
    %c0_i32 = arith.constant 0 : i32
    %c0_i32_0 = arith.constant 0 : i32
    return %arg0, %c0_i32 : i32, i32
  }
  func.func @transform_1(%arg0: i32) -> (i32, i32) {
    %c0_i32 = arith.constant 0 : i32
    %c0_i32_0 = arith.constant 0 : i32
    return %arg0, %c0_i32 : i32, i32
  }
  func.func @transform_2(%arg0: i32) -> (i32, i32) {
    %add3A = arith.constant 16 : i32
    %add3A_0 = arith.addi %add3A, %arg0 : i32
    %c0_i32 = arith.constant 0 : i32
    %c0_i32_1 = arith.constant 0 : i32
    return %add3A_0, %c0_i32 : i32, i32
  }
  func.func @transform_3(%arg0: i32) -> (i32, i32) {
    %add3A = arith.constant 16 : i32
    %add3A_0 = arith.addi %add3A, %arg0 : i32
    %c0_i32 = arith.constant 0 : i32
    %c0_i32_1 = arith.constant 0 : i32
    return %add3A_0, %c0_i32 : i32, i32
  }
  func.func @transform_4(%arg0: i32) -> (i32, i32) {
    %c0_i32 = arith.constant 0 : i32
    %c0_i32_0 = arith.constant 0 : i32
    %c0_i32_1 = arith.constant 0 : i32
    return %c0_i32, %c0_i32_0 : i32, i32
  }
  func.func @transform_5(%arg0: i32) -> (i32, i32) {
    %c0_i32 = arith.constant 0 : i32
    %c0_i32_0 = arith.constant 0 : i32
    %c0_i32_1 = arith.constant 0 : i32
    return %c0_i32, %c0_i32_0 : i32, i32
  }
  func.func @transform_6(%arg0: i32) -> (i32, i32) {
    %c0_i32 = arith.constant 0 : i32
    %c0_i32_0 = arith.constant 0 : i32
    %c0_i32_1 = arith.constant 0 : i32
    return %c0_i32, %c0_i32_0 : i32, i32
  }
  func.func @transform_7(%arg0: i32) -> (i32, i32) {
    %c0_i32 = arith.constant 0 : i32
    %c0_i32_0 = arith.constant 0 : i32
    %c0_i32_1 = arith.constant 0 : i32
    return %c0_i32, %c0_i32_0 : i32, i32
  }
  func.func @transform_8(%arg0: i32) -> (i32, i32) {
    %c0_i32 = arith.constant 0 : i32
    %c0_i32_0 = arith.constant 0 : i32
    %c0_i32_1 = arith.constant 0 : i32
    return %c0_i32, %c0_i32_0 : i32, i32
  }
  func.func @transform_9(%arg0: i32) -> (i32, i32) {
    %c0_i32 = arith.constant 0 : i32
    %c0_i32_0 = arith.constant 0 : i32
    %c0_i32_1 = arith.constant 0 : i32
    return %c0_i32, %c0_i32_0 : i32, i32
  }
  func.func @transform_10(%arg0: i32) -> (i32, i32) {
    %c0_i32 = arith.constant 0 : i32
    %c0_i32_0 = arith.constant 0 : i32
    %c0_i32_1 = arith.constant 0 : i32
    return %c0_i32, %c0_i32_0 : i32, i32
  }
  func.func @transform_11(%arg0: i32) -> (i32, i32) {
    %c0_i32 = arith.constant 0 : i32
    %c0_i32_0 = arith.constant 0 : i32
    %c0_i32_1 = arith.constant 0 : i32
    return %c0_i32, %c0_i32_0 : i32, i32
  }
  func.func @transform_13(%arg0: i32) -> (i32, i32) {
    %add3A = arith.constant 16 : i32
    %add3A_0 = arith.addi %add3A, %arg0 : i32
    %c0_i32 = arith.constant 0 : i32
    %c0_i32_1 = arith.constant 0 : i32
    return %add3A_0, %c0_i32 : i32, i32
  }
}

module attributes {stable_mosaic.version = 14 : i64} {
  func.func @_tc_body(%arg0: i32, %arg1: memref<1024x768xf32, #tpu.memory_space<vmem>>, %arg2: memref<1024x768xf32, #tpu.memory_space<vmem>>, %arg3: memref<1024x40xf32, #tpu.memory_space<vmem>>, %arg4: memref<1024x4xf32, #tpu.memory_space<vmem>>, %arg5: memref<2048x768xf32, #tpu.memory_space<vmem>>, %arg6: memref<768x768xbf16, #tpu.memory_space<vmem>>, %arg7: memref<40x768xbf16, #tpu.memory_space<vmem>>, %arg8: memref<1x40xf32, #tpu.memory_space<vmem>>, %arg9: memref<1x40xf32, #tpu.memory_space<vmem>>, %arg10: memref<3x768xbf16, #tpu.memory_space<vmem>>, %arg11: memref<1x768xf32, #tpu.memory_space<vmem>>, %arg12: memref<1x768xf32, #tpu.memory_space<vmem>>, %arg13: memref<65536x768xf32, #tpu.memory_space<any>>, %arg14: memref<1024x768xf32, #tpu.memory_space<vmem>>) attributes {dimension_semantics = [#tpu.dimension_semantics<arbitrary>], iteration_bounds = array<i64: 16>, scalar_prefetch = 0 : i64, scratch_operands = 0 : i64, tpu.core_type = #tpu.core_type<tc>, window_params = [{transform_indices = @transform_0, window_bounds = array<i64: 1024, 768>}, {transform_indices = @transform_1, window_bounds = array<i64: 1024, 768>}, {transform_indices = @transform_2, window_bounds = array<i64: 1024, 40>}, {transform_indices = @transform_3, window_bounds = array<i64: 1024, 4>}, {pipeline_mode = #tpu.pipeline_mode<synchronous>, transform_indices = @transform_4, window_bounds = array<i64: 2048, 768>}, {pipeline_mode = #tpu.pipeline_mode<synchronous>, transform_indices = @transform_5, window_bounds = array<i64: 768, 768>}, {pipeline_mode = #tpu.pipeline_mode<synchronous>, transform_indices = @transform_6, window_bounds = array<i64: 40, 768>}, {pipeline_mode = #tpu.pipeline_mode<synchronous>, transform_indices = @transform_7, window_bounds = array<i64: 1, 40>}, {pipeline_mode = #tpu.pipeline_mode<synchronous>, transform_indices = @transform_8, window_bounds = array<i64: 1, 40>}, {pipeline_mode = #tpu.pipeline_mode<synchronous>, transform_indices = @transform_9, window_bounds = array<i64: 3, 768>}, {pipeline_mode = #tpu.pipeline_mode<synchronous>, transform_indices = @transform_10, window_bounds = array<i64: 1, 768>}, {pipeline_mode = #tpu.pipeline_mode<synchronous>, transform_indices = @transform_11, window_bounds = array<i64: 1, 768>}, {}, {transform_indices = @transform_13, window_bounds = array<i64: 1024, 768>}]} {
    %get3A = arith.constant 0 : index
    %get3A_0 = arith.constant 0 : index
    %get3A_1 = vector.load %arg1[%get3A, %get3A_0] : memref<1024x768xf32, #tpu.memory_space<vmem>>, vector<1024x768xf32>
    %convert_element_type3A = arith.truncf %get3A_1 : vector<1024x768xf32> to vector<1024x768xbf16>
    %get3A_2 = arith.constant 0 : index
    %get3A_3 = arith.constant 0 : index
    %get3A_4 = vector.load %arg6[%get3A_2, %get3A_3] : memref<768x768xbf16, #tpu.memory_space<vmem>>, vector<768x768xbf16>
    %dot_general3A = arith.constant dense<0.000000e+00> : vector<1024x768xf32>
    %dot_general3A_5 = tpu.matmul %convert_element_type3A, %get3A_4, %dot_general3A {dimension_numbers = #tpu.dot_dimension_numbers<[1], [0], [0], [1], [0, 0, 1, 1], [], []>, transpose_lhs_hint = false} : vector<1024x768xbf16>, vector<768x768xbf16>, vector<1024x768xf32> -> vector<1024x768xf32>
    %add3A = arith.constant 32 : i32
    %add3A_6 = arith.addi %add3A, %arg0 : i32
    %jit3A = arith.constant 2 : i32
    %eq3A = arith.constant 0 : i32
    %eq3A_7 = arith.cmpi eq, %jit3A, %eq3A : i32
    %jit3A_8 = arith.constant 1 : i32
    %select_n3A = arith.select %eq3A_7, %jit3A_8, %jit3A : i32
    %rem3A = arith.remsi %add3A_6, %select_n3A : i32
    %ne3A = arith.constant 0 : i32
    %ne3A_9 = arith.cmpi ne, %rem3A, %ne3A : i32
    %lt3A = arith.constant 0 : i32
    %lt3A_10 = arith.cmpi slt, %rem3A, %lt3A : i32
    %lt3A_11 = arith.constant 0 : i32
    %lt3A_12 = arith.cmpi slt, %select_n3A, %lt3A_11 : i32
    %ne3A_13 = arith.xori %lt3A_10, %lt3A_12 : i1
    %and3A = arith.andi %ne3A_13, %ne3A_9 : i1
    %add3A_14 = arith.addi %rem3A, %select_n3A : i32
    %select_n3A_15 = arith.select %and3A, %add3A_14, %rem3A : i32
    %mul3A = arith.constant 1024 : i32
    %mul3A_16 = arith.muli %select_n3A_15, %mul3A : i32
    %get3A_17 = arith.index_cast %mul3A_16 : i32 to index
    %get3A_18 = arith.constant 0 : index
    %get3A_19 = vector.load %arg5[%get3A_17, %get3A_18] : memref<2048x768xf32, #tpu.memory_space<vmem>>, vector<1024x768xf32>
    %get3A_20 = arith.constant 0 : index
    %get3A_21 = arith.constant 2 : index
    %get3A_22 = vector.load %arg4[%get3A_20, %get3A_21] : memref<1024x4xf32, #tpu.memory_space<vmem>>, vector<1024x1xf32>
    %get3A_23 = arith.constant 0 : index
    %get3A_24 = arith.constant 0 : index
    %get3A_25 = vector.load %arg3[%get3A_23, %get3A_24] : memref<1024x40xf32, #tpu.memory_space<vmem>>, vector<1024x40xf32>
    %get3A_26 = arith.constant 0 : index
    %get3A_27 = arith.constant 0 : index
    %get3A_28 = vector.load %arg8[%get3A_26, %get3A_27] : memref<1x40xf32, #tpu.memory_space<vmem>>, vector<1x40xf32>
    %mul3A_29 = vector.broadcast %get3A_28 : vector<1x40xf32> to vector<1024x40xf32>
    %mul3A_30 = arith.mulf %get3A_25, %mul3A_29 : vector<1024x40xf32>
    %get3A_31 = arith.constant 0 : index
    %get3A_32 = arith.constant 0 : index
    %get3A_33 = vector.load %arg9[%get3A_31, %get3A_32] : memref<1x40xf32, #tpu.memory_space<vmem>>, vector<1x40xf32>
    %add3A_34 = vector.broadcast %get3A_33 : vector<1x40xf32> to vector<1024x40xf32>
    %add3A_35 = arith.addf %mul3A_30, %add3A_34 : vector<1024x40xf32>
    %mul3A_36 = arith.constant 0.159154937 : f32
    %mul3A_37 = vector.broadcast %mul3A_36 : f32 to vector<1024x40xf32>
    %mul3A_38 = arith.mulf %add3A_35, %mul3A_37 : vector<1024x40xf32>
    %round3A = math.roundeven %mul3A_38 : vector<1024x40xf32>
    %mul3A_39 = arith.constant 6.28318548 : f32
    %mul3A_40 = vector.broadcast %mul3A_39 : f32 to vector<1024x40xf32>
    %mul3A_41 = arith.mulf %round3A, %mul3A_40 : vector<1024x40xf32>
    %sub3A = arith.subf %add3A_35, %mul3A_41 : vector<1024x40xf32>
    %abs3A = math.absf %sub3A : vector<1024x40xf32>
    %sub3A_42 = arith.constant 3.14159274 : f32
    %sub3A_43 = vector.broadcast %sub3A_42 : f32 to vector<1024x40xf32>
    %sub3A_44 = arith.subf %sub3A_43, %abs3A : vector<1024x40xf32>
    %min3A = arith.minimumf %abs3A, %sub3A_44 : vector<1024x40xf32>
    %mul3A_45 = arith.mulf %min3A, %min3A : vector<1024x40xf32>
    %mul3A_46 = arith.constant 2.75573188E-6 : f32
    %mul3A_47 = vector.broadcast %mul3A_46 : f32 to vector<1024x40xf32>
    %mul3A_48 = arith.mulf %mul3A_45, %mul3A_47 : vector<1024x40xf32>
    %add3A_49 = arith.constant -1.98412701E-4 : f32
    %add3A_50 = vector.broadcast %add3A_49 : f32 to vector<1024x40xf32>
    %add3A_51 = arith.addf %add3A_50, %mul3A_48 : vector<1024x40xf32>
    %mul3A_52 = arith.mulf %mul3A_45, %add3A_51 : vector<1024x40xf32>
    %add3A_53 = arith.constant 0.00833333284 : f32
    %add3A_54 = vector.broadcast %add3A_53 : f32 to vector<1024x40xf32>
    %add3A_55 = arith.addf %add3A_54, %mul3A_52 : vector<1024x40xf32>
    %mul3A_56 = arith.mulf %mul3A_45, %add3A_55 : vector<1024x40xf32>
    %add3A_57 = arith.constant -0.166666672 : f32
    %add3A_58 = vector.broadcast %add3A_57 : f32 to vector<1024x40xf32>
    %add3A_59 = arith.addf %add3A_58, %mul3A_56 : vector<1024x40xf32>
    %mul3A_60 = arith.mulf %mul3A_45, %add3A_59 : vector<1024x40xf32>
    %add3A_61 = arith.constant 1.000000e+00 : f32
    %add3A_62 = vector.broadcast %add3A_61 : f32 to vector<1024x40xf32>
    %add3A_63 = arith.addf %add3A_62, %mul3A_60 : vector<1024x40xf32>
    %mul3A_64 = arith.mulf %min3A, %add3A_63 : vector<1024x40xf32>
    %sign3A = tpu.bitcast %sub3A : vector<1024x40xf32> -> vector<1024x40xi32>
    %sign3A_65 = arith.constant -2147483648 : i32
    %sign3A_66 = vector.broadcast %sign3A_65 : i32 to vector<1024x40xi32>
    %sign3A_67 = arith.andi %sign3A, %sign3A_66 : vector<1024x40xi32>
    %sign3A_68 = arith.constant 1065353216 : i32
    %sign3A_69 = vector.broadcast %sign3A_68 : i32 to vector<1024x40xi32>
    %sign3A_70 = arith.ori %sign3A_69, %sign3A_67 : vector<1024x40xi32>
    %sign3A_71 = tpu.bitcast %sign3A_70 : vector<1024x40xi32> -> vector<1024x40xf32>
    %sign3A_72 = math.absf %sub3A : vector<1024x40xf32>
    %sign3A_73 = arith.constant 0.000000e+00 : f32
    %sign3A_74 = vector.broadcast %sign3A_73 : f32 to vector<1024x40xf32>
    %sign3A_75 = arith.cmpf ogt, %sign3A_72, %sign3A_74 : vector<1024x40xf32>
    %sign3A_76 = arith.select %sign3A_75, %sign3A_71, %sub3A : vector<1024x40xi1>, vector<1024x40xf32>
    %mul3A_77 = arith.mulf %sign3A_76, %mul3A_64 : vector<1024x40xf32>
    %convert_element_type3A_78 = arith.truncf %mul3A_77 : vector<1024x40xf32> to vector<1024x40xbf16>
    %get3A_79 = arith.constant 0 : index
    %get3A_80 = arith.constant 0 : index
    %get3A_81 = vector.load %arg7[%get3A_79, %get3A_80] : memref<40x768xbf16, #tpu.memory_space<vmem>>, vector<40x768xbf16>
    %dot_general3A_82 = arith.constant dense<0.000000e+00> : vector<1024x768xf32>
    %dot_general3A_83 = tpu.matmul %convert_element_type3A_78, %get3A_81, %dot_general3A_82 {dimension_numbers = #tpu.dot_dimension_numbers<[1], [0], [0], [1], [0, 0, 1, 1], [], []>, transpose_lhs_hint = false} : vector<1024x40xbf16>, vector<40x768xbf16>, vector<1024x768xf32> -> vector<1024x768xf32>
    %add3A_84 = arith.addf %dot_general3A_5, %dot_general3A_83 : vector<1024x768xf32>
    %tanh3A = math.tanh %add3A_84 : vector<1024x768xf32>
    %iota3A = tpu.iota {dimensions = array<i32: 1>} : vector<1x3xi32>
    %convert_element_type3A_85 = arith.sitofp %iota3A : vector<1x3xi32> to vector<1x3xf32>
    %eq3A_86 = vector.broadcast %get3A_22 : vector<1024x1xf32> to vector<1024x3xf32>
    %eq3A_87 = vector.broadcast %convert_element_type3A_85 : vector<1x3xf32> to vector<1024x3xf32>
    %eq3A_88 = arith.cmpf oeq, %eq3A_86, %eq3A_87 : vector<1024x3xf32>
    %jit3A_89 = arith.constant 1.000000e+00 : f32
    %jit3A_90 = arith.constant 0.000000e+00 : f32
    %broadcast_in_dim3A = vector.broadcast %jit3A_89 : f32 to vector<1024x3xf32>
    %broadcast_in_dim3A_91 = vector.broadcast %jit3A_90 : f32 to vector<1024x3xf32>
    %select_n3A_92 = arith.select %eq3A_88, %broadcast_in_dim3A, %broadcast_in_dim3A_91 : vector<1024x3xi1>, vector<1024x3xf32>
    %convert_element_type3A_93 = arith.truncf %select_n3A_92 : vector<1024x3xf32> to vector<1024x3xbf16>
    %get3A_94 = arith.constant 0 : index
    %get3A_95 = arith.constant 0 : index
    %get3A_96 = vector.load %arg10[%get3A_94, %get3A_95] : memref<3x768xbf16, #tpu.memory_space<vmem>>, vector<3x768xbf16>
    %dot_general3A_97 = arith.constant dense<0.000000e+00> : vector<1024x768xf32>
    %dot_general3A_98 = tpu.matmul %convert_element_type3A_93, %get3A_96, %dot_general3A_97 {dimension_numbers = #tpu.dot_dimension_numbers<[1], [0], [0], [1], [0, 0, 1, 1], [], []>, transpose_lhs_hint = false} : vector<1024x3xbf16>, vector<3x768xbf16>, vector<1024x768xf32> -> vector<1024x768xf32>
    %get3A_99 = arith.constant 0 : index
    %get3A_100 = arith.constant 0 : index
    %get3A_101 = vector.load %arg2[%get3A_99, %get3A_100] : memref<1024x768xf32, #tpu.memory_space<vmem>>, vector<1024x768xf32>
    %add3A_102 = arith.addf %tanh3A, %get3A_101 : vector<1024x768xf32>
    %add3A_103 = arith.addf %add3A_102, %get3A_19 : vector<1024x768xf32>
    %add3A_104 = arith.addf %add3A_103, %dot_general3A_98 : vector<1024x768xf32>
    %reduce_sum3A = arith.constant dense<0.000000e+00> : vector<1024xf32>
    %reduce_sum3A_105 = vector.multi_reduction <add>, %add3A_104, %reduce_sum3A [1] : vector<1024x768xf32> to vector<1024xf32>
    %broadcast_in_dim3A_106 = vector.shape_cast %reduce_sum3A_105 : vector<1024xf32> to vector<1024x1xf32>
    %div3A = arith.constant 7.680000e+02 : f32
    %div3A_107 = vector.broadcast %div3A : f32 to vector<1024x1xf32>
    %div3A_108 = arith.divf %broadcast_in_dim3A_106, %div3A_107 : vector<1024x1xf32>
    %sub3A_109 = vector.broadcast %div3A_108 : vector<1024x1xf32> to vector<1024x768xf32>
    %sub3A_110 = arith.subf %add3A_104, %sub3A_109 : vector<1024x768xf32>
    %mul3A_111 = arith.mulf %sub3A_110, %sub3A_110 : vector<1024x768xf32>
    %reduce_sum3A_112 = arith.constant dense<0.000000e+00> : vector<1024xf32>
    %reduce_sum3A_113 = vector.multi_reduction <add>, %mul3A_111, %reduce_sum3A_112 [1] : vector<1024x768xf32> to vector<1024xf32>
    %broadcast_in_dim3A_114 = vector.shape_cast %reduce_sum3A_113 : vector<1024xf32> to vector<1024x1xf32>
    %div3A_115 = arith.constant 7.680000e+02 : f32
    %div3A_116 = vector.broadcast %div3A_115 : f32 to vector<1024x1xf32>
    %div3A_117 = arith.divf %broadcast_in_dim3A_114, %div3A_116 : vector<1024x1xf32>
    %add3A_118 = arith.constant 9.99999996E-13 : f32
    %add3A_119 = vector.broadcast %add3A_118 : f32 to vector<1024x1xf32>
    %add3A_120 = arith.addf %div3A_117, %add3A_119 : vector<1024x1xf32>
    %rsqrt3A = math.rsqrt %add3A_120 : vector<1024x1xf32>
    %mul3A_121 = vector.broadcast %rsqrt3A : vector<1024x1xf32> to vector<1024x768xf32>
    %mul3A_122 = arith.mulf %sub3A_110, %mul3A_121 : vector<1024x768xf32>
    %get3A_123 = arith.constant 0 : index
    %get3A_124 = arith.constant 0 : index
    %get3A_125 = vector.load %arg11[%get3A_123, %get3A_124] : memref<1x768xf32, #tpu.memory_space<vmem>>, vector<1x768xf32>
    %mul3A_126 = vector.broadcast %get3A_125 : vector<1x768xf32> to vector<1024x768xf32>
    %mul3A_127 = arith.mulf %mul3A_122, %mul3A_126 : vector<1024x768xf32>
    %get3A_128 = arith.constant 0 : index
    %get3A_129 = arith.constant 0 : index
    %get3A_130 = vector.load %arg12[%get3A_128, %get3A_129] : memref<1x768xf32, #tpu.memory_space<vmem>>, vector<1x768xf32>
    %add3A_131 = vector.broadcast %get3A_130 : vector<1x768xf32> to vector<1024x768xf32>
    %add3A_132 = arith.addf %mul3A_127, %add3A_131 : vector<1024x768xf32>
    %swap3A = arith.constant 0 : index
    %swap3A_133 = arith.constant 0 : index
    %swap3A_134 = vector.load %arg14[%swap3A, %swap3A_133] : memref<1024x768xf32, #tpu.memory_space<vmem>>, vector<1024x768xf32>
    tpu.vector_store %arg14[%swap3A, %swap3A_133], %add3A_132 {strides = array<i32>} : memref<1024x768xf32, #tpu.memory_space<vmem>>, vector<1024x768xf32>,
    return
  }
  func.func @transform_0(%arg0: i32) -> (i32, i32) {
    %c0_i32 = arith.constant 0 : i32
    %c0_i32_0 = arith.constant 0 : i32
    return %arg0, %c0_i32 : i32, i32
  }
  func.func @transform_1(%arg0: i32) -> (i32, i32) {
    %c0_i32 = arith.constant 0 : i32
    %c0_i32_0 = arith.constant 0 : i32
    return %arg0, %c0_i32 : i32, i32
  }
  func.func @transform_2(%arg0: i32) -> (i32, i32) {
    %add3A = arith.constant 32 : i32
    %add3A_0 = arith.addi %add3A, %arg0 : i32
    %c0_i32 = arith.constant 0 : i32
    %c0_i32_1 = arith.constant 0 : i32
    return %add3A_0, %c0_i32 : i32, i32
  }
  func.func @transform_3(%arg0: i32) -> (i32, i32) {
    %add3A = arith.constant 32 : i32
    %add3A_0 = arith.addi %add3A, %arg0 : i32
    %c0_i32 = arith.constant 0 : i32
    %c0_i32_1 = arith.constant 0 : i32
    return %add3A_0, %c0_i32 : i32, i32
  }
  func.func @transform_4(%arg0: i32) -> (i32, i32) {
    %c0_i32 = arith.constant 0 : i32
    %c0_i32_0 = arith.constant 0 : i32
    %c0_i32_1 = arith.constant 0 : i32
    return %c0_i32, %c0_i32_0 : i32, i32
  }
  func.func @transform_5(%arg0: i32) -> (i32, i32) {
    %c0_i32 = arith.constant 0 : i32
    %c0_i32_0 = arith.constant 0 : i32
    %c0_i32_1 = arith.constant 0 : i32
    return %c0_i32, %c0_i32_0 : i32, i32
  }
  func.func @transform_6(%arg0: i32) -> (i32, i32) {
    %c0_i32 = arith.constant 0 : i32
    %c0_i32_0 = arith.constant 0 : i32
    %c0_i32_1 = arith.constant 0 : i32
    return %c0_i32, %c0_i32_0 : i32, i32
  }
  func.func @transform_7(%arg0: i32) -> (i32, i32) {
    %c0_i32 = arith.constant 0 : i32
    %c0_i32_0 = arith.constant 0 : i32
    %c0_i32_1 = arith.constant 0 : i32
    return %c0_i32, %c0_i32_0 : i32, i32
  }
  func.func @transform_8(%arg0: i32) -> (i32, i32) {
    %c0_i32 = arith.constant 0 : i32
    %c0_i32_0 = arith.constant 0 : i32
    %c0_i32_1 = arith.constant 0 : i32
    return %c0_i32, %c0_i32_0 : i32, i32
  }
  func.func @transform_9(%arg0: i32) -> (i32, i32) {
    %c0_i32 = arith.constant 0 : i32
    %c0_i32_0 = arith.constant 0 : i32
    %c0_i32_1 = arith.constant 0 : i32
    return %c0_i32, %c0_i32_0 : i32, i32
  }
  func.func @transform_10(%arg0: i32) -> (i32, i32) {
    %c0_i32 = arith.constant 0 : i32
    %c0_i32_0 = arith.constant 0 : i32
    %c0_i32_1 = arith.constant 0 : i32
    return %c0_i32, %c0_i32_0 : i32, i32
  }
  func.func @transform_11(%arg0: i32) -> (i32, i32) {
    %c0_i32 = arith.constant 0 : i32
    %c0_i32_0 = arith.constant 0 : i32
    %c0_i32_1 = arith.constant 0 : i32
    return %c0_i32, %c0_i32_0 : i32, i32
  }
  func.func @transform_13(%arg0: i32) -> (i32, i32) {
    %add3A = arith.constant 32 : i32
    %add3A_0 = arith.addi %add3A, %arg0 : i32
    %c0_i32 = arith.constant 0 : i32
    %c0_i32_1 = arith.constant 0 : i32
    return %add3A_0, %c0_i32 : i32, i32
  }
}

module attributes {stable_mosaic.version = 14 : i64} {
  func.func @_tc_body(%arg0: i32, %arg1: memref<1024x768xf32, #tpu.memory_space<vmem>>, %arg2: memref<1024x768xf32, #tpu.memory_space<vmem>>, %arg3: memref<1024x40xf32, #tpu.memory_space<vmem>>, %arg4: memref<1024x4xf32, #tpu.memory_space<vmem>>, %arg5: memref<2048x768xf32, #tpu.memory_space<vmem>>, %arg6: memref<768x768xbf16, #tpu.memory_space<vmem>>, %arg7: memref<40x768xbf16, #tpu.memory_space<vmem>>, %arg8: memref<1x40xf32, #tpu.memory_space<vmem>>, %arg9: memref<1x40xf32, #tpu.memory_space<vmem>>, %arg10: memref<3x768xbf16, #tpu.memory_space<vmem>>, %arg11: memref<1x768xf32, #tpu.memory_space<vmem>>, %arg12: memref<1x768xf32, #tpu.memory_space<vmem>>, %arg13: memref<65536x768xf32, #tpu.memory_space<any>>, %arg14: memref<1024x768xf32, #tpu.memory_space<vmem>>) attributes {dimension_semantics = [#tpu.dimension_semantics<arbitrary>], iteration_bounds = array<i64: 16>, scalar_prefetch = 0 : i64, scratch_operands = 0 : i64, tpu.core_type = #tpu.core_type<tc>, window_params = [{transform_indices = @transform_0, window_bounds = array<i64: 1024, 768>}, {transform_indices = @transform_1, window_bounds = array<i64: 1024, 768>}, {transform_indices = @transform_2, window_bounds = array<i64: 1024, 40>}, {transform_indices = @transform_3, window_bounds = array<i64: 1024, 4>}, {pipeline_mode = #tpu.pipeline_mode<synchronous>, transform_indices = @transform_4, window_bounds = array<i64: 2048, 768>}, {pipeline_mode = #tpu.pipeline_mode<synchronous>, transform_indices = @transform_5, window_bounds = array<i64: 768, 768>}, {pipeline_mode = #tpu.pipeline_mode<synchronous>, transform_indices = @transform_6, window_bounds = array<i64: 40, 768>}, {pipeline_mode = #tpu.pipeline_mode<synchronous>, transform_indices = @transform_7, window_bounds = array<i64: 1, 40>}, {pipeline_mode = #tpu.pipeline_mode<synchronous>, transform_indices = @transform_8, window_bounds = array<i64: 1, 40>}, {pipeline_mode = #tpu.pipeline_mode<synchronous>, transform_indices = @transform_9, window_bounds = array<i64: 3, 768>}, {pipeline_mode = #tpu.pipeline_mode<synchronous>, transform_indices = @transform_10, window_bounds = array<i64: 1, 768>}, {pipeline_mode = #tpu.pipeline_mode<synchronous>, transform_indices = @transform_11, window_bounds = array<i64: 1, 768>}, {}, {transform_indices = @transform_13, window_bounds = array<i64: 1024, 768>}]} {
    %get3A = arith.constant 0 : index
    %get3A_0 = arith.constant 0 : index
    %get3A_1 = vector.load %arg1[%get3A, %get3A_0] : memref<1024x768xf32, #tpu.memory_space<vmem>>, vector<1024x768xf32>
    %convert_element_type3A = arith.truncf %get3A_1 : vector<1024x768xf32> to vector<1024x768xbf16>
    %get3A_2 = arith.constant 0 : index
    %get3A_3 = arith.constant 0 : index
    %get3A_4 = vector.load %arg6[%get3A_2, %get3A_3] : memref<768x768xbf16, #tpu.memory_space<vmem>>, vector<768x768xbf16>
    %dot_general3A = arith.constant dense<0.000000e+00> : vector<1024x768xf32>
    %dot_general3A_5 = tpu.matmul %convert_element_type3A, %get3A_4, %dot_general3A {dimension_numbers = #tpu.dot_dimension_numbers<[1], [0], [0], [1], [0, 0, 1, 1], [], []>, transpose_lhs_hint = false} : vector<1024x768xbf16>, vector<768x768xbf16>, vector<1024x768xf32> -> vector<1024x768xf32>
    %add3A = arith.constant 48 : i32
    %add3A_6 = arith.addi %add3A, %arg0 : i32
    %jit3A = arith.constant 2 : i32
    %eq3A = arith.constant 0 : i32
    %eq3A_7 = arith.cmpi eq, %jit3A, %eq3A : i32
    %jit3A_8 = arith.constant 1 : i32
    %select_n3A = arith.select %eq3A_7, %jit3A_8, %jit3A : i32
    %rem3A = arith.remsi %add3A_6, %select_n3A : i32
    %ne3A = arith.constant 0 : i32
    %ne3A_9 = arith.cmpi ne, %rem3A, %ne3A : i32
    %lt3A = arith.constant 0 : i32
    %lt3A_10 = arith.cmpi slt, %rem3A, %lt3A : i32
    %lt3A_11 = arith.constant 0 : i32
    %lt3A_12 = arith.cmpi slt, %select_n3A, %lt3A_11 : i32
    %ne3A_13 = arith.xori %lt3A_10, %lt3A_12 : i1
    %and3A = arith.andi %ne3A_13, %ne3A_9 : i1
    %add3A_14 = arith.addi %rem3A, %select_n3A : i32
    %select_n3A_15 = arith.select %and3A, %add3A_14, %rem3A : i32
    %mul3A = arith.constant 1024 : i32
    %mul3A_16 = arith.muli %select_n3A_15, %mul3A : i32
    %get3A_17 = arith.index_cast %mul3A_16 : i32 to index
    %get3A_18 = arith.constant 0 : index
    %get3A_19 = vector.load %arg5[%get3A_17, %get3A_18] : memref<2048x768xf32, #tpu.memory_space<vmem>>, vector<1024x768xf32>
    %get3A_20 = arith.constant 0 : index
    %get3A_21 = arith.constant 2 : index
    %get3A_22 = vector.load %arg4[%get3A_20, %get3A_21] : memref<1024x4xf32, #tpu.memory_space<vmem>>, vector<1024x1xf32>
    %get3A_23 = arith.constant 0 : index
    %get3A_24 = arith.constant 0 : index
    %get3A_25 = vector.load %arg3[%get3A_23, %get3A_24] : memref<1024x40xf32, #tpu.memory_space<vmem>>, vector<1024x40xf32>
    %get3A_26 = arith.constant 0 : index
    %get3A_27 = arith.constant 0 : index
    %get3A_28 = vector.load %arg8[%get3A_26, %get3A_27] : memref<1x40xf32, #tpu.memory_space<vmem>>, vector<1x40xf32>
    %mul3A_29 = vector.broadcast %get3A_28 : vector<1x40xf32> to vector<1024x40xf32>
    %mul3A_30 = arith.mulf %get3A_25, %mul3A_29 : vector<1024x40xf32>
    %get3A_31 = arith.constant 0 : index
    %get3A_32 = arith.constant 0 : index
    %get3A_33 = vector.load %arg9[%get3A_31, %get3A_32] : memref<1x40xf32, #tpu.memory_space<vmem>>, vector<1x40xf32>
    %add3A_34 = vector.broadcast %get3A_33 : vector<1x40xf32> to vector<1024x40xf32>
    %add3A_35 = arith.addf %mul3A_30, %add3A_34 : vector<1024x40xf32>
    %mul3A_36 = arith.constant 0.159154937 : f32
    %mul3A_37 = vector.broadcast %mul3A_36 : f32 to vector<1024x40xf32>
    %mul3A_38 = arith.mulf %add3A_35, %mul3A_37 : vector<1024x40xf32>
    %round3A = math.roundeven %mul3A_38 : vector<1024x40xf32>
    %mul3A_39 = arith.constant 6.28318548 : f32
    %mul3A_40 = vector.broadcast %mul3A_39 : f32 to vector<1024x40xf32>
    %mul3A_41 = arith.mulf %round3A, %mul3A_40 : vector<1024x40xf32>
    %sub3A = arith.subf %add3A_35, %mul3A_41 : vector<1024x40xf32>
    %abs3A = math.absf %sub3A : vector<1024x40xf32>
    %sub3A_42 = arith.constant 3.14159274 : f32
    %sub3A_43 = vector.broadcast %sub3A_42 : f32 to vector<1024x40xf32>
    %sub3A_44 = arith.subf %sub3A_43, %abs3A : vector<1024x40xf32>
    %min3A = arith.minimumf %abs3A, %sub3A_44 : vector<1024x40xf32>
    %mul3A_45 = arith.mulf %min3A, %min3A : vector<1024x40xf32>
    %mul3A_46 = arith.constant 2.75573188E-6 : f32
    %mul3A_47 = vector.broadcast %mul3A_46 : f32 to vector<1024x40xf32>
    %mul3A_48 = arith.mulf %mul3A_45, %mul3A_47 : vector<1024x40xf32>
    %add3A_49 = arith.constant -1.98412701E-4 : f32
    %add3A_50 = vector.broadcast %add3A_49 : f32 to vector<1024x40xf32>
    %add3A_51 = arith.addf %add3A_50, %mul3A_48 : vector<1024x40xf32>
    %mul3A_52 = arith.mulf %mul3A_45, %add3A_51 : vector<1024x40xf32>
    %add3A_53 = arith.constant 0.00833333284 : f32
    %add3A_54 = vector.broadcast %add3A_53 : f32 to vector<1024x40xf32>
    %add3A_55 = arith.addf %add3A_54, %mul3A_52 : vector<1024x40xf32>
    %mul3A_56 = arith.mulf %mul3A_45, %add3A_55 : vector<1024x40xf32>
    %add3A_57 = arith.constant -0.166666672 : f32
    %add3A_58 = vector.broadcast %add3A_57 : f32 to vector<1024x40xf32>
    %add3A_59 = arith.addf %add3A_58, %mul3A_56 : vector<1024x40xf32>
    %mul3A_60 = arith.mulf %mul3A_45, %add3A_59 : vector<1024x40xf32>
    %add3A_61 = arith.constant 1.000000e+00 : f32
    %add3A_62 = vector.broadcast %add3A_61 : f32 to vector<1024x40xf32>
    %add3A_63 = arith.addf %add3A_62, %mul3A_60 : vector<1024x40xf32>
    %mul3A_64 = arith.mulf %min3A, %add3A_63 : vector<1024x40xf32>
    %sign3A = tpu.bitcast %sub3A : vector<1024x40xf32> -> vector<1024x40xi32>
    %sign3A_65 = arith.constant -2147483648 : i32
    %sign3A_66 = vector.broadcast %sign3A_65 : i32 to vector<1024x40xi32>
    %sign3A_67 = arith.andi %sign3A, %sign3A_66 : vector<1024x40xi32>
    %sign3A_68 = arith.constant 1065353216 : i32
    %sign3A_69 = vector.broadcast %sign3A_68 : i32 to vector<1024x40xi32>
    %sign3A_70 = arith.ori %sign3A_69, %sign3A_67 : vector<1024x40xi32>
    %sign3A_71 = tpu.bitcast %sign3A_70 : vector<1024x40xi32> -> vector<1024x40xf32>
    %sign3A_72 = math.absf %sub3A : vector<1024x40xf32>
    %sign3A_73 = arith.constant 0.000000e+00 : f32
    %sign3A_74 = vector.broadcast %sign3A_73 : f32 to vector<1024x40xf32>
    %sign3A_75 = arith.cmpf ogt, %sign3A_72, %sign3A_74 : vector<1024x40xf32>
    %sign3A_76 = arith.select %sign3A_75, %sign3A_71, %sub3A : vector<1024x40xi1>, vector<1024x40xf32>
    %mul3A_77 = arith.mulf %sign3A_76, %mul3A_64 : vector<1024x40xf32>
    %convert_element_type3A_78 = arith.truncf %mul3A_77 : vector<1024x40xf32> to vector<1024x40xbf16>
    %get3A_79 = arith.constant 0 : index
    %get3A_80 = arith.constant 0 : index
    %get3A_81 = vector.load %arg7[%get3A_79, %get3A_80] : memref<40x768xbf16, #tpu.memory_space<vmem>>, vector<40x768xbf16>
    %dot_general3A_82 = arith.constant dense<0.000000e+00> : vector<1024x768xf32>
    %dot_general3A_83 = tpu.matmul %convert_element_type3A_78, %get3A_81, %dot_general3A_82 {dimension_numbers = #tpu.dot_dimension_numbers<[1], [0], [0], [1], [0, 0, 1, 1], [], []>, transpose_lhs_hint = false} : vector<1024x40xbf16>, vector<40x768xbf16>, vector<1024x768xf32> -> vector<1024x768xf32>
    %add3A_84 = arith.addf %dot_general3A_5, %dot_general3A_83 : vector<1024x768xf32>
    %tanh3A = math.tanh %add3A_84 : vector<1024x768xf32>
    %iota3A = tpu.iota {dimensions = array<i32: 1>} : vector<1x3xi32>
    %convert_element_type3A_85 = arith.sitofp %iota3A : vector<1x3xi32> to vector<1x3xf32>
    %eq3A_86 = vector.broadcast %get3A_22 : vector<1024x1xf32> to vector<1024x3xf32>
    %eq3A_87 = vector.broadcast %convert_element_type3A_85 : vector<1x3xf32> to vector<1024x3xf32>
    %eq3A_88 = arith.cmpf oeq, %eq3A_86, %eq3A_87 : vector<1024x3xf32>
    %jit3A_89 = arith.constant 1.000000e+00 : f32
    %jit3A_90 = arith.constant 0.000000e+00 : f32
    %broadcast_in_dim3A = vector.broadcast %jit3A_89 : f32 to vector<1024x3xf32>
    %broadcast_in_dim3A_91 = vector.broadcast %jit3A_90 : f32 to vector<1024x3xf32>
    %select_n3A_92 = arith.select %eq3A_88, %broadcast_in_dim3A, %broadcast_in_dim3A_91 : vector<1024x3xi1>, vector<1024x3xf32>
    %convert_element_type3A_93 = arith.truncf %select_n3A_92 : vector<1024x3xf32> to vector<1024x3xbf16>
    %get3A_94 = arith.constant 0 : index
    %get3A_95 = arith.constant 0 : index
    %get3A_96 = vector.load %arg10[%get3A_94, %get3A_95] : memref<3x768xbf16, #tpu.memory_space<vmem>>, vector<3x768xbf16>
    %dot_general3A_97 = arith.constant dense<0.000000e+00> : vector<1024x768xf32>
    %dot_general3A_98 = tpu.matmul %convert_element_type3A_93, %get3A_96, %dot_general3A_97 {dimension_numbers = #tpu.dot_dimension_numbers<[1], [0], [0], [1], [0, 0, 1, 1], [], []>, transpose_lhs_hint = false} : vector<1024x3xbf16>, vector<3x768xbf16>, vector<1024x768xf32> -> vector<1024x768xf32>
    %get3A_99 = arith.constant 0 : index
    %get3A_100 = arith.constant 0 : index
    %get3A_101 = vector.load %arg2[%get3A_99, %get3A_100] : memref<1024x768xf32, #tpu.memory_space<vmem>>, vector<1024x768xf32>
    %add3A_102 = arith.addf %tanh3A, %get3A_101 : vector<1024x768xf32>
    %add3A_103 = arith.addf %add3A_102, %get3A_19 : vector<1024x768xf32>
    %add3A_104 = arith.addf %add3A_103, %dot_general3A_98 : vector<1024x768xf32>
    %reduce_sum3A = arith.constant dense<0.000000e+00> : vector<1024xf32>
    %reduce_sum3A_105 = vector.multi_reduction <add>, %add3A_104, %reduce_sum3A [1] : vector<1024x768xf32> to vector<1024xf32>
    %broadcast_in_dim3A_106 = vector.shape_cast %reduce_sum3A_105 : vector<1024xf32> to vector<1024x1xf32>
    %div3A = arith.constant 7.680000e+02 : f32
    %div3A_107 = vector.broadcast %div3A : f32 to vector<1024x1xf32>
    %div3A_108 = arith.divf %broadcast_in_dim3A_106, %div3A_107 : vector<1024x1xf32>
    %sub3A_109 = vector.broadcast %div3A_108 : vector<1024x1xf32> to vector<1024x768xf32>
    %sub3A_110 = arith.subf %add3A_104, %sub3A_109 : vector<1024x768xf32>
    %mul3A_111 = arith.mulf %sub3A_110, %sub3A_110 : vector<1024x768xf32>
    %reduce_sum3A_112 = arith.constant dense<0.000000e+00> : vector<1024xf32>
    %reduce_sum3A_113 = vector.multi_reduction <add>, %mul3A_111, %reduce_sum3A_112 [1] : vector<1024x768xf32> to vector<1024xf32>
    %broadcast_in_dim3A_114 = vector.shape_cast %reduce_sum3A_113 : vector<1024xf32> to vector<1024x1xf32>
    %div3A_115 = arith.constant 7.680000e+02 : f32
    %div3A_116 = vector.broadcast %div3A_115 : f32 to vector<1024x1xf32>
    %div3A_117 = arith.divf %broadcast_in_dim3A_114, %div3A_116 : vector<1024x1xf32>
    %add3A_118 = arith.constant 9.99999996E-13 : f32
    %add3A_119 = vector.broadcast %add3A_118 : f32 to vector<1024x1xf32>
    %add3A_120 = arith.addf %div3A_117, %add3A_119 : vector<1024x1xf32>
    %rsqrt3A = math.rsqrt %add3A_120 : vector<1024x1xf32>
    %mul3A_121 = vector.broadcast %rsqrt3A : vector<1024x1xf32> to vector<1024x768xf32>
    %mul3A_122 = arith.mulf %sub3A_110, %mul3A_121 : vector<1024x768xf32>
    %get3A_123 = arith.constant 0 : index
    %get3A_124 = arith.constant 0 : index
    %get3A_125 = vector.load %arg11[%get3A_123, %get3A_124] : memref<1x768xf32, #tpu.memory_space<vmem>>, vector<1x768xf32>
    %mul3A_126 = vector.broadcast %get3A_125 : vector<1x768xf32> to vector<1024x768xf32>
    %mul3A_127 = arith.mulf %mul3A_122, %mul3A_126 : vector<1024x768xf32>
    %get3A_128 = arith.constant 0 : index
    %get3A_129 = arith.constant 0 : index
    %get3A_130 = vector.load %arg12[%get3A_128, %get3A_129] : memref<1x768xf32, #tpu.memory_space<vmem>>, vector<1x768xf32>
    %add3A_131 = vector.broadcast %get3A_130 : vector<1x768xf32> to vector<1024x768xf32>
    %add3A_132 = arith.addf %mul3A_127, %add3A_131 : vector<1024x768xf32>
    %swap3A = arith.constant 0 : index
    %swap3A_133 = arith.constant 0 : index
    %swap3A_134 = vector.load %arg14[%swap3A, %swap3A_133] : memref<1024x768xf32, #tpu.memory_space<vmem>>, vector<1024x768xf32>
    tpu.vector_store %arg14[%swap3A, %swap3A_133], %add3A_132 {strides = array<i32>} : memref<1024x768xf32, #tpu.memory_space<vmem>>, vector<1024x768xf32>,
    return
  }
  func.func @transform_0(%arg0: i32) -> (i32, i32) {
    %c0_i32 = arith.constant 0 : i32
    %c0_i32_0 = arith.constant 0 : i32
    return %arg0, %c0_i32 : i32, i32
  }
  func.func @transform_1(%arg0: i32) -> (i32, i32) {
    %c0_i32 = arith.constant 0 : i32
    %c0_i32_0 = arith.constant 0 : i32
    return %arg0, %c0_i32 : i32, i32
  }
  func.func @transform_2(%arg0: i32) -> (i32, i32) {
    %add3A = arith.constant 48 : i32
    %add3A_0 = arith.addi %add3A, %arg0 : i32
    %c0_i32 = arith.constant 0 : i32
    %c0_i32_1 = arith.constant 0 : i32
    return %add3A_0, %c0_i32 : i32, i32
  }
  func.func @transform_3(%arg0: i32) -> (i32, i32) {
    %add3A = arith.constant 48 : i32
    %add3A_0 = arith.addi %add3A, %arg0 : i32
    %c0_i32 = arith.constant 0 : i32
    %c0_i32_1 = arith.constant 0 : i32
    return %add3A_0, %c0_i32 : i32, i32
  }
  func.func @transform_4(%arg0: i32) -> (i32, i32) {
    %c0_i32 = arith.constant 0 : i32
    %c0_i32_0 = arith.constant 0 : i32
    %c0_i32_1 = arith.constant 0 : i32
    return %c0_i32, %c0_i32_0 : i32, i32
  }
  func.func @transform_5(%arg0: i32) -> (i32, i32) {
    %c0_i32 = arith.constant 0 : i32
    %c0_i32_0 = arith.constant 0 : i32
    %c0_i32_1 = arith.constant 0 : i32
    return %c0_i32, %c0_i32_0 : i32, i32
  }
  func.func @transform_6(%arg0: i32) -> (i32, i32) {
    %c0_i32 = arith.constant 0 : i32
    %c0_i32_0 = arith.constant 0 : i32
    %c0_i32_1 = arith.constant 0 : i32
    return %c0_i32, %c0_i32_0 : i32, i32
  }
  func.func @transform_7(%arg0: i32) -> (i32, i32) {
    %c0_i32 = arith.constant 0 : i32
    %c0_i32_0 = arith.constant 0 : i32
    %c0_i32_1 = arith.constant 0 : i32
    return %c0_i32, %c0_i32_0 : i32, i32
  }
  func.func @transform_8(%arg0: i32) -> (i32, i32) {
    %c0_i32 = arith.constant 0 : i32
    %c0_i32_0 = arith.constant 0 : i32
    %c0_i32_1 = arith.constant 0 : i32
    return %c0_i32, %c0_i32_0 : i32, i32
  }
  func.func @transform_9(%arg0: i32) -> (i32, i32) {
    %c0_i32 = arith.constant 0 : i32
    %c0_i32_0 = arith.constant 0 : i32
    %c0_i32_1 = arith.constant 0 : i32
    return %c0_i32, %c0_i32_0 : i32, i32
  }
  func.func @transform_10(%arg0: i32) -> (i32, i32) {
    %c0_i32 = arith.constant 0 : i32
    %c0_i32_0 = arith.constant 0 : i32
    %c0_i32_1 = arith.constant 0 : i32
    return %c0_i32, %c0_i32_0 : i32, i32
  }
  func.func @transform_11(%arg0: i32) -> (i32, i32) {
    %c0_i32 = arith.constant 0 : i32
    %c0_i32_0 = arith.constant 0 : i32
    %c0_i32_1 = arith.constant 0 : i32
    return %c0_i32, %c0_i32_0 : i32, i32
  }
  func.func @transform_13(%arg0: i32) -> (i32, i32) {
    %add3A = arith.constant 48 : i32
    %add3A_0 = arith.addi %add3A, %arg0 : i32
    %c0_i32 = arith.constant 0 : i32
    %c0_i32_1 = arith.constant 0 : i32
    return %add3A_0, %c0_i32 : i32, i32
  }
}

</mosaic_0001>

<sc_bundles>
// kernel: kernel.12.cloned.1.call-start
scs
__scs_entry_jumppad:
0x0: {  	(pc) =	sbr.rel $0x88, $3  }
0x1: {  	(tag) =	ssettag $0x0;
	lr =	simm.s32 $0x1  }
0x2: {  	[smem:$0x3F8F] =	sst lr;
	_ =	strace $0xD0000000  }
0x3: {  	_ = 	snop  }
0x4: {  	_ = 	snop  }
0x5: {  	_ = 	snop  }
0x6: {  	_ = 	snop  }
0x7: {  	_ = 	snop  }
__scs_overlays_trampoline_lowered:
0x8: {  	[smem:$0x3F9E] =	sst s0  }
0x9: {  	[smem:$0x3F9F] =	sst s1  }
0xa: {  	[smem:$0x3FA0] =	sst s2  }
0xb: {  	[smem:$0x3FA1] =	sst s3  }
0xc: {  	[smem:$0x3FA2] =	sst s4  }
0xd: {  	[smem:$0x3FA3] =	sst s5  }
0xe: {  	[smem:$0x3FA4] =	sst s6  }
0xf: {  	[smem:$0x3FA5] =	sst s7  }
0x10: {  	[smem:$0x3FA6] =	sst s8  }
0x11: {  	[smem:$0x3FA7] =	sst s9;
	s0 =	simm.s32 @!p0 $0x0  }
0x12: {  	s1 =	sld [smem:$0x3F8D];
	s0 =	simm.s32 @p0 $0x1  }
0x13: {  	[smem:$0x3FA8] =	sst s0;
	s0 =	simm.s32 @!p1 $0x0  }
0x14: {  	s2 =	sld [smem:$0x3F8C];
	s0 =	simm.s32 @p1 $0x1  }
0x15: {  	[smem:$0x3FA9] =	sst s0;
	s0 =	simm.s32 @!p2 $0x0  }
0x16: {  	s3 =	sld [smem:$0x3FDB];
	s0 =	simm.s32 @p2 $0x1  }
0x17: {  	s4 =	simm.s32 $0x1BF5;
	[smem:$0x3FAB] =	sst s0  }
0x18: {  	s0 =	sld [smem:$0x3F8E];
	_ =	swait.ge [sflag:s4], $0x0  }
0x19: {  	s7 =	sld [smem:$0x3F8F]  }
0x1a: {  	s8 =	sadd.s32 $0xFFFFE003, lr  }
0x1b: {  	s9 =	sadd.s32 $0xFFFFFEF7, lr;
	s5 =	simm.s32 $0xFFFFFFFF;
	p2 =	slt.u32 s8, $0xFFFFF086  }
0x1c: {  	p1 =	slt.u32 s9, $0xF7A;
	s5 =	simm.s32 @!p2 $0x0  }
0x1d: {  	s5 =	simm.s32 @p1 $0x1;
	p0 =	seq.s32 s7, s2  }
0x1e: {  	s7 =	smul.u32 @!p0 $0xF7A, s2;
	p2 =	seq.s32 @!p0 s5, $0x0  }
0x1f: {  	s9 =	smul.u32 $0xF7A, s1;
	s8 =	simm.s32 @!p0 $0x1BF5;
	p2 =	por !p2, p0  }
0x20: {  	[sflag:s8] =	ssyncset.s32 @!p0 $0xFFFFF086;
	s6 =	sadd.s32 @!p0 s3, s7;
	s7 =	simm.s32 @!p0 $0x108  }
0x21: {  	s3 =	sadd.s32 s3, s9;
	s6 =	sadd.s32 @!p0 $0x88, s6;
	s7 =	simm.s32 @p2 $0x1082  }
0x22: {  	[simem:s7], [sflag:s8] =	dma.local @!p0 [hbm:s6], $0xF7A  }
0x23: {  	s9 =	sor.u32 $0xD0000000, s2;
	s6 =	simm.s32 $0x108;
	_ =	swait.ge @!p0 [sflag:s8], $0x0  }
0x24: {  	s3 =	sadd.s32 $0x88, s3;
	s6 =	simm.s32 @!p1 $0x1082;
	[sflag:s4] =	ssyncset.s32 $0xFFFFF086  }
0x25: {  	[simem:s6], [sflag:s4] =	dma.local [hbm:s3], $0xF7A  }
0x26: {  	[smem:$0x3F8F] =	sst s1;
	(tag) =	ssettag s2;
	_ =	strace s9  }
0x27: {  	s1 =	sld [smem:$0x3F9F]  }
0x28: {  	s2 =	sld [smem:$0x3FA0]  }
0x29: {  	s4 =	sld [smem:$0x3FA2]  }
0x2a: {  	p0 =	seq.s32 s5, $0x0;
	s5 =	sld [smem:$0x3FA3]  }
0x2b: {  	s6 =	sld [smem:$0x3FA4]  }
0x2c: {  	s7 =	sld [smem:$0x3FA5]  }
0x2d: {  	s3 =	simm.s32 $0x108;
	s8 =	sld [smem:$0x3FA6]  }
0x2e: {  	s3 =	simm.s32 @!p0 $0x1082;
	s9 =	sld [smem:$0x3FA7]  }
0x2f: {  	lr =	sadd.s32 s0, s3;
	s0 =	sld [smem:$0x3F9E]  }
0x30: {  	s3 =	sld [smem:$0x3FA1]  }
0x31: {  	[smem:$0x3FAA] =	sst s10  }
0x32: {  	s10 =	sld [smem:$0x3FA8];
	_ =	sdelay $0x3  }
0x33: {  	p0 =	seq.s32 s10, $0x1;
	s10 =	sld [smem:$0x3FAA];
	_ =	sdelay $0x3  }
0x34: {  	[smem:$0x3FAA] =	sst s10  }
0x35: {  	s10 =	sld [smem:$0x3FA9];
	_ =	sdelay $0x3  }
0x36: {  	p1 =	seq.s32 s10, $0x1;
	s10 =	sld [smem:$0x3FAA];
	_ =	sdelay $0x3  }
0x37: {  	[smem:$0x3FAA] =	sst s10  }
0x38: {  	s10 =	sld [smem:$0x3FAB]  }
0x39: {  	_ = 	snop;
	(pc) =	sbr.ind lr, $3  }
0x3a: {  	_ = 	snop  }
0x3b: {  	_ = 	snop  }
0x3c: {  	p2 =	seq.s32 s10, $0x1;
	s10 =	sld [smem:$0x3FAA]  }
0x3d: {  	_ =	shalt  }
0x3e: {  	_ =	shalt  }
0x3f: {  	_ =	shalt  }
0x40: {  	_ =	shalt  }
0x41: {  	_ =	shalt  }
0x42: {  	_ =	shalt  }
0x43: {  	_ =	shalt  }
0x44: {  	_ =	shalt  }
0x45: {  	_ =	shalt  }
0x46: {  	_ =	shalt  }
0x47: {  	_ =	shalt  }
0x48: {  	_ =	shalt  }
0x49: {  	_ =	shalt  }
0x4a: {  	_ =	shalt  }
0x4b: {  	_ =	shalt  }
0x4c: {  	_ =	shalt  }
0x4d: {  	_ =	shalt  }
0x4e: {  	_ =	shalt  }
0x4f: {  	_ =	shalt  }
0x50: {  	_ =	shalt  }
0x51: {  	_ =	shalt  }
0x52: {  	_ =	shalt  }
0x53: {  	_ =	shalt  }
0x54: {  	_ =	shalt  }
0x55: {  	_ =	shalt  }
0x56: {  	_ =	shalt  }
0x57: {  	_ =	shalt  }
0x58: {  	_ =	shalt  }
0x59: {  	_ =	shalt  }
0x5a: {  	_ =	shalt  }
0x5b: {  	_ =	shalt  }
0x5c: {  	_ =	shalt  }
0x5d: {  	_ =	shalt  }
0x5e: {  	_ =	shalt  }
0x5f: {  	_ =	shalt  }
0x60: {  	_ =	shalt  }
0x61: {  	_ =	shalt  }
0x62: {  	_ =	shalt  }
0x63: {  	_ =	shalt  }
0x64: {  	_ =	shalt  }
0x65: {  	_ =	shalt  }
0x66: {  	_ =	shalt  }
0x67: {  	_ =	shalt  }
0x68: {  	_ =	shalt  }
0x69: {  	_ =	shalt  }
0x6a: {  	_ =	shalt  }
0x6b: {  	_ =	shalt  }
0x6c: {  	_ =	shalt  }
0x6d: {  	_ =	shalt  }
0x6e: {  	_ =	shalt  }
0x6f: {  	_ =	shalt  }
0x70: {  	_ =	shalt  }
0x71: {  	_ =	shalt  }
0x72: {  	_ =	shalt  }
0x73: {  	_ =	shalt  }
0x74: {  	_ =	shalt  }
0x75: {  	_ =	shalt  }
0x76: {  	_ =	shalt  }
0x77: {  	_ =	shalt  }
0x78: {  	_ =	shalt  }
0x79: {  	_ =	shalt  }
0x7a: {  	_ =	shalt  }
0x7b: {  	_ =	shalt  }
0x7c: {  	_ =	shalt  }
0x7d: {  	_ =	shalt  }
0x7e: {  	_ =	shalt  }
0x7f: {  	_ =	shalt  }
0x80: {  	_ =	shalt  }
0x81: {  	_ =	shalt  }
0x82: {  	_ =	shalt  }
0x83: {  	_ =	shalt  }
0x84: {  	_ =	shalt  }
0x85: {  	_ =	shalt  }
0x86: {  	_ =	shalt  }
0x87: {  	_ =	shalt  }
.Lfunc_end0:
.L_simem_size_0:
called_computation_lowered:
.L_overlay_start_0:
0x88: {  	s2 =	sld [smem:$0x3FD9]  }
0x89: {  	s3 =	sld [smem:$0x3FFE];
	_ =	sdelay $0x1  }
0x8a: {  	s1 =	srdreg.scid  }
0x8b: {  	s0 =	sand.u32 $0x1, s1  }
0x8c: {  	s17 =	sshll.u32 s0, $0xA;
	s2 =	sadd.s32 s3, s2  }
0x8d: {  	s2 =	sadd.s32 s2, s17  }
0x8e: {  	[smem:$0x3FB6] =	sst s2  }
0x8f: {  	_ = 	snop  }
0x90: {  	s2 =	sld [smem:$0x3FC4]  }
0x91: {  	s18 =	sld [smem:$0x3FC1];
	(tm) =	ssettm $0x1  }
0x92: {  	s4 =	sld [smem:$0x3FFB];
	_ =	sdelay $0x3  }
0x93: {  	_ =	strace s4  }
0x94: {  	s4 =	sld [smem:$0x3FFC];
	_ =	sdelay $0x3  }
0x95: {  	_ =	strace s4  }
0x96: {  	s4 =	sld [smem:$0x3FFD];
	_ =	sdelay $0x3  }
0x97: {  	_ =	strace s4  }
0x98: {  	_ =	strace $0x8FFFFFFF  }
0x99: {  	s19 =	sld [smem:$0x3FDB];
	_ =	sdelay $0x1  }
0x9a: {  	s5 =	simm.s32 $_scs_section_size  }
0x9b: {  	s6 =	simm.s32 $_size__tile_overlayer_lowered;
	s7 =	simm.s32 $_tile_overlayer_lowered  }
0x9c: {  	s22 =	simm.s32 $0x1BFF;
	s21 =	sshll.u32 s7, $0x1;
	s4 =	sadd.s32 s5, s19  }
0x9d: {  	s8 =	simm.s32 $0x0;
	s20 =	sshll.u32 s6, $0x1;
	s6 =	sadd.s32 s21, s4  }
0x9e: {  	[timem:s8], [sflag:s22] =	dma.local [hbm:s6], s20  }
0x9f: {  	_ =	swait.ge [sflag:s22], s20  }
0xa0: {  	s5 =	ssub.s32 $0x0, s20;
	[sflag:s22] =	ssyncset.done $0x0  }
0xa1: {  	[sflag:s22] =	ssyncadd.s32 s5;
	_ =	sdelay $0x1  }
0xa2: {  	s23 =	simm.s32 $0x1B8B  }
0xa3: {  	_ =	swait.ge [sflag:s23], $0x1  }
0xa4: {  	[sflag:s23] =	ssyncset.done $0x0  }
0xa5: {  	s25 =	simm.s32 $0x1B8E;
	s24 =	sld [smem:$0x3FFE];
	[sflag:s23] =	ssyncadd.s32 $0xFFFFFFFF  }
0xa6: {  	s26 =	simm.s32 $execute0_lowered;
	[smem:$0x3FD2] =	sst s25  }
0xa7: {  	s6 =	sshll.u32 s26, $0x1;
	_ =	strace $0x80000046;
	[dreg:$0x1] =	wrdreg $0xFFFFFFFF  }
0xa8: {  	s28 =	simm.s32 $_size_execute0_lowered;
	s4 =	sadd.s32 s4, s6;
	[dreg:$0x0] =	wrdreg $0x0  }
0xa9: {  	s6 =	sshll.u32 s28, $0x1;
	[dreg:$0x2] =	wrdreg s4  }
0xaa: {  	[dreg:$0x3] =	wrdreg s6  }
0xab: {  	[dreg:$0x4] =	wrdreg $0xC0  }
0xac: {  	_ =	task [dreg:s8], $0x5FFFF  }
0xad: {  	[dreg:$0x1] =	wrdreg $0xFFFFFFFF  }
0xae: {  	[dreg:$0x0] =	wrdreg $0x60  }
0xaf: {  	[dreg:$0x2] =	wrdreg s2  }
0xb0: {  	[dreg:$0x3] =	wrdreg s24  }
0xb1: {  	[dreg:$0x4] =	wrdreg s18  }
0xb2: {  	[dreg:$0x5] =	wrdreg $0x9  }
0xb3: {  	_ =	task.clear_ibuf [dreg:s8], $0x6FFFF;
	_ =	strace $0x90000046  }
0xb4: {  	s29 =	simm.s32 $0x9;
	_ =	strace $0x80000048  }
0xb5: {  	_ =	swait.ge [sflag:s29], $0x1  }
0xb6: {  	[sflag:s29] =	ssyncadd.s32 $0xFFFFFFFF  }
0xb7: {  	_ =	strace $0x90000048  }
0xb8: {  	_ =	sfence  }
0xb9: {  	s30 =	sld [smem:$0x0];
	_ =	sdelay $0x2  }
0xba: {  	s31 =	sshll.u32 s1, $0xD;
	s1 =	sshrl.u32 s1, $0x2  }
0xbb: {  	s3 =	sand.u32 $0x4000, s31;
	s1 =	sadd.s32 s1, s30  }
0xbc: {  	s0 =	sor.u32 s3, s0;
	s1 =	sshll.u32 s1, $0x11  }
0xbd: {  	s0 =	sor.u32 s1, s0  }
0xbe: {  	s0 =	sadd.s32 $0x8F2B, s0  }
0xbf: {  	[sflag:s0] =	ssyncadd.remote.s32 $0x1  }
0xc0: {  	_ =	sfence.sel $0xFFFF  }
0xc1: {  	[dreg:$0x0] =	wrdreg $0xFFFFFFFF;
	(pc) =	sbr.abs _section_cstart, $3  }
0xc2: {  	[dreg:$0x1] =	wrdreg $0xFFFFFFFF  }
0xc3: {  	_ =	task.clear_ibuf [dreg:s8], $0x2FFFF;
	_ =	strace $0x9FFFFFFF  }
0xc4: {  	(tm) =	ssettm $0x7FFFFFFF  }
0xc5: {  	_ =	shalt  }
tec
execute0_lowered:
.L_overlay_start_1:
0x0: {  	(tag) =	ssettag $0x1  }
0x1: {  	s1 =	rddreg [dreg:$0x0]  }
0x2: {  	s0 =	srdreg.scid;
	s2 =	rddreg [dreg:$0x1]  }
0x3: {  	s4 =	stileid.u32;
	s3 =	rddreg [dreg:$0x2];
	s15 =	simm.s32 $0x3  }
0x4: {  	s16 =	simm.s32 $0x100;
	s21 =	simm.s32 $0xC100;
	s11 =	simm.s32 $0x12900  }
0x5: {  	s14 =	simm.s32 $0x13100;
	s17 =	simm.s32 $0x13900;
	s18 =	simm.s32 $0x14100  }
0x6: {  	s19 =	simm.s32 $0x14900;
	s20 =	simm.s32 $0x15100;
	s22 =	simm.s32 $0x15900  }
0x7: {  	s23 =	simm.s32 $0x16100;
	s24 =	simm.s32 $0x16900;
	s25 =	simm.s32 $0x17100  }
0x8: {  	s28 =	simm.s32 $0x1;
	s29 =	simm.s32 $0x4;
	s30 =	simm.s32 $0x2  }
0x9: {  	s0 =	sand.u32 $0x1, s0;
	s5 =	sshll.u32 s4, $0x9;
	s4 =	simm.s32 $0x0  }
0xa: {  	s7 =	sadd.s32 $0xC9400, s2;
	s10 =	sadd.s32 $0x200, s1;
	s12 =	sadd.s32 $0x100, s3  }
0xb: {  	s13 =	sadd.s32 $0x200, s3;
	s6 =	sshll.u32 s0, $0x8;
	s0 =	ssub.s32 $0x2, s0  }
0xc: {  	[smem:$0x7FF] =	sst s4;
	s5 =	sor.u32 s6, s5;
	s9 =	sshrl.u32 s0, $0x1  }
.Ltmp0:
0xd: {  	s6 =	sshrl.u32 s5, $0x3;
	s0 =	ssub.s32 s0, s9;
	(pc) =	sbr.rel .LBB2_1-.Ltmp0, $4  }
0xe: {  	_ =	strace $0x80000047;
	s8 =	sadd.s32 s6, s2;
	s0 =	smax.u32 s0, $0x1  }
0xf: {  	v2 =	vlaneseq.u32;
	s9 =	sadd.s32 $0x100, s1;
	s26 =	sadd.s32 $0x5400, s8;
	[dreg:$0x6] =	wrdreg s0  }
0x10: {  	vm0 =	vmmov $0xffff;
	v1 =	vshrl.u32 v2, $0x3;
	s6 =	sadd.s32 $0x9400, s2;
	s31 =	sadd.s32 $0x7400, s8;
	[dreg:$0x4] =	wrdreg s26  }
0x11: {  	v0 =	vand.u32 $0x7, v2;
	v2 =	vor.u32 $0x8, v2;
	v1 =	vmul.u32 $0x8, v1;
	s2 =	simm.s32 $0x0;
	[dreg:$0x5] =	wrdreg s31;
	s26 =	simm.s32 $0x17900  }
.LBB2_9:
0x12: {  	s2 =	rddreg [dreg:$0x7]  }
0x13: {  	s0 =	rddreg [dreg:$0x6];
	s2 =	sadd.s32 $0x1, s2  }
0x14: {  	p0 =	sne.s32 s2, s0  }
.Ltmp1:
0x15: {  	_ = 	snop;
	(pc) =	sbr.rel @!p0 .LBB2_10-.Ltmp1, $1  }
0x16: {  	_ =	sdelay $0x3  }
.LBB2_1:
0x17: {  	[dreg:$0x7] =	wrdreg s2  }
0x18: {  	s0 =	rddreg [dreg:$0x4]  }
0x19: {  	[tilespmem:s4], [sflag:$0x3] =	stream.linear.gather [hbm4b:s0+s4], $0x100, $0x38;
	[tilespmem:$0x18100] =	vst v63  }
0x1a: {  	_ =	swait.ge [sflag:s15], $0x100  }
0x1b: {  	[sflag:s15] =	ssyncset.done $0x0  }
0x1c: {  	[sflag:s15] =	ssyncadd.s32 $0xFFFFFF00  }
0x1d: {  	v3 =	vld [tilespmem:$0x0];
	_ =	sdelay $0x4  }
0x1e: {  	v4 =	vshrl.u32 v3, $0x3  }
0x1f: {  	v4 =	vmul.u32 $0x30, v4  }
0x20: {  	v3 =	vand.u32 $0x7, v3  }
0x21: {  	v3 =	vor.u32 v3, v4  }
0x22: {  	v4 =	vperm.xlane v3, v0;
	_ =	sdelay $0x1  }
0x23: {  	v4 =	vadd.s32 v1, v4;
	_ =	sdelay $0x3  }
0x24: {  	v3 =	vperm.xlane v3, v2  }
0x25: {  	[tilespmem:s16], [sflag:$0x1] =	stream.indirect_vreg.gather [hbm4b:s1+s4], $0x80, v4, vm0, $0xb8;
	[tilespmem:$0x18100] =	vst v63  }
0x26: {  	s8 =	simm.s32 $0x900;
	v3 =	vadd.s32 v1, v3  }
0x27: {  	[tilespmem:s8], [sflag:$0x1] =	stream.indirect_vreg.gather [hbm4b:s9+s4], $0x80, v4, vm0, $0xb8;
	[tilespmem:$0x18100] =	vst v63  }
0x28: {  	s31 =	simm.s32 $0x1100  }
0x29: {  	[tilespmem:s31], [sflag:$0x1] =	stream.indirect_vreg.gather [hbm4b:s10+s4], $0x80, v4, vm0, $0xb8;
	[tilespmem:$0x18100] =	vst v63  }
0x2a: {  	s2 =	simm.s32 $0x1900  }
0x2b: {  	[tilespmem:s2], [sflag:$0x1] =	stream.indirect_vreg.gather [hbm4b:s1+s4], $0x80, v3, vm0, $0xb8;
	[tilespmem:$0x18100] =	vst v63  }
0x2c: {  	s8 =	simm.s32 $0x2100  }
0x2d: {  	[tilespmem:s8], [sflag:$0x1] =	stream.indirect_vreg.gather [hbm4b:s9+s4], $0x80, v3, vm0, $0xb8;
	[tilespmem:$0x18100] =	vst v63  }
0x2e: {  	s31 =	simm.s32 $0x2900  }
0x2f: {  	[tilespmem:s31], [sflag:$0x1] =	stream.indirect_vreg.gather [hbm4b:s10+s4], $0x80, v3, vm0, $0xb8;
	[tilespmem:$0x18100] =	vst v63  }
0x30: {  	v3 =	vld [tilespmem:$0x10];
	_ =	sdelay $0x4  }
0x31: {  	v61 =	vshrl.u32 v3, $0x3  }
0x32: {  	v4 =	vmul.u32 $0x30, v61  }
0x33: {  	v3 =	vand.u32 $0x7, v3  }
0x34: {  	v3 =	vor.u32 v3, v4  }
0x35: {  	v4 =	vperm.xlane v3, v0;
	_ =	sdelay $0x1  }
0x36: {  	v4 =	vadd.s32 v1, v4;
	_ =	sdelay $0x3  }
0x37: {  	s2 =	simm.s32 $0x3100;
	v3 =	vperm.xlane v3, v2  }
0x38: {  	[tilespmem:s2], [sflag:$0x1] =	stream.indirect_vreg.gather [hbm4b:s1+s4], $0x80, v4, vm0, $0xb8;
	[tilespmem:$0x18100] =	vst v63  }
0x39: {  	s8 =	simm.s32 $0x3900;
	v3 =	vadd.s32 v1, v3  }
0x3a: {  	[tilespmem:s8], [sflag:$0x1] =	stream.indirect_vreg.gather [hbm4b:s9+s4], $0x80, v4, vm0, $0xb8;
	[tilespmem:$0x18100] =	vst v63  }
0x3b: {  	s31 =	simm.s32 $0x4100  }
0x3c: {  	[tilespmem:s31], [sflag:$0x1] =	stream.indirect_vreg.gather [hbm4b:s10+s4], $0x80, v4, vm0, $0xb8;
	[tilespmem:$0x18100] =	vst v63  }
0x3d: {  	s2 =	simm.s32 $0x4900  }
0x3e: {  	[tilespmem:s2], [sflag:$0x1] =	stream.indirect_vreg.gather [hbm4b:s1+s4], $0x80, v3, vm0, $0xb8;
	[tilespmem:$0x18100] =	vst v63  }
0x3f: {  	s8 =	simm.s32 $0x5100  }
0x40: {  	[tilespmem:s8], [sflag:$0x1] =	stream.indirect_vreg.gather [hbm4b:s9+s4], $0x80, v3, vm0, $0xb8;
	[tilespmem:$0x18100] =	vst v63  }
0x41: {  	s31 =	simm.s32 $0x5900  }
0x42: {  	[tilespmem:s31], [sflag:$0x1] =	stream.indirect_vreg.gather [hbm4b:s10+s4], $0x80, v3, vm0, $0xb8;
	[tilespmem:$0x18100] =	vst v63  }
0x43: {  	v3 =	vld [tilespmem:$0x20];
	_ =	sdelay $0x4  }
0x44: {  	v62 =	vshrl.u32 v3, $0x3  }
0x45: {  	v4 =	vmul.u32 $0x30, v62  }
0x46: {  	v3 =	vand.u32 $0x7, v3  }
0x47: {  	v3 =	vor.u32 v3, v4  }
0x48: {  	v4 =	vperm.xlane v3, v0;
	_ =	sdelay $0x1  }
0x49: {  	v4 =	vadd.s32 v1, v4;
	_ =	sdelay $0x3  }
0x4a: {  	s2 =	simm.s32 $0x6100;
	v3 =	vperm.xlane v3, v2  }
0x4b: {  	[tilespmem:s2], [sflag:$0x1] =	stream.indirect_vreg.gather [hbm4b:s1+s4], $0x80, v4, vm0, $0xb8;
	[tilespmem:$0x18100] =	vst v63  }
0x4c: {  	s8 =	simm.s32 $0x6900;
	v3 =	vadd.s32 v1, v3  }
0x4d: {  	[tilespmem:s8], [sflag:$0x1] =	stream.indirect_vreg.gather [hbm4b:s9+s4], $0x80, v4, vm0, $0xb8;
	[tilespmem:$0x18100] =	vst v63  }
0x4e: {  	s31 =	simm.s32 $0x7100  }
0x4f: {  	[tilespmem:s31], [sflag:$0x1] =	stream.indirect_vreg.gather [hbm4b:s10+s4], $0x80, v4, vm0, $0xb8;
	[tilespmem:$0x18100] =	vst v63  }
0x50: {  	s2 =	simm.s32 $0x7900  }
0x51: {  	[tilespmem:s2], [sflag:$0x1] =	stream.indirect_vreg.gather [hbm4b:s1+s4], $0x80, v3, vm0, $0xb8;
	[tilespmem:$0x18100] =	vst v63  }
0x52: {  	s8 =	simm.s32 $0x8100  }
0x53: {  	[tilespmem:s8], [sflag:$0x1] =	stream.indirect_vreg.gather [hbm4b:s9+s4], $0x80, v3, vm0, $0xb8;
	[tilespmem:$0x18100] =	vst v63  }
0x54: {  	s31 =	simm.s32 $0x8900  }
0x55: {  	[tilespmem:s31], [sflag:$0x1] =	stream.indirect_vreg.gather [hbm4b:s10+s4], $0x80, v3, vm0, $0xb8;
	[tilespmem:$0x18100] =	vst v63  }
0x56: {  	v3 =	vld [tilespmem:$0x30];
	_ =	sdelay $0x4  }
0x57: {  	v63 =	vshrl.u32 v3, $0x3  }
0x58: {  	v4 =	vmul.u32 $0x30, v63  }
0x59: {  	v3 =	vand.u32 $0x7, v3  }
0x5a: {  	v3 =	vor.u32 v3, v4  }
0x5b: {  	v4 =	vperm.xlane v3, v0;
	_ =	sdelay $0x1  }
0x5c: {  	v4 =	vadd.s32 v1, v4;
	_ =	sdelay $0x3  }
0x5d: {  	s2 =	simm.s32 $0x9100;
	v3 =	vperm.xlane v3, v2  }
0x5e: {  	[tilespmem:s2], [sflag:$0x1] =	stream.indirect_vreg.gather [hbm4b:s1+s4], $0x80, v4, vm0, $0xb8;
	[tilespmem:$0x18100] =	vst v63  }
0x5f: {  	s8 =	simm.s32 $0x9900;
	v3 =	vadd.s32 v1, v3  }
0x60: {  	[tilespmem:s8], [sflag:$0x1] =	stream.indirect_vreg.gather [hbm4b:s9+s4], $0x80, v4, vm0, $0xb8;
	[tilespmem:$0x18100] =	vst v63  }
0x61: {  	s31 =	simm.s32 $0xA100  }
0x62: {  	[tilespmem:s31], [sflag:$0x1] =	stream.indirect_vreg.gather [hbm4b:s10+s4], $0x80, v4, vm0, $0xb8;
	[tilespmem:$0x18100] =	vst v63  }
0x63: {  	s2 =	simm.s32 $0xA900  }
0x64: {  	[tilespmem:s2], [sflag:$0x1] =	stream.indirect_vreg.gather [hbm4b:s1+s4], $0x80, v3, vm0, $0xb8;
	[tilespmem:$0x18100] =	vst v63  }
.Ltmp2:
0x65: {  	_ = 	snop;
	(pc) =	sbr.rel .LBB2_2-.Ltmp2, $4  }
0x66: {  	s8 =	simm.s32 $0xB100  }
0x67: {  	[tilespmem:s8], [sflag:$0x1] =	stream.indirect_vreg.gather [hbm4b:s9+s4], $0x80, v3, vm0, $0xb8;
	[tilespmem:$0x18100] =	vst v63  }
0x68: {  	p1 =	por $0x1, $0x1;
	s31 =	simm.s32 $0xB900;
	s2 =	simm.s32 $0x0  }
0x69: {  	[tilespmem:s31], [sflag:$0x1] =	stream.indirect_vreg.gather [hbm4b:s10+s4], $0x80, v3, vm0, $0xb8;
	[tilespmem:$0x18100] =	vst v63  }
.LBB2_4:
0x6a: {  	s0 =	sor.u32 s5, s31  }
0x6b: {  	s0 =	sshrl.u32 s0, $0x3  }
0x6c: {  	_ =	swait.ge [sflag:s30], $0xC000;
	s0 =	smul.u32 $0x300, s0  }
0x6d: {  	[sflag:s30] =	ssyncset.done $0x0  }
.Ltmp3:
0x6e: {  	[sflag:s30] =	ssyncadd.s32 $0xFFFF4000;
	s0 =	sadd.s32 s6, s0;
	(pc) =	sbr.rel @!p0 .LBB2_5-.Ltmp3, $4  }
0x6f: {  	[hbm4b:s0+s4] =	stream.linear.scatter [tilespmem:s21], [sflag:$0x3], $0xC000, $0x38;
	[tilespmem:$0x18100] =	vst v63  }
0x70: {  	_ =	swait.ge [sflag:s15], $0xC000  }
0x71: {  	[sflag:s15] =	ssyncset.done $0x0  }
0x72: {  	s2 =	simm.s32 $0x1;
	p1 =	por $0x0, $0x0;
	[sflag:s15] =	ssyncadd.s32 $0xFFFF4000  }
.LBB2_2:
0x73: {  	s31 =	sshllo.u32 s2, $0x1  }
0x74: {  	s31 =	sshll.u32 s31, $0x6  }
0x75: {  	s0 =	sand.u32 $0x3FFFFFC0, s31  }
0x76: {  	v3 =	vld [tilespmem:s0+$0x0];
	_ =	sdelay $0x4  }
0x77: {  	v4 =	vshrl.u32 v3, $0x3  }
0x78: {  	v4 =	vmul.u32 $0x30, v4  }
0x79: {  	v3 =	vand.u32 $0x7, v3  }
0x7a: {  	v3 =	vor.u32 v3, v4  }
0x7b: {  	v4 =	vperm.xlane v3, v0;
	_ =	sdelay $0x1  }
0x7c: {  	v4 =	vadd.s32 v1, v4;
	_ =	sdelay $0x3  }
0x7d: {  	v3 =	vperm.xlane v3, v2  }
0x7e: {  	[tilespmem:s21], [sflag:$0x2] =	stream.indirect_vreg.gather [hbm4b:s1+s4], $0x80, v4, vm0, $0xb8;
	[tilespmem:$0x18100] =	vst v63  }
0x7f: {  	s8 =	simm.s32 $0xC900;
	v3 =	vadd.s32 v1, v3  }
0x80: {  	[tilespmem:s8], [sflag:$0x2] =	stream.indirect_vreg.gather [hbm4b:s9+s4], $0x80, v4, vm0, $0xb8;
	[tilespmem:$0x18100] =	vst v63  }
0x81: {  	s8 =	simm.s32 $0xD100  }
0x82: {  	[tilespmem:s8], [sflag:$0x2] =	stream.indirect_vreg.gather [hbm4b:s10+s4], $0x80, v4, vm0, $0xb8;
	[tilespmem:$0x18100] =	vst v63  }
0x83: {  	s8 =	simm.s32 $0xD900  }
0x84: {  	[tilespmem:s8], [sflag:$0x2] =	stream.indirect_vreg.gather [hbm4b:s1+s4], $0x80, v3, vm0, $0xb8;
	[tilespmem:$0x18100] =	vst v63  }
0x85: {  	s8 =	simm.s32 $0xE100  }
0x86: {  	[tilespmem:s8], [sflag:$0x2] =	stream.indirect_vreg.gather [hbm4b:s9+s4], $0x80, v3, vm0, $0xb8;
	[tilespmem:$0x18100] =	vst v63  }
0x87: {  	s8 =	simm.s32 $0xE900  }
0x88: {  	[tilespmem:s8], [sflag:$0x2] =	stream.indirect_vreg.gather [hbm4b:s10+s4], $0x80, v3, vm0, $0xb8;
	[tilespmem:$0x18100] =	vst v63  }
0x89: {  	v3 =	vld [tilespmem:s0+$0x10];
	_ =	sdelay $0x4  }
0x8a: {  	v61 =	vshrl.u32 v3, $0x3  }
0x8b: {  	v4 =	vmul.u32 $0x30, v61  }
0x8c: {  	v3 =	vand.u32 $0x7, v3  }
0x8d: {  	v3 =	vor.u32 v3, v4  }
0x8e: {  	v4 =	vperm.xlane v3, v0;
	_ =	sdelay $0x1  }
0x8f: {  	v4 =	vadd.s32 v1, v4;
	_ =	sdelay $0x3  }
0x90: {  	s8 =	simm.s32 $0xF100;
	v3 =	vperm.xlane v3, v2  }
0x91: {  	[tilespmem:s8], [sflag:$0x2] =	stream.indirect_vreg.gather [hbm4b:s1+s4], $0x80, v4, vm0, $0xb8;
	[tilespmem:$0x18100] =	vst v63  }
0x92: {  	v3 =	vadd.s32 v1, v3;
	s8 =	simm.s32 $0xF900  }
0x93: {  	[tilespmem:s8], [sflag:$0x2] =	stream.indirect_vreg.gather [hbm4b:s9+s4], $0x80, v4, vm0, $0xb8;
	[tilespmem:$0x18100] =	vst v63  }
0x94: {  	s8 =	simm.s32 $0x10100  }
0x95: {  	[tilespmem:s8], [sflag:$0x2] =	stream.indirect_vreg.gather [hbm4b:s10+s4], $0x80, v4, vm0, $0xb8;
	[tilespmem:$0x18100] =	vst v63  }
0x96: {  	s8 =	simm.s32 $0x10900  }
0x97: {  	[tilespmem:s8], [sflag:$0x2] =	stream.indirect_vreg.gather [hbm4b:s1+s4], $0x80, v3, vm0, $0xb8;
	[tilespmem:$0x18100] =	vst v63  }
0x98: {  	s8 =	simm.s32 $0x11100  }
0x99: {  	[tilespmem:s8], [sflag:$0x2] =	stream.indirect_vreg.gather [hbm4b:s9+s4], $0x80, v3, vm0, $0xb8;
	[tilespmem:$0x18100] =	vst v63  }
0x9a: {  	s8 =	simm.s32 $0x11900  }
0x9b: {  	[tilespmem:s8], [sflag:$0x2] =	stream.indirect_vreg.gather [hbm4b:s10+s4], $0x80, v3, vm0, $0xb8;
	[tilespmem:$0x18100] =	vst v63  }
0x9c: {  	v3 =	vld [tilespmem:s0+$0x20];
	_ =	sdelay $0x4  }
0x9d: {  	v62 =	vshrl.u32 v3, $0x3  }
0x9e: {  	v4 =	vmul.u32 $0x30, v62  }
0x9f: {  	v3 =	vand.u32 $0x7, v3  }
0xa0: {  	v3 =	vor.u32 v3, v4  }
0xa1: {  	v4 =	vperm.xlane v3, v0;
	_ =	sdelay $0x1  }
0xa2: {  	v4 =	vadd.s32 v1, v4;
	_ =	sdelay $0x3  }
0xa3: {  	s8 =	simm.s32 $0x12100;
	v3 =	vperm.xlane v3, v2  }
0xa4: {  	[tilespmem:s8], [sflag:$0x2] =	stream.indirect_vreg.gather [hbm4b:s1+s4], $0x80, v4, vm0, $0xb8;
	[tilespmem:$0x18100] =	vst v63  }
0xa5: {  	v3 =	vadd.s32 v1, v3  }
0xa6: {  	[tilespmem:s11], [sflag:$0x2] =	stream.indirect_vreg.gather [hbm4b:s9+s4], $0x80, v4, vm0, $0xb8;
	[tilespmem:$0x18100] =	vst v63  }
0xa7: {  	_ = 	snop  }
0xa8: {  	[tilespmem:s14], [sflag:$0x2] =	stream.indirect_vreg.gather [hbm4b:s10+s4], $0x80, v4, vm0, $0xb8;
	[tilespmem:$0x18100] =	vst v63  }
0xa9: {  	_ = 	snop  }
0xaa: {  	[tilespmem:s17], [sflag:$0x2] =	stream.indirect_vreg.gather [hbm4b:s1+s4], $0x80, v3, vm0, $0xb8;
	[tilespmem:$0x18100] =	vst v63  }
0xab: {  	_ = 	snop  }
0xac: {  	[tilespmem:s18], [sflag:$0x2] =	stream.indirect_vreg.gather [hbm4b:s9+s4], $0x80, v3, vm0, $0xb8;
	[tilespmem:$0x18100] =	vst v63  }
0xad: {  	_ = 	snop  }
0xae: {  	[tilespmem:s19], [sflag:$0x2] =	stream.indirect_vreg.gather [hbm4b:s10+s4], $0x80, v3, vm0, $0xb8;
	[tilespmem:$0x18100] =	vst v63  }
0xaf: {  	v3 =	vld [tilespmem:s0+$0x30];
	_ =	sdelay $0x4  }
0xb0: {  	v63 =	vshrl.u32 v3, $0x3  }
0xb1: {  	v4 =	vmul.u32 $0x30, v63  }
0xb2: {  	v3 =	vand.u32 $0x7, v3  }
0xb3: {  	v3 =	vor.u32 v3, v4  }
0xb4: {  	v4 =	vperm.xlane v3, v0;
	_ =	sdelay $0x1  }
0xb5: {  	v4 =	vadd.s32 v1, v4;
	_ =	sdelay $0x3  }
0xb6: {  	v3 =	vperm.xlane v3, v2  }
0xb7: {  	[tilespmem:s20], [sflag:$0x2] =	stream.indirect_vreg.gather [hbm4b:s1+s4], $0x80, v4, vm0, $0xb8;
	[tilespmem:$0x18100] =	vst v63  }
0xb8: {  	v3 =	vadd.s32 v1, v3  }
0xb9: {  	[tilespmem:s22], [sflag:$0x2] =	stream.indirect_vreg.gather [hbm4b:s9+s4], $0x80, v4, vm0, $0xb8;
	[tilespmem:$0x18100] =	vst v63  }
0xba: {  	_ = 	snop  }
0xbb: {  	[tilespmem:s23], [sflag:$0x2] =	stream.indirect_vreg.gather [hbm4b:s10+s4], $0x80, v4, vm0, $0xb8;
	[tilespmem:$0x18100] =	vst v63  }
0xbc: {  	s8 =	sshll.u32 s2, $0x7  }
0xbd: {  	[tilespmem:s24], [sflag:$0x2] =	stream.indirect_vreg.gather [hbm4b:s1+s4], $0x80, v3, vm0, $0xb8;
	[tilespmem:$0x18100] =	vst v63  }
0xbe: {  	s0 =	sor.u32 s5, s8  }
0xbf: {  	[tilespmem:s25], [sflag:$0x2] =	stream.indirect_vreg.gather [hbm4b:s9+s4], $0x80, v3, vm0, $0xb8;
	[tilespmem:$0x18100] =	vst v63  }
0xc0: {  	s0 =	sshrl.u32 s0, $0x3  }
0xc1: {  	[tilespmem:s26], [sflag:$0x2] =	stream.indirect_vreg.gather [hbm4b:s10+s4], $0x80, v3, vm0, $0xb8;
	[tilespmem:$0x18100] =	vst v63  }
0xc2: {  	s0 =	smul.u32 $0x300, s0;
	_ =	swait.ge [sflag:s28], $0xC000  }
0xc3: {  	[sflag:s28] =	ssyncset.done $0x0  }
.Ltmp4:
0xc4: {  	s0 =	sadd.s32 s6, s0;
	[sflag:s28] =	ssyncadd.s32 $0xFFFF4000;
	(pc) =	sbr.rel @!p1 .LBB2_4-.Ltmp4, $4  }
0xc5: {  	[hbm4b:s0+s4] =	stream.linear.scatter [tilespmem:s16], [sflag:$0x4], $0xC000, $0x38;
	[tilespmem:$0x18100] =	vst v63  }
0xc6: {  	_ =	swait.ge [sflag:s29], $0xC000  }
0xc7: {  	[sflag:s29] =	ssyncset.done $0x0  }
0xc8: {  	p0 =	por p1, p1;
	[sflag:s29] =	ssyncadd.s32 $0xFFFF4000  }
0xc9: {  	v3 =	vld [tilespmem:$0x80];
	_ =	sdelay $0x4  }
0xca: {  	v4 =	vshrl.u32 v3, $0x3  }
0xcb: {  	v4 =	vmul.u32 $0x30, v4  }
0xcc: {  	v3 =	vand.u32 $0x7, v3  }
0xcd: {  	v3 =	vor.u32 v3, v4  }
0xce: {  	v4 =	vperm.xlane v3, v0;
	_ =	sdelay $0x1  }
0xcf: {  	v4 =	vadd.s32 v1, v4;
	_ =	sdelay $0x3  }
0xd0: {  	v3 =	vperm.xlane v3, v2  }
0xd1: {  	[tilespmem:s16], [sflag:$0x1] =	stream.indirect_vreg.gather [hbm4b:s1+s4], $0x80, v4, vm0, $0xb8;
	[tilespmem:$0x18100] =	vst v63  }
0xd2: {  	s0 =	simm.s32 $0x900;
	v3 =	vadd.s32 v1, v3  }
0xd3: {  	[tilespmem:s0], [sflag:$0x1] =	stream.indirect_vreg.gather [hbm4b:s9+s4], $0x80, v4, vm0, $0xb8;
	[tilespmem:$0x18100] =	vst v63  }
0xd4: {  	s2 =	simm.s32 $0x1100  }
0xd5: {  	[tilespmem:s2], [sflag:$0x1] =	stream.indirect_vreg.gather [hbm4b:s10+s4], $0x80, v4, vm0, $0xb8;
	[tilespmem:$0x18100] =	vst v63  }
0xd6: {  	s8 =	simm.s32 $0x1900  }
0xd7: {  	[tilespmem:s8], [sflag:$0x1] =	stream.indirect_vreg.gather [hbm4b:s1+s4], $0x80, v3, vm0, $0xb8;
	[tilespmem:$0x18100] =	vst v63  }
0xd8: {  	s2 =	simm.s32 $0x2100  }
0xd9: {  	[tilespmem:s2], [sflag:$0x1] =	stream.indirect_vreg.gather [hbm4b:s9+s4], $0x80, v3, vm0, $0xb8;
	[tilespmem:$0x18100] =	vst v63  }
0xda: {  	s8 =	simm.s32 $0x2900  }
0xdb: {  	[tilespmem:s8], [sflag:$0x1] =	stream.indirect_vreg.gather [hbm4b:s10+s4], $0x80, v3, vm0, $0xb8;
	[tilespmem:$0x18100] =	vst v63  }
0xdc: {  	v3 =	vld [tilespmem:$0x90];
	_ =	sdelay $0x4  }
0xdd: {  	v61 =	vshrl.u32 v3, $0x3  }
0xde: {  	v4 =	vmul.u32 $0x30, v61  }
0xdf: {  	v3 =	vand.u32 $0x7, v3  }
0xe0: {  	v3 =	vor.u32 v3, v4  }
0xe1: {  	v4 =	vperm.xlane v3, v0;
	_ =	sdelay $0x1  }
0xe2: {  	v4 =	vadd.s32 v1, v4;
	_ =	sdelay $0x3  }
0xe3: {  	s2 =	simm.s32 $0x3100;
	v3 =	vperm.xlane v3, v2  }
0xe4: {  	[tilespmem:s2], [sflag:$0x1] =	stream.indirect_vreg.gather [hbm4b:s1+s4], $0x80, v4, vm0, $0xb8;
	[tilespmem:$0x18100] =	vst v63  }
0xe5: {  	s8 =	simm.s32 $0x3900;
	v3 =	vadd.s32 v1, v3  }
0xe6: {  	[tilespmem:s8], [sflag:$0x1] =	stream.indirect_vreg.gather [hbm4b:s9+s4], $0x80, v4, vm0, $0xb8;
	[tilespmem:$0x18100] =	vst v63  }
0xe7: {  	s2 =	simm.s32 $0x4100  }
0xe8: {  	[tilespmem:s2], [sflag:$0x1] =	stream.indirect_vreg.gather [hbm4b:s10+s4], $0x80, v4, vm0, $0xb8;
	[tilespmem:$0x18100] =	vst v63  }
0xe9: {  	s8 =	simm.s32 $0x4900  }
0xea: {  	[tilespmem:s8], [sflag:$0x1] =	stream.indirect_vreg.gather [hbm4b:s1+s4], $0x80, v3, vm0, $0xb8;
	[tilespmem:$0x18100] =	vst v63  }
0xeb: {  	s2 =	simm.s32 $0x5100  }
0xec: {  	[tilespmem:s2], [sflag:$0x1] =	stream.indirect_vreg.gather [hbm4b:s9+s4], $0x80, v3, vm0, $0xb8;
	[tilespmem:$0x18100] =	vst v63  }
0xed: {  	s8 =	simm.s32 $0x5900  }
0xee: {  	[tilespmem:s8], [sflag:$0x1] =	stream.indirect_vreg.gather [hbm4b:s10+s4], $0x80, v3, vm0, $0xb8;
	[tilespmem:$0x18100] =	vst v63  }
0xef: {  	v3 =	vld [tilespmem:$0xA0];
	_ =	sdelay $0x4  }
0xf0: {  	v62 =	vshrl.u32 v3, $0x3  }
0xf1: {  	v4 =	vmul.u32 $0x30, v62  }
0xf2: {  	v3 =	vand.u32 $0x7, v3  }
0xf3: {  	v3 =	vor.u32 v3, v4  }
0xf4: {  	v4 =	vperm.xlane v3, v0;
	_ =	sdelay $0x1  }
0xf5: {  	v4 =	vadd.s32 v1, v4;
	_ =	sdelay $0x3  }
0xf6: {  	s2 =	simm.s32 $0x6100;
	v3 =	vperm.xlane v3, v2  }
0xf7: {  	[tilespmem:s2], [sflag:$0x1] =	stream.indirect_vreg.gather [hbm4b:s1+s4], $0x80, v4, vm0, $0xb8;
	[tilespmem:$0x18100] =	vst v63  }
0xf8: {  	s8 =	simm.s32 $0x6900;
	v3 =	vadd.s32 v1, v3  }
0xf9: {  	[tilespmem:s8], [sflag:$0x1] =	stream.indirect_vreg.gather [hbm4b:s9+s4], $0x80, v4, vm0, $0xb8;
	[tilespmem:$0x18100] =	vst v63  }
0xfa: {  	s2 =	simm.s32 $0x7100  }
0xfb: {  	[tilespmem:s2], [sflag:$0x1] =	stream.indirect_vreg.gather [hbm4b:s10+s4], $0x80, v4, vm0, $0xb8;
	[tilespmem:$0x18100] =	vst v63  }
0xfc: {  	s8 =	simm.s32 $0x7900  }
0xfd: {  	[tilespmem:s8], [sflag:$0x1] =	stream.indirect_vreg.gather [hbm4b:s1+s4], $0x80, v3, vm0, $0xb8;
	[tilespmem:$0x18100] =	vst v63  }
0xfe: {  	s2 =	simm.s32 $0x8100  }
0xff: {  	[tilespmem:s2], [sflag:$0x1] =	stream.indirect_vreg.gather [hbm4b:s9+s4], $0x80, v3, vm0, $0xb8;
	[tilespmem:$0x18100] =	vst v63  }
0x100: {  	s8 =	simm.s32 $0x8900  }
0x101: {  	[tilespmem:s8], [sflag:$0x1] =	stream.indirect_vreg.gather [hbm4b:s10+s4], $0x80, v3, vm0, $0xb8;
	[tilespmem:$0x18100] =	vst v63  }
0x102: {  	v3 =	vld [tilespmem:$0xB0];
	_ =	sdelay $0x4  }
0x103: {  	v63 =	vshrl.u32 v3, $0x3  }
0x104: {  	v4 =	vmul.u32 $0x30, v63  }
0x105: {  	v3 =	vand.u32 $0x7, v3  }
0x106: {  	v3 =	vor.u32 v3, v4  }
0x107: {  	v4 =	vperm.xlane v3, v0;
	_ =	sdelay $0x1  }
0x108: {  	v4 =	vadd.s32 v1, v4;
	_ =	sdelay $0x3  }
0x109: {  	s2 =	simm.s32 $0x9100;
	v3 =	vperm.xlane v3, v2  }
0x10a: {  	[tilespmem:s2], [sflag:$0x1] =	stream.indirect_vreg.gather [hbm4b:s1+s4], $0x80, v4, vm0, $0xb8;
	[tilespmem:$0x18100] =	vst v63  }
0x10b: {  	s8 =	simm.s32 $0x9900;
	v3 =	vadd.s32 v1, v3  }
0x10c: {  	[tilespmem:s8], [sflag:$0x1] =	stream.indirect_vreg.gather [hbm4b:s9+s4], $0x80, v4, vm0, $0xb8;
	[tilespmem:$0x18100] =	vst v63  }
0x10d: {  	s2 =	simm.s32 $0xA100  }
0x10e: {  	[tilespmem:s2], [sflag:$0x1] =	stream.indirect_vreg.gather [hbm4b:s10+s4], $0x80, v4, vm0, $0xb8;
	[tilespmem:$0x18100] =	vst v63  }
0x10f: {  	s8 =	simm.s32 $0xA900  }
0x110: {  	[tilespmem:s8], [sflag:$0x1] =	stream.indirect_vreg.gather [hbm4b:s1+s4], $0x80, v3, vm0, $0xb8;
	[tilespmem:$0x18100] =	vst v63  }
.Ltmp5:
0x111: {  	_ = 	snop;
	(pc) =	sbr.rel .LBB2_4-.Ltmp5, $4  }
0x112: {  	s2 =	simm.s32 $0xB100  }
0x113: {  	[tilespmem:s2], [sflag:$0x1] =	stream.indirect_vreg.gather [hbm4b:s9+s4], $0x80, v3, vm0, $0xb8;
	[tilespmem:$0x18100] =	vst v63  }
0x114: {  	s8 =	simm.s32 $0xB900  }
0x115: {  	[tilespmem:s8], [sflag:$0x1] =	stream.indirect_vreg.gather [hbm4b:s10+s4], $0x80, v3, vm0, $0xb8;
	[tilespmem:$0x18100] =	vst v63  }
.LBB2_5:
0x116: {  	s2 =	simm.s32 $0x0;
	s0 =	rddreg [dreg:$0x5]  }
0x117: {  	[tilespmem:s2], [sflag:$0x3] =	stream.linear.gather [hbm4b:s0+s2], $0x100, $0x38;
	[tilespmem:$0x18100] =	vst v63  }
0x118: {  	_ =	swait.ge [sflag:s15], $0x100  }
0x119: {  	[sflag:s15] =	ssyncset.done $0x0  }
0x11a: {  	[sflag:s15] =	ssyncadd.s32 $0xFFFFFF00  }
0x11b: {  	v3 =	vld [tilespmem:$0x0];
	_ =	sdelay $0x4  }
0x11c: {  	v4 =	vshrl.u32 v3, $0x3  }
0x11d: {  	v4 =	vmul.u32 $0x30, v4  }
0x11e: {  	v3 =	vand.u32 $0x7, v3  }
0x11f: {  	v3 =	vor.u32 v3, v4  }
0x120: {  	v4 =	vperm.xlane v3, v0;
	_ =	sdelay $0x1  }
0x121: {  	v4 =	vadd.s32 v1, v4;
	_ =	sdelay $0x3  }
0x122: {  	v3 =	vperm.xlane v3, v2  }
0x123: {  	[tilespmem:s16], [sflag:$0x1] =	stream.indirect_vreg.gather [hbm4b:s3+s2], $0x80, v4, vm0, $0xb8;
	[tilespmem:$0x18100] =	vst v63  }
0x124: {  	s31 =	simm.s32 $0x900;
	v3 =	vadd.s32 v1, v3  }
0x125: {  	[tilespmem:s31], [sflag:$0x1] =	stream.indirect_vreg.gather [hbm4b:s12+s2], $0x80, v4, vm0, $0xb8;
	[tilespmem:$0x18100] =	vst v63  }
0x126: {  	s8 =	simm.s32 $0x1100  }
0x127: {  	[tilespmem:s8], [sflag:$0x1] =	stream.indirect_vreg.gather [hbm4b:s13+s2], $0x80, v4, vm0, $0xb8;
	[tilespmem:$0x18100] =	vst v63  }
0x128: {  	s31 =	simm.s32 $0x1900  }
0x129: {  	[tilespmem:s31], [sflag:$0x1] =	stream.indirect_vreg.gather [hbm4b:s3+s2], $0x80, v3, vm0, $0xb8;
	[tilespmem:$0x18100] =	vst v63  }
0x12a: {  	s8 =	simm.s32 $0x2100  }
0x12b: {  	[tilespmem:s8], [sflag:$0x1] =	stream.indirect_vreg.gather [hbm4b:s12+s2], $0x80, v3, vm0, $0xb8;
	[tilespmem:$0x18100] =	vst v63  }
0x12c: {  	s31 =	simm.s32 $0x2900  }
0x12d: {  	[tilespmem:s31], [sflag:$0x1] =	stream.indirect_vreg.gather [hbm4b:s13+s2], $0x80, v3, vm0, $0xb8;
	[tilespmem:$0x18100] =	vst v63  }
0x12e: {  	v3 =	vld [tilespmem:$0x10];
	_ =	sdelay $0x4  }
0x12f: {  	v61 =	vshrl.u32 v3, $0x3  }
0x130: {  	v4 =	vmul.u32 $0x30, v61  }
0x131: {  	v3 =	vand.u32 $0x7, v3  }
0x132: {  	v3 =	vor.u32 v3, v4  }
0x133: {  	v4 =	vperm.xlane v3, v0;
	_ =	sdelay $0x1  }
0x134: {  	v4 =	vadd.s32 v1, v4;
	_ =	sdelay $0x3  }
0x135: {  	s8 =	simm.s32 $0x3100;
	v3 =	vperm.xlane v3, v2  }
0x136: {  	[tilespmem:s8], [sflag:$0x1] =	stream.indirect_vreg.gather [hbm4b:s3+s2], $0x80, v4, vm0, $0xb8;
	[tilespmem:$0x18100] =	vst v63  }
0x137: {  	s31 =	simm.s32 $0x3900;
	v3 =	vadd.s32 v1, v3  }
0x138: {  	[tilespmem:s31], [sflag:$0x1] =	stream.indirect_vreg.gather [hbm4b:s12+s2], $0x80, v4, vm0, $0xb8;
	[tilespmem:$0x18100] =	vst v63  }
0x139: {  	s8 =	simm.s32 $0x4100  }
0x13a: {  	[tilespmem:s8], [sflag:$0x1] =	stream.indirect_vreg.gather [hbm4b:s13+s2], $0x80, v4, vm0, $0xb8;
	[tilespmem:$0x18100] =	vst v63  }
0x13b: {  	s31 =	simm.s32 $0x4900  }
0x13c: {  	[tilespmem:s31], [sflag:$0x1] =	stream.indirect_vreg.gather [hbm4b:s3+s2], $0x80, v3, vm0, $0xb8;
	[tilespmem:$0x18100] =	vst v63  }
0x13d: {  	s8 =	simm.s32 $0x5100  }
0x13e: {  	[tilespmem:s8], [sflag:$0x1] =	stream.indirect_vreg.gather [hbm4b:s12+s2], $0x80, v3, vm0, $0xb8;
	[tilespmem:$0x18100] =	vst v63  }
0x13f: {  	s31 =	simm.s32 $0x5900  }
0x140: {  	[tilespmem:s31], [sflag:$0x1] =	stream.indirect_vreg.gather [hbm4b:s13+s2], $0x80, v3, vm0, $0xb8;
	[tilespmem:$0x18100] =	vst v63  }
0x141: {  	v3 =	vld [tilespmem:$0x20];
	_ =	sdelay $0x4  }
0x142: {  	v62 =	vshrl.u32 v3, $0x3  }
0x143: {  	v4 =	vmul.u32 $0x30, v62  }
0x144: {  	v3 =	vand.u32 $0x7, v3  }
0x145: {  	v3 =	vor.u32 v3, v4  }
0x146: {  	v4 =	vperm.xlane v3, v0;
	_ =	sdelay $0x1  }
0x147: {  	v4 =	vadd.s32 v1, v4;
	_ =	sdelay $0x3  }
0x148: {  	s8 =	simm.s32 $0x6100;
	v3 =	vperm.xlane v3, v2  }
0x149: {  	[tilespmem:s8], [sflag:$0x1] =	stream.indirect_vreg.gather [hbm4b:s3+s2], $0x80, v4, vm0, $0xb8;
	[tilespmem:$0x18100] =	vst v63  }
0x14a: {  	s31 =	simm.s32 $0x6900;
	v3 =	vadd.s32 v1, v3  }
0x14b: {  	[tilespmem:s31], [sflag:$0x1] =	stream.indirect_vreg.gather [hbm4b:s12+s2], $0x80, v4, vm0, $0xb8;
	[tilespmem:$0x18100] =	vst v63  }
0x14c: {  	s8 =	simm.s32 $0x7100  }
0x14d: {  	[tilespmem:s8], [sflag:$0x1] =	stream.indirect_vreg.gather [hbm4b:s13+s2], $0x80, v4, vm0, $0xb8;
	[tilespmem:$0x18100] =	vst v63  }
0x14e: {  	s31 =	simm.s32 $0x7900  }
0x14f: {  	[tilespmem:s31], [sflag:$0x1] =	stream.indirect_vreg.gather [hbm4b:s3+s2], $0x80, v3, vm0, $0xb8;
	[tilespmem:$0x18100] =	vst v63  }
0x150: {  	s8 =	simm.s32 $0x8100  }
0x151: {  	[tilespmem:s8], [sflag:$0x1] =	stream.indirect_vreg.gather [hbm4b:s12+s2], $0x80, v3, vm0, $0xb8;
	[tilespmem:$0x18100] =	vst v63  }
0x152: {  	s31 =	simm.s32 $0x8900  }
0x153: {  	[tilespmem:s31], [sflag:$0x1] =	stream.indirect_vreg.gather [hbm4b:s13+s2], $0x80, v3, vm0, $0xb8;
	[tilespmem:$0x18100] =	vst v63  }
0x154: {  	v3 =	vld [tilespmem:$0x30];
	_ =	sdelay $0x4  }
0x155: {  	v63 =	vshrl.u32 v3, $0x3  }
0x156: {  	v4 =	vmul.u32 $0x30, v63  }
0x157: {  	v3 =	vand.u32 $0x7, v3  }
0x158: {  	v3 =	vor.u32 v3, v4  }
0x159: {  	v4 =	vperm.xlane v3, v0;
	_ =	sdelay $0x1  }
0x15a: {  	v4 =	vadd.s32 v1, v4;
	_ =	sdelay $0x3  }
0x15b: {  	s8 =	simm.s32 $0x9100;
	v3 =	vperm.xlane v3, v2  }
0x15c: {  	[tilespmem:s8], [sflag:$0x1] =	stream.indirect_vreg.gather [hbm4b:s3+s2], $0x80, v4, vm0, $0xb8;
	[tilespmem:$0x18100] =	vst v63  }
0x15d: {  	s31 =	simm.s32 $0x9900;
	v3 =	vadd.s32 v1, v3  }
0x15e: {  	[tilespmem:s31], [sflag:$0x1] =	stream.indirect_vreg.gather [hbm4b:s12+s2], $0x80, v4, vm0, $0xb8;
	[tilespmem:$0x18100] =	vst v63  }
0x15f: {  	s8 =	simm.s32 $0xA100  }
0x160: {  	[tilespmem:s8], [sflag:$0x1] =	stream.indirect_vreg.gather [hbm4b:s13+s2], $0x80, v4, vm0, $0xb8;
	[tilespmem:$0x18100] =	vst v63  }
0x161: {  	s31 =	simm.s32 $0xA900  }
0x162: {  	[tilespmem:s31], [sflag:$0x1] =	stream.indirect_vreg.gather [hbm4b:s3+s2], $0x80, v3, vm0, $0xb8;
	[tilespmem:$0x18100] =	vst v63  }
.Ltmp6:
0x163: {  	_ = 	snop;
	(pc) =	sbr.rel .LBB2_6-.Ltmp6, $4  }
0x164: {  	s8 =	simm.s32 $0xB100  }
0x165: {  	[tilespmem:s8], [sflag:$0x1] =	stream.indirect_vreg.gather [hbm4b:s12+s2], $0x80, v3, vm0, $0xb8;
	[tilespmem:$0x18100] =	vst v63  }
0x166: {  	p1 =	por $0x1, $0x1;
	s31 =	simm.s32 $0xB900  }
0x167: {  	[tilespmem:s31], [sflag:$0x1] =	stream.indirect_vreg.gather [hbm4b:s13+s2], $0x80, v3, vm0, $0xb8;
	[tilespmem:$0x18100] =	vst v63  }
.LBB2_8:
0x168: {  	s0 =	sor.u32 s5, s31  }
0x169: {  	s0 =	sshrl.u32 s0, $0x3  }
0x16a: {  	_ =	swait.ge [sflag:s30], $0xC000;
	s0 =	smul.u32 $0x300, s0  }
0x16b: {  	[sflag:s30] =	ssyncset.done $0x0  }
.Ltmp7:
0x16c: {  	[sflag:s30] =	ssyncadd.s32 $0xFFFF4000;
	s0 =	sadd.s32 s7, s0;
	(pc) =	sbr.rel @!p0 .LBB2_9-.Ltmp7, $4  }
0x16d: {  	[hbm4b:s0+s4] =	stream.linear.scatter [tilespmem:s21], [sflag:$0x3], $0xC000, $0x38;
	[tilespmem:$0x18100] =	vst v63  }
0x16e: {  	_ =	swait.ge [sflag:s15], $0xC000  }
0x16f: {  	[sflag:s15] =	ssyncset.done $0x0  }
0x170: {  	s2 =	simm.s32 $0x1;
	p1 =	por $0x0, $0x0;
	[sflag:s15] =	ssyncadd.s32 $0xFFFF4000  }
.LBB2_6:
0x171: {  	s0 =	sshllo.u32 s2, $0x1  }
0x172: {  	s31 =	sshll.u32 s0, $0x6  }
0x173: {  	s0 =	sand.u32 $0x3FFFFFC0, s31  }
0x174: {  	v3 =	vld [tilespmem:s0+$0x0];
	_ =	sdelay $0x4  }
0x175: {  	v4 =	vshrl.u32 v3, $0x3  }
0x176: {  	v4 =	vmul.u32 $0x30, v4  }
0x177: {  	v3 =	vand.u32 $0x7, v3  }
0x178: {  	v3 =	vor.u32 v3, v4  }
0x179: {  	v4 =	vperm.xlane v3, v0;
	_ =	sdelay $0x1  }
0x17a: {  	v4 =	vadd.s32 v1, v4;
	_ =	sdelay $0x3  }
0x17b: {  	v3 =	vperm.xlane v3, v2  }
0x17c: {  	[tilespmem:s21], [sflag:$0x2] =	stream.indirect_vreg.gather [hbm4b:s3+s4], $0x80, v4, vm0, $0xb8;
	[tilespmem:$0x18100] =	vst v63  }
0x17d: {  	s8 =	simm.s32 $0xC900;
	v3 =	vadd.s32 v1, v3  }
0x17e: {  	[tilespmem:s8], [sflag:$0x2] =	stream.indirect_vreg.gather [hbm4b:s12+s4], $0x80, v4, vm0, $0xb8;
	[tilespmem:$0x18100] =	vst v63  }
0x17f: {  	s8 =	simm.s32 $0xD100  }
0x180: {  	[tilespmem:s8], [sflag:$0x2] =	stream.indirect_vreg.gather [hbm4b:s13+s4], $0x80, v4, vm0, $0xb8;
	[tilespmem:$0x18100] =	vst v63  }
0x181: {  	s8 =	simm.s32 $0xD900  }
0x182: {  	[tilespmem:s8], [sflag:$0x2] =	stream.indirect_vreg.gather [hbm4b:s3+s4], $0x80, v3, vm0, $0xb8;
	[tilespmem:$0x18100] =	vst v63  }
0x183: {  	s8 =	simm.s32 $0xE100  }
0x184: {  	[tilespmem:s8], [sflag:$0x2] =	stream.indirect_vreg.gather [hbm4b:s12+s4], $0x80, v3, vm0, $0xb8;
	[tilespmem:$0x18100] =	vst v63  }
0x185: {  	s8 =	simm.s32 $0xE900  }
0x186: {  	[tilespmem:s8], [sflag:$0x2] =	stream.indirect_vreg.gather [hbm4b:s13+s4], $0x80, v3, vm0, $0xb8;
	[tilespmem:$0x18100] =	vst v63  }
0x187: {  	v3 =	vld [tilespmem:s0+$0x10];
	_ =	sdelay $0x4  }
0x188: {  	v61 =	vshrl.u32 v3, $0x3  }
0x189: {  	v4 =	vmul.u32 $0x30, v61  }
0x18a: {  	v3 =	vand.u32 $0x7, v3  }
0x18b: {  	v3 =	vor.u32 v3, v4  }
0x18c: {  	v4 =	vperm.xlane v3, v0;
	_ =	sdelay $0x1  }
0x18d: {  	v4 =	vadd.s32 v1, v4;
	_ =	sdelay $0x3  }
0x18e: {  	s8 =	simm.s32 $0xF100;
	v3 =	vperm.xlane v3, v2  }
0x18f: {  	[tilespmem:s8], [sflag:$0x2] =	stream.indirect_vreg.gather [hbm4b:s3+s4], $0x80, v4, vm0, $0xb8;
	[tilespmem:$0x18100] =	vst v63  }
0x190: {  	v3 =	vadd.s32 v1, v3;
	s8 =	simm.s32 $0xF900  }
0x191: {  	[tilespmem:s8], [sflag:$0x2] =	stream.indirect_vreg.gather [hbm4b:s12+s4], $0x80, v4, vm0, $0xb8;
	[tilespmem:$0x18100] =	vst v63  }
0x192: {  	s8 =	simm.s32 $0x10100  }
0x193: {  	[tilespmem:s8], [sflag:$0x2] =	stream.indirect_vreg.gather [hbm4b:s13+s4], $0x80, v4, vm0, $0xb8;
	[tilespmem:$0x18100] =	vst v63  }
0x194: {  	s8 =	simm.s32 $0x10900  }
0x195: {  	[tilespmem:s8], [sflag:$0x2] =	stream.indirect_vreg.gather [hbm4b:s3+s4], $0x80, v3, vm0, $0xb8;
	[tilespmem:$0x18100] =	vst v63  }
0x196: {  	s8 =	simm.s32 $0x11100  }
0x197: {  	[tilespmem:s8], [sflag:$0x2] =	stream.indirect_vreg.gather [hbm4b:s12+s4], $0x80, v3, vm0, $0xb8;
	[tilespmem:$0x18100] =	vst v63  }
0x198: {  	s8 =	simm.s32 $0x11900  }
0x199: {  	[tilespmem:s8], [sflag:$0x2] =	stream.indirect_vreg.gather [hbm4b:s13+s4], $0x80, v3, vm0, $0xb8;
	[tilespmem:$0x18100] =	vst v63  }
0x19a: {  	v3 =	vld [tilespmem:s0+$0x20];
	_ =	sdelay $0x4  }
0x19b: {  	v62 =	vshrl.u32 v3, $0x3  }
0x19c: {  	v4 =	vmul.u32 $0x30, v62  }
0x19d: {  	v3 =	vand.u32 $0x7, v3  }
0x19e: {  	v3 =	vor.u32 v3, v4  }
0x19f: {  	v4 =	vperm.xlane v3, v0;
	_ =	sdelay $0x1  }
0x1a0: {  	v4 =	vadd.s32 v1, v4;
	_ =	sdelay $0x3  }
0x1a1: {  	s8 =	simm.s32 $0x12100;
	v3 =	vperm.xlane v3, v2  }
0x1a2: {  	[tilespmem:s8], [sflag:$0x2] =	stream.indirect_vreg.gather [hbm4b:s3+s4], $0x80, v4, vm0, $0xb8;
	[tilespmem:$0x18100] =	vst v63  }
0x1a3: {  	v3 =	vadd.s32 v1, v3  }
0x1a4: {  	[tilespmem:s11], [sflag:$0x2] =	stream.indirect_vreg.gather [hbm4b:s12+s4], $0x80, v4, vm0, $0xb8;
	[tilespmem:$0x18100] =	vst v63  }
0x1a5: {  	_ = 	snop  }
0x1a6: {  	[tilespmem:s14], [sflag:$0x2] =	stream.indirect_vreg.gather [hbm4b:s13+s4], $0x80, v4, vm0, $0xb8;
	[tilespmem:$0x18100] =	vst v63  }
0x1a7: {  	_ = 	snop  }
0x1a8: {  	[tilespmem:s17], [sflag:$0x2] =	stream.indirect_vreg.gather [hbm4b:s3+s4], $0x80, v3, vm0, $0xb8;
	[tilespmem:$0x18100] =	vst v63  }
0x1a9: {  	_ = 	snop  }
0x1aa: {  	[tilespmem:s18], [sflag:$0x2] =	stream.indirect_vreg.gather [hbm4b:s12+s4], $0x80, v3, vm0, $0xb8;
	[tilespmem:$0x18100] =	vst v63  }
0x1ab: {  	_ = 	snop  }
0x1ac: {  	[tilespmem:s19], [sflag:$0x2] =	stream.indirect_vreg.gather [hbm4b:s13+s4], $0x80, v3, vm0, $0xb8;
	[tilespmem:$0x18100] =	vst v63  }
0x1ad: {  	v3 =	vld [tilespmem:s0+$0x30];
	_ =	sdelay $0x4  }
0x1ae: {  	v63 =	vshrl.u32 v3, $0x3  }
0x1af: {  	v4 =	vmul.u32 $0x30, v63  }
0x1b0: {  	v3 =	vand.u32 $0x7, v3  }
0x1b1: {  	v3 =	vor.u32 v3, v4  }
0x1b2: {  	v4 =	vperm.xlane v3, v0;
	_ =	sdelay $0x1  }
0x1b3: {  	v4 =	vadd.s32 v1, v4;
	_ =	sdelay $0x3  }
0x1b4: {  	v3 =	vperm.xlane v3, v2  }
0x1b5: {  	[tilespmem:s20], [sflag:$0x2] =	stream.indirect_vreg.gather [hbm4b:s3+s4], $0x80, v4, vm0, $0xb8;
	[tilespmem:$0x18100] =	vst v63  }
0x1b6: {  	v3 =	vadd.s32 v1, v3  }
0x1b7: {  	[tilespmem:s22], [sflag:$0x2] =	stream.indirect_vreg.gather [hbm4b:s12+s4], $0x80, v4, vm0, $0xb8;
	[tilespmem:$0x18100] =	vst v63  }
0x1b8: {  	_ = 	snop  }
0x1b9: {  	[tilespmem:s23], [sflag:$0x2] =	stream.indirect_vreg.gather [hbm4b:s13+s4], $0x80, v4, vm0, $0xb8;
	[tilespmem:$0x18100] =	vst v63  }
0x1ba: {  	s8 =	sshll.u32 s2, $0x7  }
0x1bb: {  	[tilespmem:s24], [sflag:$0x2] =	stream.indirect_vreg.gather [hbm4b:s3+s4], $0x80, v3, vm0, $0xb8;
	[tilespmem:$0x18100] =	vst v63  }
0x1bc: {  	s0 =	sor.u32 s5, s8  }
0x1bd: {  	[tilespmem:s25], [sflag:$0x2] =	stream.indirect_vreg.gather [hbm4b:s12+s4], $0x80, v3, vm0, $0xb8;
	[tilespmem:$0x18100] =	vst v63  }
0x1be: {  	s0 =	sshrl.u32 s0, $0x3  }
0x1bf: {  	[tilespmem:s26], [sflag:$0x2] =	stream.indirect_vreg.gather [hbm4b:s13+s4], $0x80, v3, vm0, $0xb8;
	[tilespmem:$0x18100] =	vst v63  }
0x1c0: {  	s0 =	smul.u32 $0x300, s0;
	_ =	swait.ge [sflag:s28], $0xC000  }
0x1c1: {  	[sflag:s28] =	ssyncset.done $0x0  }
.Ltmp8:
0x1c2: {  	s0 =	sadd.s32 s7, s0;
	[sflag:s28] =	ssyncadd.s32 $0xFFFF4000;
	(pc) =	sbr.rel @!p1 .LBB2_8-.Ltmp8, $4  }
0x1c3: {  	[hbm4b:s0+s4] =	stream.linear.scatter [tilespmem:s16], [sflag:$0x4], $0xC000, $0x38;
	[tilespmem:$0x18100] =	vst v63  }
0x1c4: {  	_ =	swait.ge [sflag:s29], $0xC000  }
0x1c5: {  	[sflag:s29] =	ssyncset.done $0x0  }
0x1c6: {  	p0 =	por p1, p1;
	[sflag:s29] =	ssyncadd.s32 $0xFFFF4000  }
0x1c7: {  	v3 =	vld [tilespmem:$0x80];
	_ =	sdelay $0x4  }
0x1c8: {  	v4 =	vshrl.u32 v3, $0x3  }
0x1c9: {  	v4 =	vmul.u32 $0x30, v4  }
0x1ca: {  	v3 =	vand.u32 $0x7, v3  }
0x1cb: {  	v3 =	vor.u32 v3, v4  }
0x1cc: {  	v4 =	vperm.xlane v3, v0;
	_ =	sdelay $0x1  }
0x1cd: {  	v4 =	vadd.s32 v1, v4;
	_ =	sdelay $0x3  }
0x1ce: {  	v3 =	vperm.xlane v3, v2  }
0x1cf: {  	[tilespmem:s16], [sflag:$0x1] =	stream.indirect_vreg.gather [hbm4b:s3+s4], $0x80, v4, vm0, $0xb8;
	[tilespmem:$0x18100] =	vst v63  }
0x1d0: {  	s0 =	simm.s32 $0x900;
	v3 =	vadd.s32 v1, v3  }
0x1d1: {  	[tilespmem:s0], [sflag:$0x1] =	stream.indirect_vreg.gather [hbm4b:s12+s4], $0x80, v4, vm0, $0xb8;
	[tilespmem:$0x18100] =	vst v63  }
0x1d2: {  	s2 =	simm.s32 $0x1100  }
0x1d3: {  	[tilespmem:s2], [sflag:$0x1] =	stream.indirect_vreg.gather [hbm4b:s13+s4], $0x80, v4, vm0, $0xb8;
	[tilespmem:$0x18100] =	vst v63  }
0x1d4: {  	s8 =	simm.s32 $0x1900  }
0x1d5: {  	[tilespmem:s8], [sflag:$0x1] =	stream.indirect_vreg.gather [hbm4b:s3+s4], $0x80, v3, vm0, $0xb8;
	[tilespmem:$0x18100] =	vst v63  }
0x1d6: {  	s2 =	simm.s32 $0x2100  }
0x1d7: {  	[tilespmem:s2], [sflag:$0x1] =	stream.indirect_vreg.gather [hbm4b:s12+s4], $0x80, v3, vm0, $0xb8;
	[tilespmem:$0x18100] =	vst v63  }
0x1d8: {  	s8 =	simm.s32 $0x2900  }
0x1d9: {  	[tilespmem:s8], [sflag:$0x1] =	stream.indirect_vreg.gather [hbm4b:s13+s4], $0x80, v3, vm0, $0xb8;
	[tilespmem:$0x18100] =	vst v63  }
0x1da: {  	v3 =	vld [tilespmem:$0x90];
	_ =	sdelay $0x4  }
0x1db: {  	v61 =	vshrl.u32 v3, $0x3  }
0x1dc: {  	v4 =	vmul.u32 $0x30, v61  }
0x1dd: {  	v3 =	vand.u32 $0x7, v3  }
0x1de: {  	v3 =	vor.u32 v3, v4  }
0x1df: {  	v4 =	vperm.xlane v3, v0;
	_ =	sdelay $0x1  }
0x1e0: {  	v4 =	vadd.s32 v1, v4;
	_ =	sdelay $0x3  }
0x1e1: {  	s2 =	simm.s32 $0x3100;
	v3 =	vperm.xlane v3, v2  }
0x1e2: {  	[tilespmem:s2], [sflag:$0x1] =	stream.indirect_vreg.gather [hbm4b:s3+s4], $0x80, v4, vm0, $0xb8;
	[tilespmem:$0x18100] =	vst v63  }
0x1e3: {  	s8 =	simm.s32 $0x3900;
	v3 =	vadd.s32 v1, v3  }
0x1e4: {  	[tilespmem:s8], [sflag:$0x1] =	stream.indirect_vreg.gather [hbm4b:s12+s4], $0x80, v4, vm0, $0xb8;
	[tilespmem:$0x18100] =	vst v63  }
0x1e5: {  	s2 =	simm.s32 $0x4100  }
0x1e6: {  	[tilespmem:s2], [sflag:$0x1] =	stream.indirect_vreg.gather [hbm4b:s13+s4], $0x80, v4, vm0, $0xb8;
	[tilespmem:$0x18100] =	vst v63  }
0x1e7: {  	s8 =	simm.s32 $0x4900  }
0x1e8: {  	[tilespmem:s8], [sflag:$0x1] =	stream.indirect_vreg.gather [hbm4b:s3+s4], $0x80, v3, vm0, $0xb8;
	[tilespmem:$0x18100] =	vst v63  }
0x1e9: {  	s2 =	simm.s32 $0x5100  }
0x1ea: {  	[tilespmem:s2], [sflag:$0x1] =	stream.indirect_vreg.gather [hbm4b:s12+s4], $0x80, v3, vm0, $0xb8;
	[tilespmem:$0x18100] =	vst v63  }
0x1eb: {  	s8 =	simm.s32 $0x5900  }
0x1ec: {  	[tilespmem:s8], [sflag:$0x1] =	stream.indirect_vreg.gather [hbm4b:s13+s4], $0x80, v3, vm0, $0xb8;
	[tilespmem:$0x18100] =	vst v63  }
0x1ed: {  	v3 =	vld [tilespmem:$0xA0];
	_ =	sdelay $0x4  }
0x1ee: {  	v62 =	vshrl.u32 v3, $0x3  }
0x1ef: {  	v4 =	vmul.u32 $0x30, v62  }
0x1f0: {  	v3 =	vand.u32 $0x7, v3  }
0x1f1: {  	v3 =	vor.u32 v3, v4  }
0x1f2: {  	v4 =	vperm.xlane v3, v0;
	_ =	sdelay $0x1  }
0x1f3: {  	v4 =	vadd.s32 v1, v4;
	_ =	sdelay $0x3  }
0x1f4: {  	s2 =	simm.s32 $0x6100;
	v3 =	vperm.xlane v3, v2  }
0x1f5: {  	[tilespmem:s2], [sflag:$0x1] =	stream.indirect_vreg.gather [hbm4b:s3+s4], $0x80, v4, vm0, $0xb8;
	[tilespmem:$0x18100] =	vst v63  }
0x1f6: {  	s8 =	simm.s32 $0x6900;
	v3 =	vadd.s32 v1, v3  }
0x1f7: {  	[tilespmem:s8], [sflag:$0x1] =	stream.indirect_vreg.gather [hbm4b:s12+s4], $0x80, v4, vm0, $0xb8;
	[tilespmem:$0x18100] =	vst v63  }
0x1f8: {  	s2 =	simm.s32 $0x7100  }
0x1f9: {  	[tilespmem:s2], [sflag:$0x1] =	stream.indirect_vreg.gather [hbm4b:s13+s4], $0x80, v4, vm0, $0xb8;
	[tilespmem:$0x18100] =	vst v63  }
0x1fa: {  	s8 =	simm.s32 $0x7900  }
0x1fb: {  	[tilespmem:s8], [sflag:$0x1] =	stream.indirect_vreg.gather [hbm4b:s3+s4], $0x80, v3, vm0, $0xb8;
	[tilespmem:$0x18100] =	vst v63  }
0x1fc: {  	s2 =	simm.s32 $0x8100  }
0x1fd: {  	[tilespmem:s2], [sflag:$0x1] =	stream.indirect_vreg.gather [hbm4b:s12+s4], $0x80, v3, vm0, $0xb8;
	[tilespmem:$0x18100] =	vst v63  }
0x1fe: {  	s8 =	simm.s32 $0x8900  }
0x1ff: {  	[tilespmem:s8], [sflag:$0x1] =	stream.indirect_vreg.gather [hbm4b:s13+s4], $0x80, v3, vm0, $0xb8;
	[tilespmem:$0x18100] =	vst v63  }
0x200: {  	v3 =	vld [tilespmem:$0xB0];
	_ =	sdelay $0x4  }
0x201: {  	v63 =	vshrl.u32 v3, $0x3  }
0x202: {  	v4 =	vmul.u32 $0x30, v63  }
0x203: {  	v3 =	vand.u32 $0x7, v3  }
0x204: {  	v3 =	vor.u32 v3, v4  }
0x205: {  	v4 =	vperm.xlane v3, v0;
	_ =	sdelay $0x1  }
0x206: {  	v4 =	vadd.s32 v1, v4;
	_ =	sdelay $0x3  }
0x207: {  	s2 =	simm.s32 $0x9100;
	v3 =	vperm.xlane v3, v2  }
0x208: {  	[tilespmem:s2], [sflag:$0x1] =	stream.indirect_vreg.gather [hbm4b:s3+s4], $0x80, v4, vm0, $0xb8;
	[tilespmem:$0x18100] =	vst v63  }
0x209: {  	s8 =	simm.s32 $0x9900;
	v3 =	vadd.s32 v1, v3  }
0x20a: {  	[tilespmem:s8], [sflag:$0x1] =	stream.indirect_vreg.gather [hbm4b:s12+s4], $0x80, v4, vm0, $0xb8;
	[tilespmem:$0x18100] =	vst v63  }
0x20b: {  	s2 =	simm.s32 $0xA100  }
0x20c: {  	[tilespmem:s2], [sflag:$0x1] =	stream.indirect_vreg.gather [hbm4b:s13+s4], $0x80, v4, vm0, $0xb8;
	[tilespmem:$0x18100] =	vst v63  }
0x20d: {  	s8 =	simm.s32 $0xA900  }
0x20e: {  	[tilespmem:s8], [sflag:$0x1] =	stream.indirect_vreg.gather [hbm4b:s3+s4], $0x80, v3, vm0, $0xb8;
	[tilespmem:$0x18100] =	vst v63  }
.Ltmp9:
0x20f: {  	_ = 	snop;
	(pc) =	sbr.rel .LBB2_8-.Ltmp9, $4  }
0x210: {  	s2 =	simm.s32 $0xB100  }
0x211: {  	[tilespmem:s2], [sflag:$0x1] =	stream.indirect_vreg.gather [hbm4b:s12+s4], $0x80, v3, vm0, $0xb8;
	[tilespmem:$0x18100] =	vst v63  }
0x212: {  	s8 =	simm.s32 $0xB900  }
0x213: {  	[tilespmem:s8], [sflag:$0x1] =	stream.indirect_vreg.gather [hbm4b:s13+s4], $0x80, v3, vm0, $0xb8;
	[tilespmem:$0x18100] =	vst v63  }
.LBB2_10:
0x214: {  	_ =	sfence.sel $0x180000  }
0x215: {  	[bflag:$0x0] =	sbarrier.arrive $0xFFFF  }
0x216: {  	_ =	strace $0x90000047  }
0x217: {  	s0 =	stileid.u32;
	[bflag:$0x2] =	sbarrier.arrive $0xFFFF  }
0x218: {  	p0 =	sne.s32 s0, $0x0;
	s0 =	rddreg [dreg:$0x3]  }
0x219: {  	s0 =	sadd.s32 @!p0 $0x100000, s0  }
0x21a: {  	[sflag:s0] =	ssyncadd.tile.s32 @!p0 $0x1;
	_ =	shalt  }
.Lfunc_end2:
_tile_overlayer_lowered:
.L_overlay_start_2:
0x21b: {  	(tag) =	ssettag $0x2  }
0x21c: {  	s0 =	rddreg [dreg:$0x0];
	s2 =	stileid.u32  }
0x21d: {  	s1 =	rddreg [dreg:$0x1];
	p0 =	sne.s32 s2, $0x0  }
0x21e: {  	s3 =	rddreg [dreg:$0x2];
	[bflag:$0x3] =	sbarrier.arrive $0xFFFF;
	s2 =	simm.s32 @!p0 $0x1C03  }
0x21f: {  	[timem:s3], [sflag:s2] =	dma.local @!p0 [hbm:s0], s1  }
0x220: {  	s0 =	simm.s32 @!p0 $0x3  }
0x221: {  	_ =	swait.ge @!p0 [sflag:s0], s1  }
0x222: {  	s1 =	ssub.s32 @!p0 $0x0, s1;
	[sflag:s0] =	ssyncset.done @!p0 $0x0  }
0x223: {  	[sflag:s0] =	ssyncadd.s32 @!p0 s1  }
0x224: {  	[bflag:$0x3] =	sbarrier.arrive $0xFFFF  }
0x225: {  	_ =	shalt  }

// kernel: kernel.15.cloned.1.call-start
scs
__scs_entry_jumppad:
0x0: {  	(pc) =	sbr.rel $0x88, $3  }
0x1: {  	(tag) =	ssettag $0x0;
	lr =	simm.s32 $0x1  }
0x2: {  	[smem:$0x3F8F] =	sst lr;
	_ =	strace $0xD0000000  }
0x3: {  	_ = 	snop  }
0x4: {  	_ = 	snop  }
0x5: {  	_ = 	snop  }
0x6: {  	_ = 	snop  }
0x7: {  	_ = 	snop  }
__scs_overlays_trampoline_lowered:
0x8: {  	[smem:$0x3F9E] =	sst s0  }
0x9: {  	[smem:$0x3F9F] =	sst s1  }
0xa: {  	[smem:$0x3FA0] =	sst s2  }
0xb: {  	[smem:$0x3FA1] =	sst s3  }
0xc: {  	[smem:$0x3FA2] =	sst s4  }
0xd: {  	[smem:$0x3FA3] =	sst s5  }
0xe: {  	[smem:$0x3FA4] =	sst s6  }
0xf: {  	[smem:$0x3FA5] =	sst s7  }
0x10: {  	[smem:$0x3FA6] =	sst s8  }
0x11: {  	[smem:$0x3FA7] =	sst s9;
	s0 =	simm.s32 @!p0 $0x0  }
0x12: {  	s1 =	sld [smem:$0x3F8D];
	s0 =	simm.s32 @p0 $0x1  }
0x13: {  	[smem:$0x3FA8] =	sst s0;
	s0 =	simm.s32 @!p1 $0x0  }
0x14: {  	s2 =	sld [smem:$0x3F8C];
	s0 =	simm.s32 @p1 $0x1  }
0x15: {  	[smem:$0x3FA9] =	sst s0;
	s0 =	simm.s32 @!p2 $0x0  }
0x16: {  	s3 =	sld [smem:$0x3FDB];
	s0 =	simm.s32 @p2 $0x1  }
0x17: {  	s4 =	simm.s32 $0x1BF5;
	[smem:$0x3FAB] =	sst s0  }
0x18: {  	s0 =	sld [smem:$0x3F8E];
	_ =	swait.ge [sflag:s4], $0x0  }
0x19: {  	s7 =	sld [smem:$0x3F8F]  }
0x1a: {  	s8 =	sadd.s32 $0xFFFFE003, lr  }
0x1b: {  	s9 =	sadd.s32 $0xFFFFFEF7, lr;
	s5 =	simm.s32 $0xFFFFFFFF;
	p2 =	slt.u32 s8, $0xFFFFF086  }
0x1c: {  	p1 =	slt.u32 s9, $0xF7A;
	s5 =	simm.s32 @!p2 $0x0  }
0x1d: {  	s5 =	simm.s32 @p1 $0x1;
	p0 =	seq.s32 s7, s2  }
0x1e: {  	s7 =	smul.u32 @!p0 $0xF7A, s2;
	p2 =	seq.s32 @!p0 s5, $0x0  }
0x1f: {  	s9 =	smul.u32 $0xF7A, s1;
	s8 =	simm.s32 @!p0 $0x1BF5;
	p2 =	por !p2, p0  }
0x20: {  	[sflag:s8] =	ssyncset.s32 @!p0 $0xFFFFF086;
	s6 =	sadd.s32 @!p0 s3, s7;
	s7 =	simm.s32 @!p0 $0x108  }
0x21: {  	s3 =	sadd.s32 s3, s9;
	s6 =	sadd.s32 @!p0 $0x88, s6;
	s7 =	simm.s32 @p2 $0x1082  }
0x22: {  	[simem:s7], [sflag:s8] =	dma.local @!p0 [hbm:s6], $0xF7A  }
0x23: {  	s9 =	sor.u32 $0xD0000000, s2;
	s6 =	simm.s32 $0x108;
	_ =	swait.ge @!p0 [sflag:s8], $0x0  }
0x24: {  	s3 =	sadd.s32 $0x88, s3;
	s6 =	simm.s32 @!p1 $0x1082;
	[sflag:s4] =	ssyncset.s32 $0xFFFFF086  }
0x25: {  	[simem:s6], [sflag:s4] =	dma.local [hbm:s3], $0xF7A  }
0x26: {  	[smem:$0x3F8F] =	sst s1;
	(tag) =	ssettag s2;
	_ =	strace s9  }
0x27: {  	s1 =	sld [smem:$0x3F9F]  }
0x28: {  	s2 =	sld [smem:$0x3FA0]  }
0x29: {  	s4 =	sld [smem:$0x3FA2]  }
0x2a: {  	p0 =	seq.s32 s5, $0x0;
	s5 =	sld [smem:$0x3FA3]  }
0x2b: {  	s6 =	sld [smem:$0x3FA4]  }
0x2c: {  	s7 =	sld [smem:$0x3FA5]  }
0x2d: {  	s3 =	simm.s32 $0x108;
	s8 =	sld [smem:$0x3FA6]  }
0x2e: {  	s3 =	simm.s32 @!p0 $0x1082;
	s9 =	sld [smem:$0x3FA7]  }
0x2f: {  	lr =	sadd.s32 s0, s3;
	s0 =	sld [smem:$0x3F9E]  }
0x30: {  	s3 =	sld [smem:$0x3FA1]  }
0x31: {  	[smem:$0x3FAA] =	sst s10  }
0x32: {  	s10 =	sld [smem:$0x3FA8];
	_ =	sdelay $0x3  }
0x33: {  	p0 =	seq.s32 s10, $0x1;
	s10 =	sld [smem:$0x3FAA];
	_ =	sdelay $0x3  }
0x34: {  	[smem:$0x3FAA] =	sst s10  }
0x35: {  	s10 =	sld [smem:$0x3FA9];
	_ =	sdelay $0x3  }
0x36: {  	p1 =	seq.s32 s10, $0x1;
	s10 =	sld [smem:$0x3FAA];
	_ =	sdelay $0x3  }
0x37: {  	[smem:$0x3FAA] =	sst s10  }
0x38: {  	s10 =	sld [smem:$0x3FAB]  }
0x39: {  	_ = 	snop;
	(pc) =	sbr.ind lr, $3  }
0x3a: {  	_ = 	snop  }
0x3b: {  	_ = 	snop  }
0x3c: {  	p2 =	seq.s32 s10, $0x1;
	s10 =	sld [smem:$0x3FAA]  }
0x3d: {  	_ =	shalt  }
0x3e: {  	_ =	shalt  }
0x3f: {  	_ =	shalt  }
0x40: {  	_ =	shalt  }
0x41: {  	_ =	shalt  }
0x42: {  	_ =	shalt  }
0x43: {  	_ =	shalt  }
0x44: {  	_ =	shalt  }
0x45: {  	_ =	shalt  }
0x46: {  	_ =	shalt  }
0x47: {  	_ =	shalt  }
0x48: {  	_ =	shalt  }
0x49: {  	_ =	shalt  }
0x4a: {  	_ =	shalt  }
0x4b: {  	_ =	shalt  }
0x4c: {  	_ =	shalt  }
0x4d: {  	_ =	shalt  }
0x4e: {  	_ =	shalt  }
0x4f: {  	_ =	shalt  }
0x50: {  	_ =	shalt  }
0x51: {  	_ =	shalt  }
0x52: {  	_ =	shalt  }
0x53: {  	_ =	shalt  }
0x54: {  	_ =	shalt  }
0x55: {  	_ =	shalt  }
0x56: {  	_ =	shalt  }
0x57: {  	_ =	shalt  }
0x58: {  	_ =	shalt  }
0x59: {  	_ =	shalt  }
0x5a: {  	_ =	shalt  }
0x5b: {  	_ =	shalt  }
0x5c: {  	_ =	shalt  }
0x5d: {  	_ =	shalt  }
0x5e: {  	_ =	shalt  }
0x5f: {  	_ =	shalt  }
0x60: {  	_ =	shalt  }
0x61: {  	_ =	shalt  }
0x62: {  	_ =	shalt  }
0x63: {  	_ =	shalt  }
0x64: {  	_ =	shalt  }
0x65: {  	_ =	shalt  }
0x66: {  	_ =	shalt  }
0x67: {  	_ =	shalt  }
0x68: {  	_ =	shalt  }
0x69: {  	_ =	shalt  }
0x6a: {  	_ =	shalt  }
0x6b: {  	_ =	shalt  }
0x6c: {  	_ =	shalt  }
0x6d: {  	_ =	shalt  }
0x6e: {  	_ =	shalt  }
0x6f: {  	_ =	shalt  }
0x70: {  	_ =	shalt  }
0x71: {  	_ =	shalt  }
0x72: {  	_ =	shalt  }
0x73: {  	_ =	shalt  }
0x74: {  	_ =	shalt  }
0x75: {  	_ =	shalt  }
0x76: {  	_ =	shalt  }
0x77: {  	_ =	shalt  }
0x78: {  	_ =	shalt  }
0x79: {  	_ =	shalt  }
0x7a: {  	_ =	shalt  }
0x7b: {  	_ =	shalt  }
0x7c: {  	_ =	shalt  }
0x7d: {  	_ =	shalt  }
0x7e: {  	_ =	shalt  }
0x7f: {  	_ =	shalt  }
0x80: {  	_ =	shalt  }
0x81: {  	_ =	shalt  }
0x82: {  	_ =	shalt  }
0x83: {  	_ =	shalt  }
0x84: {  	_ =	shalt  }
0x85: {  	_ =	shalt  }
0x86: {  	_ =	shalt  }
0x87: {  	_ =	shalt  }
.Lfunc_end0:
.L_simem_size_0:
called_computation.1_lowered:
.L_overlay_start_0:
0x88: {  	s2 =	sld [smem:$0x3FD9]  }
0x89: {  	s3 =	sld [smem:$0x3FFE];
	_ =	sdelay $0x1  }
0x8a: {  	s1 =	srdreg.scid  }
0x8b: {  	s0 =	sand.u32 $0x1, s1  }
0x8c: {  	s17 =	sshll.u32 s0, $0xA;
	s2 =	sadd.s32 s3, s2  }
0x8d: {  	s2 =	sadd.s32 s2, s17  }
0x8e: {  	[smem:$0x3FB6] =	sst s2  }
0x8f: {  	_ = 	snop  }
0x90: {  	s4 =	sld [smem:$0x3FC4]  }
0x91: {  	s18 =	sld [smem:$0x3FC1];
	(tm) =	ssettm $0x1  }
0x92: {  	s19 =	sld [smem:$0x3FFB];
	_ =	sdelay $0x3  }
0x93: {  	_ =	strace s19  }
0x94: {  	s2 =	sld [smem:$0x3FFC];
	_ =	sdelay $0x3  }
0x95: {  	_ =	strace s2  }
0x96: {  	s2 =	sld [smem:$0x3FFD];
	_ =	sdelay $0x3  }
0x97: {  	_ =	strace s2  }
0x98: {  	_ =	strace $0x8FFFFFFF  }
0x99: {  	s20 =	sld [smem:$0x3FDB];
	_ =	sdelay $0x1  }
0x9a: {  	s5 =	simm.s32 $_scs_section_size  }
0x9b: {  	s6 =	simm.s32 $_size__tile_overlayer_lowered;
	s7 =	simm.s32 $_tile_overlayer_lowered  }
0x9c: {  	s8 =	simm.s32 $0x1BFF;
	s21 =	sshll.u32 s7, $0x1;
	s5 =	sadd.s32 s5, s20  }
0x9d: {  	s22 =	simm.s32 $0x0;
	s6 =	sshll.u32 s6, $0x1;
	s7 =	sadd.s32 s21, s5  }
0x9e: {  	[timem:s22], [sflag:s8] =	dma.local [hbm:s7], s6  }
0x9f: {  	_ =	swait.ge [sflag:s8], s6  }
0xa0: {  	s6 =	ssub.s32 $0x0, s6;
	[sflag:s8] =	ssyncset.done $0x0  }
0xa1: {  	[sflag:s8] =	ssyncadd.s32 s6;
	_ =	sdelay $0x1  }
0xa2: {  	s23 =	simm.s32 $0x1B8B  }
0xa3: {  	_ =	swait.ge [sflag:s23], $0x1  }
0xa4: {  	[sflag:s23] =	ssyncset.done $0x0  }
0xa5: {  	[sflag:s23] =	ssyncadd.s32 $0xFFFFFFFF  }
0xa6: {  	s6 =	sld [smem:$0x0]  }
0xa7: {  	s7 =	sand.u32 $0xFFFFFFFE, s1  }
0xa8: {  	p0 =	sne.s32 s1, s7  }
0xa9: {  	s7 =	sshll.u32 @p0 s7, $0xE  }
0xaa: {  	s7 =	sadd.s32 @p0 $0x11B8D, s7;
	s8 =	sshll.u32 @p0 s6, $0x11  }
0xab: {  	s7 =	sor.u32 @p0 s8, s7  }
0xac: {  	[sflag:s7] =	ssyncadd.remote.s32 @p0 $0x1;
	_ =	sdelay $0x1  }
0xad: {  	s7 =	simm.s32 @p0 $0x1B8D  }
0xae: {  	_ =	swait.eq @p0 [sflag:s7], $0x1  }
0xaf: {  	[sflag:s7] =	ssyncadd.s32 @p0 $0xFFFFFFFF  }
0xb0: {  	s8 =	sshll.u32 @!p0 s1, $0xE  }
0xb1: {  	s8 =	sor.u32 @!p0 $0x4000, s8;
	s7 =	simm.s32 @!p0 $0x1B8D  }
0xb2: {  	s6 =	sshll.u32 @!p0 s6, $0x11;
	s8 =	sadd.s32 @!p0 $0x11B8D, s8;
	_ =	swait.eq @!p0 [sflag:s7], $0x1  }
0xb3: {  	s6 =	sor.u32 @!p0 s6, s8;
	[sflag:s7] =	ssyncadd.s32 @!p0 $0xFFFFFFFF  }
0xb4: {  	s25 =	simm.s32 $0x1B8E;
	s24 =	sld [smem:$0x3FFE];
	[sflag:s6] =	ssyncadd.remote.s32 @!p0 $0x1  }
0xb5: {  	s26 =	simm.s32 $execute0_lowered;
	[smem:$0x3FD2] =	sst s25  }
0xb6: {  	s7 =	sshll.u32 s26, $0x1;
	_ =	strace $0x80000049;
	[dreg:$0x1] =	wrdreg $0xFFFFFFFF  }
0xb7: {  	s28 =	simm.s32 $_size_execute0_lowered;
	s5 =	sadd.s32 s5, s7;
	[dreg:$0x0] =	wrdreg $0x0  }
0xb8: {  	s7 =	sshll.u32 s28, $0x1;
	[dreg:$0x2] =	wrdreg s5  }
0xb9: {  	[dreg:$0x3] =	wrdreg s7  }
0xba: {  	[dreg:$0x4] =	wrdreg $0xC0  }
0xbb: {  	_ =	task [dreg:s22], $0x5FFFF  }
0xbc: {  	[dreg:$0x1] =	wrdreg $0xFFFFFFFF  }
0xbd: {  	[dreg:$0x0] =	wrdreg $0x60  }
0xbe: {  	[dreg:$0x2] =	wrdreg s4  }
0xbf: {  	[dreg:$0x3] =	wrdreg s24  }
0xc0: {  	[dreg:$0x4] =	wrdreg s18  }
0xc1: {  	[dreg:$0x5] =	wrdreg $0xA  }
0xc2: {  	_ =	task.clear_ibuf [dreg:s22], $0x6FFFF;
	_ =	strace $0x90000049  }
0xc3: {  	s29 =	simm.s32 $0xA;
	_ =	strace $0x8000004B  }
0xc4: {  	_ =	swait.ge [sflag:s29], $0x1  }
0xc5: {  	[sflag:s29] =	ssyncadd.s32 $0xFFFFFFFF  }
0xc6: {  	_ =	strace $0x9000004B  }
0xc7: {  	_ =	sfence  }
0xc8: {  	s30 =	sld [smem:$0x0];
	_ =	sdelay $0x2  }
0xc9: {  	s31 =	sshll.u32 s1, $0xD;
	s1 =	sshrl.u32 s1, $0x2  }
0xca: {  	s4 =	sand.u32 $0x4000, s31;
	s1 =	sadd.s32 s1, s30  }
0xcb: {  	s0 =	sor.u32 s4, s0;
	s1 =	sshll.u32 s1, $0x11  }
0xcc: {  	s0 =	sor.u32 s1, s0  }
0xcd: {  	s0 =	sadd.s32 $0x8F2B, s0  }
0xce: {  	[sflag:s0] =	ssyncadd.remote.s32 $0x1  }
0xcf: {  	_ =	sfence.sel $0xFFFF  }
0xd0: {  	[dreg:$0x0] =	wrdreg $0xFFFFFFFF;
	(pc) =	sbr.abs _section_cstart, $3  }
0xd1: {  	[dreg:$0x1] =	wrdreg $0xFFFFFFFF  }
0xd2: {  	_ =	task.clear_ibuf [dreg:s22], $0x2FFFF;
	_ =	strace $0x9FFFFFFF  }
0xd3: {  	(tm) =	ssettm $0x7FFFFFFF  }
tec
execute0_lowered:
.L_overlay_start_1:
0x0: {  	(tag) =	ssettag $0x1  }
0x1: {  	s1 =	rddreg [dreg:$0x0]  }
0x2: {  	s0 =	srdreg.scid;
	s2 =	rddreg [dreg:$0x1]  }
0x3: {  	s4 =	stileid.u32;
	s3 =	rddreg [dreg:$0x2];
	s15 =	simm.s32 $0x3  }
0x4: {  	s16 =	simm.s32 $0x100;
	s21 =	simm.s32 $0xC100;
	s11 =	simm.s32 $0x12900  }
0x5: {  	s14 =	simm.s32 $0x13100;
	s17 =	simm.s32 $0x13900;
	s18 =	simm.s32 $0x14100  }
0x6: {  	s19 =	simm.s32 $0x14900;
	s20 =	simm.s32 $0x15100;
	s22 =	simm.s32 $0x15900  }
0x7: {  	s23 =	simm.s32 $0x16100;
	s24 =	simm.s32 $0x16900;
	s25 =	simm.s32 $0x17100  }
0x8: {  	s28 =	simm.s32 $0x1;
	s29 =	simm.s32 $0x4;
	s30 =	simm.s32 $0x2  }
0x9: {  	s0 =	sand.u32 $0x1, s0;
	s5 =	sshll.u32 s4, $0x9;
	s4 =	simm.s32 $0x0  }
0xa: {  	s7 =	sadd.s32 $0x249400, s2;
	s10 =	sadd.s32 $0x200, s1;
	s12 =	sadd.s32 $0x100, s3  }
0xb: {  	s13 =	sadd.s32 $0x200, s3;
	s6 =	sshll.u32 s0, $0x8;
	s0 =	ssub.s32 $0x2, s0  }
0xc: {  	[smem:$0x7FF] =	sst s4;
	s5 =	sor.u32 s6, s5;
	s9 =	sshrl.u32 s0, $0x1  }
.Ltmp0:
0xd: {  	s6 =	sshrl.u32 s5, $0x3;
	s0 =	ssub.s32 s0, s9;
	(pc) =	sbr.rel .LBB2_1-.Ltmp0, $4  }
0xe: {  	_ =	strace $0x8000004A;
	s8 =	sadd.s32 s6, s2;
	s0 =	smax.u32 s0, $0x1  }
0xf: {  	v2 =	vlaneseq.u32;
	s9 =	sadd.s32 $0x100, s1;
	s26 =	sadd.s32 $0x5800, s8;
	[dreg:$0x6] =	wrdreg s0  }
0x10: {  	vm0 =	vmmov $0xffff;
	v1 =	vshrl.u32 v2, $0x3;
	s6 =	sadd.s32 $0x189400, s2;
	s31 =	sadd.s32 $0x7800, s8;
	[dreg:$0x4] =	wrdreg s26  }
0x11: {  	v0 =	vand.u32 $0x7, v2;
	v2 =	vor.u32 $0x8, v2;
	v1 =	vmul.u32 $0x8, v1;
	s2 =	simm.s32 $0x0;
	[dreg:$0x5] =	wrdreg s31;
	s26 =	simm.s32 $0x17900  }
.LBB2_9:
0x12: {  	s2 =	rddreg [dreg:$0x7]  }
0x13: {  	s0 =	rddreg [dreg:$0x6];
	s2 =	sadd.s32 $0x1, s2  }
0x14: {  	p0 =	sne.s32 s2, s0  }
.Ltmp1:
0x15: {  	_ = 	snop;
	(pc) =	sbr.rel @!p0 .LBB2_10-.Ltmp1, $1  }
0x16: {  	_ =	sdelay $0x3  }
.LBB2_1:
0x17: {  	[dreg:$0x7] =	wrdreg s2  }
0x18: {  	s0 =	rddreg [dreg:$0x4]  }
0x19: {  	[tilespmem:s4], [sflag:$0x3] =	stream.linear.gather [hbm4b:s0+s4], $0x100, $0x38;
	[tilespmem:$0x18100] =	vst v63  }
0x1a: {  	_ =	swait.ge [sflag:s15], $0x100  }
0x1b: {  	[sflag:s15] =	ssyncset.done $0x0  }
0x1c: {  	[sflag:s15] =	ssyncadd.s32 $0xFFFFFF00  }
0x1d: {  	v3 =	vld [tilespmem:$0x0];
	_ =	sdelay $0x4  }
0x1e: {  	v4 =	vshrl.u32 v3, $0x3  }
0x1f: {  	v4 =	vmul.u32 $0x30, v4  }
0x20: {  	v3 =	vand.u32 $0x7, v3  }
0x21: {  	v3 =	vor.u32 v3, v4  }
0x22: {  	v4 =	vperm.xlane v3, v0;
	_ =	sdelay $0x1  }
0x23: {  	v4 =	vadd.s32 v1, v4;
	_ =	sdelay $0x3  }
0x24: {  	v3 =	vperm.xlane v3, v2  }
0x25: {  	[tilespmem:s16], [sflag:$0x1] =	stream.indirect_vreg.gather [hbm4b:s1+s4], $0x80, v4, vm0, $0xb8;
	[tilespmem:$0x18100] =	vst v63  }
0x26: {  	s8 =	simm.s32 $0x900;
	v3 =	vadd.s32 v1, v3  }
0x27: {  	[tilespmem:s8], [sflag:$0x1] =	stream.indirect_vreg.gather [hbm4b:s9+s4], $0x80, v4, vm0, $0xb8;
	[tilespmem:$0x18100] =	vst v63  }
0x28: {  	s31 =	simm.s32 $0x1100  }
0x29: {  	[tilespmem:s31], [sflag:$0x1] =	stream.indirect_vreg.gather [hbm4b:s10+s4], $0x80, v4, vm0, $0xb8;
	[tilespmem:$0x18100] =	vst v63  }
0x2a: {  	s2 =	simm.s32 $0x1900  }
0x2b: {  	[tilespmem:s2], [sflag:$0x1] =	stream.indirect_vreg.gather [hbm4b:s1+s4], $0x80, v3, vm0, $0xb8;
	[tilespmem:$0x18100] =	vst v63  }
0x2c: {  	s8 =	simm.s32 $0x2100  }
0x2d: {  	[tilespmem:s8], [sflag:$0x1] =	stream.indirect_vreg.gather [hbm4b:s9+s4], $0x80, v3, vm0, $0xb8;
	[tilespmem:$0x18100] =	vst v63  }
0x2e: {  	s31 =	simm.s32 $0x2900  }
0x2f: {  	[tilespmem:s31], [sflag:$0x1] =	stream.indirect_vreg.gather [hbm4b:s10+s4], $0x80, v3, vm0, $0xb8;
	[tilespmem:$0x18100] =	vst v63  }
0x30: {  	v3 =	vld [tilespmem:$0x10];
	_ =	sdelay $0x4  }
0x31: {  	v61 =	vshrl.u32 v3, $0x3  }
0x32: {  	v4 =	vmul.u32 $0x30, v61  }
0x33: {  	v3 =	vand.u32 $0x7, v3  }
0x34: {  	v3 =	vor.u32 v3, v4  }
0x35: {  	v4 =	vperm.xlane v3, v0;
	_ =	sdelay $0x1  }
0x36: {  	v4 =	vadd.s32 v1, v4;
	_ =	sdelay $0x3  }
0x37: {  	s2 =	simm.s32 $0x3100;
	v3 =	vperm.xlane v3, v2  }
0x38: {  	[tilespmem:s2], [sflag:$0x1] =	stream.indirect_vreg.gather [hbm4b:s1+s4], $0x80, v4, vm0, $0xb8;
	[tilespmem:$0x18100] =	vst v63  }
0x39: {  	s8 =	simm.s32 $0x3900;
	v3 =	vadd.s32 v1, v3  }
0x3a: {  	[tilespmem:s8], [sflag:$0x1] =	stream.indirect_vreg.gather [hbm4b:s9+s4], $0x80, v4, vm0, $0xb8;
	[tilespmem:$0x18100] =	vst v63  }
0x3b: {  	s31 =	simm.s32 $0x4100  }
0x3c: {  	[tilespmem:s31], [sflag:$0x1] =	stream.indirect_vreg.gather [hbm4b:s10+s4], $0x80, v4, vm0, $0xb8;
	[tilespmem:$0x18100] =	vst v63  }
0x3d: {  	s2 =	simm.s32 $0x4900  }
0x3e: {  	[tilespmem:s2], [sflag:$0x1] =	stream.indirect_vreg.gather [hbm4b:s1+s4], $0x80, v3, vm0, $0xb8;
	[tilespmem:$0x18100] =	vst v63  }
0x3f: {  	s8 =	simm.s32 $0x5100  }
0x40: {  	[tilespmem:s8], [sflag:$0x1] =	stream.indirect_vreg.gather [hbm4b:s9+s4], $0x80, v3, vm0, $0xb8;
	[tilespmem:$0x18100] =	vst v63  }
0x41: {  	s31 =	simm.s32 $0x5900  }
0x42: {  	[tilespmem:s31], [sflag:$0x1] =	stream.indirect_vreg.gather [hbm4b:s10+s4], $0x80, v3, vm0, $0xb8;
	[tilespmem:$0x18100] =	vst v63  }
0x43: {  	v3 =	vld [tilespmem:$0x20];
	_ =	sdelay $0x4  }
0x44: {  	v62 =	vshrl.u32 v3, $0x3  }
0x45: {  	v4 =	vmul.u32 $0x30, v62  }
0x46: {  	v3 =	vand.u32 $0x7, v3  }
0x47: {  	v3 =	vor.u32 v3, v4  }
0x48: {  	v4 =	vperm.xlane v3, v0;
	_ =	sdelay $0x1  }
0x49: {  	v4 =	vadd.s32 v1, v4;
	_ =	sdelay $0x3  }
0x4a: {  	s2 =	simm.s32 $0x6100;
	v3 =	vperm.xlane v3, v2  }
0x4b: {  	[tilespmem:s2], [sflag:$0x1] =	stream.indirect_vreg.gather [hbm4b:s1+s4], $0x80, v4, vm0, $0xb8;
	[tilespmem:$0x18100] =	vst v63  }
0x4c: {  	s8 =	simm.s32 $0x6900;
	v3 =	vadd.s32 v1, v3  }
0x4d: {  	[tilespmem:s8], [sflag:$0x1] =	stream.indirect_vreg.gather [hbm4b:s9+s4], $0x80, v4, vm0, $0xb8;
	[tilespmem:$0x18100] =	vst v63  }
0x4e: {  	s31 =	simm.s32 $0x7100  }
0x4f: {  	[tilespmem:s31], [sflag:$0x1] =	stream.indirect_vreg.gather [hbm4b:s10+s4], $0x80, v4, vm0, $0xb8;
	[tilespmem:$0x18100] =	vst v63  }
0x50: {  	s2 =	simm.s32 $0x7900  }
0x51: {  	[tilespmem:s2], [sflag:$0x1] =	stream.indirect_vreg.gather [hbm4b:s1+s4], $0x80, v3, vm0, $0xb8;
	[tilespmem:$0x18100] =	vst v63  }
0x52: {  	s8 =	simm.s32 $0x8100  }
0x53: {  	[tilespmem:s8], [sflag:$0x1] =	stream.indirect_vreg.gather [hbm4b:s9+s4], $0x80, v3, vm0, $0xb8;
	[tilespmem:$0x18100] =	vst v63  }
0x54: {  	s31 =	simm.s32 $0x8900  }
0x55: {  	[tilespmem:s31], [sflag:$0x1] =	stream.indirect_vreg.gather [hbm4b:s10+s4], $0x80, v3, vm0, $0xb8;
	[tilespmem:$0x18100] =	vst v63  }
0x56: {  	v3 =	vld [tilespmem:$0x30];
	_ =	sdelay $0x4  }
0x57: {  	v63 =	vshrl.u32 v3, $0x3  }
0x58: {  	v4 =	vmul.u32 $0x30, v63  }
0x59: {  	v3 =	vand.u32 $0x7, v3  }
0x5a: {  	v3 =	vor.u32 v3, v4  }
0x5b: {  	v4 =	vperm.xlane v3, v0;
	_ =	sdelay $0x1  }
0x5c: {  	v4 =	vadd.s32 v1, v4;
	_ =	sdelay $0x3  }
0x5d: {  	s2 =	simm.s32 $0x9100;
	v3 =	vperm.xlane v3, v2  }
0x5e: {  	[tilespmem:s2], [sflag:$0x1] =	stream.indirect_vreg.gather [hbm4b:s1+s4], $0x80, v4, vm0, $0xb8;
	[tilespmem:$0x18100] =	vst v63  }
0x5f: {  	s8 =	simm.s32 $0x9900;
	v3 =	vadd.s32 v1, v3  }
0x60: {  	[tilespmem:s8], [sflag:$0x1] =	stream.indirect_vreg.gather [hbm4b:s9+s4], $0x80, v4, vm0, $0xb8;
	[tilespmem:$0x18100] =	vst v63  }
0x61: {  	s31 =	simm.s32 $0xA100  }
0x62: {  	[tilespmem:s31], [sflag:$0x1] =	stream.indirect_vreg.gather [hbm4b:s10+s4], $0x80, v4, vm0, $0xb8;
	[tilespmem:$0x18100] =	vst v63  }
0x63: {  	s2 =	simm.s32 $0xA900  }
0x64: {  	[tilespmem:s2], [sflag:$0x1] =	stream.indirect_vreg.gather [hbm4b:s1+s4], $0x80, v3, vm0, $0xb8;
	[tilespmem:$0x18100] =	vst v63  }
.Ltmp2:
0x65: {  	_ = 	snop;
	(pc) =	sbr.rel .LBB2_2-.Ltmp2, $4  }
0x66: {  	s8 =	simm.s32 $0xB100  }
0x67: {  	[tilespmem:s8], [sflag:$0x1] =	stream.indirect_vreg.gather [hbm4b:s9+s4], $0x80, v3, vm0, $0xb8;
	[tilespmem:$0x18100] =	vst v63  }
0x68: {  	p1 =	por $0x1, $0x1;
	s31 =	simm.s32 $0xB900;
	s2 =	simm.s32 $0x0  }
0x69: {  	[tilespmem:s31], [sflag:$0x1] =	stream.indirect_vreg.gather [hbm4b:s10+s4], $0x80, v3, vm0, $0xb8;
	[tilespmem:$0x18100] =	vst v63  }
.LBB2_4:
0x6a: {  	s0 =	sor.u32 s5, s31  }
0x6b: {  	s0 =	sshrl.u32 s0, $0x3  }
0x6c: {  	_ =	swait.ge [sflag:s30], $0xC000;
	s0 =	smul.u32 $0x300, s0  }
0x6d: {  	[sflag:s30] =	ssyncset.done $0x0  }
.Ltmp3:
0x6e: {  	[sflag:s30] =	ssyncadd.s32 $0xFFFF4000;
	s0 =	sadd.s32 s6, s0;
	(pc) =	sbr.rel @!p0 .LBB2_5-.Ltmp3, $4  }
0x6f: {  	[hbm4b:s0+s4] =	stream.linear.scatter [tilespmem:s21], [sflag:$0x3], $0xC000, $0x38;
	[tilespmem:$0x18100] =	vst v63  }
0x70: {  	_ =	swait.ge [sflag:s15], $0xC000  }
0x71: {  	[sflag:s15] =	ssyncset.done $0x0  }
0x72: {  	s2 =	simm.s32 $0x1;
	p1 =	por $0x0, $0x0;
	[sflag:s15] =	ssyncadd.s32 $0xFFFF4000  }
.LBB2_2:
0x73: {  	s31 =	sshllo.u32 s2, $0x1  }
0x74: {  	s31 =	sshll.u32 s31, $0x6  }
0x75: {  	s0 =	sand.u32 $0x3FFFFFC0, s31  }
0x76: {  	v3 =	vld [tilespmem:s0+$0x0];
	_ =	sdelay $0x4  }
0x77: {  	v4 =	vshrl.u32 v3, $0x3  }
0x78: {  	v4 =	vmul.u32 $0x30, v4  }
0x79: {  	v3 =	vand.u32 $0x7, v3  }
0x7a: {  	v3 =	vor.u32 v3, v4  }
0x7b: {  	v4 =	vperm.xlane v3, v0;
	_ =	sdelay $0x1  }
0x7c: {  	v4 =	vadd.s32 v1, v4;
	_ =	sdelay $0x3  }
0x7d: {  	v3 =	vperm.xlane v3, v2  }
0x7e: {  	[tilespmem:s21], [sflag:$0x2] =	stream.indirect_vreg.gather [hbm4b:s1+s4], $0x80, v4, vm0, $0xb8;
	[tilespmem:$0x18100] =	vst v63  }
0x7f: {  	s8 =	simm.s32 $0xC900;
	v3 =	vadd.s32 v1, v3  }
0x80: {  	[tilespmem:s8], [sflag:$0x2] =	stream.indirect_vreg.gather [hbm4b:s9+s4], $0x80, v4, vm0, $0xb8;
	[tilespmem:$0x18100] =	vst v63  }
0x81: {  	s8 =	simm.s32 $0xD100  }
0x82: {  	[tilespmem:s8], [sflag:$0x2] =	stream.indirect_vreg.gather [hbm4b:s10+s4], $0x80, v4, vm0, $0xb8;
	[tilespmem:$0x18100] =	vst v63  }
0x83: {  	s8 =	simm.s32 $0xD900  }
0x84: {  	[tilespmem:s8], [sflag:$0x2] =	stream.indirect_vreg.gather [hbm4b:s1+s4], $0x80, v3, vm0, $0xb8;
	[tilespmem:$0x18100] =	vst v63  }
0x85: {  	s8 =	simm.s32 $0xE100  }
0x86: {  	[tilespmem:s8], [sflag:$0x2] =	stream.indirect_vreg.gather [hbm4b:s9+s4], $0x80, v3, vm0, $0xb8;
	[tilespmem:$0x18100] =	vst v63  }
0x87: {  	s8 =	simm.s32 $0xE900  }
0x88: {  	[tilespmem:s8], [sflag:$0x2] =	stream.indirect_vreg.gather [hbm4b:s10+s4], $0x80, v3, vm0, $0xb8;
	[tilespmem:$0x18100] =	vst v63  }
0x89: {  	v3 =	vld [tilespmem:s0+$0x10];
	_ =	sdelay $0x4  }
0x8a: {  	v61 =	vshrl.u32 v3, $0x3  }
0x8b: {  	v4 =	vmul.u32 $0x30, v61  }
0x8c: {  	v3 =	vand.u32 $0x7, v3  }
0x8d: {  	v3 =	vor.u32 v3, v4  }
0x8e: {  	v4 =	vperm.xlane v3, v0;
	_ =	sdelay $0x1  }
0x8f: {  	v4 =	vadd.s32 v1, v4;
	_ =	sdelay $0x3  }
0x90: {  	s8 =	simm.s32 $0xF100;
	v3 =	vperm.xlane v3, v2  }
0x91: {  	[tilespmem:s8], [sflag:$0x2] =	stream.indirect_vreg.gather [hbm4b:s1+s4], $0x80, v4, vm0, $0xb8;
	[tilespmem:$0x18100] =	vst v63  }
0x92: {  	v3 =	vadd.s32 v1, v3;
	s8 =	simm.s32 $0xF900  }
0x93: {  	[tilespmem:s8], [sflag:$0x2] =	stream.indirect_vreg.gather [hbm4b:s9+s4], $0x80, v4, vm0, $0xb8;
	[tilespmem:$0x18100] =	vst v63  }
0x94: {  	s8 =	simm.s32 $0x10100  }
0x95: {  	[tilespmem:s8], [sflag:$0x2] =	stream.indirect_vreg.gather [hbm4b:s10+s4], $0x80, v4, vm0, $0xb8;
	[tilespmem:$0x18100] =	vst v63  }
0x96: {  	s8 =	simm.s32 $0x10900  }
0x97: {  	[tilespmem:s8], [sflag:$0x2] =	stream.indirect_vreg.gather [hbm4b:s1+s4], $0x80, v3, vm0, $0xb8;
	[tilespmem:$0x18100] =	vst v63  }
0x98: {  	s8 =	simm.s32 $0x11100  }
0x99: {  	[tilespmem:s8], [sflag:$0x2] =	stream.indirect_vreg.gather [hbm4b:s9+s4], $0x80, v3, vm0, $0xb8;
	[tilespmem:$0x18100] =	vst v63  }
0x9a: {  	s8 =	simm.s32 $0x11900  }
0x9b: {  	[tilespmem:s8], [sflag:$0x2] =	stream.indirect_vreg.gather [hbm4b:s10+s4], $0x80, v3, vm0, $0xb8;
	[tilespmem:$0x18100] =	vst v63  }
0x9c: {  	v3 =	vld [tilespmem:s0+$0x20];
	_ =	sdelay $0x4  }
0x9d: {  	v62 =	vshrl.u32 v3, $0x3  }
0x9e: {  	v4 =	vmul.u32 $0x30, v62  }
0x9f: {  	v3 =	vand.u32 $0x7, v3  }
0xa0: {  	v3 =	vor.u32 v3, v4  }
0xa1: {  	v4 =	vperm.xlane v3, v0;
	_ =	sdelay $0x1  }
0xa2: {  	v4 =	vadd.s32 v1, v4;
	_ =	sdelay $0x3  }
0xa3: {  	s8 =	simm.s32 $0x12100;
	v3 =	vperm.xlane v3, v2  }
0xa4: {  	[tilespmem:s8], [sflag:$0x2] =	stream.indirect_vreg.gather [hbm4b:s1+s4], $0x80, v4, vm0, $0xb8;
	[tilespmem:$0x18100] =	vst v63  }
0xa5: {  	v3 =	vadd.s32 v1, v3  }
0xa6: {  	[tilespmem:s11], [sflag:$0x2] =	stream.indirect_vreg.gather [hbm4b:s9+s4], $0x80, v4, vm0, $0xb8;
	[tilespmem:$0x18100] =	vst v63  }
0xa7: {  	_ = 	snop  }
0xa8: {  	[tilespmem:s14], [sflag:$0x2] =	stream.indirect_vreg.gather [hbm4b:s10+s4], $0x80, v4, vm0, $0xb8;
	[tilespmem:$0x18100] =	vst v63  }
0xa9: {  	_ = 	snop  }
0xaa: {  	[tilespmem:s17], [sflag:$0x2] =	stream.indirect_vreg.gather [hbm4b:s1+s4], $0x80, v3, vm0, $0xb8;
	[tilespmem:$0x18100] =	vst v63  }
0xab: {  	_ = 	snop  }
0xac: {  	[tilespmem:s18], [sflag:$0x2] =	stream.indirect_vreg.gather [hbm4b:s9+s4], $0x80, v3, vm0, $0xb8;
	[tilespmem:$0x18100] =	vst v63  }
0xad: {  	_ = 	snop  }
0xae: {  	[tilespmem:s19], [sflag:$0x2] =	stream.indirect_vreg.gather [hbm4b:s10+s4], $0x80, v3, vm0, $0xb8;
	[tilespmem:$0x18100] =	vst v63  }
0xaf: {  	v3 =	vld [tilespmem:s0+$0x30];
	_ =	sdelay $0x4  }
0xb0: {  	v63 =	vshrl.u32 v3, $0x3  }
0xb1: {  	v4 =	vmul.u32 $0x30, v63  }
0xb2: {  	v3 =	vand.u32 $0x7, v3  }
0xb3: {  	v3 =	vor.u32 v3, v4  }
0xb4: {  	v4 =	vperm.xlane v3, v0;
	_ =	sdelay $0x1  }
0xb5: {  	v4 =	vadd.s32 v1, v4;
	_ =	sdelay $0x3  }
0xb6: {  	v3 =	vperm.xlane v3, v2  }
0xb7: {  	[tilespmem:s20], [sflag:$0x2] =	stream.indirect_vreg.gather [hbm4b:s1+s4], $0x80, v4, vm0, $0xb8;
	[tilespmem:$0x18100] =	vst v63  }
0xb8: {  	v3 =	vadd.s32 v1, v3  }
0xb9: {  	[tilespmem:s22], [sflag:$0x2] =	stream.indirect_vreg.gather [hbm4b:s9+s4], $0x80, v4, vm0, $0xb8;
	[tilespmem:$0x18100] =	vst v63  }
0xba: {  	_ = 	snop  }
0xbb: {  	[tilespmem:s23], [sflag:$0x2] =	stream.indirect_vreg.gather [hbm4b:s10+s4], $0x80, v4, vm0, $0xb8;
	[tilespmem:$0x18100] =	vst v63  }
0xbc: {  	s8 =	sshll.u32 s2, $0x7  }
0xbd: {  	[tilespmem:s24], [sflag:$0x2] =	stream.indirect_vreg.gather [hbm4b:s1+s4], $0x80, v3, vm0, $0xb8;
	[tilespmem:$0x18100] =	vst v63  }
0xbe: {  	s0 =	sor.u32 s5, s8  }
0xbf: {  	[tilespmem:s25], [sflag:$0x2] =	stream.indirect_vreg.gather [hbm4b:s9+s4], $0x80, v3, vm0, $0xb8;
	[tilespmem:$0x18100] =	vst v63  }
0xc0: {  	s0 =	sshrl.u32 s0, $0x3  }
0xc1: {  	[tilespmem:s26], [sflag:$0x2] =	stream.indirect_vreg.gather [hbm4b:s10+s4], $0x80, v3, vm0, $0xb8;
	[tilespmem:$0x18100] =	vst v63  }
0xc2: {  	s0 =	smul.u32 $0x300, s0;
	_ =	swait.ge [sflag:s28], $0xC000  }
0xc3: {  	[sflag:s28] =	ssyncset.done $0x0  }
.Ltmp4:
0xc4: {  	s0 =	sadd.s32 s6, s0;
	[sflag:s28] =	ssyncadd.s32 $0xFFFF4000;
	(pc) =	sbr.rel @!p1 .LBB2_4-.Ltmp4, $4  }
0xc5: {  	[hbm4b:s0+s4] =	stream.linear.scatter [tilespmem:s16], [sflag:$0x4], $0xC000, $0x38;
	[tilespmem:$0x18100] =	vst v63  }
0xc6: {  	_ =	swait.ge [sflag:s29], $0xC000  }
0xc7: {  	[sflag:s29] =	ssyncset.done $0x0  }
0xc8: {  	p0 =	por p1, p1;
	[sflag:s29] =	ssyncadd.s32 $0xFFFF4000  }
0xc9: {  	v3 =	vld [tilespmem:$0x80];
	_ =	sdelay $0x4  }
0xca: {  	v4 =	vshrl.u32 v3, $0x3  }
0xcb: {  	v4 =	vmul.u32 $0x30, v4  }
0xcc: {  	v3 =	vand.u32 $0x7, v3  }
0xcd: {  	v3 =	vor.u32 v3, v4  }
0xce: {  	v4 =	vperm.xlane v3, v0;
	_ =	sdelay $0x1  }
0xcf: {  	v4 =	vadd.s32 v1, v4;
	_ =	sdelay $0x3  }
0xd0: {  	v3 =	vperm.xlane v3, v2  }
0xd1: {  	[tilespmem:s16], [sflag:$0x1] =	stream.indirect_vreg.gather [hbm4b:s1+s4], $0x80, v4, vm0, $0xb8;
	[tilespmem:$0x18100] =	vst v63  }
0xd2: {  	s0 =	simm.s32 $0x900;
	v3 =	vadd.s32 v1, v3  }
0xd3: {  	[tilespmem:s0], [sflag:$0x1] =	stream.indirect_vreg.gather [hbm4b:s9+s4], $0x80, v4, vm0, $0xb8;
	[tilespmem:$0x18100] =	vst v63  }
0xd4: {  	s2 =	simm.s32 $0x1100  }
0xd5: {  	[tilespmem:s2], [sflag:$0x1] =	stream.indirect_vreg.gather [hbm4b:s10+s4], $0x80, v4, vm0, $0xb8;
	[tilespmem:$0x18100] =	vst v63  }
0xd6: {  	s8 =	simm.s32 $0x1900  }
0xd7: {  	[tilespmem:s8], [sflag:$0x1] =	stream.indirect_vreg.gather [hbm4b:s1+s4], $0x80, v3, vm0, $0xb8;
	[tilespmem:$0x18100] =	vst v63  }
0xd8: {  	s2 =	simm.s32 $0x2100  }
0xd9: {  	[tilespmem:s2], [sflag:$0x1] =	stream.indirect_vreg.gather [hbm4b:s9+s4], $0x80, v3, vm0, $0xb8;
	[tilespmem:$0x18100] =	vst v63  }
0xda: {  	s8 =	simm.s32 $0x2900  }
0xdb: {  	[tilespmem:s8], [sflag:$0x1] =	stream.indirect_vreg.gather [hbm4b:s10+s4], $0x80, v3, vm0, $0xb8;
	[tilespmem:$0x18100] =	vst v63  }
0xdc: {  	v3 =	vld [tilespmem:$0x90];
	_ =	sdelay $0x4  }
0xdd: {  	v61 =	vshrl.u32 v3, $0x3  }
0xde: {  	v4 =	vmul.u32 $0x30, v61  }
0xdf: {  	v3 =	vand.u32 $0x7, v3  }
0xe0: {  	v3 =	vor.u32 v3, v4  }
0xe1: {  	v4 =	vperm.xlane v3, v0;
	_ =	sdelay $0x1  }
0xe2: {  	v4 =	vadd.s32 v1, v4;
	_ =	sdelay $0x3  }
0xe3: {  	s2 =	simm.s32 $0x3100;
	v3 =	vperm.xlane v3, v2  }
0xe4: {  	[tilespmem:s2], [sflag:$0x1] =	stream.indirect_vreg.gather [hbm4b:s1+s4], $0x80, v4, vm0, $0xb8;
	[tilespmem:$0x18100] =	vst v63  }
0xe5: {  	s8 =	simm.s32 $0x3900;
	v3 =	vadd.s32 v1, v3  }
0xe6: {  	[tilespmem:s8], [sflag:$0x1] =	stream.indirect_vreg.gather [hbm4b:s9+s4], $0x80, v4, vm0, $0xb8;
	[tilespmem:$0x18100] =	vst v63  }
0xe7: {  	s2 =	simm.s32 $0x4100  }
0xe8: {  	[tilespmem:s2], [sflag:$0x1] =	stream.indirect_vreg.gather [hbm4b:s10+s4], $0x80, v4, vm0, $0xb8;
	[tilespmem:$0x18100] =	vst v63  }
0xe9: {  	s8 =	simm.s32 $0x4900  }
0xea: {  	[tilespmem:s8], [sflag:$0x1] =	stream.indirect_vreg.gather [hbm4b:s1+s4], $0x80, v3, vm0, $0xb8;
	[tilespmem:$0x18100] =	vst v63  }
0xeb: {  	s2 =	simm.s32 $0x5100  }
0xec: {  	[tilespmem:s2], [sflag:$0x1] =	stream.indirect_vreg.gather [hbm4b:s9+s4], $0x80, v3, vm0, $0xb8;
	[tilespmem:$0x18100] =	vst v63  }
0xed: {  	s8 =	simm.s32 $0x5900  }
0xee: {  	[tilespmem:s8], [sflag:$0x1] =	stream.indirect_vreg.gather [hbm4b:s10+s4], $0x80, v3, vm0, $0xb8;
	[tilespmem:$0x18100] =	vst v63  }
0xef: {  	v3 =	vld [tilespmem:$0xA0];
	_ =	sdelay $0x4  }
0xf0: {  	v62 =	vshrl.u32 v3, $0x3  }
0xf1: {  	v4 =	vmul.u32 $0x30, v62  }
0xf2: {  	v3 =	vand.u32 $0x7, v3  }
0xf3: {  	v3 =	vor.u32 v3, v4  }
0xf4: {  	v4 =	vperm.xlane v3, v0;
	_ =	sdelay $0x1  }
0xf5: {  	v4 =	vadd.s32 v1, v4;
	_ =	sdelay $0x3  }
0xf6: {  	s2 =	simm.s32 $0x6100;
	v3 =	vperm.xlane v3, v2  }
0xf7: {  	[tilespmem:s2], [sflag:$0x1] =	stream.indirect_vreg.gather [hbm4b:s1+s4], $0x80, v4, vm0, $0xb8;
	[tilespmem:$0x18100] =	vst v63  }
0xf8: {  	s8 =	simm.s32 $0x6900;
	v3 =	vadd.s32 v1, v3  }
0xf9: {  	[tilespmem:s8], [sflag:$0x1] =	stream.indirect_vreg.gather [hbm4b:s9+s4], $0x80, v4, vm0, $0xb8;
	[tilespmem:$0x18100] =	vst v63  }
0xfa: {  	s2 =	simm.s32 $0x7100  }
0xfb: {  	[tilespmem:s2], [sflag:$0x1] =	stream.indirect_vreg.gather [hbm4b:s10+s4], $0x80, v4, vm0, $0xb8;
	[tilespmem:$0x18100] =	vst v63  }
0xfc: {  	s8 =	simm.s32 $0x7900  }
0xfd: {  	[tilespmem:s8], [sflag:$0x1] =	stream.indirect_vreg.gather [hbm4b:s1+s4], $0x80, v3, vm0, $0xb8;
	[tilespmem:$0x18100] =	vst v63  }
0xfe: {  	s2 =	simm.s32 $0x8100  }
0xff: {  	[tilespmem:s2], [sflag:$0x1] =	stream.indirect_vreg.gather [hbm4b:s9+s4], $0x80, v3, vm0, $0xb8;
	[tilespmem:$0x18100] =	vst v63  }
0x100: {  	s8 =	simm.s32 $0x8900  }
0x101: {  	[tilespmem:s8], [sflag:$0x1] =	stream.indirect_vreg.gather [hbm4b:s10+s4], $0x80, v3, vm0, $0xb8;
	[tilespmem:$0x18100] =	vst v63  }
0x102: {  	v3 =	vld [tilespmem:$0xB0];
	_ =	sdelay $0x4  }
0x103: {  	v63 =	vshrl.u32 v3, $0x3  }
0x104: {  	v4 =	vmul.u32 $0x30, v63  }
0x105: {  	v3 =	vand.u32 $0x7, v3  }
0x106: {  	v3 =	vor.u32 v3, v4  }
0x107: {  	v4 =	vperm.xlane v3, v0;
	_ =	sdelay $0x1  }
0x108: {  	v4 =	vadd.s32 v1, v4;
	_ =	sdelay $0x3  }
0x109: {  	s2 =	simm.s32 $0x9100;
	v3 =	vperm.xlane v3, v2  }
0x10a: {  	[tilespmem:s2], [sflag:$0x1] =	stream.indirect_vreg.gather [hbm4b:s1+s4], $0x80, v4, vm0, $0xb8;
	[tilespmem:$0x18100] =	vst v63  }
0x10b: {  	s8 =	simm.s32 $0x9900;
	v3 =	vadd.s32 v1, v3  }
0x10c: {  	[tilespmem:s8], [sflag:$0x1] =	stream.indirect_vreg.gather [hbm4b:s9+s4], $0x80, v4, vm0, $0xb8;
	[tilespmem:$0x18100] =	vst v63  }
0x10d: {  	s2 =	simm.s32 $0xA100  }
0x10e: {  	[tilespmem:s2], [sflag:$0x1] =	stream.indirect_vreg.gather [hbm4b:s10+s4], $0x80, v4, vm0, $0xb8;
	[tilespmem:$0x18100] =	vst v63  }
0x10f: {  	s8 =	simm.s32 $0xA900  }
0x110: {  	[tilespmem:s8], [sflag:$0x1] =	stream.indirect_vreg.gather [hbm4b:s1+s4], $0x80, v3, vm0, $0xb8;
	[tilespmem:$0x18100] =	vst v63  }
.Ltmp5:
0x111: {  	_ = 	snop;
	(pc) =	sbr.rel .LBB2_4-.Ltmp5, $4  }
0x112: {  	s2 =	simm.s32 $0xB100  }
0x113: {  	[tilespmem:s2], [sflag:$0x1] =	stream.indirect_vreg.gather [hbm4b:s9+s4], $0x80, v3, vm0, $0xb8;
	[tilespmem:$0x18100] =	vst v63  }
0x114: {  	s8 =	simm.s32 $0xB900  }
0x115: {  	[tilespmem:s8], [sflag:$0x1] =	stream.indirect_vreg.gather [hbm4b:s10+s4], $0x80, v3, vm0, $0xb8;
	[tilespmem:$0x18100] =	vst v63  }
.LBB2_5:
0x116: {  	s2 =	simm.s32 $0x0;
	s0 =	rddreg [dreg:$0x5]  }
0x117: {  	[tilespmem:s2], [sflag:$0x3] =	stream.linear.gather [hbm4b:s0+s2], $0x100, $0x38;
	[tilespmem:$0x18100] =	vst v63  }
0x118: {  	_ =	swait.ge [sflag:s15], $0x100  }
0x119: {  	[sflag:s15] =	ssyncset.done $0x0  }
0x11a: {  	[sflag:s15] =	ssyncadd.s32 $0xFFFFFF00  }
0x11b: {  	v3 =	vld [tilespmem:$0x0];
	_ =	sdelay $0x4  }
0x11c: {  	v4 =	vshrl.u32 v3, $0x3  }
0x11d: {  	v4 =	vmul.u32 $0x30, v4  }
0x11e: {  	v3 =	vand.u32 $0x7, v3  }
0x11f: {  	v3 =	vor.u32 v3, v4  }
0x120: {  	v4 =	vperm.xlane v3, v0;
	_ =	sdelay $0x1  }
0x121: {  	v4 =	vadd.s32 v1, v4;
	_ =	sdelay $0x3  }
0x122: {  	v3 =	vperm.xlane v3, v2  }
0x123: {  	[tilespmem:s16], [sflag:$0x1] =	stream.indirect_vreg.gather [hbm4b:s3+s2], $0x80, v4, vm0, $0xb8;
	[tilespmem:$0x18100] =	vst v63  }
0x124: {  	s31 =	simm.s32 $0x900;
	v3 =	vadd.s32 v1, v3  }
0x125: {  	[tilespmem:s31], [sflag:$0x1] =	stream.indirect_vreg.gather [hbm4b:s12+s2], $0x80, v4, vm0, $0xb8;
	[tilespmem:$0x18100] =	vst v63  }
0x126: {  	s8 =	simm.s32 $0x1100  }
0x127: {  	[tilespmem:s8], [sflag:$0x1] =	stream.indirect_vreg.gather [hbm4b:s13+s2], $0x80, v4, vm0, $0xb8;
	[tilespmem:$0x18100] =	vst v63  }
0x128: {  	s31 =	simm.s32 $0x1900  }
0x129: {  	[tilespmem:s31], [sflag:$0x1] =	stream.indirect_vreg.gather [hbm4b:s3+s2], $0x80, v3, vm0, $0xb8;
	[tilespmem:$0x18100] =	vst v63  }
0x12a: {  	s8 =	simm.s32 $0x2100  }
0x12b: {  	[tilespmem:s8], [sflag:$0x1] =	stream.indirect_vreg.gather [hbm4b:s12+s2], $0x80, v3, vm0, $0xb8;
	[tilespmem:$0x18100] =	vst v63  }
0x12c: {  	s31 =	simm.s32 $0x2900  }
0x12d: {  	[tilespmem:s31], [sflag:$0x1] =	stream.indirect_vreg.gather [hbm4b:s13+s2], $0x80, v3, vm0, $0xb8;
	[tilespmem:$0x18100] =	vst v63  }
0x12e: {  	v3 =	vld [tilespmem:$0x10];
	_ =	sdelay $0x4  }
0x12f: {  	v61 =	vshrl.u32 v3, $0x3  }
0x130: {  	v4 =	vmul.u32 $0x30, v61  }
0x131: {  	v3 =	vand.u32 $0x7, v3  }
0x132: {  	v3 =	vor.u32 v3, v4  }
0x133: {  	v4 =	vperm.xlane v3, v0;
	_ =	sdelay $0x1  }
0x134: {  	v4 =	vadd.s32 v1, v4;
	_ =	sdelay $0x3  }
0x135: {  	s8 =	simm.s32 $0x3100;
	v3 =	vperm.xlane v3, v2  }
0x136: {  	[tilespmem:s8], [sflag:$0x1] =	stream.indirect_vreg.gather [hbm4b:s3+s2], $0x80, v4, vm0, $0xb8;
	[tilespmem:$0x18100] =	vst v63  }
0x137: {  	s31 =	simm.s32 $0x3900;
	v3 =	vadd.s32 v1, v3  }
0x138: {  	[tilespmem:s31], [sflag:$0x1] =	stream.indirect_vreg.gather [hbm4b:s12+s2], $0x80, v4, vm0, $0xb8;
	[tilespmem:$0x18100] =	vst v63  }
0x139: {  	s8 =	simm.s32 $0x4100  }
0x13a: {  	[tilespmem:s8], [sflag:$0x1] =	stream.indirect_vreg.gather [hbm4b:s13+s2], $0x80, v4, vm0, $0xb8;
	[tilespmem:$0x18100] =	vst v63  }
0x13b: {  	s31 =	simm.s32 $0x4900  }
0x13c: {  	[tilespmem:s31], [sflag:$0x1] =	stream.indirect_vreg.gather [hbm4b:s3+s2], $0x80, v3, vm0, $0xb8;
	[tilespmem:$0x18100] =	vst v63  }
0x13d: {  	s8 =	simm.s32 $0x5100  }
0x13e: {  	[tilespmem:s8], [sflag:$0x1] =	stream.indirect_vreg.gather [hbm4b:s12+s2], $0x80, v3, vm0, $0xb8;
	[tilespmem:$0x18100] =	vst v63  }
0x13f: {  	s31 =	simm.s32 $0x5900  }
0x140: {  	[tilespmem:s31], [sflag:$0x1] =	stream.indirect_vreg.gather [hbm4b:s13+s2], $0x80, v3, vm0, $0xb8;
	[tilespmem:$0x18100] =	vst v63  }
0x141: {  	v3 =	vld [tilespmem:$0x20];
	_ =	sdelay $0x4  }
0x142: {  	v62 =	vshrl.u32 v3, $0x3  }
0x143: {  	v4 =	vmul.u32 $0x30, v62  }
0x144: {  	v3 =	vand.u32 $0x7, v3  }
0x145: {  	v3 =	vor.u32 v3, v4  }
0x146: {  	v4 =	vperm.xlane v3, v0;
	_ =	sdelay $0x1  }
0x147: {  	v4 =	vadd.s32 v1, v4;
	_ =	sdelay $0x3  }
0x148: {  	s8 =	simm.s32 $0x6100;
	v3 =	vperm.xlane v3, v2  }
0x149: {  	[tilespmem:s8], [sflag:$0x1] =	stream.indirect_vreg.gather [hbm4b:s3+s2], $0x80, v4, vm0, $0xb8;
	[tilespmem:$0x18100] =	vst v63  }
0x14a: {  	s31 =	simm.s32 $0x6900;
	v3 =	vadd.s32 v1, v3  }
0x14b: {  	[tilespmem:s31], [sflag:$0x1] =	stream.indirect_vreg.gather [hbm4b:s12+s2], $0x80, v4, vm0, $0xb8;
	[tilespmem:$0x18100] =	vst v63  }
0x14c: {  	s8 =	simm.s32 $0x7100  }
0x14d: {  	[tilespmem:s8], [sflag:$0x1] =	stream.indirect_vreg.gather [hbm4b:s13+s2], $0x80, v4, vm0, $0xb8;
	[tilespmem:$0x18100] =	vst v63  }
0x14e: {  	s31 =	simm.s32 $0x7900  }
0x14f: {  	[tilespmem:s31], [sflag:$0x1] =	stream.indirect_vreg.gather [hbm4b:s3+s2], $0x80, v3, vm0, $0xb8;
	[tilespmem:$0x18100] =	vst v63  }
0x150: {  	s8 =	simm.s32 $0x8100  }
0x151: {  	[tilespmem:s8], [sflag:$0x1] =	stream.indirect_vreg.gather [hbm4b:s12+s2], $0x80, v3, vm0, $0xb8;
	[tilespmem:$0x18100] =	vst v63  }
0x152: {  	s31 =	simm.s32 $0x8900  }
0x153: {  	[tilespmem:s31], [sflag:$0x1] =	stream.indirect_vreg.gather [hbm4b:s13+s2], $0x80, v3, vm0, $0xb8;
	[tilespmem:$0x18100] =	vst v63  }
0x154: {  	v3 =	vld [tilespmem:$0x30];
	_ =	sdelay $0x4  }
0x155: {  	v63 =	vshrl.u32 v3, $0x3  }
0x156: {  	v4 =	vmul.u32 $0x30, v63  }
0x157: {  	v3 =	vand.u32 $0x7, v3  }
0x158: {  	v3 =	vor.u32 v3, v4  }
0x159: {  	v4 =	vperm.xlane v3, v0;
	_ =	sdelay $0x1  }
0x15a: {  	v4 =	vadd.s32 v1, v4;
	_ =	sdelay $0x3  }
0x15b: {  	s8 =	simm.s32 $0x9100;
	v3 =	vperm.xlane v3, v2  }
0x15c: {  	[tilespmem:s8], [sflag:$0x1] =	stream.indirect_vreg.gather [hbm4b:s3+s2], $0x80, v4, vm0, $0xb8;
	[tilespmem:$0x18100] =	vst v63  }
0x15d: {  	s31 =	simm.s32 $0x9900;
	v3 =	vadd.s32 v1, v3  }
0x15e: {  	[tilespmem:s31], [sflag:$0x1] =	stream.indirect_vreg.gather [hbm4b:s12+s2], $0x80, v4, vm0, $0xb8;
	[tilespmem:$0x18100] =	vst v63  }
0x15f: {  	s8 =	simm.s32 $0xA100  }
0x160: {  	[tilespmem:s8], [sflag:$0x1] =	stream.indirect_vreg.gather [hbm4b:s13+s2], $0x80, v4, vm0, $0xb8;
	[tilespmem:$0x18100] =	vst v63  }
0x161: {  	s31 =	simm.s32 $0xA900  }
0x162: {  	[tilespmem:s31], [sflag:$0x1] =	stream.indirect_vreg.gather [hbm4b:s3+s2], $0x80, v3, vm0, $0xb8;
	[tilespmem:$0x18100] =	vst v63  }
.Ltmp6:
0x163: {  	_ = 	snop;
	(pc) =	sbr.rel .LBB2_6-.Ltmp6, $4  }
0x164: {  	s8 =	simm.s32 $0xB100  }
0x165: {  	[tilespmem:s8], [sflag:$0x1] =	stream.indirect_vreg.gather [hbm4b:s12+s2], $0x80, v3, vm0, $0xb8;
	[tilespmem:$0x18100] =	vst v63  }
0x166: {  	p1 =	por $0x1, $0x1;
	s31 =	simm.s32 $0xB900  }
0x167: {  	[tilespmem:s31], [sflag:$0x1] =	stream.indirect_vreg.gather [hbm4b:s13+s2], $0x80, v3, vm0, $0xb8;
	[tilespmem:$0x18100] =	vst v63  }
.LBB2_8:
0x168: {  	s0 =	sor.u32 s5, s31  }
0x169: {  	s0 =	sshrl.u32 s0, $0x3  }
0x16a: {  	_ =	swait.ge [sflag:s30], $0xC000;
	s0 =	smul.u32 $0x300, s0  }
0x16b: {  	[sflag:s30] =	ssyncset.done $0x0  }
.Ltmp7:
0x16c: {  	[sflag:s30] =	ssyncadd.s32 $0xFFFF4000;
	s0 =	sadd.s32 s7, s0;
	(pc) =	sbr.rel @!p0 .LBB2_9-.Ltmp7, $4  }
0x16d: {  	[hbm4b:s0+s4] =	stream.linear.scatter [tilespmem:s21], [sflag:$0x3], $0xC000, $0x38;
	[tilespmem:$0x18100] =	vst v63  }
0x16e: {  	_ =	swait.ge [sflag:s15], $0xC000  }
0x16f: {  	[sflag:s15] =	ssyncset.done $0x0  }
0x170: {  	s2 =	simm.s32 $0x1;
	p1 =	por $0x0, $0x0;
	[sflag:s15] =	ssyncadd.s32 $0xFFFF4000  }
.LBB2_6:
0x171: {  	s0 =	sshllo.u32 s2, $0x1  }
0x172: {  	s31 =	sshll.u32 s0, $0x6  }
0x173: {  	s0 =	sand.u32 $0x3FFFFFC0, s31  }
0x174: {  	v3 =	vld [tilespmem:s0+$0x0];
	_ =	sdelay $0x4  }
0x175: {  	v4 =	vshrl.u32 v3, $0x3  }
0x176: {  	v4 =	vmul.u32 $0x30, v4  }
0x177: {  	v3 =	vand.u32 $0x7, v3  }
0x178: {  	v3 =	vor.u32 v3, v4  }
0x179: {  	v4 =	vperm.xlane v3, v0;
	_ =	sdelay $0x1  }
0x17a: {  	v4 =	vadd.s32 v1, v4;
	_ =	sdelay $0x3  }
0x17b: {  	v3 =	vperm.xlane v3, v2  }
0x17c: {  	[tilespmem:s21], [sflag:$0x2] =	stream.indirect_vreg.gather [hbm4b:s3+s4], $0x80, v4, vm0, $0xb8;
	[tilespmem:$0x18100] =	vst v63  }
0x17d: {  	s8 =	simm.s32 $0xC900;
	v3 =	vadd.s32 v1, v3  }
0x17e: {  	[tilespmem:s8], [sflag:$0x2] =	stream.indirect_vreg.gather [hbm4b:s12+s4], $0x80, v4, vm0, $0xb8;
	[tilespmem:$0x18100] =	vst v63  }
0x17f: {  	s8 =	simm.s32 $0xD100  }
0x180: {  	[tilespmem:s8], [sflag:$0x2] =	stream.indirect_vreg.gather [hbm4b:s13+s4], $0x80, v4, vm0, $0xb8;
	[tilespmem:$0x18100] =	vst v63  }
0x181: {  	s8 =	simm.s32 $0xD900  }
0x182: {  	[tilespmem:s8], [sflag:$0x2] =	stream.indirect_vreg.gather [hbm4b:s3+s4], $0x80, v3, vm0, $0xb8;
	[tilespmem:$0x18100] =	vst v63  }
0x183: {  	s8 =	simm.s32 $0xE100  }
0x184: {  	[tilespmem:s8], [sflag:$0x2] =	stream.indirect_vreg.gather [hbm4b:s12+s4], $0x80, v3, vm0, $0xb8;
	[tilespmem:$0x18100] =	vst v63  }
0x185: {  	s8 =	simm.s32 $0xE900  }
0x186: {  	[tilespmem:s8], [sflag:$0x2] =	stream.indirect_vreg.gather [hbm4b:s13+s4], $0x80, v3, vm0, $0xb8;
	[tilespmem:$0x18100] =	vst v63  }
0x187: {  	v3 =	vld [tilespmem:s0+$0x10];
	_ =	sdelay $0x4  }
0x188: {  	v61 =	vshrl.u32 v3, $0x3  }
0x189: {  	v4 =	vmul.u32 $0x30, v61  }
0x18a: {  	v3 =	vand.u32 $0x7, v3  }
0x18b: {  	v3 =	vor.u32 v3, v4  }
0x18c: {  	v4 =	vperm.xlane v3, v0;
	_ =	sdelay $0x1  }
0x18d: {  	v4 =	vadd.s32 v1, v4;
	_ =	sdelay $0x3  }
0x18e: {  	s8 =	simm.s32 $0xF100;
	v3 =	vperm.xlane v3, v2  }
0x18f: {  	[tilespmem:s8], [sflag:$0x2] =	stream.indirect_vreg.gather [hbm4b:s3+s4], $0x80, v4, vm0, $0xb8;
	[tilespmem:$0x18100] =	vst v63  }
0x190: {  	v3 =	vadd.s32 v1, v3;
	s8 =	simm.s32 $0xF900  }
0x191: {  	[tilespmem:s8], [sflag:$0x2] =	stream.indirect_vreg.gather [hbm4b:s12+s4], $0x80, v4, vm0, $0xb8;
	[tilespmem:$0x18100] =	vst v63  }
0x192: {  	s8 =	simm.s32 $0x10100  }
0x193: {  	[tilespmem:s8], [sflag:$0x2] =	stream.indirect_vreg.gather [hbm4b:s13+s4], $0x80, v4, vm0, $0xb8;
	[tilespmem:$0x18100] =	vst v63  }
0x194: {  	s8 =	simm.s32 $0x10900  }
0x195: {  	[tilespmem:s8], [sflag:$0x2] =	stream.indirect_vreg.gather [hbm4b:s3+s4], $0x80, v3, vm0, $0xb8;
	[tilespmem:$0x18100] =	vst v63  }
0x196: {  	s8 =	simm.s32 $0x11100  }
0x197: {  	[tilespmem:s8], [sflag:$0x2] =	stream.indirect_vreg.gather [hbm4b:s12+s4], $0x80, v3, vm0, $0xb8;
	[tilespmem:$0x18100] =	vst v63  }
0x198: {  	s8 =	simm.s32 $0x11900  }
0x199: {  	[tilespmem:s8], [sflag:$0x2] =	stream.indirect_vreg.gather [hbm4b:s13+s4], $0x80, v3, vm0, $0xb8;
	[tilespmem:$0x18100] =	vst v63  }
0x19a: {  	v3 =	vld [tilespmem:s0+$0x20];
	_ =	sdelay $0x4  }
0x19b: {  	v62 =	vshrl.u32 v3, $0x3  }
0x19c: {  	v4 =	vmul.u32 $0x30, v62  }
0x19d: {  	v3 =	vand.u32 $0x7, v3  }
0x19e: {  	v3 =	vor.u32 v3, v4  }
0x19f: {  	v4 =	vperm.xlane v3, v0;
	_ =	sdelay $0x1  }
0x1a0: {  	v4 =	vadd.s32 v1, v4;
	_ =	sdelay $0x3  }
0x1a1: {  	s8 =	simm.s32 $0x12100;
	v3 =	vperm.xlane v3, v2  }
0x1a2: {  	[tilespmem:s8], [sflag:$0x2] =	stream.indirect_vreg.gather [hbm4b:s3+s4], $0x80, v4, vm0, $0xb8;
	[tilespmem:$0x18100] =	vst v63  }
0x1a3: {  	v3 =	vadd.s32 v1, v3  }
0x1a4: {  	[tilespmem:s11], [sflag:$0x2] =	stream.indirect_vreg.gather [hbm4b:s12+s4], $0x80, v4, vm0, $0xb8;
	[tilespmem:$0x18100] =	vst v63  }
0x1a5: {  	_ = 	snop  }
0x1a6: {  	[tilespmem:s14], [sflag:$0x2] =	stream.indirect_vreg.gather [hbm4b:s13+s4], $0x80, v4, vm0, $0xb8;
	[tilespmem:$0x18100] =	vst v63  }
0x1a7: {  	_ = 	snop  }
0x1a8: {  	[tilespmem:s17], [sflag:$0x2] =	stream.indirect_vreg.gather [hbm4b:s3+s4], $0x80, v3, vm0, $0xb8;
	[tilespmem:$0x18100] =	vst v63  }
0x1a9: {  	_ = 	snop  }
0x1aa: {  	[tilespmem:s18], [sflag:$0x2] =	stream.indirect_vreg.gather [hbm4b:s12+s4], $0x80, v3, vm0, $0xb8;
	[tilespmem:$0x18100] =	vst v63  }
0x1ab: {  	_ = 	snop  }
0x1ac: {  	[tilespmem:s19], [sflag:$0x2] =	stream.indirect_vreg.gather [hbm4b:s13+s4], $0x80, v3, vm0, $0xb8;
	[tilespmem:$0x18100] =	vst v63  }
0x1ad: {  	v3 =	vld [tilespmem:s0+$0x30];
	_ =	sdelay $0x4  }
0x1ae: {  	v63 =	vshrl.u32 v3, $0x3  }
0x1af: {  	v4 =	vmul.u32 $0x30, v63  }
0x1b0: {  	v3 =	vand.u32 $0x7, v3  }
0x1b1: {  	v3 =	vor.u32 v3, v4  }
0x1b2: {  	v4 =	vperm.xlane v3, v0;
	_ =	sdelay $0x1  }
0x1b3: {  	v4 =	vadd.s32 v1, v4;
	_ =	sdelay $0x3  }
0x1b4: {  	v3 =	vperm.xlane v3, v2  }
0x1b5: {  	[tilespmem:s20], [sflag:$0x2] =	stream.indirect_vreg.gather [hbm4b:s3+s4], $0x80, v4, vm0, $0xb8;
	[tilespmem:$0x18100] =	vst v63  }
0x1b6: {  	v3 =	vadd.s32 v1, v3  }
0x1b7: {  	[tilespmem:s22], [sflag:$0x2] =	stream.indirect_vreg.gather [hbm4b:s12+s4], $0x80, v4, vm0, $0xb8;
	[tilespmem:$0x18100] =	vst v63  }
0x1b8: {  	_ = 	snop  }
0x1b9: {  	[tilespmem:s23], [sflag:$0x2] =	stream.indirect_vreg.gather [hbm4b:s13+s4], $0x80, v4, vm0, $0xb8;
	[tilespmem:$0x18100] =	vst v63  }
0x1ba: {  	s8 =	sshll.u32 s2, $0x7  }
0x1bb: {  	[tilespmem:s24], [sflag:$0x2] =	stream.indirect_vreg.gather [hbm4b:s3+s4], $0x80, v3, vm0, $0xb8;
	[tilespmem:$0x18100] =	vst v63  }
0x1bc: {  	s0 =	sor.u32 s5, s8  }
0x1bd: {  	[tilespmem:s25], [sflag:$0x2] =	stream.indirect_vreg.gather [hbm4b:s12+s4], $0x80, v3, vm0, $0xb8;
	[tilespmem:$0x18100] =	vst v63  }
0x1be: {  	s0 =	sshrl.u32 s0, $0x3  }
0x1bf: {  	[tilespmem:s26], [sflag:$0x2] =	stream.indirect_vreg.gather [hbm4b:s13+s4], $0x80, v3, vm0, $0xb8;
	[tilespmem:$0x18100] =	vst v63  }
0x1c0: {  	s0 =	smul.u32 $0x300, s0;
	_ =	swait.ge [sflag:s28], $0xC000  }
0x1c1: {  	[sflag:s28] =	ssyncset.done $0x0  }
.Ltmp8:
0x1c2: {  	s0 =	sadd.s32 s7, s0;
	[sflag:s28] =	ssyncadd.s32 $0xFFFF4000;
	(pc) =	sbr.rel @!p1 .LBB2_8-.Ltmp8, $4  }
0x1c3: {  	[hbm4b:s0+s4] =	stream.linear.scatter [tilespmem:s16], [sflag:$0x4], $0xC000, $0x38;
	[tilespmem:$0x18100] =	vst v63  }
0x1c4: {  	_ =	swait.ge [sflag:s29], $0xC000  }
0x1c5: {  	[sflag:s29] =	ssyncset.done $0x0  }
0x1c6: {  	p0 =	por p1, p1;
	[sflag:s29] =	ssyncadd.s32 $0xFFFF4000  }
0x1c7: {  	v3 =	vld [tilespmem:$0x80];
	_ =	sdelay $0x4  }
0x1c8: {  	v4 =	vshrl.u32 v3, $0x3  }
0x1c9: {  	v4 =	vmul.u32 $0x30, v4  }
0x1ca: {  	v3 =	vand.u32 $0x7, v3  }
0x1cb: {  	v3 =	vor.u32 v3, v4  }
0x1cc: {  	v4 =	vperm.xlane v3, v0;
	_ =	sdelay $0x1  }
0x1cd: {  	v4 =	vadd.s32 v1, v4;
	_ =	sdelay $0x3  }
0x1ce: {  	v3 =	vperm.xlane v3, v2  }
0x1cf: {  	[tilespmem:s16], [sflag:$0x1] =	stream.indirect_vreg.gather [hbm4b:s3+s4], $0x80, v4, vm0, $0xb8;
	[tilespmem:$0x18100] =	vst v63  }
0x1d0: {  	s0 =	simm.s32 $0x900;
	v3 =	vadd.s32 v1, v3  }
0x1d1: {  	[tilespmem:s0], [sflag:$0x1] =	stream.indirect_vreg.gather [hbm4b:s12+s4], $0x80, v4, vm0, $0xb8;
	[tilespmem:$0x18100] =	vst v63  }
0x1d2: {  	s2 =	simm.s32 $0x1100  }
0x1d3: {  	[tilespmem:s2], [sflag:$0x1] =	stream.indirect_vreg.gather [hbm4b:s13+s4], $0x80, v4, vm0, $0xb8;
	[tilespmem:$0x18100] =	vst v63  }
0x1d4: {  	s8 =	simm.s32 $0x1900  }
0x1d5: {  	[tilespmem:s8], [sflag:$0x1] =	stream.indirect_vreg.gather [hbm4b:s3+s4], $0x80, v3, vm0, $0xb8;
	[tilespmem:$0x18100] =	vst v63  }
0x1d6: {  	s2 =	simm.s32 $0x2100  }
0x1d7: {  	[tilespmem:s2], [sflag:$0x1] =	stream.indirect_vreg.gather [hbm4b:s12+s4], $0x80, v3, vm0, $0xb8;
	[tilespmem:$0x18100] =	vst v63  }
0x1d8: {  	s8 =	simm.s32 $0x2900  }
0x1d9: {  	[tilespmem:s8], [sflag:$0x1] =	stream.indirect_vreg.gather [hbm4b:s13+s4], $0x80, v3, vm0, $0xb8;
	[tilespmem:$0x18100] =	vst v63  }
0x1da: {  	v3 =	vld [tilespmem:$0x90];
	_ =	sdelay $0x4  }
0x1db: {  	v61 =	vshrl.u32 v3, $0x3  }
0x1dc: {  	v4 =	vmul.u32 $0x30, v61  }
0x1dd: {  	v3 =	vand.u32 $0x7, v3  }
0x1de: {  	v3 =	vor.u32 v3, v4  }
0x1df: {  	v4 =	vperm.xlane v3, v0;
	_ =	sdelay $0x1  }
0x1e0: {  	v4 =	vadd.s32 v1, v4;
	_ =	sdelay $0x3  }
0x1e1: {  	s2 =	simm.s32 $0x3100;
	v3 =	vperm.xlane v3, v2  }
0x1e2: {  	[tilespmem:s2], [sflag:$0x1] =	stream.indirect_vreg.gather [hbm4b:s3+s4], $0x80, v4, vm0, $0xb8;
	[tilespmem:$0x18100] =	vst v63  }
0x1e3: {  	s8 =	simm.s32 $0x3900;
	v3 =	vadd.s32 v1, v3  }
0x1e4: {  	[tilespmem:s8], [sflag:$0x1] =	stream.indirect_vreg.gather [hbm4b:s12+s4], $0x80, v4, vm0, $0xb8;
	[tilespmem:$0x18100] =	vst v63  }
0x1e5: {  	s2 =	simm.s32 $0x4100  }
0x1e6: {  	[tilespmem:s2], [sflag:$0x1] =	stream.indirect_vreg.gather [hbm4b:s13+s4], $0x80, v4, vm0, $0xb8;
	[tilespmem:$0x18100] =	vst v63  }
0x1e7: {  	s8 =	simm.s32 $0x4900  }
0x1e8: {  	[tilespmem:s8], [sflag:$0x1] =	stream.indirect_vreg.gather [hbm4b:s3+s4], $0x80, v3, vm0, $0xb8;
	[tilespmem:$0x18100] =	vst v63  }
0x1e9: {  	s2 =	simm.s32 $0x5100  }
0x1ea: {  	[tilespmem:s2], [sflag:$0x1] =	stream.indirect_vreg.gather [hbm4b:s12+s4], $0x80, v3, vm0, $0xb8;
	[tilespmem:$0x18100] =	vst v63  }
0x1eb: {  	s8 =	simm.s32 $0x5900  }
0x1ec: {  	[tilespmem:s8], [sflag:$0x1] =	stream.indirect_vreg.gather [hbm4b:s13+s4], $0x80, v3, vm0, $0xb8;
	[tilespmem:$0x18100] =	vst v63  }
0x1ed: {  	v3 =	vld [tilespmem:$0xA0];
	_ =	sdelay $0x4  }
0x1ee: {  	v62 =	vshrl.u32 v3, $0x3  }
0x1ef: {  	v4 =	vmul.u32 $0x30, v62  }
0x1f0: {  	v3 =	vand.u32 $0x7, v3  }
0x1f1: {  	v3 =	vor.u32 v3, v4  }
0x1f2: {  	v4 =	vperm.xlane v3, v0;
	_ =	sdelay $0x1  }
0x1f3: {  	v4 =	vadd.s32 v1, v4;
	_ =	sdelay $0x3  }
0x1f4: {  	s2 =	simm.s32 $0x6100;
	v3 =	vperm.xlane v3, v2  }
0x1f5: {  	[tilespmem:s2], [sflag:$0x1] =	stream.indirect_vreg.gather [hbm4b:s3+s4], $0x80, v4, vm0, $0xb8;
	[tilespmem:$0x18100] =	vst v63  }
0x1f6: {  	s8 =	simm.s32 $0x6900;
	v3 =	vadd.s32 v1, v3  }
0x1f7: {  	[tilespmem:s8], [sflag:$0x1] =	stream.indirect_vreg.gather [hbm4b:s12+s4], $0x80, v4, vm0, $0xb8;
	[tilespmem:$0x18100] =	vst v63  }
0x1f8: {  	s2 =	simm.s32 $0x7100  }
0x1f9: {  	[tilespmem:s2], [sflag:$0x1] =	stream.indirect_vreg.gather [hbm4b:s13+s4], $0x80, v4, vm0, $0xb8;
	[tilespmem:$0x18100] =	vst v63  }
0x1fa: {  	s8 =	simm.s32 $0x7900  }
0x1fb: {  	[tilespmem:s8], [sflag:$0x1] =	stream.indirect_vreg.gather [hbm4b:s3+s4], $0x80, v3, vm0, $0xb8;
	[tilespmem:$0x18100] =	vst v63  }
0x1fc: {  	s2 =	simm.s32 $0x8100  }
0x1fd: {  	[tilespmem:s2], [sflag:$0x1] =	stream.indirect_vreg.gather [hbm4b:s12+s4], $0x80, v3, vm0, $0xb8;
	[tilespmem:$0x18100] =	vst v63  }
0x1fe: {  	s8 =	simm.s32 $0x8900  }
0x1ff: {  	[tilespmem:s8], [sflag:$0x1] =	stream.indirect_vreg.gather [hbm4b:s13+s4], $0x80, v3, vm0, $0xb8;
	[tilespmem:$0x18100] =	vst v63  }
0x200: {  	v3 =	vld [tilespmem:$0xB0];
	_ =	sdelay $0x4  }
0x201: {  	v63 =	vshrl.u32 v3, $0x3  }
0x202: {  	v4 =	vmul.u32 $0x30, v63  }
0x203: {  	v3 =	vand.u32 $0x7, v3  }
0x204: {  	v3 =	vor.u32 v3, v4  }
0x205: {  	v4 =	vperm.xlane v3, v0;
	_ =	sdelay $0x1  }
0x206: {  	v4 =	vadd.s32 v1, v4;
	_ =	sdelay $0x3  }
0x207: {  	s2 =	simm.s32 $0x9100;
	v3 =	vperm.xlane v3, v2  }
0x208: {  	[tilespmem:s2], [sflag:$0x1] =	stream.indirect_vreg.gather [hbm4b:s3+s4], $0x80, v4, vm0, $0xb8;
	[tilespmem:$0x18100] =	vst v63  }
0x209: {  	s8 =	simm.s32 $0x9900;
	v3 =	vadd.s32 v1, v3  }
0x20a: {  	[tilespmem:s8], [sflag:$0x1] =	stream.indirect_vreg.gather [hbm4b:s12+s4], $0x80, v4, vm0, $0xb8;
	[tilespmem:$0x18100] =	vst v63  }
0x20b: {  	s2 =	simm.s32 $0xA100  }
0x20c: {  	[tilespmem:s2], [sflag:$0x1] =	stream.indirect_vreg.gather [hbm4b:s13+s4], $0x80, v4, vm0, $0xb8;
	[tilespmem:$0x18100] =	vst v63  }
0x20d: {  	s8 =	simm.s32 $0xA900  }
0x20e: {  	[tilespmem:s8], [sflag:$0x1] =	stream.indirect_vreg.gather [hbm4b:s3+s4], $0x80, v3, vm0, $0xb8;
	[tilespmem:$0x18100] =	vst v63  }
.Ltmp9:
0x20f: {  	_ = 	snop;
	(pc) =	sbr.rel .LBB2_8-.Ltmp9, $4  }
0x210: {  	s2 =	simm.s32 $0xB100  }
0x211: {  	[tilespmem:s2], [sflag:$0x1] =	stream.indirect_vreg.gather [hbm4b:s12+s4], $0x80, v3, vm0, $0xb8;
	[tilespmem:$0x18100] =	vst v63  }
0x212: {  	s8 =	simm.s32 $0xB900  }
0x213: {  	[tilespmem:s8], [sflag:$0x1] =	stream.indirect_vreg.gather [hbm4b:s13+s4], $0x80, v3, vm0, $0xb8;
	[tilespmem:$0x18100] =	vst v63  }
.LBB2_10:
0x214: {  	_ =	sfence.sel $0x180000  }
0x215: {  	[bflag:$0x0] =	sbarrier.arrive $0xFFFF  }
0x216: {  	_ =	strace $0x9000004A  }
0x217: {  	s0 =	stileid.u32;
	[bflag:$0x2] =	sbarrier.arrive $0xFFFF  }
0x218: {  	p0 =	sne.s32 s0, $0x0;
	s0 =	rddreg [dreg:$0x3]  }
0x219: {  	s0 =	sadd.s32 @!p0 $0x100000, s0  }
0x21a: {  	[sflag:s0] =	ssyncadd.tile.s32 @!p0 $0x1;
	_ =	shalt  }
.Lfunc_end2:
_tile_overlayer_lowered:
.L_overlay_start_2:
0x21b: {  	(tag) =	ssettag $0x2  }
0x21c: {  	s0 =	rddreg [dreg:$0x0];
	s2 =	stileid.u32  }
0x21d: {  	s1 =	rddreg [dreg:$0x1];
	p0 =	sne.s32 s2, $0x0  }
0x21e: {  	s3 =	rddreg [dreg:$0x2];
	[bflag:$0x3] =	sbarrier.arrive $0xFFFF;
	s2 =	simm.s32 @!p0 $0x1C03  }
0x21f: {  	[timem:s3], [sflag:s2] =	dma.local @!p0 [hbm:s0], s1  }
0x220: {  	s0 =	simm.s32 @!p0 $0x3  }
0x221: {  	_ =	swait.ge @!p0 [sflag:s0], s1  }
0x222: {  	s1 =	ssub.s32 @!p0 $0x0, s1;
	[sflag:s0] =	ssyncset.done @!p0 $0x0  }
0x223: {  	[sflag:s0] =	ssyncadd.s32 @!p0 s1  }
0x224: {  	[bflag:$0x3] =	sbarrier.arrive $0xFFFF  }
0x225: {  	_ =	shalt  }

// kernel: kernel.18.cloned.1.call-start
scs
__scs_entry_jumppad:
0x0: {  	(pc) =	sbr.rel $0x88, $3  }
0x1: {  	(tag) =	ssettag $0x0;
	lr =	simm.s32 $0x1  }
0x2: {  	[smem:$0x3F8F] =	sst lr;
	_ =	strace $0xD0000000  }
0x3: {  	_ = 	snop  }
0x4: {  	_ = 	snop  }
0x5: {  	_ = 	snop  }
0x6: {  	_ = 	snop  }
0x7: {  	_ = 	snop  }
__scs_overlays_trampoline_lowered:
0x8: {  	[smem:$0x3F9E] =	sst s0  }
0x9: {  	[smem:$0x3F9F] =	sst s1  }
0xa: {  	[smem:$0x3FA0] =	sst s2  }
0xb: {  	[smem:$0x3FA1] =	sst s3  }
0xc: {  	[smem:$0x3FA2] =	sst s4  }
0xd: {  	[smem:$0x3FA3] =	sst s5  }
0xe: {  	[smem:$0x3FA4] =	sst s6  }
0xf: {  	[smem:$0x3FA5] =	sst s7  }
0x10: {  	[smem:$0x3FA6] =	sst s8  }
0x11: {  	[smem:$0x3FA7] =	sst s9;
	s0 =	simm.s32 @!p0 $0x0  }
0x12: {  	s1 =	sld [smem:$0x3F8D];
	s0 =	simm.s32 @p0 $0x1  }
0x13: {  	[smem:$0x3FA8] =	sst s0;
	s0 =	simm.s32 @!p1 $0x0  }
0x14: {  	s2 =	sld [smem:$0x3F8C];
	s0 =	simm.s32 @p1 $0x1  }
0x15: {  	[smem:$0x3FA9] =	sst s0;
	s0 =	simm.s32 @!p2 $0x0  }
0x16: {  	s3 =	sld [smem:$0x3FDB];
	s0 =	simm.s32 @p2 $0x1  }
0x17: {  	s4 =	simm.s32 $0x1BF5;
	[smem:$0x3FAB] =	sst s0  }
0x18: {  	s0 =	sld [smem:$0x3F8E];
	_ =	swait.ge [sflag:s4], $0x0  }
0x19: {  	s7 =	sld [smem:$0x3F8F]  }
0x1a: {  	s8 =	sadd.s32 $0xFFFFE003, lr  }
0x1b: {  	s9 =	sadd.s32 $0xFFFFFEF7, lr;
	s5 =	simm.s32 $0xFFFFFFFF;
	p2 =	slt.u32 s8, $0xFFFFF086  }
0x1c: {  	p1 =	slt.u32 s9, $0xF7A;
	s5 =	simm.s32 @!p2 $0x0  }
0x1d: {  	s5 =	simm.s32 @p1 $0x1;
	p0 =	seq.s32 s7, s2  }
0x1e: {  	s7 =	smul.u32 @!p0 $0xF7A, s2;
	p2 =	seq.s32 @!p0 s5, $0x0  }
0x1f: {  	s9 =	smul.u32 $0xF7A, s1;
	s8 =	simm.s32 @!p0 $0x1BF5;
	p2 =	por !p2, p0  }
0x20: {  	[sflag:s8] =	ssyncset.s32 @!p0 $0xFFFFF086;
	s6 =	sadd.s32 @!p0 s3, s7;
	s7 =	simm.s32 @!p0 $0x108  }
0x21: {  	s3 =	sadd.s32 s3, s9;
	s6 =	sadd.s32 @!p0 $0x88, s6;
	s7 =	simm.s32 @p2 $0x1082  }
0x22: {  	[simem:s7], [sflag:s8] =	dma.local @!p0 [hbm:s6], $0xF7A  }
0x23: {  	s9 =	sor.u32 $0xD0000000, s2;
	s6 =	simm.s32 $0x108;
	_ =	swait.ge @!p0 [sflag:s8], $0x0  }
0x24: {  	s3 =	sadd.s32 $0x88, s3;
	s6 =	simm.s32 @!p1 $0x1082;
	[sflag:s4] =	ssyncset.s32 $0xFFFFF086  }
0x25: {  	[simem:s6], [sflag:s4] =	dma.local [hbm:s3], $0xF7A  }
0x26: {  	[smem:$0x3F8F] =	sst s1;
	(tag) =	ssettag s2;
	_ =	strace s9  }
0x27: {  	s1 =	sld [smem:$0x3F9F]  }
0x28: {  	s2 =	sld [smem:$0x3FA0]  }
0x29: {  	s4 =	sld [smem:$0x3FA2]  }
0x2a: {  	p0 =	seq.s32 s5, $0x0;
	s5 =	sld [smem:$0x3FA3]  }
0x2b: {  	s6 =	sld [smem:$0x3FA4]  }
0x2c: {  	s7 =	sld [smem:$0x3FA5]  }
0x2d: {  	s3 =	simm.s32 $0x108;
	s8 =	sld [smem:$0x3FA6]  }
0x2e: {  	s3 =	simm.s32 @!p0 $0x1082;
	s9 =	sld [smem:$0x3FA7]  }
0x2f: {  	lr =	sadd.s32 s0, s3;
	s0 =	sld [smem:$0x3F9E]  }
0x30: {  	s3 =	sld [smem:$0x3FA1]  }
0x31: {  	[smem:$0x3FAA] =	sst s10  }
0x32: {  	s10 =	sld [smem:$0x3FA8];
	_ =	sdelay $0x3  }
0x33: {  	p0 =	seq.s32 s10, $0x1;
	s10 =	sld [smem:$0x3FAA];
	_ =	sdelay $0x3  }
0x34: {  	[smem:$0x3FAA] =	sst s10  }
0x35: {  	s10 =	sld [smem:$0x3FA9];
	_ =	sdelay $0x3  }
0x36: {  	p1 =	seq.s32 s10, $0x1;
	s10 =	sld [smem:$0x3FAA];
	_ =	sdelay $0x3  }
0x37: {  	[smem:$0x3FAA] =	sst s10  }
0x38: {  	s10 =	sld [smem:$0x3FAB]  }
0x39: {  	_ = 	snop;
	(pc) =	sbr.ind lr, $3  }
0x3a: {  	_ = 	snop  }
0x3b: {  	_ = 	snop  }
0x3c: {  	p2 =	seq.s32 s10, $0x1;
	s10 =	sld [smem:$0x3FAA]  }
0x3d: {  	_ =	shalt  }
0x3e: {  	_ =	shalt  }
0x3f: {  	_ =	shalt  }
0x40: {  	_ =	shalt  }
0x41: {  	_ =	shalt  }
0x42: {  	_ =	shalt  }
0x43: {  	_ =	shalt  }
0x44: {  	_ =	shalt  }
0x45: {  	_ =	shalt  }
0x46: {  	_ =	shalt  }
0x47: {  	_ =	shalt  }
0x48: {  	_ =	shalt  }
0x49: {  	_ =	shalt  }
0x4a: {  	_ =	shalt  }
0x4b: {  	_ =	shalt  }
0x4c: {  	_ =	shalt  }
0x4d: {  	_ =	shalt  }
0x4e: {  	_ =	shalt  }
0x4f: {  	_ =	shalt  }
0x50: {  	_ =	shalt  }
0x51: {  	_ =	shalt  }
0x52: {  	_ =	shalt  }
0x53: {  	_ =	shalt  }
0x54: {  	_ =	shalt  }
0x55: {  	_ =	shalt  }
0x56: {  	_ =	shalt  }
0x57: {  	_ =	shalt  }
0x58: {  	_ =	shalt  }
0x59: {  	_ =	shalt  }
0x5a: {  	_ =	shalt  }
0x5b: {  	_ =	shalt  }
0x5c: {  	_ =	shalt  }
0x5d: {  	_ =	shalt  }
0x5e: {  	_ =	shalt  }
0x5f: {  	_ =	shalt  }
0x60: {  	_ =	shalt  }
0x61: {  	_ =	shalt  }
0x62: {  	_ =	shalt  }
0x63: {  	_ =	shalt  }
0x64: {  	_ =	shalt  }
0x65: {  	_ =	shalt  }
0x66: {  	_ =	shalt  }
0x67: {  	_ =	shalt  }
0x68: {  	_ =	shalt  }
0x69: {  	_ =	shalt  }
0x6a: {  	_ =	shalt  }
0x6b: {  	_ =	shalt  }
0x6c: {  	_ =	shalt  }
0x6d: {  	_ =	shalt  }
0x6e: {  	_ =	shalt  }
0x6f: {  	_ =	shalt  }
0x70: {  	_ =	shalt  }
0x71: {  	_ =	shalt  }
0x72: {  	_ =	shalt  }
0x73: {  	_ =	shalt  }
0x74: {  	_ =	shalt  }
0x75: {  	_ =	shalt  }
0x76: {  	_ =	shalt  }
0x77: {  	_ =	shalt  }
0x78: {  	_ =	shalt  }
0x79: {  	_ =	shalt  }
0x7a: {  	_ =	shalt  }
0x7b: {  	_ =	shalt  }
0x7c: {  	_ =	shalt  }
0x7d: {  	_ =	shalt  }
0x7e: {  	_ =	shalt  }
0x7f: {  	_ =	shalt  }
0x80: {  	_ =	shalt  }
0x81: {  	_ =	shalt  }
0x82: {  	_ =	shalt  }
0x83: {  	_ =	shalt  }
0x84: {  	_ =	shalt  }
0x85: {  	_ =	shalt  }
0x86: {  	_ =	shalt  }
0x87: {  	_ =	shalt  }
.Lfunc_end0:
.L_simem_size_0:
called_computation.2_lowered:
.L_overlay_start_0:
0x88: {  	s2 =	sld [smem:$0x3FD9]  }
0x89: {  	s3 =	sld [smem:$0x3FFE];
	_ =	sdelay $0x1  }
0x8a: {  	s1 =	srdreg.scid  }
0x8b: {  	s0 =	sand.u32 $0x1, s1  }
0x8c: {  	s17 =	sshll.u32 s0, $0xA;
	s2 =	sadd.s32 s3, s2  }
0x8d: {  	s2 =	sadd.s32 s2, s17  }
0x8e: {  	[smem:$0x3FB6] =	sst s2  }
0x8f: {  	_ = 	snop  }
0x90: {  	s4 =	sld [smem:$0x3FC4]  }
0x91: {  	s18 =	sld [smem:$0x3FC1];
	(tm) =	ssettm $0x1  }
0x92: {  	s19 =	sld [smem:$0x3FFB];
	_ =	sdelay $0x3  }
0x93: {  	_ =	strace s19  }
0x94: {  	s2 =	sld [smem:$0x3FFC];
	_ =	sdelay $0x3  }
0x95: {  	_ =	strace s2  }
0x96: {  	s2 =	sld [smem:$0x3FFD];
	_ =	sdelay $0x3  }
0x97: {  	_ =	strace s2  }
0x98: {  	_ =	strace $0x8FFFFFFF  }
0x99: {  	s20 =	sld [smem:$0x3FDB];
	_ =	sdelay $0x1  }
0x9a: {  	s5 =	simm.s32 $_scs_section_size  }
0x9b: {  	s6 =	simm.s32 $_size__tile_overlayer_lowered;
	s7 =	simm.s32 $_tile_overlayer_lowered  }
0x9c: {  	s8 =	simm.s32 $0x1BFF;
	s21 =	sshll.u32 s7, $0x1;
	s5 =	sadd.s32 s5, s20  }
0x9d: {  	s22 =	simm.s32 $0x0;
	s6 =	sshll.u32 s6, $0x1;
	s7 =	sadd.s32 s21, s5  }
0x9e: {  	[timem:s22], [sflag:s8] =	dma.local [hbm:s7], s6  }
0x9f: {  	_ =	swait.ge [sflag:s8], s6  }
0xa0: {  	s6 =	ssub.s32 $0x0, s6;
	[sflag:s8] =	ssyncset.done $0x0  }
0xa1: {  	[sflag:s8] =	ssyncadd.s32 s6;
	_ =	sdelay $0x1  }
0xa2: {  	s23 =	simm.s32 $0x1B8B  }
0xa3: {  	_ =	swait.ge [sflag:s23], $0x1  }
0xa4: {  	[sflag:s23] =	ssyncset.done $0x0  }
0xa5: {  	[sflag:s23] =	ssyncadd.s32 $0xFFFFFFFF  }
0xa6: {  	s6 =	sld [smem:$0x0]  }
0xa7: {  	s7 =	sand.u32 $0xFFFFFFFE, s1  }
0xa8: {  	p0 =	sne.s32 s1, s7  }
0xa9: {  	s7 =	sshll.u32 @p0 s7, $0xE  }
0xaa: {  	s7 =	sadd.s32 @p0 $0x11B8D, s7;
	s8 =	sshll.u32 @p0 s6, $0x11  }
0xab: {  	s7 =	sor.u32 @p0 s8, s7  }
0xac: {  	[sflag:s7] =	ssyncadd.remote.s32 @p0 $0x1;
	_ =	sdelay $0x1  }
0xad: {  	s7 =	simm.s32 @p0 $0x1B8D  }
0xae: {  	_ =	swait.eq @p0 [sflag:s7], $0x1  }
0xaf: {  	[sflag:s7] =	ssyncadd.s32 @p0 $0xFFFFFFFF  }
0xb0: {  	s8 =	sshll.u32 @!p0 s1, $0xE  }
0xb1: {  	s8 =	sor.u32 @!p0 $0x4000, s8;
	s7 =	simm.s32 @!p0 $0x1B8D  }
0xb2: {  	s6 =	sshll.u32 @!p0 s6, $0x11;
	s8 =	sadd.s32 @!p0 $0x11B8D, s8;
	_ =	swait.eq @!p0 [sflag:s7], $0x1  }
0xb3: {  	s6 =	sor.u32 @!p0 s6, s8;
	[sflag:s7] =	ssyncadd.s32 @!p0 $0xFFFFFFFF  }
0xb4: {  	s25 =	simm.s32 $0x1B8E;
	s24 =	sld [smem:$0x3FFE];
	[sflag:s6] =	ssyncadd.remote.s32 @!p0 $0x1  }
0xb5: {  	s26 =	simm.s32 $execute0_lowered;
	[smem:$0x3FD2] =	sst s25  }
0xb6: {  	s7 =	sshll.u32 s26, $0x1;
	_ =	strace $0x8000004C;
	[dreg:$0x1] =	wrdreg $0xFFFFFFFF  }
0xb7: {  	s28 =	simm.s32 $_size_execute0_lowered;
	s5 =	sadd.s32 s5, s7;
	[dreg:$0x0] =	wrdreg $0x0  }
0xb8: {  	s7 =	sshll.u32 s28, $0x1;
	[dreg:$0x2] =	wrdreg s5  }
0xb9: {  	[dreg:$0x3] =	wrdreg s7  }
0xba: {  	[dreg:$0x4] =	wrdreg $0xC0  }
0xbb: {  	_ =	task [dreg:s22], $0x5FFFF  }
0xbc: {  	[dreg:$0x1] =	wrdreg $0xFFFFFFFF  }
0xbd: {  	[dreg:$0x0] =	wrdreg $0x60  }
0xbe: {  	[dreg:$0x2] =	wrdreg s4  }
0xbf: {  	[dreg:$0x3] =	wrdreg s24  }
0xc0: {  	[dreg:$0x4] =	wrdreg s18  }
0xc1: {  	[dreg:$0x5] =	wrdreg $0xB  }
0xc2: {  	_ =	task.clear_ibuf [dreg:s22], $0x6FFFF;
	_ =	strace $0x9000004C  }
0xc3: {  	s29 =	simm.s32 $0xB;
	_ =	strace $0x8000004E  }
0xc4: {  	_ =	swait.ge [sflag:s29], $0x1  }
0xc5: {  	[sflag:s29] =	ssyncadd.s32 $0xFFFFFFFF  }
0xc6: {  	_ =	strace $0x9000004E  }
0xc7: {  	_ =	sfence  }
0xc8: {  	s30 =	sld [smem:$0x0];
	_ =	sdelay $0x2  }
0xc9: {  	s31 =	sshll.u32 s1, $0xD;
	s1 =	sshrl.u32 s1, $0x2  }
0xca: {  	s4 =	sand.u32 $0x4000, s31;
	s1 =	sadd.s32 s1, s30  }
0xcb: {  	s0 =	sor.u32 s4, s0;
	s1 =	sshll.u32 s1, $0x11  }
0xcc: {  	s0 =	sor.u32 s1, s0  }
0xcd: {  	s0 =	sadd.s32 $0x8F2B, s0  }
0xce: {  	[sflag:s0] =	ssyncadd.remote.s32 $0x1  }
0xcf: {  	_ =	sfence.sel $0xFFFF  }
0xd0: {  	[dreg:$0x0] =	wrdreg $0xFFFFFFFF;
	(pc) =	sbr.abs _section_cstart, $3  }
0xd1: {  	[dreg:$0x1] =	wrdreg $0xFFFFFFFF  }
0xd2: {  	_ =	task.clear_ibuf [dreg:s22], $0x2FFFF;
	_ =	strace $0x9FFFFFFF  }
0xd3: {  	(tm) =	ssettm $0x7FFFFFFF  }
tec
execute0_lowered:
.L_overlay_start_1:
0x0: {  	(tag) =	ssettag $0x1  }
0x1: {  	s1 =	rddreg [dreg:$0x0];
	s0 =	srdreg.scid  }
0x2: {  	s2 =	rddreg [dreg:$0x1];
	s4 =	stileid.u32  }
0x3: {  	s3 =	rddreg [dreg:$0x2];
	s16 =	simm.s32 $0x3;
	s17 =	simm.s32 $0x200  }
0x4: {  	s18 =	simm.s32 $0x12A00;
	s19 =	simm.s32 $0x13200;
	s20 =	simm.s32 $0x13A00  }
0x5: {  	s21 =	simm.s32 $0x14200;
	s12 =	simm.s32 $0x15200;
	s13 =	simm.s32 $0x15A00  }
0x6: {  	s14 =	simm.s32 $0x16200;
	s15 =	simm.s32 $0x16A00;
	s28 =	simm.s32 $0x4  }
0x7: {  	s29 =	simm.s32 $0x2;
	s30 =	simm.s32 $0x0;
	s0 =	sand.u32 $0x1, s0  }
0x8: {  	s5 =	sshll.u32 s4, $0xA;
	s4 =	simm.s32 $0x0;
	s11 =	sadd.s32 $0x309400, s2  }
0x9: {  	s7 =	sadd.s32 $0x200, s1;
	s10 =	sadd.s32 $0x200, s3;
	s6 =	sshll.u32 s0, $0x9  }
0xa: {  	[smem:$0x7FF] =	sst s4;
	s0 =	ssub.s32 $0x2, s0;
	s5 =	sor.u32 s6, s5  }
0xb: {  	_ =	strace $0x8000004D;
	s22 =	sshrl.u32 s0, $0x1;
	s6 =	sadd.s32 $0x100, s1  }
0xc: {  	s8 =	sshrl.u32 s5, $0x3;
	s5 =	sor.u32 $0x40, s5;
	s0 =	ssub.s32 s0, s22  }
0xd: {  	s22 =	simm.s32 $0x14A00;
	s9 =	sadd.s32 s8, s2;
	s2 =	sadd.s32 $0x489400, s2  }
0xe: {  	s5 =	sshrl.u32 s5, $0x3;
	s8 =	smul.u32 $0x300, s8;
	s0 =	smax.u32 s0, $0x1  }
0xf: {  	s23 =	sadd.s32 $0x5C00, s9;
	s5 =	smul.u32 $0x300, s5;
	[dreg:$0x6] =	wrdreg s0  }
0x10: {  	s9 =	sadd.s32 $0x7C00, s9;
	s0 =	simm.s32 $0x10A00;
	[dreg:$0x4] =	wrdreg s23  }
0x11: {  	[dreg:$0x5] =	wrdreg s9;
	s9 =	sadd.s32 $0x100, s3;
	s25 =	sadd.s32 s8, s11  }
.Ltmp0:
0x12: {  	s31 =	sadd.s32 s8, s2;
	s23 =	simm.s32 $0xC200;
	(pc) =	sbr.rel .LBB2_1-.Ltmp0, $4  }
0x13: {  	s8 =	simm.s32 $0x11A00;
	s24 =	sadd.s32 s5, s11;
	[dreg:$0x8] =	wrdreg s25  }
0x14: {  	v2 =	vlaneseq.u32;
	s26 =	sadd.s32 s5, s2;
	[dreg:$0xa] =	wrdreg s31;
	s5 =	simm.s32 $0x11200  }
0x15: {  	vm0 =	vmmov $0xffff;
	v1 =	vshrl.u32 v2, $0x3;
	s11 =	simm.s32 $0x12200;
	s25 =	simm.s32 $0x17A00;
	[dreg:$0x7] =	wrdreg s24  }
0x16: {  	v0 =	vand.u32 $0x7, v2;
	v2 =	vor.u32 $0x8, v2;
	v1 =	vmul.u32 $0x8, v1;
	[dreg:$0x9] =	wrdreg s26;
	s24 =	simm.s32 $0x17200;
	s26 =	simm.s32 $0x1  }
.LBB2_9:
0x17: {  	s30 =	rddreg [dreg:$0xb]  }
0x18: {  	s2 =	rddreg [dreg:$0x6];
	s30 =	sadd.s32 $0x1, s30  }
0x19: {  	p0 =	sne.s32 s30, s2  }
.Ltmp1:
0x1a: {  	_ = 	snop;
	(pc) =	sbr.rel @!p0 .LBB2_10-.Ltmp1, $1  }
0x1b: {  	_ =	sdelay $0x3  }
.LBB2_1:
0x1c: {  	[dreg:$0xb] =	wrdreg s30  }
0x1d: {  	s2 =	rddreg [dreg:$0x4]  }
0x1e: {  	[tilespmem:s4], [sflag:$0x3] =	stream.linear.gather [hbm4b:s2+s4], $0x200, $0x38;
	[tilespmem:$0x18200] =	vst v63  }
0x1f: {  	_ =	swait.ge [sflag:s16], $0x200  }
0x20: {  	[sflag:s16] =	ssyncset.done $0x0  }
0x21: {  	[sflag:s16] =	ssyncadd.s32 $0xFFFFFE00  }
0x22: {  	v3 =	vld [tilespmem:$0x0];
	_ =	sdelay $0x4  }
0x23: {  	v4 =	vshrl.u32 v3, $0x3  }
0x24: {  	v4 =	vmul.u32 $0x30, v4  }
0x25: {  	v3 =	vand.u32 $0x7, v3  }
0x26: {  	v3 =	vor.u32 v3, v4  }
0x27: {  	v4 =	vperm.xlane v3, v0;
	_ =	sdelay $0x1  }
0x28: {  	v4 =	vadd.s32 v1, v4;
	_ =	sdelay $0x3  }
0x29: {  	v3 =	vperm.xlane v3, v2  }
0x2a: {  	[tilespmem:s17], [sflag:$0x1] =	stream.indirect_vreg.gather [hbm4b:s1+s4], $0x80, v4, vm0, $0xb8;
	[tilespmem:$0x18200] =	vst v63  }
0x2b: {  	s2 =	simm.s32 $0xA00;
	v3 =	vadd.s32 v1, v3  }
0x2c: {  	[tilespmem:s2], [sflag:$0x1] =	stream.indirect_vreg.gather [hbm4b:s6+s4], $0x80, v4, vm0, $0xb8;
	[tilespmem:$0x18200] =	vst v63  }
0x2d: {  	s2 =	simm.s32 $0x1200  }
0x2e: {  	[tilespmem:s2], [sflag:$0x1] =	stream.indirect_vreg.gather [hbm4b:s7+s4], $0x80, v4, vm0, $0xb8;
	[tilespmem:$0x18200] =	vst v63  }
0x2f: {  	s2 =	simm.s32 $0x1A00  }
0x30: {  	[tilespmem:s2], [sflag:$0x1] =	stream.indirect_vreg.gather [hbm4b:s1+s4], $0x80, v3, vm0, $0xb8;
	[tilespmem:$0x18200] =	vst v63  }
0x31: {  	s2 =	simm.s32 $0x2200  }
0x32: {  	[tilespmem:s2], [sflag:$0x1] =	stream.indirect_vreg.gather [hbm4b:s6+s4], $0x80, v3, vm0, $0xb8;
	[tilespmem:$0x18200] =	vst v63  }
0x33: {  	s2 =	simm.s32 $0x2A00  }
0x34: {  	[tilespmem:s2], [sflag:$0x1] =	stream.indirect_vreg.gather [hbm4b:s7+s4], $0x80, v3, vm0, $0xb8;
	[tilespmem:$0x18200] =	vst v63  }
0x35: {  	v3 =	vld [tilespmem:$0x10];
	_ =	sdelay $0x4  }
0x36: {  	v61 =	vshrl.u32 v3, $0x3  }
0x37: {  	v4 =	vmul.u32 $0x30, v61  }
0x38: {  	v3 =	vand.u32 $0x7, v3  }
0x39: {  	v3 =	vor.u32 v3, v4  }
0x3a: {  	v4 =	vperm.xlane v3, v0;
	_ =	sdelay $0x1  }
0x3b: {  	v4 =	vadd.s32 v1, v4;
	_ =	sdelay $0x3  }
0x3c: {  	s2 =	simm.s32 $0x3200;
	v3 =	vperm.xlane v3, v2  }
0x3d: {  	[tilespmem:s2], [sflag:$0x1] =	stream.indirect_vreg.gather [hbm4b:s1+s4], $0x80, v4, vm0, $0xb8;
	[tilespmem:$0x18200] =	vst v63  }
0x3e: {  	v3 =	vadd.s32 v1, v3;
	s2 =	simm.s32 $0x3A00  }
0x3f: {  	[tilespmem:s2], [sflag:$0x1] =	stream.indirect_vreg.gather [hbm4b:s6+s4], $0x80, v4, vm0, $0xb8;
	[tilespmem:$0x18200] =	vst v63  }
0x40: {  	s2 =	simm.s32 $0x4200  }
0x41: {  	[tilespmem:s2], [sflag:$0x1] =	stream.indirect_vreg.gather [hbm4b:s7+s4], $0x80, v4, vm0, $0xb8;
	[tilespmem:$0x18200] =	vst v63  }
0x42: {  	s2 =	simm.s32 $0x4A00  }
0x43: {  	[tilespmem:s2], [sflag:$0x1] =	stream.indirect_vreg.gather [hbm4b:s1+s4], $0x80, v3, vm0, $0xb8;
	[tilespmem:$0x18200] =	vst v63  }
0x44: {  	s2 =	simm.s32 $0x5200  }
0x45: {  	[tilespmem:s2], [sflag:$0x1] =	stream.indirect_vreg.gather [hbm4b:s6+s4], $0x80, v3, vm0, $0xb8;
	[tilespmem:$0x18200] =	vst v63  }
0x46: {  	s2 =	simm.s32 $0x5A00  }
0x47: {  	[tilespmem:s2], [sflag:$0x1] =	stream.indirect_vreg.gather [hbm4b:s7+s4], $0x80, v3, vm0, $0xb8;
	[tilespmem:$0x18200] =	vst v63  }
0x48: {  	v3 =	vld [tilespmem:$0x20];
	_ =	sdelay $0x4  }
0x49: {  	v62 =	vshrl.u32 v3, $0x3  }
0x4a: {  	v4 =	vmul.u32 $0x30, v62  }
0x4b: {  	v3 =	vand.u32 $0x7, v3  }
0x4c: {  	v3 =	vor.u32 v3, v4  }
0x4d: {  	v4 =	vperm.xlane v3, v0;
	_ =	sdelay $0x1  }
0x4e: {  	v4 =	vadd.s32 v1, v4;
	_ =	sdelay $0x3  }
0x4f: {  	s2 =	simm.s32 $0x6200;
	v3 =	vperm.xlane v3, v2  }
0x50: {  	[tilespmem:s2], [sflag:$0x1] =	stream.indirect_vreg.gather [hbm4b:s1+s4], $0x80, v4, vm0, $0xb8;
	[tilespmem:$0x18200] =	vst v63  }
0x51: {  	v3 =	vadd.s32 v1, v3;
	s2 =	simm.s32 $0x6A00  }
0x52: {  	[tilespmem:s2], [sflag:$0x1] =	stream.indirect_vreg.gather [hbm4b:s6+s4], $0x80, v4, vm0, $0xb8;
	[tilespmem:$0x18200] =	vst v63  }
0x53: {  	s2 =	simm.s32 $0x7200  }
0x54: {  	[tilespmem:s2], [sflag:$0x1] =	stream.indirect_vreg.gather [hbm4b:s7+s4], $0x80, v4, vm0, $0xb8;
	[tilespmem:$0x18200] =	vst v63  }
0x55: {  	s2 =	simm.s32 $0x7A00  }
0x56: {  	[tilespmem:s2], [sflag:$0x1] =	stream.indirect_vreg.gather [hbm4b:s1+s4], $0x80, v3, vm0, $0xb8;
	[tilespmem:$0x18200] =	vst v63  }
0x57: {  	s2 =	simm.s32 $0x8200  }
0x58: {  	[tilespmem:s2], [sflag:$0x1] =	stream.indirect_vreg.gather [hbm4b:s6+s4], $0x80, v3, vm0, $0xb8;
	[tilespmem:$0x18200] =	vst v63  }
0x59: {  	s2 =	simm.s32 $0x8A00  }
0x5a: {  	[tilespmem:s2], [sflag:$0x1] =	stream.indirect_vreg.gather [hbm4b:s7+s4], $0x80, v3, vm0, $0xb8;
	[tilespmem:$0x18200] =	vst v63  }
0x5b: {  	v3 =	vld [tilespmem:$0x30];
	_ =	sdelay $0x4  }
0x5c: {  	v63 =	vshrl.u32 v3, $0x3  }
0x5d: {  	v4 =	vmul.u32 $0x30, v63  }
0x5e: {  	v3 =	vand.u32 $0x7, v3  }
0x5f: {  	v3 =	vor.u32 v3, v4  }
0x60: {  	v4 =	vperm.xlane v3, v0;
	_ =	sdelay $0x1  }
0x61: {  	v4 =	vadd.s32 v1, v4;
	_ =	sdelay $0x3  }
0x62: {  	s2 =	simm.s32 $0x9200;
	v3 =	vperm.xlane v3, v2  }
0x63: {  	[tilespmem:s2], [sflag:$0x1] =	stream.indirect_vreg.gather [hbm4b:s1+s4], $0x80, v4, vm0, $0xb8;
	[tilespmem:$0x18200] =	vst v63  }
0x64: {  	v3 =	vadd.s32 v1, v3;
	s2 =	simm.s32 $0x9A00  }
0x65: {  	[tilespmem:s2], [sflag:$0x1] =	stream.indirect_vreg.gather [hbm4b:s6+s4], $0x80, v4, vm0, $0xb8;
	[tilespmem:$0x18200] =	vst v63  }
0x66: {  	s2 =	simm.s32 $0xA200  }
0x67: {  	[tilespmem:s2], [sflag:$0x1] =	stream.indirect_vreg.gather [hbm4b:s7+s4], $0x80, v4, vm0, $0xb8;
	[tilespmem:$0x18200] =	vst v63  }
0x68: {  	s2 =	simm.s32 $0xAA00  }
0x69: {  	[tilespmem:s2], [sflag:$0x1] =	stream.indirect_vreg.gather [hbm4b:s1+s4], $0x80, v3, vm0, $0xb8;
	[tilespmem:$0x18200] =	vst v63  }
.Ltmp2:
0x6a: {  	_ = 	snop;
	(pc) =	sbr.rel .LBB2_2-.Ltmp2, $4  }
0x6b: {  	s2 =	simm.s32 $0xB200  }
0x6c: {  	[tilespmem:s2], [sflag:$0x1] =	stream.indirect_vreg.gather [hbm4b:s6+s4], $0x80, v3, vm0, $0xb8;
	[tilespmem:$0x18200] =	vst v63  }
0x6d: {  	s30 =	simm.s32 $0x60;
	s31 =	simm.s32 $0x0;
	s2 =	simm.s32 $0xBA00  }
0x6e: {  	[tilespmem:s2], [sflag:$0x1] =	stream.indirect_vreg.gather [hbm4b:s7+s4], $0x80, v3, vm0, $0xb8;
	[tilespmem:$0x18200] =	vst v63  }
.LBB2_4:
0x6f: {  	_ =	swait.ge [sflag:s29], $0xC000  }
0x70: {  	s2 =	rddreg [dreg:$0x7]  }
0x71: {  	s2 =	sadd.s32 s31, s2;
	s31 =	sadd.s32 $0x3000, s31  }
0x72: {  	[sflag:s29] =	ssyncset.done $0x0;
	p0 =	sne.s32 s31, $0xC000  }
.Ltmp3:
0x73: {  	[sflag:s29] =	ssyncadd.s32 $0xFFFF4000;
	(pc) =	sbr.rel @!p0 .LBB2_5-.Ltmp3, $4  }
0x74: {  	[hbm4b:s2+s4] =	stream.linear.scatter [tilespmem:s23], [sflag:$0x3], $0xC000, $0x38;
	[tilespmem:$0x18200] =	vst v63  }
0x75: {  	_ =	swait.ge [sflag:s16], $0xC000  }
0x76: {  	[sflag:s16] =	ssyncset.done $0x0  }
0x77: {  	s30 =	sadd.s32 $0x80, s30;
	[sflag:s16] =	ssyncadd.s32 $0xFFFF4000  }
.LBB2_2:
0x78: {  	v3 =	vld [tilespmem:s30+$0xFFFFFFE0];
	_ =	sdelay $0x4  }
0x79: {  	v4 =	vshrl.u32 v3, $0x3  }
0x7a: {  	v4 =	vmul.u32 $0x30, v4  }
0x7b: {  	v3 =	vand.u32 $0x7, v3  }
0x7c: {  	v3 =	vor.u32 v3, v4  }
0x7d: {  	v4 =	vperm.xlane v3, v0;
	_ =	sdelay $0x1  }
0x7e: {  	v4 =	vadd.s32 v1, v4;
	_ =	sdelay $0x3  }
0x7f: {  	v3 =	vperm.xlane v3, v2  }
0x80: {  	[tilespmem:s23], [sflag:$0x2] =	stream.indirect_vreg.gather [hbm4b:s1+s4], $0x80, v4, vm0, $0xb8;
	[tilespmem:$0x18200] =	vst v63  }
0x81: {  	s2 =	simm.s32 $0xCA00;
	v3 =	vadd.s32 v1, v3  }
0x82: {  	[tilespmem:s2], [sflag:$0x2] =	stream.indirect_vreg.gather [hbm4b:s6+s4], $0x80, v4, vm0, $0xb8;
	[tilespmem:$0x18200] =	vst v63  }
0x83: {  	s2 =	simm.s32 $0xD200  }
0x84: {  	[tilespmem:s2], [sflag:$0x2] =	stream.indirect_vreg.gather [hbm4b:s7+s4], $0x80, v4, vm0, $0xb8;
	[tilespmem:$0x18200] =	vst v63  }
0x85: {  	s2 =	simm.s32 $0xDA00  }
0x86: {  	[tilespmem:s2], [sflag:$0x2] =	stream.indirect_vreg.gather [hbm4b:s1+s4], $0x80, v3, vm0, $0xb8;
	[tilespmem:$0x18200] =	vst v63  }
0x87: {  	s2 =	simm.s32 $0xE200  }
0x88: {  	[tilespmem:s2], [sflag:$0x2] =	stream.indirect_vreg.gather [hbm4b:s6+s4], $0x80, v3, vm0, $0xb8;
	[tilespmem:$0x18200] =	vst v63  }
0x89: {  	s2 =	simm.s32 $0xEA00  }
0x8a: {  	[tilespmem:s2], [sflag:$0x2] =	stream.indirect_vreg.gather [hbm4b:s7+s4], $0x80, v3, vm0, $0xb8;
	[tilespmem:$0x18200] =	vst v63  }
0x8b: {  	v3 =	vld [tilespmem:s30+$0xFFFFFFF0];
	_ =	sdelay $0x4  }
0x8c: {  	v61 =	vshrl.u32 v3, $0x3  }
0x8d: {  	v4 =	vmul.u32 $0x30, v61  }
0x8e: {  	v3 =	vand.u32 $0x7, v3  }
0x8f: {  	v3 =	vor.u32 v3, v4  }
0x90: {  	v4 =	vperm.xlane v3, v0;
	_ =	sdelay $0x1  }
0x91: {  	v4 =	vadd.s32 v1, v4;
	_ =	sdelay $0x3  }
0x92: {  	s2 =	simm.s32 $0xF200;
	v3 =	vperm.xlane v3, v2  }
0x93: {  	[tilespmem:s2], [sflag:$0x2] =	stream.indirect_vreg.gather [hbm4b:s1+s4], $0x80, v4, vm0, $0xb8;
	[tilespmem:$0x18200] =	vst v63  }
0x94: {  	v3 =	vadd.s32 v1, v3;
	s2 =	simm.s32 $0xFA00  }
0x95: {  	[tilespmem:s2], [sflag:$0x2] =	stream.indirect_vreg.gather [hbm4b:s6+s4], $0x80, v4, vm0, $0xb8;
	[tilespmem:$0x18200] =	vst v63  }
0x96: {  	s2 =	simm.s32 $0x10200  }
0x97: {  	[tilespmem:s2], [sflag:$0x2] =	stream.indirect_vreg.gather [hbm4b:s7+s4], $0x80, v4, vm0, $0xb8;
	[tilespmem:$0x18200] =	vst v63  }
0x98: {  	_ = 	snop  }
0x99: {  	[tilespmem:s0], [sflag:$0x2] =	stream.indirect_vreg.gather [hbm4b:s1+s4], $0x80, v3, vm0, $0xb8;
	[tilespmem:$0x18200] =	vst v63  }
0x9a: {  	_ = 	snop  }
0x9b: {  	[tilespmem:s5], [sflag:$0x2] =	stream.indirect_vreg.gather [hbm4b:s6+s4], $0x80, v3, vm0, $0xb8;
	[tilespmem:$0x18200] =	vst v63  }
0x9c: {  	_ = 	snop  }
0x9d: {  	[tilespmem:s8], [sflag:$0x2] =	stream.indirect_vreg.gather [hbm4b:s7+s4], $0x80, v3, vm0, $0xb8;
	[tilespmem:$0x18200] =	vst v63  }
0x9e: {  	v3 =	vld [tilespmem:s30+$0x0];
	_ =	sdelay $0x4  }
0x9f: {  	v62 =	vshrl.u32 v3, $0x3  }
0xa0: {  	v4 =	vmul.u32 $0x30, v62  }
0xa1: {  	v3 =	vand.u32 $0x7, v3  }
0xa2: {  	v3 =	vor.u32 v3, v4  }
0xa3: {  	v4 =	vperm.xlane v3, v0;
	_ =	sdelay $0x1  }
0xa4: {  	v4 =	vadd.s32 v1, v4;
	_ =	sdelay $0x3  }
0xa5: {  	v3 =	vperm.xlane v3, v2  }
0xa6: {  	[tilespmem:s11], [sflag:$0x2] =	stream.indirect_vreg.gather [hbm4b:s1+s4], $0x80, v4, vm0, $0xb8;
	[tilespmem:$0x18200] =	vst v63  }
0xa7: {  	v3 =	vadd.s32 v1, v3  }
0xa8: {  	[tilespmem:s18], [sflag:$0x2] =	stream.indirect_vreg.gather [hbm4b:s6+s4], $0x80, v4, vm0, $0xb8;
	[tilespmem:$0x18200] =	vst v63  }
0xa9: {  	_ = 	snop  }
0xaa: {  	[tilespmem:s19], [sflag:$0x2] =	stream.indirect_vreg.gather [hbm4b:s7+s4], $0x80, v4, vm0, $0xb8;
	[tilespmem:$0x18200] =	vst v63  }
0xab: {  	_ = 	snop  }
0xac: {  	[tilespmem:s20], [sflag:$0x2] =	stream.indirect_vreg.gather [hbm4b:s1+s4], $0x80, v3, vm0, $0xb8;
	[tilespmem:$0x18200] =	vst v63  }
0xad: {  	_ = 	snop  }
0xae: {  	[tilespmem:s21], [sflag:$0x2] =	stream.indirect_vreg.gather [hbm4b:s6+s4], $0x80, v3, vm0, $0xb8;
	[tilespmem:$0x18200] =	vst v63  }
0xaf: {  	_ = 	snop  }
0xb0: {  	[tilespmem:s22], [sflag:$0x2] =	stream.indirect_vreg.gather [hbm4b:s7+s4], $0x80, v3, vm0, $0xb8;
	[tilespmem:$0x18200] =	vst v63  }
0xb1: {  	v3 =	vld [tilespmem:s30+$0x10];
	_ =	sdelay $0x4  }
0xb2: {  	v63 =	vshrl.u32 v3, $0x3  }
0xb3: {  	v4 =	vmul.u32 $0x30, v63  }
0xb4: {  	v3 =	vand.u32 $0x7, v3  }
0xb5: {  	v3 =	vor.u32 v3, v4  }
0xb6: {  	v4 =	vperm.xlane v3, v0;
	_ =	sdelay $0x1  }
0xb7: {  	v4 =	vadd.s32 v1, v4;
	_ =	sdelay $0x3  }
0xb8: {  	v3 =	vperm.xlane v3, v2  }
0xb9: {  	[tilespmem:s12], [sflag:$0x2] =	stream.indirect_vreg.gather [hbm4b:s1+s4], $0x80, v4, vm0, $0xb8;
	[tilespmem:$0x18200] =	vst v63  }
0xba: {  	v3 =	vadd.s32 v1, v3  }
0xbb: {  	[tilespmem:s13], [sflag:$0x2] =	stream.indirect_vreg.gather [hbm4b:s6+s4], $0x80, v4, vm0, $0xb8;
	[tilespmem:$0x18200] =	vst v63  }
0xbc: {  	_ = 	snop  }
0xbd: {  	[tilespmem:s14], [sflag:$0x2] =	stream.indirect_vreg.gather [hbm4b:s7+s4], $0x80, v4, vm0, $0xb8;
	[tilespmem:$0x18200] =	vst v63  }
0xbe: {  	_ = 	snop  }
0xbf: {  	[tilespmem:s15], [sflag:$0x2] =	stream.indirect_vreg.gather [hbm4b:s1+s4], $0x80, v3, vm0, $0xb8;
	[tilespmem:$0x18200] =	vst v63  }
0xc0: {  	_ = 	snop  }
0xc1: {  	[tilespmem:s24], [sflag:$0x2] =	stream.indirect_vreg.gather [hbm4b:s6+s4], $0x80, v3, vm0, $0xb8;
	[tilespmem:$0x18200] =	vst v63  }
0xc2: {  	_ = 	snop  }
0xc3: {  	[tilespmem:s25], [sflag:$0x2] =	stream.indirect_vreg.gather [hbm4b:s7+s4], $0x80, v3, vm0, $0xb8;
	[tilespmem:$0x18200] =	vst v63  }
0xc4: {  	_ =	swait.ge [sflag:s26], $0xC000  }
0xc5: {  	p0 =	seq.s32 s31, $0x9000;
	[sflag:s26] =	ssyncset.done $0x0;
	s2 =	rddreg [dreg:$0x8]  }
.Ltmp4:
0xc6: {  	[sflag:s26] =	ssyncadd.s32 $0xFFFF4000;
	s2 =	sadd.s32 s31, s2;
	(pc) =	sbr.rel @p0 .LBB2_4-.Ltmp4, $4  }
0xc7: {  	[hbm4b:s2+s4] =	stream.linear.scatter [tilespmem:s17], [sflag:$0x4], $0xC000, $0x38;
	[tilespmem:$0x18200] =	vst v63  }
0xc8: {  	_ =	swait.ge [sflag:s28], $0xC000  }
0xc9: {  	[sflag:s28] =	ssyncset.done $0x0  }
0xca: {  	[sflag:s28] =	ssyncadd.s32 $0xFFFF4000  }
0xcb: {  	v3 =	vld [tilespmem:s30+$0x20];
	_ =	sdelay $0x4  }
0xcc: {  	v4 =	vshrl.u32 v3, $0x3  }
0xcd: {  	v4 =	vmul.u32 $0x30, v4  }
0xce: {  	v3 =	vand.u32 $0x7, v3  }
0xcf: {  	v3 =	vor.u32 v3, v4  }
0xd0: {  	v4 =	vperm.xlane v3, v0;
	_ =	sdelay $0x1  }
0xd1: {  	v4 =	vadd.s32 v1, v4;
	_ =	sdelay $0x3  }
0xd2: {  	v3 =	vperm.xlane v3, v2  }
0xd3: {  	[tilespmem:s17], [sflag:$0x1] =	stream.indirect_vreg.gather [hbm4b:s1+s4], $0x80, v4, vm0, $0xb8;
	[tilespmem:$0x18200] =	vst v63  }
0xd4: {  	s2 =	simm.s32 $0xA00;
	v3 =	vadd.s32 v1, v3  }
0xd5: {  	[tilespmem:s2], [sflag:$0x1] =	stream.indirect_vreg.gather [hbm4b:s6+s4], $0x80, v4, vm0, $0xb8;
	[tilespmem:$0x18200] =	vst v63  }
0xd6: {  	s2 =	simm.s32 $0x1200  }
0xd7: {  	[tilespmem:s2], [sflag:$0x1] =	stream.indirect_vreg.gather [hbm4b:s7+s4], $0x80, v4, vm0, $0xb8;
	[tilespmem:$0x18200] =	vst v63  }
0xd8: {  	s2 =	simm.s32 $0x1A00  }
0xd9: {  	[tilespmem:s2], [sflag:$0x1] =	stream.indirect_vreg.gather [hbm4b:s1+s4], $0x80, v3, vm0, $0xb8;
	[tilespmem:$0x18200] =	vst v63  }
0xda: {  	s2 =	simm.s32 $0x2200  }
0xdb: {  	[tilespmem:s2], [sflag:$0x1] =	stream.indirect_vreg.gather [hbm4b:s6+s4], $0x80, v3, vm0, $0xb8;
	[tilespmem:$0x18200] =	vst v63  }
0xdc: {  	s2 =	simm.s32 $0x2A00  }
0xdd: {  	[tilespmem:s2], [sflag:$0x1] =	stream.indirect_vreg.gather [hbm4b:s7+s4], $0x80, v3, vm0, $0xb8;
	[tilespmem:$0x18200] =	vst v63  }
0xde: {  	v3 =	vld [tilespmem:s30+$0x30];
	_ =	sdelay $0x4  }
0xdf: {  	v61 =	vshrl.u32 v3, $0x3  }
0xe0: {  	v4 =	vmul.u32 $0x30, v61  }
0xe1: {  	v3 =	vand.u32 $0x7, v3  }
0xe2: {  	v3 =	vor.u32 v3, v4  }
0xe3: {  	v4 =	vperm.xlane v3, v0;
	_ =	sdelay $0x1  }
0xe4: {  	v4 =	vadd.s32 v1, v4;
	_ =	sdelay $0x3  }
0xe5: {  	s2 =	simm.s32 $0x3200;
	v3 =	vperm.xlane v3, v2  }
0xe6: {  	[tilespmem:s2], [sflag:$0x1] =	stream.indirect_vreg.gather [hbm4b:s1+s4], $0x80, v4, vm0, $0xb8;
	[tilespmem:$0x18200] =	vst v63  }
0xe7: {  	v3 =	vadd.s32 v1, v3;
	s2 =	simm.s32 $0x3A00  }
0xe8: {  	[tilespmem:s2], [sflag:$0x1] =	stream.indirect_vreg.gather [hbm4b:s6+s4], $0x80, v4, vm0, $0xb8;
	[tilespmem:$0x18200] =	vst v63  }
0xe9: {  	s2 =	simm.s32 $0x4200  }
0xea: {  	[tilespmem:s2], [sflag:$0x1] =	stream.indirect_vreg.gather [hbm4b:s7+s4], $0x80, v4, vm0, $0xb8;
	[tilespmem:$0x18200] =	vst v63  }
0xeb: {  	s2 =	simm.s32 $0x4A00  }
0xec: {  	[tilespmem:s2], [sflag:$0x1] =	stream.indirect_vreg.gather [hbm4b:s1+s4], $0x80, v3, vm0, $0xb8;
	[tilespmem:$0x18200] =	vst v63  }
0xed: {  	s2 =	simm.s32 $0x5200  }
0xee: {  	[tilespmem:s2], [sflag:$0x1] =	stream.indirect_vreg.gather [hbm4b:s6+s4], $0x80, v3, vm0, $0xb8;
	[tilespmem:$0x18200] =	vst v63  }
0xef: {  	s2 =	simm.s32 $0x5A00  }
0xf0: {  	[tilespmem:s2], [sflag:$0x1] =	stream.indirect_vreg.gather [hbm4b:s7+s4], $0x80, v3, vm0, $0xb8;
	[tilespmem:$0x18200] =	vst v63  }
0xf1: {  	v3 =	vld [tilespmem:s30+$0x40];
	_ =	sdelay $0x4  }
0xf2: {  	v62 =	vshrl.u32 v3, $0x3  }
0xf3: {  	v4 =	vmul.u32 $0x30, v62  }
0xf4: {  	v3 =	vand.u32 $0x7, v3  }
0xf5: {  	v3 =	vor.u32 v3, v4  }
0xf6: {  	v4 =	vperm.xlane v3, v0;
	_ =	sdelay $0x1  }
0xf7: {  	v4 =	vadd.s32 v1, v4;
	_ =	sdelay $0x3  }
0xf8: {  	s2 =	simm.s32 $0x6200;
	v3 =	vperm.xlane v3, v2  }
0xf9: {  	[tilespmem:s2], [sflag:$0x1] =	stream.indirect_vreg.gather [hbm4b:s1+s4], $0x80, v4, vm0, $0xb8;
	[tilespmem:$0x18200] =	vst v63  }
0xfa: {  	v3 =	vadd.s32 v1, v3;
	s2 =	simm.s32 $0x6A00  }
0xfb: {  	[tilespmem:s2], [sflag:$0x1] =	stream.indirect_vreg.gather [hbm4b:s6+s4], $0x80, v4, vm0, $0xb8;
	[tilespmem:$0x18200] =	vst v63  }
0xfc: {  	s2 =	simm.s32 $0x7200  }
0xfd: {  	[tilespmem:s2], [sflag:$0x1] =	stream.indirect_vreg.gather [hbm4b:s7+s4], $0x80, v4, vm0, $0xb8;
	[tilespmem:$0x18200] =	vst v63  }
0xfe: {  	s2 =	simm.s32 $0x7A00  }
0xff: {  	[tilespmem:s2], [sflag:$0x1] =	stream.indirect_vreg.gather [hbm4b:s1+s4], $0x80, v3, vm0, $0xb8;
	[tilespmem:$0x18200] =	vst v63  }
0x100: {  	s2 =	simm.s32 $0x8200  }
0x101: {  	[tilespmem:s2], [sflag:$0x1] =	stream.indirect_vreg.gather [hbm4b:s6+s4], $0x80, v3, vm0, $0xb8;
	[tilespmem:$0x18200] =	vst v63  }
0x102: {  	s2 =	simm.s32 $0x8A00  }
0x103: {  	[tilespmem:s2], [sflag:$0x1] =	stream.indirect_vreg.gather [hbm4b:s7+s4], $0x80, v3, vm0, $0xb8;
	[tilespmem:$0x18200] =	vst v63  }
0x104: {  	v3 =	vld [tilespmem:s30+$0x50];
	_ =	sdelay $0x4  }
0x105: {  	v63 =	vshrl.u32 v3, $0x3  }
0x106: {  	v4 =	vmul.u32 $0x30, v63  }
0x107: {  	v3 =	vand.u32 $0x7, v3  }
0x108: {  	v3 =	vor.u32 v3, v4  }
0x109: {  	v4 =	vperm.xlane v3, v0;
	_ =	sdelay $0x1  }
0x10a: {  	v4 =	vadd.s32 v1, v4;
	_ =	sdelay $0x3  }
0x10b: {  	s2 =	simm.s32 $0x9200;
	v3 =	vperm.xlane v3, v2  }
0x10c: {  	[tilespmem:s2], [sflag:$0x1] =	stream.indirect_vreg.gather [hbm4b:s1+s4], $0x80, v4, vm0, $0xb8;
	[tilespmem:$0x18200] =	vst v63  }
0x10d: {  	v3 =	vadd.s32 v1, v3;
	s2 =	simm.s32 $0x9A00  }
0x10e: {  	[tilespmem:s2], [sflag:$0x1] =	stream.indirect_vreg.gather [hbm4b:s6+s4], $0x80, v4, vm0, $0xb8;
	[tilespmem:$0x18200] =	vst v63  }
0x10f: {  	s2 =	simm.s32 $0xA200  }
0x110: {  	[tilespmem:s2], [sflag:$0x1] =	stream.indirect_vreg.gather [hbm4b:s7+s4], $0x80, v4, vm0, $0xb8;
	[tilespmem:$0x18200] =	vst v63  }
0x111: {  	s2 =	simm.s32 $0xAA00  }
0x112: {  	[tilespmem:s2], [sflag:$0x1] =	stream.indirect_vreg.gather [hbm4b:s1+s4], $0x80, v3, vm0, $0xb8;
	[tilespmem:$0x18200] =	vst v63  }
.Ltmp5:
0x113: {  	_ = 	snop;
	(pc) =	sbr.rel .LBB2_4-.Ltmp5, $4  }
0x114: {  	s2 =	simm.s32 $0xB200  }
0x115: {  	[tilespmem:s2], [sflag:$0x1] =	stream.indirect_vreg.gather [hbm4b:s6+s4], $0x80, v3, vm0, $0xb8;
	[tilespmem:$0x18200] =	vst v63  }
0x116: {  	s2 =	simm.s32 $0xBA00  }
0x117: {  	[tilespmem:s2], [sflag:$0x1] =	stream.indirect_vreg.gather [hbm4b:s7+s4], $0x80, v3, vm0, $0xb8;
	[tilespmem:$0x18200] =	vst v63  }
.LBB2_5:
0x118: {  	s30 =	simm.s32 $0x0;
	s2 =	rddreg [dreg:$0x5]  }
0x119: {  	[tilespmem:s30], [sflag:$0x3] =	stream.linear.gather [hbm4b:s2+s30], $0x200, $0x38;
	[tilespmem:$0x18200] =	vst v63  }
0x11a: {  	_ =	swait.ge [sflag:s16], $0x200  }
0x11b: {  	[sflag:s16] =	ssyncset.done $0x0  }
0x11c: {  	[sflag:s16] =	ssyncadd.s32 $0xFFFFFE00  }
0x11d: {  	v3 =	vld [tilespmem:$0x0];
	_ =	sdelay $0x4  }
0x11e: {  	v4 =	vshrl.u32 v3, $0x3  }
0x11f: {  	v4 =	vmul.u32 $0x30, v4  }
0x120: {  	v3 =	vand.u32 $0x7, v3  }
0x121: {  	v3 =	vor.u32 v3, v4  }
0x122: {  	v4 =	vperm.xlane v3, v0;
	_ =	sdelay $0x1  }
0x123: {  	v4 =	vadd.s32 v1, v4;
	_ =	sdelay $0x3  }
0x124: {  	v3 =	vperm.xlane v3, v2  }
0x125: {  	[tilespmem:s17], [sflag:$0x1] =	stream.indirect_vreg.gather [hbm4b:s3+s30], $0x80, v4, vm0, $0xb8;
	[tilespmem:$0x18200] =	vst v63  }
0x126: {  	s2 =	simm.s32 $0xA00;
	v3 =	vadd.s32 v1, v3  }
0x127: {  	[tilespmem:s2], [sflag:$0x1] =	stream.indirect_vreg.gather [hbm4b:s9+s30], $0x80, v4, vm0, $0xb8;
	[tilespmem:$0x18200] =	vst v63  }
0x128: {  	s2 =	simm.s32 $0x1200  }
0x129: {  	[tilespmem:s2], [sflag:$0x1] =	stream.indirect_vreg.gather [hbm4b:s10+s30], $0x80, v4, vm0, $0xb8;
	[tilespmem:$0x18200] =	vst v63  }
0x12a: {  	s2 =	simm.s32 $0x1A00  }
0x12b: {  	[tilespmem:s2], [sflag:$0x1] =	stream.indirect_vreg.gather [hbm4b:s3+s30], $0x80, v3, vm0, $0xb8;
	[tilespmem:$0x18200] =	vst v63  }
0x12c: {  	s2 =	simm.s32 $0x2200  }
0x12d: {  	[tilespmem:s2], [sflag:$0x1] =	stream.indirect_vreg.gather [hbm4b:s9+s30], $0x80, v3, vm0, $0xb8;
	[tilespmem:$0x18200] =	vst v63  }
0x12e: {  	s2 =	simm.s32 $0x2A00  }
0x12f: {  	[tilespmem:s2], [sflag:$0x1] =	stream.indirect_vreg.gather [hbm4b:s10+s30], $0x80, v3, vm0, $0xb8;
	[tilespmem:$0x18200] =	vst v63  }
0x130: {  	v3 =	vld [tilespmem:$0x10];
	_ =	sdelay $0x4  }
0x131: {  	v61 =	vshrl.u32 v3, $0x3  }
0x132: {  	v4 =	vmul.u32 $0x30, v61  }
0x133: {  	v3 =	vand.u32 $0x7, v3  }
0x134: {  	v3 =	vor.u32 v3, v4  }
0x135: {  	v4 =	vperm.xlane v3, v0;
	_ =	sdelay $0x1  }
0x136: {  	v4 =	vadd.s32 v1, v4;
	_ =	sdelay $0x3  }
0x137: {  	s2 =	simm.s32 $0x3200;
	v3 =	vperm.xlane v3, v2  }
0x138: {  	[tilespmem:s2], [sflag:$0x1] =	stream.indirect_vreg.gather [hbm4b:s3+s30], $0x80, v4, vm0, $0xb8;
	[tilespmem:$0x18200] =	vst v63  }
0x139: {  	v3 =	vadd.s32 v1, v3;
	s2 =	simm.s32 $0x3A00  }
0x13a: {  	[tilespmem:s2], [sflag:$0x1] =	stream.indirect_vreg.gather [hbm4b:s9+s30], $0x80, v4, vm0, $0xb8;
	[tilespmem:$0x18200] =	vst v63  }
0x13b: {  	s2 =	simm.s32 $0x4200  }
0x13c: {  	[tilespmem:s2], [sflag:$0x1] =	stream.indirect_vreg.gather [hbm4b:s10+s30], $0x80, v4, vm0, $0xb8;
	[tilespmem:$0x18200] =	vst v63  }
0x13d: {  	s2 =	simm.s32 $0x4A00  }
0x13e: {  	[tilespmem:s2], [sflag:$0x1] =	stream.indirect_vreg.gather [hbm4b:s3+s30], $0x80, v3, vm0, $0xb8;
	[tilespmem:$0x18200] =	vst v63  }
0x13f: {  	s2 =	simm.s32 $0x5200  }
0x140: {  	[tilespmem:s2], [sflag:$0x1] =	stream.indirect_vreg.gather [hbm4b:s9+s30], $0x80, v3, vm0, $0xb8;
	[tilespmem:$0x18200] =	vst v63  }
0x141: {  	s2 =	simm.s32 $0x5A00  }
0x142: {  	[tilespmem:s2], [sflag:$0x1] =	stream.indirect_vreg.gather [hbm4b:s10+s30], $0x80, v3, vm0, $0xb8;
	[tilespmem:$0x18200] =	vst v63  }
0x143: {  	v3 =	vld [tilespmem:$0x20];
	_ =	sdelay $0x4  }
0x144: {  	v62 =	vshrl.u32 v3, $0x3  }
0x145: {  	v4 =	vmul.u32 $0x30, v62  }
0x146: {  	v3 =	vand.u32 $0x7, v3  }
0x147: {  	v3 =	vor.u32 v3, v4  }
0x148: {  	v4 =	vperm.xlane v3, v0;
	_ =	sdelay $0x1  }
0x149: {  	v4 =	vadd.s32 v1, v4;
	_ =	sdelay $0x3  }
0x14a: {  	s2 =	simm.s32 $0x6200;
	v3 =	vperm.xlane v3, v2  }
0x14b: {  	[tilespmem:s2], [sflag:$0x1] =	stream.indirect_vreg.gather [hbm4b:s3+s30], $0x80, v4, vm0, $0xb8;
	[tilespmem:$0x18200] =	vst v63  }
0x14c: {  	v3 =	vadd.s32 v1, v3;
	s2 =	simm.s32 $0x6A00  }
0x14d: {  	[tilespmem:s2], [sflag:$0x1] =	stream.indirect_vreg.gather [hbm4b:s9+s30], $0x80, v4, vm0, $0xb8;
	[tilespmem:$0x18200] =	vst v63  }
0x14e: {  	s2 =	simm.s32 $0x7200  }
0x14f: {  	[tilespmem:s2], [sflag:$0x1] =	stream.indirect_vreg.gather [hbm4b:s10+s30], $0x80, v4, vm0, $0xb8;
	[tilespmem:$0x18200] =	vst v63  }
0x150: {  	s2 =	simm.s32 $0x7A00  }
0x151: {  	[tilespmem:s2], [sflag:$0x1] =	stream.indirect_vreg.gather [hbm4b:s3+s30], $0x80, v3, vm0, $0xb8;
	[tilespmem:$0x18200] =	vst v63  }
0x152: {  	s2 =	simm.s32 $0x8200  }
0x153: {  	[tilespmem:s2], [sflag:$0x1] =	stream.indirect_vreg.gather [hbm4b:s9+s30], $0x80, v3, vm0, $0xb8;
	[tilespmem:$0x18200] =	vst v63  }
0x154: {  	s2 =	simm.s32 $0x8A00  }
0x155: {  	[tilespmem:s2], [sflag:$0x1] =	stream.indirect_vreg.gather [hbm4b:s10+s30], $0x80, v3, vm0, $0xb8;
	[tilespmem:$0x18200] =	vst v63  }
0x156: {  	v3 =	vld [tilespmem:$0x30];
	_ =	sdelay $0x4  }
0x157: {  	v63 =	vshrl.u32 v3, $0x3  }
0x158: {  	v4 =	vmul.u32 $0x30, v63  }
0x159: {  	v3 =	vand.u32 $0x7, v3  }
0x15a: {  	v3 =	vor.u32 v3, v4  }
0x15b: {  	v4 =	vperm.xlane v3, v0;
	_ =	sdelay $0x1  }
0x15c: {  	v4 =	vadd.s32 v1, v4;
	_ =	sdelay $0x3  }
0x15d: {  	s2 =	simm.s32 $0x9200;
	v3 =	vperm.xlane v3, v2  }
0x15e: {  	[tilespmem:s2], [sflag:$0x1] =	stream.indirect_vreg.gather [hbm4b:s3+s30], $0x80, v4, vm0, $0xb8;
	[tilespmem:$0x18200] =	vst v63  }
0x15f: {  	v3 =	vadd.s32 v1, v3;
	s2 =	simm.s32 $0x9A00  }
0x160: {  	[tilespmem:s2], [sflag:$0x1] =	stream.indirect_vreg.gather [hbm4b:s9+s30], $0x80, v4, vm0, $0xb8;
	[tilespmem:$0x18200] =	vst v63  }
0x161: {  	s2 =	simm.s32 $0xA200  }
0x162: {  	[tilespmem:s2], [sflag:$0x1] =	stream.indirect_vreg.gather [hbm4b:s10+s30], $0x80, v4, vm0, $0xb8;
	[tilespmem:$0x18200] =	vst v63  }
0x163: {  	s2 =	simm.s32 $0xAA00  }
0x164: {  	[tilespmem:s2], [sflag:$0x1] =	stream.indirect_vreg.gather [hbm4b:s3+s30], $0x80, v3, vm0, $0xb8;
	[tilespmem:$0x18200] =	vst v63  }
.Ltmp6:
0x165: {  	_ = 	snop;
	(pc) =	sbr.rel .LBB2_6-.Ltmp6, $4  }
0x166: {  	s2 =	simm.s32 $0xB200  }
0x167: {  	[tilespmem:s2], [sflag:$0x1] =	stream.indirect_vreg.gather [hbm4b:s9+s30], $0x80, v3, vm0, $0xb8;
	[tilespmem:$0x18200] =	vst v63  }
0x168: {  	s31 =	simm.s32 $0x60;
	s2 =	simm.s32 $0xBA00  }
0x169: {  	[tilespmem:s2], [sflag:$0x1] =	stream.indirect_vreg.gather [hbm4b:s10+s30], $0x80, v3, vm0, $0xb8;
	[tilespmem:$0x18200] =	vst v63  }
.LBB2_8:
0x16a: {  	_ =	swait.ge [sflag:s29], $0xC000  }
0x16b: {  	s2 =	rddreg [dreg:$0x9]  }
0x16c: {  	s2 =	sadd.s32 s30, s2;
	s30 =	sadd.s32 $0x3000, s30  }
0x16d: {  	[sflag:s29] =	ssyncset.done $0x0;
	p0 =	sne.s32 s30, $0xC000  }
.Ltmp7:
0x16e: {  	[sflag:s29] =	ssyncadd.s32 $0xFFFF4000;
	(pc) =	sbr.rel @!p0 .LBB2_9-.Ltmp7, $4  }
0x16f: {  	[hbm4b:s2+s4] =	stream.linear.scatter [tilespmem:s23], [sflag:$0x3], $0xC000, $0x38;
	[tilespmem:$0x18200] =	vst v63  }
0x170: {  	_ =	swait.ge [sflag:s16], $0xC000  }
0x171: {  	[sflag:s16] =	ssyncset.done $0x0  }
0x172: {  	s31 =	sadd.s32 $0x80, s31;
	[sflag:s16] =	ssyncadd.s32 $0xFFFF4000  }
.LBB2_6:
0x173: {  	v3 =	vld [tilespmem:s31+$0xFFFFFFE0];
	_ =	sdelay $0x4  }
0x174: {  	v4 =	vshrl.u32 v3, $0x3  }
0x175: {  	v4 =	vmul.u32 $0x30, v4  }
0x176: {  	v3 =	vand.u32 $0x7, v3  }
0x177: {  	v3 =	vor.u32 v3, v4  }
0x178: {  	v4 =	vperm.xlane v3, v0;
	_ =	sdelay $0x1  }
0x179: {  	v4 =	vadd.s32 v1, v4;
	_ =	sdelay $0x3  }
0x17a: {  	v3 =	vperm.xlane v3, v2  }
0x17b: {  	[tilespmem:s23], [sflag:$0x2] =	stream.indirect_vreg.gather [hbm4b:s3+s4], $0x80, v4, vm0, $0xb8;
	[tilespmem:$0x18200] =	vst v63  }
0x17c: {  	s2 =	simm.s32 $0xCA00;
	v3 =	vadd.s32 v1, v3  }
0x17d: {  	[tilespmem:s2], [sflag:$0x2] =	stream.indirect_vreg.gather [hbm4b:s9+s4], $0x80, v4, vm0, $0xb8;
	[tilespmem:$0x18200] =	vst v63  }
0x17e: {  	s2 =	simm.s32 $0xD200  }
0x17f: {  	[tilespmem:s2], [sflag:$0x2] =	stream.indirect_vreg.gather [hbm4b:s10+s4], $0x80, v4, vm0, $0xb8;
	[tilespmem:$0x18200] =	vst v63  }
0x180: {  	s2 =	simm.s32 $0xDA00  }
0x181: {  	[tilespmem:s2], [sflag:$0x2] =	stream.indirect_vreg.gather [hbm4b:s3+s4], $0x80, v3, vm0, $0xb8;
	[tilespmem:$0x18200] =	vst v63  }
0x182: {  	s2 =	simm.s32 $0xE200  }
0x183: {  	[tilespmem:s2], [sflag:$0x2] =	stream.indirect_vreg.gather [hbm4b:s9+s4], $0x80, v3, vm0, $0xb8;
	[tilespmem:$0x18200] =	vst v63  }
0x184: {  	s2 =	simm.s32 $0xEA00  }
0x185: {  	[tilespmem:s2], [sflag:$0x2] =	stream.indirect_vreg.gather [hbm4b:s10+s4], $0x80, v3, vm0, $0xb8;
	[tilespmem:$0x18200] =	vst v63  }
0x186: {  	v3 =	vld [tilespmem:s31+$0xFFFFFFF0];
	_ =	sdelay $0x4  }
0x187: {  	v61 =	vshrl.u32 v3, $0x3  }
0x188: {  	v4 =	vmul.u32 $0x30, v61  }
0x189: {  	v3 =	vand.u32 $0x7, v3  }
0x18a: {  	v3 =	vor.u32 v3, v4  }
0x18b: {  	v4 =	vperm.xlane v3, v0;
	_ =	sdelay $0x1  }
0x18c: {  	v4 =	vadd.s32 v1, v4;
	_ =	sdelay $0x3  }
0x18d: {  	s2 =	simm.s32 $0xF200;
	v3 =	vperm.xlane v3, v2  }
0x18e: {  	[tilespmem:s2], [sflag:$0x2] =	stream.indirect_vreg.gather [hbm4b:s3+s4], $0x80, v4, vm0, $0xb8;
	[tilespmem:$0x18200] =	vst v63  }
0x18f: {  	v3 =	vadd.s32 v1, v3;
	s2 =	simm.s32 $0xFA00  }
0x190: {  	[tilespmem:s2], [sflag:$0x2] =	stream.indirect_vreg.gather [hbm4b:s9+s4], $0x80, v4, vm0, $0xb8;
	[tilespmem:$0x18200] =	vst v63  }
0x191: {  	s2 =	simm.s32 $0x10200  }
0x192: {  	[tilespmem:s2], [sflag:$0x2] =	stream.indirect_vreg.gather [hbm4b:s10+s4], $0x80, v4, vm0, $0xb8;
	[tilespmem:$0x18200] =	vst v63  }
0x193: {  	_ = 	snop  }
0x194: {  	[tilespmem:s0], [sflag:$0x2] =	stream.indirect_vreg.gather [hbm4b:s3+s4], $0x80, v3, vm0, $0xb8;
	[tilespmem:$0x18200] =	vst v63  }
0x195: {  	_ = 	snop  }
0x196: {  	[tilespmem:s5], [sflag:$0x2] =	stream.indirect_vreg.gather [hbm4b:s9+s4], $0x80, v3, vm0, $0xb8;
	[tilespmem:$0x18200] =	vst v63  }
0x197: {  	_ = 	snop  }
0x198: {  	[tilespmem:s8], [sflag:$0x2] =	stream.indirect_vreg.gather [hbm4b:s10+s4], $0x80, v3, vm0, $0xb8;
	[tilespmem:$0x18200] =	vst v63  }
0x199: {  	v3 =	vld [tilespmem:s31+$0x0];
	_ =	sdelay $0x4  }
0x19a: {  	v62 =	vshrl.u32 v3, $0x3  }
0x19b: {  	v4 =	vmul.u32 $0x30, v62  }
0x19c: {  	v3 =	vand.u32 $0x7, v3  }
0x19d: {  	v3 =	vor.u32 v3, v4  }
0x19e: {  	v4 =	vperm.xlane v3, v0;
	_ =	sdelay $0x1  }
0x19f: {  	v4 =	vadd.s32 v1, v4;
	_ =	sdelay $0x3  }
0x1a0: {  	v3 =	vperm.xlane v3, v2  }
0x1a1: {  	[tilespmem:s11], [sflag:$0x2] =	stream.indirect_vreg.gather [hbm4b:s3+s4], $0x80, v4, vm0, $0xb8;
	[tilespmem:$0x18200] =	vst v63  }
0x1a2: {  	v3 =	vadd.s32 v1, v3  }
0x1a3: {  	[tilespmem:s18], [sflag:$0x2] =	stream.indirect_vreg.gather [hbm4b:s9+s4], $0x80, v4, vm0, $0xb8;
	[tilespmem:$0x18200] =	vst v63  }
0x1a4: {  	_ = 	snop  }
0x1a5: {  	[tilespmem:s19], [sflag:$0x2] =	stream.indirect_vreg.gather [hbm4b:s10+s4], $0x80, v4, vm0, $0xb8;
	[tilespmem:$0x18200] =	vst v63  }
0x1a6: {  	_ = 	snop  }
0x1a7: {  	[tilespmem:s20], [sflag:$0x2] =	stream.indirect_vreg.gather [hbm4b:s3+s4], $0x80, v3, vm0, $0xb8;
	[tilespmem:$0x18200] =	vst v63  }
0x1a8: {  	_ = 	snop  }
0x1a9: {  	[tilespmem:s21], [sflag:$0x2] =	stream.indirect_vreg.gather [hbm4b:s9+s4], $0x80, v3, vm0, $0xb8;
	[tilespmem:$0x18200] =	vst v63  }
0x1aa: {  	_ = 	snop  }
0x1ab: {  	[tilespmem:s22], [sflag:$0x2] =	stream.indirect_vreg.gather [hbm4b:s10+s4], $0x80, v3, vm0, $0xb8;
	[tilespmem:$0x18200] =	vst v63  }
0x1ac: {  	v3 =	vld [tilespmem:s31+$0x10];
	_ =	sdelay $0x4  }
0x1ad: {  	v63 =	vshrl.u32 v3, $0x3  }
0x1ae: {  	v4 =	vmul.u32 $0x30, v63  }
0x1af: {  	v3 =	vand.u32 $0x7, v3  }
0x1b0: {  	v3 =	vor.u32 v3, v4  }
0x1b1: {  	v4 =	vperm.xlane v3, v0;
	_ =	sdelay $0x1  }
0x1b2: {  	v4 =	vadd.s32 v1, v4;
	_ =	sdelay $0x3  }
0x1b3: {  	v3 =	vperm.xlane v3, v2  }
0x1b4: {  	[tilespmem:s12], [sflag:$0x2] =	stream.indirect_vreg.gather [hbm4b:s3+s4], $0x80, v4, vm0, $0xb8;
	[tilespmem:$0x18200] =	vst v63  }
0x1b5: {  	v3 =	vadd.s32 v1, v3  }
0x1b6: {  	[tilespmem:s13], [sflag:$0x2] =	stream.indirect_vreg.gather [hbm4b:s9+s4], $0x80, v4, vm0, $0xb8;
	[tilespmem:$0x18200] =	vst v63  }
0x1b7: {  	_ = 	snop  }
0x1b8: {  	[tilespmem:s14], [sflag:$0x2] =	stream.indirect_vreg.gather [hbm4b:s10+s4], $0x80, v4, vm0, $0xb8;
	[tilespmem:$0x18200] =	vst v63  }
0x1b9: {  	_ = 	snop  }
0x1ba: {  	[tilespmem:s15], [sflag:$0x2] =	stream.indirect_vreg.gather [hbm4b:s3+s4], $0x80, v3, vm0, $0xb8;
	[tilespmem:$0x18200] =	vst v63  }
0x1bb: {  	_ = 	snop  }
0x1bc: {  	[tilespmem:s24], [sflag:$0x2] =	stream.indirect_vreg.gather [hbm4b:s9+s4], $0x80, v3, vm0, $0xb8;
	[tilespmem:$0x18200] =	vst v63  }
0x1bd: {  	_ = 	snop  }
0x1be: {  	[tilespmem:s25], [sflag:$0x2] =	stream.indirect_vreg.gather [hbm4b:s10+s4], $0x80, v3, vm0, $0xb8;
	[tilespmem:$0x18200] =	vst v63  }
0x1bf: {  	_ =	swait.ge [sflag:s26], $0xC000  }
0x1c0: {  	p0 =	seq.s32 s30, $0x9000;
	[sflag:s26] =	ssyncset.done $0x0;
	s2 =	rddreg [dreg:$0xa]  }
.Ltmp8:
0x1c1: {  	[sflag:s26] =	ssyncadd.s32 $0xFFFF4000;
	s2 =	sadd.s32 s30, s2;
	(pc) =	sbr.rel @p0 .LBB2_8-.Ltmp8, $4  }
0x1c2: {  	[hbm4b:s2+s4] =	stream.linear.scatter [tilespmem:s17], [sflag:$0x4], $0xC000, $0x38;
	[tilespmem:$0x18200] =	vst v63  }
0x1c3: {  	_ =	swait.ge [sflag:s28], $0xC000  }
0x1c4: {  	[sflag:s28] =	ssyncset.done $0x0  }
0x1c5: {  	[sflag:s28] =	ssyncadd.s32 $0xFFFF4000  }
0x1c6: {  	v3 =	vld [tilespmem:s31+$0x20];
	_ =	sdelay $0x4  }
0x1c7: {  	v4 =	vshrl.u32 v3, $0x3  }
0x1c8: {  	v4 =	vmul.u32 $0x30, v4  }
0x1c9: {  	v3 =	vand.u32 $0x7, v3  }
0x1ca: {  	v3 =	vor.u32 v3, v4  }
0x1cb: {  	v4 =	vperm.xlane v3, v0;
	_ =	sdelay $0x1  }
0x1cc: {  	v4 =	vadd.s32 v1, v4;
	_ =	sdelay $0x3  }
0x1cd: {  	v3 =	vperm.xlane v3, v2  }
0x1ce: {  	[tilespmem:s17], [sflag:$0x1] =	stream.indirect_vreg.gather [hbm4b:s3+s4], $0x80, v4, vm0, $0xb8;
	[tilespmem:$0x18200] =	vst v63  }
0x1cf: {  	s2 =	simm.s32 $0xA00;
	v3 =	vadd.s32 v1, v3  }
0x1d0: {  	[tilespmem:s2], [sflag:$0x1] =	stream.indirect_vreg.gather [hbm4b:s9+s4], $0x80, v4, vm0, $0xb8;
	[tilespmem:$0x18200] =	vst v63  }
0x1d1: {  	s2 =	simm.s32 $0x1200  }
0x1d2: {  	[tilespmem:s2], [sflag:$0x1] =	stream.indirect_vreg.gather [hbm4b:s10+s4], $0x80, v4, vm0, $0xb8;
	[tilespmem:$0x18200] =	vst v63  }
0x1d3: {  	s2 =	simm.s32 $0x1A00  }
0x1d4: {  	[tilespmem:s2], [sflag:$0x1] =	stream.indirect_vreg.gather [hbm4b:s3+s4], $0x80, v3, vm0, $0xb8;
	[tilespmem:$0x18200] =	vst v63  }
0x1d5: {  	s2 =	simm.s32 $0x2200  }
0x1d6: {  	[tilespmem:s2], [sflag:$0x1] =	stream.indirect_vreg.gather [hbm4b:s9+s4], $0x80, v3, vm0, $0xb8;
	[tilespmem:$0x18200] =	vst v63  }
0x1d7: {  	s2 =	simm.s32 $0x2A00  }
0x1d8: {  	[tilespmem:s2], [sflag:$0x1] =	stream.indirect_vreg.gather [hbm4b:s10+s4], $0x80, v3, vm0, $0xb8;
	[tilespmem:$0x18200] =	vst v63  }
0x1d9: {  	v3 =	vld [tilespmem:s31+$0x30];
	_ =	sdelay $0x4  }
0x1da: {  	v61 =	vshrl.u32 v3, $0x3  }
0x1db: {  	v4 =	vmul.u32 $0x30, v61  }
0x1dc: {  	v3 =	vand.u32 $0x7, v3  }
0x1dd: {  	v3 =	vor.u32 v3, v4  }
0x1de: {  	v4 =	vperm.xlane v3, v0;
	_ =	sdelay $0x1  }
0x1df: {  	v4 =	vadd.s32 v1, v4;
	_ =	sdelay $0x3  }
0x1e0: {  	s2 =	simm.s32 $0x3200;
	v3 =	vperm.xlane v3, v2  }
0x1e1: {  	[tilespmem:s2], [sflag:$0x1] =	stream.indirect_vreg.gather [hbm4b:s3+s4], $0x80, v4, vm0, $0xb8;
	[tilespmem:$0x18200] =	vst v63  }
0x1e2: {  	v3 =	vadd.s32 v1, v3;
	s2 =	simm.s32 $0x3A00  }
0x1e3: {  	[tilespmem:s2], [sflag:$0x1] =	stream.indirect_vreg.gather [hbm4b:s9+s4], $0x80, v4, vm0, $0xb8;
	[tilespmem:$0x18200] =	vst v63  }
0x1e4: {  	s2 =	simm.s32 $0x4200  }
0x1e5: {  	[tilespmem:s2], [sflag:$0x1] =	stream.indirect_vreg.gather [hbm4b:s10+s4], $0x80, v4, vm0, $0xb8;
	[tilespmem:$0x18200] =	vst v63  }
0x1e6: {  	s2 =	simm.s32 $0x4A00  }
0x1e7: {  	[tilespmem:s2], [sflag:$0x1] =	stream.indirect_vreg.gather [hbm4b:s3+s4], $0x80, v3, vm0, $0xb8;
	[tilespmem:$0x18200] =	vst v63  }
0x1e8: {  	s2 =	simm.s32 $0x5200  }
0x1e9: {  	[tilespmem:s2], [sflag:$0x1] =	stream.indirect_vreg.gather [hbm4b:s9+s4], $0x80, v3, vm0, $0xb8;
	[tilespmem:$0x18200] =	vst v63  }
0x1ea: {  	s2 =	simm.s32 $0x5A00  }
0x1eb: {  	[tilespmem:s2], [sflag:$0x1] =	stream.indirect_vreg.gather [hbm4b:s10+s4], $0x80, v3, vm0, $0xb8;
	[tilespmem:$0x18200] =	vst v63  }
0x1ec: {  	v3 =	vld [tilespmem:s31+$0x40];
	_ =	sdelay $0x4  }
0x1ed: {  	v62 =	vshrl.u32 v3, $0x3  }
0x1ee: {  	v4 =	vmul.u32 $0x30, v62  }
0x1ef: {  	v3 =	vand.u32 $0x7, v3  }
0x1f0: {  	v3 =	vor.u32 v3, v4  }
0x1f1: {  	v4 =	vperm.xlane v3, v0;
	_ =	sdelay $0x1  }
0x1f2: {  	v4 =	vadd.s32 v1, v4;
	_ =	sdelay $0x3  }
0x1f3: {  	s2 =	simm.s32 $0x6200;
	v3 =	vperm.xlane v3, v2  }
0x1f4: {  	[tilespmem:s2], [sflag:$0x1] =	stream.indirect_vreg.gather [hbm4b:s3+s4], $0x80, v4, vm0, $0xb8;
	[tilespmem:$0x18200] =	vst v63  }
0x1f5: {  	v3 =	vadd.s32 v1, v3;
	s2 =	simm.s32 $0x6A00  }
0x1f6: {  	[tilespmem:s2], [sflag:$0x1] =	stream.indirect_vreg.gather [hbm4b:s9+s4], $0x80, v4, vm0, $0xb8;
	[tilespmem:$0x18200] =	vst v63  }
0x1f7: {  	s2 =	simm.s32 $0x7200  }
0x1f8: {  	[tilespmem:s2], [sflag:$0x1] =	stream.indirect_vreg.gather [hbm4b:s10+s4], $0x80, v4, vm0, $0xb8;
	[tilespmem:$0x18200] =	vst v63  }
0x1f9: {  	s2 =	simm.s32 $0x7A00  }
0x1fa: {  	[tilespmem:s2], [sflag:$0x1] =	stream.indirect_vreg.gather [hbm4b:s3+s4], $0x80, v3, vm0, $0xb8;
	[tilespmem:$0x18200] =	vst v63  }
0x1fb: {  	s2 =	simm.s32 $0x8200  }
0x1fc: {  	[tilespmem:s2], [sflag:$0x1] =	stream.indirect_vreg.gather [hbm4b:s9+s4], $0x80, v3, vm0, $0xb8;
	[tilespmem:$0x18200] =	vst v63  }
0x1fd: {  	s2 =	simm.s32 $0x8A00  }
0x1fe: {  	[tilespmem:s2], [sflag:$0x1] =	stream.indirect_vreg.gather [hbm4b:s10+s4], $0x80, v3, vm0, $0xb8;
	[tilespmem:$0x18200] =	vst v63  }
0x1ff: {  	v3 =	vld [tilespmem:s31+$0x50];
	_ =	sdelay $0x4  }
0x200: {  	v63 =	vshrl.u32 v3, $0x3  }
0x201: {  	v4 =	vmul.u32 $0x30, v63  }
0x202: {  	v3 =	vand.u32 $0x7, v3  }
0x203: {  	v3 =	vor.u32 v3, v4  }
0x204: {  	v4 =	vperm.xlane v3, v0;
	_ =	sdelay $0x1  }
0x205: {  	v4 =	vadd.s32 v1, v4;
	_ =	sdelay $0x3  }
0x206: {  	s2 =	simm.s32 $0x9200;
	v3 =	vperm.xlane v3, v2  }
0x207: {  	[tilespmem:s2], [sflag:$0x1] =	stream.indirect_vreg.gather [hbm4b:s3+s4], $0x80, v4, vm0, $0xb8;
	[tilespmem:$0x18200] =	vst v63  }
0x208: {  	v3 =	vadd.s32 v1, v3;
	s2 =	simm.s32 $0x9A00  }
0x209: {  	[tilespmem:s2], [sflag:$0x1] =	stream.indirect_vreg.gather [hbm4b:s9+s4], $0x80, v4, vm0, $0xb8;
	[tilespmem:$0x18200] =	vst v63  }
0x20a: {  	s2 =	simm.s32 $0xA200  }
0x20b: {  	[tilespmem:s2], [sflag:$0x1] =	stream.indirect_vreg.gather [hbm4b:s10+s4], $0x80, v4, vm0, $0xb8;
	[tilespmem:$0x18200] =	vst v63  }
0x20c: {  	s2 =	simm.s32 $0xAA00  }
0x20d: {  	[tilespmem:s2], [sflag:$0x1] =	stream.indirect_vreg.gather [hbm4b:s3+s4], $0x80, v3, vm0, $0xb8;
	[tilespmem:$0x18200] =	vst v63  }
.Ltmp9:
0x20e: {  	_ = 	snop;
	(pc) =	sbr.rel .LBB2_8-.Ltmp9, $4  }
0x20f: {  	s2 =	simm.s32 $0xB200  }
0x210: {  	[tilespmem:s2], [sflag:$0x1] =	stream.indirect_vreg.gather [hbm4b:s9+s4], $0x80, v3, vm0, $0xb8;
	[tilespmem:$0x18200] =	vst v63  }
0x211: {  	s2 =	simm.s32 $0xBA00  }
0x212: {  	[tilespmem:s2], [sflag:$0x1] =	stream.indirect_vreg.gather [hbm4b:s10+s4], $0x80, v3, vm0, $0xb8;
	[tilespmem:$0x18200] =	vst v63  }
.LBB2_10:
0x213: {  	_ =	sfence.sel $0x180000  }
0x214: {  	[bflag:$0x0] =	sbarrier.arrive $0xFFFF  }
0x215: {  	_ =	strace $0x9000004D  }
0x216: {  	s0 =	stileid.u32;
	[bflag:$0x2] =	sbarrier.arrive $0xFFFF  }
0x217: {  	p0 =	sne.s32 s0, $0x0;
	s0 =	rddreg [dreg:$0x3]  }
0x218: {  	s0 =	sadd.s32 @!p0 $0x100000, s0  }
0x219: {  	[sflag:s0] =	ssyncadd.tile.s32 @!p0 $0x1;
	_ =	shalt  }
.Lfunc_end2:
_tile_overlayer_lowered:
.L_overlay_start_2:
0x21a: {  	(tag) =	ssettag $0x2  }
0x21b: {  	s0 =	rddreg [dreg:$0x0];
	s2 =	stileid.u32  }
0x21c: {  	s1 =	rddreg [dreg:$0x1];
	p0 =	sne.s32 s2, $0x0  }
0x21d: {  	s3 =	rddreg [dreg:$0x2];
	[bflag:$0x3] =	sbarrier.arrive $0xFFFF;
	s2 =	simm.s32 @!p0 $0x1C03  }
0x21e: {  	[timem:s3], [sflag:s2] =	dma.local @!p0 [hbm:s0], s1  }
0x21f: {  	s0 =	simm.s32 @!p0 $0x3  }
0x220: {  	_ =	swait.ge @!p0 [sflag:s0], s1  }
0x221: {  	s1 =	ssub.s32 @!p0 $0x0, s1;
	[sflag:s0] =	ssyncset.done @!p0 $0x0  }
0x222: {  	[sflag:s0] =	ssyncadd.s32 @!p0 s1  }
0x223: {  	[bflag:$0x3] =	sbarrier.arrive $0xFFFF  }
0x224: {  	_ =	shalt  }

// kernel: kernel.21.cloned.1.call-start
scs
__scs_entry_jumppad:
0x0: {  	(pc) =	sbr.rel $0x88, $3  }
0x1: {  	(tag) =	ssettag $0x0;
	lr =	simm.s32 $0x1  }
0x2: {  	[smem:$0x3F8F] =	sst lr;
	_ =	strace $0xD0000000  }
0x3: {  	_ = 	snop  }
0x4: {  	_ = 	snop  }
0x5: {  	_ = 	snop  }
0x6: {  	_ = 	snop  }
0x7: {  	_ = 	snop  }
__scs_overlays_trampoline_lowered:
0x8: {  	[smem:$0x3F9E] =	sst s0  }
0x9: {  	[smem:$0x3F9F] =	sst s1  }
0xa: {  	[smem:$0x3FA0] =	sst s2  }
0xb: {  	[smem:$0x3FA1] =	sst s3  }
0xc: {  	[smem:$0x3FA2] =	sst s4  }
0xd: {  	[smem:$0x3FA3] =	sst s5  }
0xe: {  	[smem:$0x3FA4] =	sst s6  }
0xf: {  	[smem:$0x3FA5] =	sst s7  }
0x10: {  	[smem:$0x3FA6] =	sst s8  }
0x11: {  	[smem:$0x3FA7] =	sst s9;
	s0 =	simm.s32 @!p0 $0x0  }
0x12: {  	s1 =	sld [smem:$0x3F8D];
	s0 =	simm.s32 @p0 $0x1  }
0x13: {  	[smem:$0x3FA8] =	sst s0;
	s0 =	simm.s32 @!p1 $0x0  }
0x14: {  	s2 =	sld [smem:$0x3F8C];
	s0 =	simm.s32 @p1 $0x1  }
0x15: {  	[smem:$0x3FA9] =	sst s0;
	s0 =	simm.s32 @!p2 $0x0  }
0x16: {  	s3 =	sld [smem:$0x3FDB];
	s0 =	simm.s32 @p2 $0x1  }
0x17: {  	s4 =	simm.s32 $0x1BF5;
	[smem:$0x3FAB] =	sst s0  }
0x18: {  	s0 =	sld [smem:$0x3F8E];
	_ =	swait.ge [sflag:s4], $0x0  }
0x19: {  	s7 =	sld [smem:$0x3F8F]  }
0x1a: {  	s8 =	sadd.s32 $0xFFFFE003, lr  }
0x1b: {  	s9 =	sadd.s32 $0xFFFFFEF7, lr;
	s5 =	simm.s32 $0xFFFFFFFF;
	p2 =	slt.u32 s8, $0xFFFFF086  }
0x1c: {  	p1 =	slt.u32 s9, $0xF7A;
	s5 =	simm.s32 @!p2 $0x0  }
0x1d: {  	s5 =	simm.s32 @p1 $0x1;
	p0 =	seq.s32 s7, s2  }
0x1e: {  	s7 =	smul.u32 @!p0 $0xF7A, s2;
	p2 =	seq.s32 @!p0 s5, $0x0  }
0x1f: {  	s9 =	smul.u32 $0xF7A, s1;
	s8 =	simm.s32 @!p0 $0x1BF5;
	p2 =	por !p2, p0  }
0x20: {  	[sflag:s8] =	ssyncset.s32 @!p0 $0xFFFFF086;
	s6 =	sadd.s32 @!p0 s3, s7;
	s7 =	simm.s32 @!p0 $0x108  }
0x21: {  	s3 =	sadd.s32 s3, s9;
	s6 =	sadd.s32 @!p0 $0x88, s6;
	s7 =	simm.s32 @p2 $0x1082  }
0x22: {  	[simem:s7], [sflag:s8] =	dma.local @!p0 [hbm:s6], $0xF7A  }
0x23: {  	s9 =	sor.u32 $0xD0000000, s2;
	s6 =	simm.s32 $0x108;
	_ =	swait.ge @!p0 [sflag:s8], $0x0  }
0x24: {  	s3 =	sadd.s32 $0x88, s3;
	s6 =	simm.s32 @!p1 $0x1082;
	[sflag:s4] =	ssyncset.s32 $0xFFFFF086  }
0x25: {  	[simem:s6], [sflag:s4] =	dma.local [hbm:s3], $0xF7A  }
0x26: {  	[smem:$0x3F8F] =	sst s1;
	(tag) =	ssettag s2;
	_ =	strace s9  }
0x27: {  	s1 =	sld [smem:$0x3F9F]  }
0x28: {  	s2 =	sld [smem:$0x3FA0]  }
0x29: {  	s4 =	sld [smem:$0x3FA2]  }
0x2a: {  	p0 =	seq.s32 s5, $0x0;
	s5 =	sld [smem:$0x3FA3]  }
0x2b: {  	s6 =	sld [smem:$0x3FA4]  }
0x2c: {  	s7 =	sld [smem:$0x3FA5]  }
0x2d: {  	s3 =	simm.s32 $0x108;
	s8 =	sld [smem:$0x3FA6]  }
0x2e: {  	s3 =	simm.s32 @!p0 $0x1082;
	s9 =	sld [smem:$0x3FA7]  }
0x2f: {  	lr =	sadd.s32 s0, s3;
	s0 =	sld [smem:$0x3F9E]  }
0x30: {  	s3 =	sld [smem:$0x3FA1]  }
0x31: {  	[smem:$0x3FAA] =	sst s10  }
0x32: {  	s10 =	sld [smem:$0x3FA8];
	_ =	sdelay $0x3  }
0x33: {  	p0 =	seq.s32 s10, $0x1;
	s10 =	sld [smem:$0x3FAA];
	_ =	sdelay $0x3  }
0x34: {  	[smem:$0x3FAA] =	sst s10  }
0x35: {  	s10 =	sld [smem:$0x3FA9];
	_ =	sdelay $0x3  }
0x36: {  	p1 =	seq.s32 s10, $0x1;
	s10 =	sld [smem:$0x3FAA];
	_ =	sdelay $0x3  }
0x37: {  	[smem:$0x3FAA] =	sst s10  }
0x38: {  	s10 =	sld [smem:$0x3FAB]  }
0x39: {  	_ = 	snop;
	(pc) =	sbr.ind lr, $3  }
0x3a: {  	_ = 	snop  }
0x3b: {  	_ = 	snop  }
0x3c: {  	p2 =	seq.s32 s10, $0x1;
	s10 =	sld [smem:$0x3FAA]  }
0x3d: {  	_ =	shalt  }
0x3e: {  	_ =	shalt  }
0x3f: {  	_ =	shalt  }
0x40: {  	_ =	shalt  }
0x41: {  	_ =	shalt  }
0x42: {  	_ =	shalt  }
0x43: {  	_ =	shalt  }
0x44: {  	_ =	shalt  }
0x45: {  	_ =	shalt  }
0x46: {  	_ =	shalt  }
0x47: {  	_ =	shalt  }
0x48: {  	_ =	shalt  }
0x49: {  	_ =	shalt  }
0x4a: {  	_ =	shalt  }
0x4b: {  	_ =	shalt  }
0x4c: {  	_ =	shalt  }
0x4d: {  	_ =	shalt  }
0x4e: {  	_ =	shalt  }
0x4f: {  	_ =	shalt  }
0x50: {  	_ =	shalt  }
0x51: {  	_ =	shalt  }
0x52: {  	_ =	shalt  }
0x53: {  	_ =	shalt  }
0x54: {  	_ =	shalt  }
0x55: {  	_ =	shalt  }
0x56: {  	_ =	shalt  }
0x57: {  	_ =	shalt  }
0x58: {  	_ =	shalt  }
0x59: {  	_ =	shalt  }
0x5a: {  	_ =	shalt  }
0x5b: {  	_ =	shalt  }
0x5c: {  	_ =	shalt  }
0x5d: {  	_ =	shalt  }
0x5e: {  	_ =	shalt  }
0x5f: {  	_ =	shalt  }
0x60: {  	_ =	shalt  }
0x61: {  	_ =	shalt  }
0x62: {  	_ =	shalt  }
0x63: {  	_ =	shalt  }
0x64: {  	_ =	shalt  }
0x65: {  	_ =	shalt  }
0x66: {  	_ =	shalt  }
0x67: {  	_ =	shalt  }
0x68: {  	_ =	shalt  }
0x69: {  	_ =	shalt  }
0x6a: {  	_ =	shalt  }
0x6b: {  	_ =	shalt  }
0x6c: {  	_ =	shalt  }
0x6d: {  	_ =	shalt  }
0x6e: {  	_ =	shalt  }
0x6f: {  	_ =	shalt  }
0x70: {  	_ =	shalt  }
0x71: {  	_ =	shalt  }
0x72: {  	_ =	shalt  }
0x73: {  	_ =	shalt  }
0x74: {  	_ =	shalt  }
0x75: {  	_ =	shalt  }
0x76: {  	_ =	shalt  }
0x77: {  	_ =	shalt  }
0x78: {  	_ =	shalt  }
0x79: {  	_ =	shalt  }
0x7a: {  	_ =	shalt  }
0x7b: {  	_ =	shalt  }
0x7c: {  	_ =	shalt  }
0x7d: {  	_ =	shalt  }
0x7e: {  	_ =	shalt  }
0x7f: {  	_ =	shalt  }
0x80: {  	_ =	shalt  }
0x81: {  	_ =	shalt  }
0x82: {  	_ =	shalt  }
0x83: {  	_ =	shalt  }
0x84: {  	_ =	shalt  }
0x85: {  	_ =	shalt  }
0x86: {  	_ =	shalt  }
0x87: {  	_ =	shalt  }
.Lfunc_end0:
.L_simem_size_0:
called_computation.3_lowered:
.L_overlay_start_0:
0x88: {  	s2 =	sld [smem:$0x3FD9]  }
0x89: {  	s3 =	sld [smem:$0x3FFE];
	_ =	sdelay $0x1  }
0x8a: {  	s1 =	srdreg.scid  }
0x8b: {  	s0 =	sand.u32 $0x1, s1  }
0x8c: {  	s17 =	sshll.u32 s0, $0xA;
	s2 =	sadd.s32 s3, s2  }
0x8d: {  	s2 =	sadd.s32 s2, s17  }
0x8e: {  	[smem:$0x3FB6] =	sst s2  }
0x8f: {  	_ = 	snop  }
0x90: {  	s4 =	sld [smem:$0x3FC4]  }
0x91: {  	s18 =	sld [smem:$0x3FC1];
	(tm) =	ssettm $0x1  }
0x92: {  	s19 =	sld [smem:$0x3FFB];
	_ =	sdelay $0x3  }
0x93: {  	_ =	strace s19  }
0x94: {  	s2 =	sld [smem:$0x3FFC];
	_ =	sdelay $0x3  }
0x95: {  	_ =	strace s2  }
0x96: {  	s2 =	sld [smem:$0x3FFD];
	_ =	sdelay $0x3  }
0x97: {  	_ =	strace s2  }
0x98: {  	_ =	strace $0x8FFFFFFF  }
0x99: {  	s20 =	sld [smem:$0x3FDB];
	_ =	sdelay $0x1  }
0x9a: {  	s5 =	simm.s32 $_scs_section_size  }
0x9b: {  	s6 =	simm.s32 $_size__tile_overlayer_lowered;
	s7 =	simm.s32 $_tile_overlayer_lowered  }
0x9c: {  	s8 =	simm.s32 $0x1BFF;
	s21 =	sshll.u32 s7, $0x1;
	s5 =	sadd.s32 s5, s20  }
0x9d: {  	s22 =	simm.s32 $0x0;
	s6 =	sshll.u32 s6, $0x1;
	s7 =	sadd.s32 s21, s5  }
0x9e: {  	[timem:s22], [sflag:s8] =	dma.local [hbm:s7], s6  }
0x9f: {  	_ =	swait.ge [sflag:s8], s6  }
0xa0: {  	s6 =	ssub.s32 $0x0, s6;
	[sflag:s8] =	ssyncset.done $0x0  }
0xa1: {  	[sflag:s8] =	ssyncadd.s32 s6;
	_ =	sdelay $0x1  }
0xa2: {  	s23 =	simm.s32 $0x1B8B  }
0xa3: {  	_ =	swait.ge [sflag:s23], $0x1  }
0xa4: {  	[sflag:s23] =	ssyncset.done $0x0  }
0xa5: {  	[sflag:s23] =	ssyncadd.s32 $0xFFFFFFFF  }
0xa6: {  	s6 =	sld [smem:$0x0]  }
0xa7: {  	s7 =	sand.u32 $0xFFFFFFFE, s1  }
0xa8: {  	p0 =	sne.s32 s1, s7  }
0xa9: {  	s7 =	sshll.u32 @p0 s7, $0xE  }
0xaa: {  	s7 =	sadd.s32 @p0 $0x11B8D, s7;
	s8 =	sshll.u32 @p0 s6, $0x11  }
0xab: {  	s7 =	sor.u32 @p0 s8, s7  }
0xac: {  	[sflag:s7] =	ssyncadd.remote.s32 @p0 $0x1;
	_ =	sdelay $0x1  }
0xad: {  	s7 =	simm.s32 @p0 $0x1B8D  }
0xae: {  	_ =	swait.eq @p0 [sflag:s7], $0x1  }
0xaf: {  	[sflag:s7] =	ssyncadd.s32 @p0 $0xFFFFFFFF  }
0xb0: {  	s8 =	sshll.u32 @!p0 s1, $0xE  }
0xb1: {  	s8 =	sor.u32 @!p0 $0x4000, s8;
	s7 =	simm.s32 @!p0 $0x1B8D  }
0xb2: {  	s6 =	sshll.u32 @!p0 s6, $0x11;
	s8 =	sadd.s32 @!p0 $0x11B8D, s8;
	_ =	swait.eq @!p0 [sflag:s7], $0x1  }
0xb3: {  	s6 =	sor.u32 @!p0 s6, s8;
	[sflag:s7] =	ssyncadd.s32 @!p0 $0xFFFFFFFF  }
0xb4: {  	s25 =	simm.s32 $0x1B8E;
	s24 =	sld [smem:$0x3FFE];
	[sflag:s6] =	ssyncadd.remote.s32 @!p0 $0x1  }
0xb5: {  	s26 =	simm.s32 $execute0_lowered;
	[smem:$0x3FD2] =	sst s25  }
0xb6: {  	s7 =	sshll.u32 s26, $0x1;
	_ =	strace $0x8000004F;
	[dreg:$0x1] =	wrdreg $0xFFFFFFFF  }
0xb7: {  	s28 =	simm.s32 $_size_execute0_lowered;
	s5 =	sadd.s32 s5, s7;
	[dreg:$0x0] =	wrdreg $0x0  }
0xb8: {  	s7 =	sshll.u32 s28, $0x1;
	[dreg:$0x2] =	wrdreg s5  }
0xb9: {  	[dreg:$0x3] =	wrdreg s7  }
0xba: {  	[dreg:$0x4] =	wrdreg $0xC0  }
0xbb: {  	_ =	task [dreg:s22], $0x5FFFF  }
0xbc: {  	[dreg:$0x1] =	wrdreg $0xFFFFFFFF  }
0xbd: {  	[dreg:$0x0] =	wrdreg $0x60  }
0xbe: {  	[dreg:$0x2] =	wrdreg s4  }
0xbf: {  	[dreg:$0x3] =	wrdreg s24  }
0xc0: {  	[dreg:$0x4] =	wrdreg s18  }
0xc1: {  	[dreg:$0x5] =	wrdreg $0xC  }
0xc2: {  	_ =	task.clear_ibuf [dreg:s22], $0x6FFFF;
	_ =	strace $0x9000004F  }
0xc3: {  	s29 =	simm.s32 $0xC;
	_ =	strace $0x80000051  }
0xc4: {  	_ =	swait.ge [sflag:s29], $0x1  }
0xc5: {  	[sflag:s29] =	ssyncadd.s32 $0xFFFFFFFF  }
0xc6: {  	_ =	strace $0x90000051  }
0xc7: {  	_ =	sfence  }
0xc8: {  	s30 =	sld [smem:$0x0];
	_ =	sdelay $0x2  }
0xc9: {  	s31 =	sshll.u32 s1, $0xD;
	s1 =	sshrl.u32 s1, $0x2  }
0xca: {  	s4 =	sand.u32 $0x4000, s31;
	s1 =	sadd.s32 s1, s30  }
0xcb: {  	s0 =	sor.u32 s4, s0;
	s1 =	sshll.u32 s1, $0x11  }
0xcc: {  	s0 =	sor.u32 s1, s0  }
0xcd: {  	s0 =	sadd.s32 $0x8F2B, s0  }
0xce: {  	[sflag:s0] =	ssyncadd.remote.s32 $0x1  }
0xcf: {  	_ =	sfence.sel $0xFFFF  }
0xd0: {  	[dreg:$0x0] =	wrdreg $0xFFFFFFFF;
	(pc) =	sbr.abs _section_cstart, $3  }
0xd1: {  	[dreg:$0x1] =	wrdreg $0xFFFFFFFF  }
0xd2: {  	_ =	task.clear_ibuf [dreg:s22], $0x2FFFF;
	_ =	strace $0x9FFFFFFF  }
0xd3: {  	(tm) =	ssettm $0x7FFFFFFF  }
tec
execute0_lowered:
.L_overlay_start_1:
0x0: {  	(tag) =	ssettag $0x1  }
0x1: {  	s1 =	rddreg [dreg:$0x0];
	s0 =	srdreg.scid  }
0x2: {  	s2 =	rddreg [dreg:$0x1];
	s4 =	stileid.u32  }
0x3: {  	s3 =	rddreg [dreg:$0x2];
	s16 =	simm.s32 $0x3;
	s17 =	simm.s32 $0x200  }
0x4: {  	s18 =	simm.s32 $0x12A00;
	s19 =	simm.s32 $0x13200;
	s20 =	simm.s32 $0x13A00  }
0x5: {  	s21 =	simm.s32 $0x14200;
	s12 =	simm.s32 $0x15200;
	s13 =	simm.s32 $0x15A00  }
0x6: {  	s14 =	simm.s32 $0x16200;
	s15 =	simm.s32 $0x16A00;
	s28 =	simm.s32 $0x4  }
0x7: {  	s29 =	simm.s32 $0x2;
	s30 =	simm.s32 $0x0;
	s0 =	sand.u32 $0x1, s0  }
0x8: {  	s5 =	sshll.u32 s4, $0xA;
	s4 =	simm.s32 $0x0;
	s11 =	sadd.s32 $0x609400, s2  }
0x9: {  	s7 =	sadd.s32 $0x200, s1;
	s10 =	sadd.s32 $0x200, s3;
	s6 =	sshll.u32 s0, $0x9  }
0xa: {  	[smem:$0x7FF] =	sst s4;
	s0 =	ssub.s32 $0x2, s0;
	s5 =	sor.u32 s6, s5  }
0xb: {  	_ =	strace $0x80000050;
	s22 =	sshrl.u32 s0, $0x1;
	s6 =	sadd.s32 $0x100, s1  }
0xc: {  	s8 =	sshrl.u32 s5, $0x3;
	s5 =	sor.u32 $0x40, s5;
	s0 =	ssub.s32 s0, s22  }
0xd: {  	s22 =	simm.s32 $0x14A00;
	s9 =	sadd.s32 s8, s2;
	s2 =	sadd.s32 $0x789400, s2  }
0xe: {  	s5 =	sshrl.u32 s5, $0x3;
	s8 =	smul.u32 $0x300, s8;
	s0 =	smax.u32 s0, $0x1  }
0xf: {  	s23 =	sadd.s32 $0x6400, s9;
	s5 =	smul.u32 $0x300, s5;
	[dreg:$0x6] =	wrdreg s0  }
0x10: {  	s9 =	sadd.s32 $0x8400, s9;
	s0 =	simm.s32 $0x10A00;
	[dreg:$0x4] =	wrdreg s23  }
0x11: {  	[dreg:$0x5] =	wrdreg s9;
	s9 =	sadd.s32 $0x100, s3;
	s25 =	sadd.s32 s8, s11  }
.Ltmp0:
0x12: {  	s31 =	sadd.s32 s8, s2;
	s23 =	simm.s32 $0xC200;
	(pc) =	sbr.rel .LBB2_1-.Ltmp0, $4  }
0x13: {  	s8 =	simm.s32 $0x11A00;
	s24 =	sadd.s32 s5, s11;
	[dreg:$0x8] =	wrdreg s25  }
0x14: {  	v2 =	vlaneseq.u32;
	s26 =	sadd.s32 s5, s2;
	[dreg:$0xa] =	wrdreg s31;
	s5 =	simm.s32 $0x11200  }
0x15: {  	vm0 =	vmmov $0xffff;
	v1 =	vshrl.u32 v2, $0x3;
	s11 =	simm.s32 $0x12200;
	s25 =	simm.s32 $0x17A00;
	[dreg:$0x7] =	wrdreg s24  }
0x16: {  	v0 =	vand.u32 $0x7, v2;
	v2 =	vor.u32 $0x8, v2;
	v1 =	vmul.u32 $0x8, v1;
	[dreg:$0x9] =	wrdreg s26;
	s24 =	simm.s32 $0x17200;
	s26 =	simm.s32 $0x1  }
.LBB2_9:
0x17: {  	s30 =	rddreg [dreg:$0xb]  }
0x18: {  	s2 =	rddreg [dreg:$0x6];
	s30 =	sadd.s32 $0x1, s30  }
0x19: {  	p0 =	sne.s32 s30, s2  }
.Ltmp1:
0x1a: {  	_ = 	snop;
	(pc) =	sbr.rel @!p0 .LBB2_10-.Ltmp1, $1  }
0x1b: {  	_ =	sdelay $0x3  }
.LBB2_1:
0x1c: {  	[dreg:$0xb] =	wrdreg s30  }
0x1d: {  	s2 =	rddreg [dreg:$0x4]  }
0x1e: {  	[tilespmem:s4], [sflag:$0x3] =	stream.linear.gather [hbm4b:s2+s4], $0x200, $0x38;
	[tilespmem:$0x18200] =	vst v63  }
0x1f: {  	_ =	swait.ge [sflag:s16], $0x200  }
0x20: {  	[sflag:s16] =	ssyncset.done $0x0  }
0x21: {  	[sflag:s16] =	ssyncadd.s32 $0xFFFFFE00  }
0x22: {  	v3 =	vld [tilespmem:$0x0];
	_ =	sdelay $0x4  }
0x23: {  	v4 =	vshrl.u32 v3, $0x3  }
0x24: {  	v4 =	vmul.u32 $0x30, v4  }
0x25: {  	v3 =	vand.u32 $0x7, v3  }
0x26: {  	v3 =	vor.u32 v3, v4  }
0x27: {  	v4 =	vperm.xlane v3, v0;
	_ =	sdelay $0x1  }
0x28: {  	v4 =	vadd.s32 v1, v4;
	_ =	sdelay $0x3  }
0x29: {  	v3 =	vperm.xlane v3, v2  }
0x2a: {  	[tilespmem:s17], [sflag:$0x1] =	stream.indirect_vreg.gather [hbm4b:s1+s4], $0x80, v4, vm0, $0xb8;
	[tilespmem:$0x18200] =	vst v63  }
0x2b: {  	s2 =	simm.s32 $0xA00;
	v3 =	vadd.s32 v1, v3  }
0x2c: {  	[tilespmem:s2], [sflag:$0x1] =	stream.indirect_vreg.gather [hbm4b:s6+s4], $0x80, v4, vm0, $0xb8;
	[tilespmem:$0x18200] =	vst v63  }
0x2d: {  	s2 =	simm.s32 $0x1200  }
0x2e: {  	[tilespmem:s2], [sflag:$0x1] =	stream.indirect_vreg.gather [hbm4b:s7+s4], $0x80, v4, vm0, $0xb8;
	[tilespmem:$0x18200] =	vst v63  }
0x2f: {  	s2 =	simm.s32 $0x1A00  }
0x30: {  	[tilespmem:s2], [sflag:$0x1] =	stream.indirect_vreg.gather [hbm4b:s1+s4], $0x80, v3, vm0, $0xb8;
	[tilespmem:$0x18200] =	vst v63  }
0x31: {  	s2 =	simm.s32 $0x2200  }
0x32: {  	[tilespmem:s2], [sflag:$0x1] =	stream.indirect_vreg.gather [hbm4b:s6+s4], $0x80, v3, vm0, $0xb8;
	[tilespmem:$0x18200] =	vst v63  }
0x33: {  	s2 =	simm.s32 $0x2A00  }
0x34: {  	[tilespmem:s2], [sflag:$0x1] =	stream.indirect_vreg.gather [hbm4b:s7+s4], $0x80, v3, vm0, $0xb8;
	[tilespmem:$0x18200] =	vst v63  }
0x35: {  	v3 =	vld [tilespmem:$0x10];
	_ =	sdelay $0x4  }
0x36: {  	v61 =	vshrl.u32 v3, $0x3  }
0x37: {  	v4 =	vmul.u32 $0x30, v61  }
0x38: {  	v3 =	vand.u32 $0x7, v3  }
0x39: {  	v3 =	vor.u32 v3, v4  }
0x3a: {  	v4 =	vperm.xlane v3, v0;
	_ =	sdelay $0x1  }
0x3b: {  	v4 =	vadd.s32 v1, v4;
	_ =	sdelay $0x3  }
0x3c: {  	s2 =	simm.s32 $0x3200;
	v3 =	vperm.xlane v3, v2  }
0x3d: {  	[tilespmem:s2], [sflag:$0x1] =	stream.indirect_vreg.gather [hbm4b:s1+s4], $0x80, v4, vm0, $0xb8;
	[tilespmem:$0x18200] =	vst v63  }
0x3e: {  	v3 =	vadd.s32 v1, v3;
	s2 =	simm.s32 $0x3A00  }
0x3f: {  	[tilespmem:s2], [sflag:$0x1] =	stream.indirect_vreg.gather [hbm4b:s6+s4], $0x80, v4, vm0, $0xb8;
	[tilespmem:$0x18200] =	vst v63  }
0x40: {  	s2 =	simm.s32 $0x4200  }
0x41: {  	[tilespmem:s2], [sflag:$0x1] =	stream.indirect_vreg.gather [hbm4b:s7+s4], $0x80, v4, vm0, $0xb8;
	[tilespmem:$0x18200] =	vst v63  }
0x42: {  	s2 =	simm.s32 $0x4A00  }
0x43: {  	[tilespmem:s2], [sflag:$0x1] =	stream.indirect_vreg.gather [hbm4b:s1+s4], $0x80, v3, vm0, $0xb8;
	[tilespmem:$0x18200] =	vst v63  }
0x44: {  	s2 =	simm.s32 $0x5200  }
0x45: {  	[tilespmem:s2], [sflag:$0x1] =	stream.indirect_vreg.gather [hbm4b:s6+s4], $0x80, v3, vm0, $0xb8;
	[tilespmem:$0x18200] =	vst v63  }
0x46: {  	s2 =	simm.s32 $0x5A00  }
0x47: {  	[tilespmem:s2], [sflag:$0x1] =	stream.indirect_vreg.gather [hbm4b:s7+s4], $0x80, v3, vm0, $0xb8;
	[tilespmem:$0x18200] =	vst v63  }
0x48: {  	v3 =	vld [tilespmem:$0x20];
	_ =	sdelay $0x4  }
0x49: {  	v62 =	vshrl.u32 v3, $0x3  }
0x4a: {  	v4 =	vmul.u32 $0x30, v62  }
0x4b: {  	v3 =	vand.u32 $0x7, v3  }
0x4c: {  	v3 =	vor.u32 v3, v4  }
0x4d: {  	v4 =	vperm.xlane v3, v0;
	_ =	sdelay $0x1  }
0x4e: {  	v4 =	vadd.s32 v1, v4;
	_ =	sdelay $0x3  }
0x4f: {  	s2 =	simm.s32 $0x6200;
	v3 =	vperm.xlane v3, v2  }
0x50: {  	[tilespmem:s2], [sflag:$0x1] =	stream.indirect_vreg.gather [hbm4b:s1+s4], $0x80, v4, vm0, $0xb8;
	[tilespmem:$0x18200] =	vst v63  }
0x51: {  	v3 =	vadd.s32 v1, v3;
	s2 =	simm.s32 $0x6A00  }
0x52: {  	[tilespmem:s2], [sflag:$0x1] =	stream.indirect_vreg.gather [hbm4b:s6+s4], $0x80, v4, vm0, $0xb8;
	[tilespmem:$0x18200] =	vst v63  }
0x53: {  	s2 =	simm.s32 $0x7200  }
0x54: {  	[tilespmem:s2], [sflag:$0x1] =	stream.indirect_vreg.gather [hbm4b:s7+s4], $0x80, v4, vm0, $0xb8;
	[tilespmem:$0x18200] =	vst v63  }
0x55: {  	s2 =	simm.s32 $0x7A00  }
0x56: {  	[tilespmem:s2], [sflag:$0x1] =	stream.indirect_vreg.gather [hbm4b:s1+s4], $0x80, v3, vm0, $0xb8;
	[tilespmem:$0x18200] =	vst v63  }
0x57: {  	s2 =	simm.s32 $0x8200  }
0x58: {  	[tilespmem:s2], [sflag:$0x1] =	stream.indirect_vreg.gather [hbm4b:s6+s4], $0x80, v3, vm0, $0xb8;
	[tilespmem:$0x18200] =	vst v63  }
0x59: {  	s2 =	simm.s32 $0x8A00  }
0x5a: {  	[tilespmem:s2], [sflag:$0x1] =	stream.indirect_vreg.gather [hbm4b:s7+s4], $0x80, v3, vm0, $0xb8;
	[tilespmem:$0x18200] =	vst v63  }
0x5b: {  	v3 =	vld [tilespmem:$0x30];
	_ =	sdelay $0x4  }
0x5c: {  	v63 =	vshrl.u32 v3, $0x3  }
0x5d: {  	v4 =	vmul.u32 $0x30, v63  }
0x5e: {  	v3 =	vand.u32 $0x7, v3  }
0x5f: {  	v3 =	vor.u32 v3, v4  }
0x60: {  	v4 =	vperm.xlane v3, v0;
	_ =	sdelay $0x1  }
0x61: {  	v4 =	vadd.s32 v1, v4;
	_ =	sdelay $0x3  }
0x62: {  	s2 =	simm.s32 $0x9200;
	v3 =	vperm.xlane v3, v2  }
0x63: {  	[tilespmem:s2], [sflag:$0x1] =	stream.indirect_vreg.gather [hbm4b:s1+s4], $0x80, v4, vm0, $0xb8;
	[tilespmem:$0x18200] =	vst v63  }
0x64: {  	v3 =	vadd.s32 v1, v3;
	s2 =	simm.s32 $0x9A00  }
0x65: {  	[tilespmem:s2], [sflag:$0x1] =	stream.indirect_vreg.gather [hbm4b:s6+s4], $0x80, v4, vm0, $0xb8;
	[tilespmem:$0x18200] =	vst v63  }
0x66: {  	s2 =	simm.s32 $0xA200  }
0x67: {  	[tilespmem:s2], [sflag:$0x1] =	stream.indirect_vreg.gather [hbm4b:s7+s4], $0x80, v4, vm0, $0xb8;
	[tilespmem:$0x18200] =	vst v63  }
0x68: {  	s2 =	simm.s32 $0xAA00  }
0x69: {  	[tilespmem:s2], [sflag:$0x1] =	stream.indirect_vreg.gather [hbm4b:s1+s4], $0x80, v3, vm0, $0xb8;
	[tilespmem:$0x18200] =	vst v63  }
.Ltmp2:
0x6a: {  	_ = 	snop;
	(pc) =	sbr.rel .LBB2_2-.Ltmp2, $4  }
0x6b: {  	s2 =	simm.s32 $0xB200  }
0x6c: {  	[tilespmem:s2], [sflag:$0x1] =	stream.indirect_vreg.gather [hbm4b:s6+s4], $0x80, v3, vm0, $0xb8;
	[tilespmem:$0x18200] =	vst v63  }
0x6d: {  	s30 =	simm.s32 $0x60;
	s31 =	simm.s32 $0x0;
	s2 =	simm.s32 $0xBA00  }
0x6e: {  	[tilespmem:s2], [sflag:$0x1] =	stream.indirect_vreg.gather [hbm4b:s7+s4], $0x80, v3, vm0, $0xb8;
	[tilespmem:$0x18200] =	vst v63  }
.LBB2_4:
0x6f: {  	_ =	swait.ge [sflag:s29], $0xC000  }
0x70: {  	s2 =	rddreg [dreg:$0x7]  }
0x71: {  	s2 =	sadd.s32 s31, s2;
	s31 =	sadd.s32 $0x3000, s31  }
0x72: {  	[sflag:s29] =	ssyncset.done $0x0;
	p0 =	sne.s32 s31, $0xC000  }
.Ltmp3:
0x73: {  	[sflag:s29] =	ssyncadd.s32 $0xFFFF4000;
	(pc) =	sbr.rel @!p0 .LBB2_5-.Ltmp3, $4  }
0x74: {  	[hbm4b:s2+s4] =	stream.linear.scatter [tilespmem:s23], [sflag:$0x3], $0xC000, $0x38;
	[tilespmem:$0x18200] =	vst v63  }
0x75: {  	_ =	swait.ge [sflag:s16], $0xC000  }
0x76: {  	[sflag:s16] =	ssyncset.done $0x0  }
0x77: {  	s30 =	sadd.s32 $0x80, s30;
	[sflag:s16] =	ssyncadd.s32 $0xFFFF4000  }
.LBB2_2:
0x78: {  	v3 =	vld [tilespmem:s30+$0xFFFFFFE0];
	_ =	sdelay $0x4  }
0x79: {  	v4 =	vshrl.u32 v3, $0x3  }
0x7a: {  	v4 =	vmul.u32 $0x30, v4  }
0x7b: {  	v3 =	vand.u32 $0x7, v3  }
0x7c: {  	v3 =	vor.u32 v3, v4  }
0x7d: {  	v4 =	vperm.xlane v3, v0;
	_ =	sdelay $0x1  }
0x7e: {  	v4 =	vadd.s32 v1, v4;
	_ =	sdelay $0x3  }
0x7f: {  	v3 =	vperm.xlane v3, v2  }
0x80: {  	[tilespmem:s23], [sflag:$0x2] =	stream.indirect_vreg.gather [hbm4b:s1+s4], $0x80, v4, vm0, $0xb8;
	[tilespmem:$0x18200] =	vst v63  }
0x81: {  	s2 =	simm.s32 $0xCA00;
	v3 =	vadd.s32 v1, v3  }
0x82: {  	[tilespmem:s2], [sflag:$0x2] =	stream.indirect_vreg.gather [hbm4b:s6+s4], $0x80, v4, vm0, $0xb8;
	[tilespmem:$0x18200] =	vst v63  }
0x83: {  	s2 =	simm.s32 $0xD200  }
0x84: {  	[tilespmem:s2], [sflag:$0x2] =	stream.indirect_vreg.gather [hbm4b:s7+s4], $0x80, v4, vm0, $0xb8;
	[tilespmem:$0x18200] =	vst v63  }
0x85: {  	s2 =	simm.s32 $0xDA00  }
0x86: {  	[tilespmem:s2], [sflag:$0x2] =	stream.indirect_vreg.gather [hbm4b:s1+s4], $0x80, v3, vm0, $0xb8;
	[tilespmem:$0x18200] =	vst v63  }
0x87: {  	s2 =	simm.s32 $0xE200  }
0x88: {  	[tilespmem:s2], [sflag:$0x2] =	stream.indirect_vreg.gather [hbm4b:s6+s4], $0x80, v3, vm0, $0xb8;
	[tilespmem:$0x18200] =	vst v63  }
0x89: {  	s2 =	simm.s32 $0xEA00  }
0x8a: {  	[tilespmem:s2], [sflag:$0x2] =	stream.indirect_vreg.gather [hbm4b:s7+s4], $0x80, v3, vm0, $0xb8;
	[tilespmem:$0x18200] =	vst v63  }
0x8b: {  	v3 =	vld [tilespmem:s30+$0xFFFFFFF0];
	_ =	sdelay $0x4  }
0x8c: {  	v61 =	vshrl.u32 v3, $0x3  }
0x8d: {  	v4 =	vmul.u32 $0x30, v61  }
0x8e: {  	v3 =	vand.u32 $0x7, v3  }
0x8f: {  	v3 =	vor.u32 v3, v4  }
0x90: {  	v4 =	vperm.xlane v3, v0;
	_ =	sdelay $0x1  }
0x91: {  	v4 =	vadd.s32 v1, v4;
	_ =	sdelay $0x3  }
0x92: {  	s2 =	simm.s32 $0xF200;
	v3 =	vperm.xlane v3, v2  }
0x93: {  	[tilespmem:s2], [sflag:$0x2] =	stream.indirect_vreg.gather [hbm4b:s1+s4], $0x80, v4, vm0, $0xb8;
	[tilespmem:$0x18200] =	vst v63  }
0x94: {  	v3 =	vadd.s32 v1, v3;
	s2 =	simm.s32 $0xFA00  }
0x95: {  	[tilespmem:s2], [sflag:$0x2] =	stream.indirect_vreg.gather [hbm4b:s6+s4], $0x80, v4, vm0, $0xb8;
	[tilespmem:$0x18200] =	vst v63  }
0x96: {  	s2 =	simm.s32 $0x10200  }
0x97: {  	[tilespmem:s2], [sflag:$0x2] =	stream.indirect_vreg.gather [hbm4b:s7+s4], $0x80, v4, vm0, $0xb8;
	[tilespmem:$0x18200] =	vst v63  }
0x98: {  	_ = 	snop  }
0x99: {  	[tilespmem:s0], [sflag:$0x2] =	stream.indirect_vreg.gather [hbm4b:s1+s4], $0x80, v3, vm0, $0xb8;
	[tilespmem:$0x18200] =	vst v63  }
0x9a: {  	_ = 	snop  }
0x9b: {  	[tilespmem:s5], [sflag:$0x2] =	stream.indirect_vreg.gather [hbm4b:s6+s4], $0x80, v3, vm0, $0xb8;
	[tilespmem:$0x18200] =	vst v63  }
0x9c: {  	_ = 	snop  }
0x9d: {  	[tilespmem:s8], [sflag:$0x2] =	stream.indirect_vreg.gather [hbm4b:s7+s4], $0x80, v3, vm0, $0xb8;
	[tilespmem:$0x18200] =	vst v63  }
0x9e: {  	v3 =	vld [tilespmem:s30+$0x0];
	_ =	sdelay $0x4  }
0x9f: {  	v62 =	vshrl.u32 v3, $0x3  }
0xa0: {  	v4 =	vmul.u32 $0x30, v62  }
0xa1: {  	v3 =	vand.u32 $0x7, v3  }
0xa2: {  	v3 =	vor.u32 v3, v4  }
0xa3: {  	v4 =	vperm.xlane v3, v0;
	_ =	sdelay $0x1  }
0xa4: {  	v4 =	vadd.s32 v1, v4;
	_ =	sdelay $0x3  }
0xa5: {  	v3 =	vperm.xlane v3, v2  }
0xa6: {  	[tilespmem:s11], [sflag:$0x2] =	stream.indirect_vreg.gather [hbm4b:s1+s4], $0x80, v4, vm0, $0xb8;
	[tilespmem:$0x18200] =	vst v63  }
0xa7: {  	v3 =	vadd.s32 v1, v3  }
0xa8: {  	[tilespmem:s18], [sflag:$0x2] =	stream.indirect_vreg.gather [hbm4b:s6+s4], $0x80, v4, vm0, $0xb8;
	[tilespmem:$0x18200] =	vst v63  }
0xa9: {  	_ = 	snop  }
0xaa: {  	[tilespmem:s19], [sflag:$0x2] =	stream.indirect_vreg.gather [hbm4b:s7+s4], $0x80, v4, vm0, $0xb8;
	[tilespmem:$0x18200] =	vst v63  }
0xab: {  	_ = 	snop  }
0xac: {  	[tilespmem:s20], [sflag:$0x2] =	stream.indirect_vreg.gather [hbm4b:s1+s4], $0x80, v3, vm0, $0xb8;
	[tilespmem:$0x18200] =	vst v63  }
0xad: {  	_ = 	snop  }
0xae: {  	[tilespmem:s21], [sflag:$0x2] =	stream.indirect_vreg.gather [hbm4b:s6+s4], $0x80, v3, vm0, $0xb8;
	[tilespmem:$0x18200] =	vst v63  }
0xaf: {  	_ = 	snop  }
0xb0: {  	[tilespmem:s22], [sflag:$0x2] =	stream.indirect_vreg.gather [hbm4b:s7+s4], $0x80, v3, vm0, $0xb8;
	[tilespmem:$0x18200] =	vst v63  }
0xb1: {  	v3 =	vld [tilespmem:s30+$0x10];
	_ =	sdelay $0x4  }
0xb2: {  	v63 =	vshrl.u32 v3, $0x3  }
0xb3: {  	v4 =	vmul.u32 $0x30, v63  }
0xb4: {  	v3 =	vand.u32 $0x7, v3  }
0xb5: {  	v3 =	vor.u32 v3, v4  }
0xb6: {  	v4 =	vperm.xlane v3, v0;
	_ =	sdelay $0x1  }
0xb7: {  	v4 =	vadd.s32 v1, v4;
	_ =	sdelay $0x3  }
0xb8: {  	v3 =	vperm.xlane v3, v2  }
0xb9: {  	[tilespmem:s12], [sflag:$0x2] =	stream.indirect_vreg.gather [hbm4b:s1+s4], $0x80, v4, vm0, $0xb8;
	[tilespmem:$0x18200] =	vst v63  }
0xba: {  	v3 =	vadd.s32 v1, v3  }
0xbb: {  	[tilespmem:s13], [sflag:$0x2] =	stream.indirect_vreg.gather [hbm4b:s6+s4], $0x80, v4, vm0, $0xb8;
	[tilespmem:$0x18200] =	vst v63  }
0xbc: {  	_ = 	snop  }
0xbd: {  	[tilespmem:s14], [sflag:$0x2] =	stream.indirect_vreg.gather [hbm4b:s7+s4], $0x80, v4, vm0, $0xb8;
	[tilespmem:$0x18200] =	vst v63  }
0xbe: {  	_ = 	snop  }
0xbf: {  	[tilespmem:s15], [sflag:$0x2] =	stream.indirect_vreg.gather [hbm4b:s1+s4], $0x80, v3, vm0, $0xb8;
	[tilespmem:$0x18200] =	vst v63  }
0xc0: {  	_ = 	snop  }
0xc1: {  	[tilespmem:s24], [sflag:$0x2] =	stream.indirect_vreg.gather [hbm4b:s6+s4], $0x80, v3, vm0, $0xb8;
	[tilespmem:$0x18200] =	vst v63  }
0xc2: {  	_ = 	snop  }
0xc3: {  	[tilespmem:s25], [sflag:$0x2] =	stream.indirect_vreg.gather [hbm4b:s7+s4], $0x80, v3, vm0, $0xb8;
	[tilespmem:$0x18200] =	vst v63  }
0xc4: {  	_ =	swait.ge [sflag:s26], $0xC000  }
0xc5: {  	p0 =	seq.s32 s31, $0x9000;
	[sflag:s26] =	ssyncset.done $0x0;
	s2 =	rddreg [dreg:$0x8]  }
.Ltmp4:
0xc6: {  	[sflag:s26] =	ssyncadd.s32 $0xFFFF4000;
	s2 =	sadd.s32 s31, s2;
	(pc) =	sbr.rel @p0 .LBB2_4-.Ltmp4, $4  }
0xc7: {  	[hbm4b:s2+s4] =	stream.linear.scatter [tilespmem:s17], [sflag:$0x4], $0xC000, $0x38;
	[tilespmem:$0x18200] =	vst v63  }
0xc8: {  	_ =	swait.ge [sflag:s28], $0xC000  }
0xc9: {  	[sflag:s28] =	ssyncset.done $0x0  }
0xca: {  	[sflag:s28] =	ssyncadd.s32 $0xFFFF4000  }
0xcb: {  	v3 =	vld [tilespmem:s30+$0x20];
	_ =	sdelay $0x4  }
0xcc: {  	v4 =	vshrl.u32 v3, $0x3  }
0xcd: {  	v4 =	vmul.u32 $0x30, v4  }
0xce: {  	v3 =	vand.u32 $0x7, v3  }
0xcf: {  	v3 =	vor.u32 v3, v4  }
0xd0: {  	v4 =	vperm.xlane v3, v0;
	_ =	sdelay $0x1  }
0xd1: {  	v4 =	vadd.s32 v1, v4;
	_ =	sdelay $0x3  }
0xd2: {  	v3 =	vperm.xlane v3, v2  }
0xd3: {  	[tilespmem:s17], [sflag:$0x1] =	stream.indirect_vreg.gather [hbm4b:s1+s4], $0x80, v4, vm0, $0xb8;
	[tilespmem:$0x18200] =	vst v63  }
0xd4: {  	s2 =	simm.s32 $0xA00;
	v3 =	vadd.s32 v1, v3  }
0xd5: {  	[tilespmem:s2], [sflag:$0x1] =	stream.indirect_vreg.gather [hbm4b:s6+s4], $0x80, v4, vm0, $0xb8;
	[tilespmem:$0x18200] =	vst v63  }
0xd6: {  	s2 =	simm.s32 $0x1200  }
0xd7: {  	[tilespmem:s2], [sflag:$0x1] =	stream.indirect_vreg.gather [hbm4b:s7+s4], $0x80, v4, vm0, $0xb8;
	[tilespmem:$0x18200] =	vst v63  }
0xd8: {  	s2 =	simm.s32 $0x1A00  }
0xd9: {  	[tilespmem:s2], [sflag:$0x1] =	stream.indirect_vreg.gather [hbm4b:s1+s4], $0x80, v3, vm0, $0xb8;
	[tilespmem:$0x18200] =	vst v63  }
0xda: {  	s2 =	simm.s32 $0x2200  }
0xdb: {  	[tilespmem:s2], [sflag:$0x1] =	stream.indirect_vreg.gather [hbm4b:s6+s4], $0x80, v3, vm0, $0xb8;
	[tilespmem:$0x18200] =	vst v63  }
0xdc: {  	s2 =	simm.s32 $0x2A00  }
0xdd: {  	[tilespmem:s2], [sflag:$0x1] =	stream.indirect_vreg.gather [hbm4b:s7+s4], $0x80, v3, vm0, $0xb8;
	[tilespmem:$0x18200] =	vst v63  }
0xde: {  	v3 =	vld [tilespmem:s30+$0x30];
	_ =	sdelay $0x4  }
0xdf: {  	v61 =	vshrl.u32 v3, $0x3  }
0xe0: {  	v4 =	vmul.u32 $0x30, v61  }
0xe1: {  	v3 =	vand.u32 $0x7, v3  }
0xe2: {  	v3 =	vor.u32 v3, v4  }
0xe3: {  	v4 =	vperm.xlane v3, v0;
	_ =	sdelay $0x1  }
0xe4: {  	v4 =	vadd.s32 v1, v4;
	_ =	sdelay $0x3  }
0xe5: {  	s2 =	simm.s32 $0x3200;
	v3 =	vperm.xlane v3, v2  }
0xe6: {  	[tilespmem:s2], [sflag:$0x1] =	stream.indirect_vreg.gather [hbm4b:s1+s4], $0x80, v4, vm0, $0xb8;
	[tilespmem:$0x18200] =	vst v63  }
0xe7: {  	v3 =	vadd.s32 v1, v3;
	s2 =	simm.s32 $0x3A00  }
0xe8: {  	[tilespmem:s2], [sflag:$0x1] =	stream.indirect_vreg.gather [hbm4b:s6+s4], $0x80, v4, vm0, $0xb8;
	[tilespmem:$0x18200] =	vst v63  }
0xe9: {  	s2 =	simm.s32 $0x4200  }
0xea: {  	[tilespmem:s2], [sflag:$0x1] =	stream.indirect_vreg.gather [hbm4b:s7+s4], $0x80, v4, vm0, $0xb8;
	[tilespmem:$0x18200] =	vst v63  }
0xeb: {  	s2 =	simm.s32 $0x4A00  }
0xec: {  	[tilespmem:s2], [sflag:$0x1] =	stream.indirect_vreg.gather [hbm4b:s1+s4], $0x80, v3, vm0, $0xb8;
	[tilespmem:$0x18200] =	vst v63  }
0xed: {  	s2 =	simm.s32 $0x5200  }
0xee: {  	[tilespmem:s2], [sflag:$0x1] =	stream.indirect_vreg.gather [hbm4b:s6+s4], $0x80, v3, vm0, $0xb8;
	[tilespmem:$0x18200] =	vst v63  }
0xef: {  	s2 =	simm.s32 $0x5A00  }
0xf0: {  	[tilespmem:s2], [sflag:$0x1] =	stream.indirect_vreg.gather [hbm4b:s7+s4], $0x80, v3, vm0, $0xb8;
	[tilespmem:$0x18200] =	vst v63  }
0xf1: {  	v3 =	vld [tilespmem:s30+$0x40];
	_ =	sdelay $0x4  }
0xf2: {  	v62 =	vshrl.u32 v3, $0x3  }
0xf3: {  	v4 =	vmul.u32 $0x30, v62  }
0xf4: {  	v3 =	vand.u32 $0x7, v3  }
0xf5: {  	v3 =	vor.u32 v3, v4  }
0xf6: {  	v4 =	vperm.xlane v3, v0;
	_ =	sdelay $0x1  }
0xf7: {  	v4 =	vadd.s32 v1, v4;
	_ =	sdelay $0x3  }
0xf8: {  	s2 =	simm.s32 $0x6200;
	v3 =	vperm.xlane v3, v2  }
0xf9: {  	[tilespmem:s2], [sflag:$0x1] =	stream.indirect_vreg.gather [hbm4b:s1+s4], $0x80, v4, vm0, $0xb8;
	[tilespmem:$0x18200] =	vst v63  }
0xfa: {  	v3 =	vadd.s32 v1, v3;
	s2 =	simm.s32 $0x6A00  }
0xfb: {  	[tilespmem:s2], [sflag:$0x1] =	stream.indirect_vreg.gather [hbm4b:s6+s4], $0x80, v4, vm0, $0xb8;
	[tilespmem:$0x18200] =	vst v63  }
0xfc: {  	s2 =	simm.s32 $0x7200  }
0xfd: {  	[tilespmem:s2], [sflag:$0x1] =	stream.indirect_vreg.gather [hbm4b:s7+s4], $0x80, v4, vm0, $0xb8;
	[tilespmem:$0x18200] =	vst v63  }
0xfe: {  	s2 =	simm.s32 $0x7A00  }
0xff: {  	[tilespmem:s2], [sflag:$0x1] =	stream.indirect_vreg.gather [hbm4b:s1+s4], $0x80, v3, vm0, $0xb8;
	[tilespmem:$0x18200] =	vst v63  }
0x100: {  	s2 =	simm.s32 $0x8200  }
0x101: {  	[tilespmem:s2], [sflag:$0x1] =	stream.indirect_vreg.gather [hbm4b:s6+s4], $0x80, v3, vm0, $0xb8;
	[tilespmem:$0x18200] =	vst v63  }
0x102: {  	s2 =	simm.s32 $0x8A00  }
0x103: {  	[tilespmem:s2], [sflag:$0x1] =	stream.indirect_vreg.gather [hbm4b:s7+s4], $0x80, v3, vm0, $0xb8;
	[tilespmem:$0x18200] =	vst v63  }
0x104: {  	v3 =	vld [tilespmem:s30+$0x50];
	_ =	sdelay $0x4  }
0x105: {  	v63 =	vshrl.u32 v3, $0x3  }
0x106: {  	v4 =	vmul.u32 $0x30, v63  }
0x107: {  	v3 =	vand.u32 $0x7, v3  }
0x108: {  	v3 =	vor.u32 v3, v4  }
0x109: {  	v4 =	vperm.xlane v3, v0;
	_ =	sdelay $0x1  }
0x10a: {  	v4 =	vadd.s32 v1, v4;
	_ =	sdelay $0x3  }
0x10b: {  	s2 =	simm.s32 $0x9200;
	v3 =	vperm.xlane v3, v2  }
0x10c: {  	[tilespmem:s2], [sflag:$0x1] =	stream.indirect_vreg.gather [hbm4b:s1+s4], $0x80, v4, vm0, $0xb8;
	[tilespmem:$0x18200] =	vst v63  }
0x10d: {  	v3 =	vadd.s32 v1, v3;
	s2 =	simm.s32 $0x9A00  }
0x10e: {  	[tilespmem:s2], [sflag:$0x1] =	stream.indirect_vreg.gather [hbm4b:s6+s4], $0x80, v4, vm0, $0xb8;
	[tilespmem:$0x18200] =	vst v63  }
0x10f: {  	s2 =	simm.s32 $0xA200  }
0x110: {  	[tilespmem:s2], [sflag:$0x1] =	stream.indirect_vreg.gather [hbm4b:s7+s4], $0x80, v4, vm0, $0xb8;
	[tilespmem:$0x18200] =	vst v63  }
0x111: {  	s2 =	simm.s32 $0xAA00  }
0x112: {  	[tilespmem:s2], [sflag:$0x1] =	stream.indirect_vreg.gather [hbm4b:s1+s4], $0x80, v3, vm0, $0xb8;
	[tilespmem:$0x18200] =	vst v63  }
.Ltmp5:
0x113: {  	_ = 	snop;
	(pc) =	sbr.rel .LBB2_4-.Ltmp5, $4  }
0x114: {  	s2 =	simm.s32 $0xB200  }
0x115: {  	[tilespmem:s2], [sflag:$0x1] =	stream.indirect_vreg.gather [hbm4b:s6+s4], $0x80, v3, vm0, $0xb8;
	[tilespmem:$0x18200] =	vst v63  }
0x116: {  	s2 =	simm.s32 $0xBA00  }
0x117: {  	[tilespmem:s2], [sflag:$0x1] =	stream.indirect_vreg.gather [hbm4b:s7+s4], $0x80, v3, vm0, $0xb8;
	[tilespmem:$0x18200] =	vst v63  }
.LBB2_5:
0x118: {  	s30 =	simm.s32 $0x0;
	s2 =	rddreg [dreg:$0x5]  }
0x119: {  	[tilespmem:s30], [sflag:$0x3] =	stream.linear.gather [hbm4b:s2+s30], $0x200, $0x38;
	[tilespmem:$0x18200] =	vst v63  }
0x11a: {  	_ =	swait.ge [sflag:s16], $0x200  }
0x11b: {  	[sflag:s16] =	ssyncset.done $0x0  }
0x11c: {  	[sflag:s16] =	ssyncadd.s32 $0xFFFFFE00  }
0x11d: {  	v3 =	vld [tilespmem:$0x0];
	_ =	sdelay $0x4  }
0x11e: {  	v4 =	vshrl.u32 v3, $0x3  }
0x11f: {  	v4 =	vmul.u32 $0x30, v4  }
0x120: {  	v3 =	vand.u32 $0x7, v3  }
0x121: {  	v3 =	vor.u32 v3, v4  }
0x122: {  	v4 =	vperm.xlane v3, v0;
	_ =	sdelay $0x1  }
0x123: {  	v4 =	vadd.s32 v1, v4;
	_ =	sdelay $0x3  }
0x124: {  	v3 =	vperm.xlane v3, v2  }
0x125: {  	[tilespmem:s17], [sflag:$0x1] =	stream.indirect_vreg.gather [hbm4b:s3+s30], $0x80, v4, vm0, $0xb8;
	[tilespmem:$0x18200] =	vst v63  }
0x126: {  	s2 =	simm.s32 $0xA00;
	v3 =	vadd.s32 v1, v3  }
0x127: {  	[tilespmem:s2], [sflag:$0x1] =	stream.indirect_vreg.gather [hbm4b:s9+s30], $0x80, v4, vm0, $0xb8;
	[tilespmem:$0x18200] =	vst v63  }
0x128: {  	s2 =	simm.s32 $0x1200  }
0x129: {  	[tilespmem:s2], [sflag:$0x1] =	stream.indirect_vreg.gather [hbm4b:s10+s30], $0x80, v4, vm0, $0xb8;
	[tilespmem:$0x18200] =	vst v63  }
0x12a: {  	s2 =	simm.s32 $0x1A00  }
0x12b: {  	[tilespmem:s2], [sflag:$0x1] =	stream.indirect_vreg.gather [hbm4b:s3+s30], $0x80, v3, vm0, $0xb8;
	[tilespmem:$0x18200] =	vst v63  }
0x12c: {  	s2 =	simm.s32 $0x2200  }
0x12d: {  	[tilespmem:s2], [sflag:$0x1] =	stream.indirect_vreg.gather [hbm4b:s9+s30], $0x80, v3, vm0, $0xb8;
	[tilespmem:$0x18200] =	vst v63  }
0x12e: {  	s2 =	simm.s32 $0x2A00  }
0x12f: {  	[tilespmem:s2], [sflag:$0x1] =	stream.indirect_vreg.gather [hbm4b:s10+s30], $0x80, v3, vm0, $0xb8;
	[tilespmem:$0x18200] =	vst v63  }
0x130: {  	v3 =	vld [tilespmem:$0x10];
	_ =	sdelay $0x4  }
0x131: {  	v61 =	vshrl.u32 v3, $0x3  }
0x132: {  	v4 =	vmul.u32 $0x30, v61  }
0x133: {  	v3 =	vand.u32 $0x7, v3  }
0x134: {  	v3 =	vor.u32 v3, v4  }
0x135: {  	v4 =	vperm.xlane v3, v0;
	_ =	sdelay $0x1  }
0x136: {  	v4 =	vadd.s32 v1, v4;
	_ =	sdelay $0x3  }
0x137: {  	s2 =	simm.s32 $0x3200;
	v3 =	vperm.xlane v3, v2  }
0x138: {  	[tilespmem:s2], [sflag:$0x1] =	stream.indirect_vreg.gather [hbm4b:s3+s30], $0x80, v4, vm0, $0xb8;
	[tilespmem:$0x18200] =	vst v63  }
0x139: {  	v3 =	vadd.s32 v1, v3;
	s2 =	simm.s32 $0x3A00  }
0x13a: {  	[tilespmem:s2], [sflag:$0x1] =	stream.indirect_vreg.gather [hbm4b:s9+s30], $0x80, v4, vm0, $0xb8;
	[tilespmem:$0x18200] =	vst v63  }
0x13b: {  	s2 =	simm.s32 $0x4200  }
0x13c: {  	[tilespmem:s2], [sflag:$0x1] =	stream.indirect_vreg.gather [hbm4b:s10+s30], $0x80, v4, vm0, $0xb8;
	[tilespmem:$0x18200] =	vst v63  }
0x13d: {  	s2 =	simm.s32 $0x4A00  }
0x13e: {  	[tilespmem:s2], [sflag:$0x1] =	stream.indirect_vreg.gather [hbm4b:s3+s30], $0x80, v3, vm0, $0xb8;
	[tilespmem:$0x18200] =	vst v63  }
0x13f: {  	s2 =	simm.s32 $0x5200  }
0x140: {  	[tilespmem:s2], [sflag:$0x1] =	stream.indirect_vreg.gather [hbm4b:s9+s30], $0x80, v3, vm0, $0xb8;
	[tilespmem:$0x18200] =	vst v63  }
0x141: {  	s2 =	simm.s32 $0x5A00  }
0x142: {  	[tilespmem:s2], [sflag:$0x1] =	stream.indirect_vreg.gather [hbm4b:s10+s30], $0x80, v3, vm0, $0xb8;
	[tilespmem:$0x18200] =	vst v63  }
0x143: {  	v3 =	vld [tilespmem:$0x20];
	_ =	sdelay $0x4  }
0x144: {  	v62 =	vshrl.u32 v3, $0x3  }
0x145: {  	v4 =	vmul.u32 $0x30, v62  }
0x146: {  	v3 =	vand.u32 $0x7, v3  }
0x147: {  	v3 =	vor.u32 v3, v4  }
0x148: {  	v4 =	vperm.xlane v3, v0;
	_ =	sdelay $0x1  }
0x149: {  	v4 =	vadd.s32 v1, v4;
	_ =	sdelay $0x3  }
0x14a: {  	s2 =	simm.s32 $0x6200;
	v3 =	vperm.xlane v3, v2  }
0x14b: {  	[tilespmem:s2], [sflag:$0x1] =	stream.indirect_vreg.gather [hbm4b:s3+s30], $0x80, v4, vm0, $0xb8;
	[tilespmem:$0x18200] =	vst v63  }
0x14c: {  	v3 =	vadd.s32 v1, v3;
	s2 =	simm.s32 $0x6A00  }
0x14d: {  	[tilespmem:s2], [sflag:$0x1] =	stream.indirect_vreg.gather [hbm4b:s9+s30], $0x80, v4, vm0, $0xb8;
	[tilespmem:$0x18200] =	vst v63  }
0x14e: {  	s2 =	simm.s32 $0x7200  }
0x14f: {  	[tilespmem:s2], [sflag:$0x1] =	stream.indirect_vreg.gather [hbm4b:s10+s30], $0x80, v4, vm0, $0xb8;
	[tilespmem:$0x18200] =	vst v63  }
0x150: {  	s2 =	simm.s32 $0x7A00  }
0x151: {  	[tilespmem:s2], [sflag:$0x1] =	stream.indirect_vreg.gather [hbm4b:s3+s30], $0x80, v3, vm0, $0xb8;
	[tilespmem:$0x18200] =	vst v63  }
0x152: {  	s2 =	simm.s32 $0x8200  }
0x153: {  	[tilespmem:s2], [sflag:$0x1] =	stream.indirect_vreg.gather [hbm4b:s9+s30], $0x80, v3, vm0, $0xb8;
	[tilespmem:$0x18200] =	vst v63  }
0x154: {  	s2 =	simm.s32 $0x8A00  }
0x155: {  	[tilespmem:s2], [sflag:$0x1] =	stream.indirect_vreg.gather [hbm4b:s10+s30], $0x80, v3, vm0, $0xb8;
	[tilespmem:$0x18200] =	vst v63  }
0x156: {  	v3 =	vld [tilespmem:$0x30];
	_ =	sdelay $0x4  }
0x157: {  	v63 =	vshrl.u32 v3, $0x3  }
0x158: {  	v4 =	vmul.u32 $0x30, v63  }
0x159: {  	v3 =	vand.u32 $0x7, v3  }
0x15a: {  	v3 =	vor.u32 v3, v4  }
0x15b: {  	v4 =	vperm.xlane v3, v0;
	_ =	sdelay $0x1  }
0x15c: {  	v4 =	vadd.s32 v1, v4;
	_ =	sdelay $0x3  }
0x15d: {  	s2 =	simm.s32 $0x9200;
	v3 =	vperm.xlane v3, v2  }
0x15e: {  	[tilespmem:s2], [sflag:$0x1] =	stream.indirect_vreg.gather [hbm4b:s3+s30], $0x80, v4, vm0, $0xb8;
	[tilespmem:$0x18200] =	vst v63  }
0x15f: {  	v3 =	vadd.s32 v1, v3;
	s2 =	simm.s32 $0x9A00  }
0x160: {  	[tilespmem:s2], [sflag:$0x1] =	stream.indirect_vreg.gather [hbm4b:s9+s30], $0x80, v4, vm0, $0xb8;
	[tilespmem:$0x18200] =	vst v63  }
0x161: {  	s2 =	simm.s32 $0xA200  }
0x162: {  	[tilespmem:s2], [sflag:$0x1] =	stream.indirect_vreg.gather [hbm4b:s10+s30], $0x80, v4, vm0, $0xb8;
	[tilespmem:$0x18200] =	vst v63  }
0x163: {  	s2 =	simm.s32 $0xAA00  }
0x164: {  	[tilespmem:s2], [sflag:$0x1] =	stream.indirect_vreg.gather [hbm4b:s3+s30], $0x80, v3, vm0, $0xb8;
	[tilespmem:$0x18200] =	vst v63  }
.Ltmp6:
0x165: {  	_ = 	snop;
	(pc) =	sbr.rel .LBB2_6-.Ltmp6, $4  }
0x166: {  	s2 =	simm.s32 $0xB200  }
0x167: {  	[tilespmem:s2], [sflag:$0x1] =	stream.indirect_vreg.gather [hbm4b:s9+s30], $0x80, v3, vm0, $0xb8;
	[tilespmem:$0x18200] =	vst v63  }
0x168: {  	s31 =	simm.s32 $0x60;
	s2 =	simm.s32 $0xBA00  }
0x169: {  	[tilespmem:s2], [sflag:$0x1] =	stream.indirect_vreg.gather [hbm4b:s10+s30], $0x80, v3, vm0, $0xb8;
	[tilespmem:$0x18200] =	vst v63  }
.LBB2_8:
0x16a: {  	_ =	swait.ge [sflag:s29], $0xC000  }
0x16b: {  	s2 =	rddreg [dreg:$0x9]  }
0x16c: {  	s2 =	sadd.s32 s30, s2;
	s30 =	sadd.s32 $0x3000, s30  }
0x16d: {  	[sflag:s29] =	ssyncset.done $0x0;
	p0 =	sne.s32 s30, $0xC000  }
.Ltmp7:
0x16e: {  	[sflag:s29] =	ssyncadd.s32 $0xFFFF4000;
	(pc) =	sbr.rel @!p0 .LBB2_9-.Ltmp7, $4  }
0x16f: {  	[hbm4b:s2+s4] =	stream.linear.scatter [tilespmem:s23], [sflag:$0x3], $0xC000, $0x38;
	[tilespmem:$0x18200] =	vst v63  }
0x170: {  	_ =	swait.ge [sflag:s16], $0xC000  }
0x171: {  	[sflag:s16] =	ssyncset.done $0x0  }
0x172: {  	s31 =	sadd.s32 $0x80, s31;
	[sflag:s16] =	ssyncadd.s32 $0xFFFF4000  }
.LBB2_6:
0x173: {  	v3 =	vld [tilespmem:s31+$0xFFFFFFE0];
	_ =	sdelay $0x4  }
0x174: {  	v4 =	vshrl.u32 v3, $0x3  }
0x175: {  	v4 =	vmul.u32 $0x30, v4  }
0x176: {  	v3 =	vand.u32 $0x7, v3  }
0x177: {  	v3 =	vor.u32 v3, v4  }
0x178: {  	v4 =	vperm.xlane v3, v0;
	_ =	sdelay $0x1  }
0x179: {  	v4 =	vadd.s32 v1, v4;
	_ =	sdelay $0x3  }
0x17a: {  	v3 =	vperm.xlane v3, v2  }
0x17b: {  	[tilespmem:s23], [sflag:$0x2] =	stream.indirect_vreg.gather [hbm4b:s3+s4], $0x80, v4, vm0, $0xb8;
	[tilespmem:$0x18200] =	vst v63  }
0x17c: {  	s2 =	simm.s32 $0xCA00;
	v3 =	vadd.s32 v1, v3  }
0x17d: {  	[tilespmem:s2], [sflag:$0x2] =	stream.indirect_vreg.gather [hbm4b:s9+s4], $0x80, v4, vm0, $0xb8;
	[tilespmem:$0x18200] =	vst v63  }
0x17e: {  	s2 =	simm.s32 $0xD200  }
0x17f: {  	[tilespmem:s2], [sflag:$0x2] =	stream.indirect_vreg.gather [hbm4b:s10+s4], $0x80, v4, vm0, $0xb8;
	[tilespmem:$0x18200] =	vst v63  }
0x180: {  	s2 =	simm.s32 $0xDA00  }
0x181: {  	[tilespmem:s2], [sflag:$0x2] =	stream.indirect_vreg.gather [hbm4b:s3+s4], $0x80, v3, vm0, $0xb8;
	[tilespmem:$0x18200] =	vst v63  }
0x182: {  	s2 =	simm.s32 $0xE200  }
0x183: {  	[tilespmem:s2], [sflag:$0x2] =	stream.indirect_vreg.gather [hbm4b:s9+s4], $0x80, v3, vm0, $0xb8;
	[tilespmem:$0x18200] =	vst v63  }
0x184: {  	s2 =	simm.s32 $0xEA00  }
0x185: {  	[tilespmem:s2], [sflag:$0x2] =	stream.indirect_vreg.gather [hbm4b:s10+s4], $0x80, v3, vm0, $0xb8;
	[tilespmem:$0x18200] =	vst v63  }
0x186: {  	v3 =	vld [tilespmem:s31+$0xFFFFFFF0];
	_ =	sdelay $0x4  }
0x187: {  	v61 =	vshrl.u32 v3, $0x3  }
0x188: {  	v4 =	vmul.u32 $0x30, v61  }
0x189: {  	v3 =	vand.u32 $0x7, v3  }
0x18a: {  	v3 =	vor.u32 v3, v4  }
0x18b: {  	v4 =	vperm.xlane v3, v0;
	_ =	sdelay $0x1  }
0x18c: {  	v4 =	vadd.s32 v1, v4;
	_ =	sdelay $0x3  }
0x18d: {  	s2 =	simm.s32 $0xF200;
	v3 =	vperm.xlane v3, v2  }
0x18e: {  	[tilespmem:s2], [sflag:$0x2] =	stream.indirect_vreg.gather [hbm4b:s3+s4], $0x80, v4, vm0, $0xb8;
	[tilespmem:$0x18200] =	vst v63  }
0x18f: {  	v3 =	vadd.s32 v1, v3;
	s2 =	simm.s32 $0xFA00  }
0x190: {  	[tilespmem:s2], [sflag:$0x2] =	stream.indirect_vreg.gather [hbm4b:s9+s4], $0x80, v4, vm0, $0xb8;
	[tilespmem:$0x18200] =	vst v63  }
0x191: {  	s2 =	simm.s32 $0x10200  }
0x192: {  	[tilespmem:s2], [sflag:$0x2] =	stream.indirect_vreg.gather [hbm4b:s10+s4], $0x80, v4, vm0, $0xb8;
	[tilespmem:$0x18200] =	vst v63  }
0x193: {  	_ = 	snop  }
0x194: {  	[tilespmem:s0], [sflag:$0x2] =	stream.indirect_vreg.gather [hbm4b:s3+s4], $0x80, v3, vm0, $0xb8;
	[tilespmem:$0x18200] =	vst v63  }
0x195: {  	_ = 	snop  }
0x196: {  	[tilespmem:s5], [sflag:$0x2] =	stream.indirect_vreg.gather [hbm4b:s9+s4], $0x80, v3, vm0, $0xb8;
	[tilespmem:$0x18200] =	vst v63  }
0x197: {  	_ = 	snop  }
0x198: {  	[tilespmem:s8], [sflag:$0x2] =	stream.indirect_vreg.gather [hbm4b:s10+s4], $0x80, v3, vm0, $0xb8;
	[tilespmem:$0x18200] =	vst v63  }
0x199: {  	v3 =	vld [tilespmem:s31+$0x0];
	_ =	sdelay $0x4  }
0x19a: {  	v62 =	vshrl.u32 v3, $0x3  }
0x19b: {  	v4 =	vmul.u32 $0x30, v62  }
0x19c: {  	v3 =	vand.u32 $0x7, v3  }
0x19d: {  	v3 =	vor.u32 v3, v4  }
0x19e: {  	v4 =	vperm.xlane v3, v0;
	_ =	sdelay $0x1  }
0x19f: {  	v4 =	vadd.s32 v1, v4;
	_ =	sdelay $0x3  }
0x1a0: {  	v3 =	vperm.xlane v3, v2  }
0x1a1: {  	[tilespmem:s11], [sflag:$0x2] =	stream.indirect_vreg.gather [hbm4b:s3+s4], $0x80, v4, vm0, $0xb8;
	[tilespmem:$0x18200] =	vst v63  }
0x1a2: {  	v3 =	vadd.s32 v1, v3  }
0x1a3: {  	[tilespmem:s18], [sflag:$0x2] =	stream.indirect_vreg.gather [hbm4b:s9+s4], $0x80, v4, vm0, $0xb8;
	[tilespmem:$0x18200] =	vst v63  }
0x1a4: {  	_ = 	snop  }
0x1a5: {  	[tilespmem:s19], [sflag:$0x2] =	stream.indirect_vreg.gather [hbm4b:s10+s4], $0x80, v4, vm0, $0xb8;
	[tilespmem:$0x18200] =	vst v63  }
0x1a6: {  	_ = 	snop  }
0x1a7: {  	[tilespmem:s20], [sflag:$0x2] =	stream.indirect_vreg.gather [hbm4b:s3+s4], $0x80, v3, vm0, $0xb8;
	[tilespmem:$0x18200] =	vst v63  }
0x1a8: {  	_ = 	snop  }
0x1a9: {  	[tilespmem:s21], [sflag:$0x2] =	stream.indirect_vreg.gather [hbm4b:s9+s4], $0x80, v3, vm0, $0xb8;
	[tilespmem:$0x18200] =	vst v63  }
0x1aa: {  	_ = 	snop  }
0x1ab: {  	[tilespmem:s22], [sflag:$0x2] =	stream.indirect_vreg.gather [hbm4b:s10+s4], $0x80, v3, vm0, $0xb8;
	[tilespmem:$0x18200] =	vst v63  }
0x1ac: {  	v3 =	vld [tilespmem:s31+$0x10];
	_ =	sdelay $0x4  }
0x1ad: {  	v63 =	vshrl.u32 v3, $0x3  }
0x1ae: {  	v4 =	vmul.u32 $0x30, v63  }
0x1af: {  	v3 =	vand.u32 $0x7, v3  }
0x1b0: {  	v3 =	vor.u32 v3, v4  }
0x1b1: {  	v4 =	vperm.xlane v3, v0;
	_ =	sdelay $0x1  }
0x1b2: {  	v4 =	vadd.s32 v1, v4;
	_ =	sdelay $0x3  }
0x1b3: {  	v3 =	vperm.xlane v3, v2  }
0x1b4: {  	[tilespmem:s12], [sflag:$0x2] =	stream.indirect_vreg.gather [hbm4b:s3+s4], $0x80, v4, vm0, $0xb8;
	[tilespmem:$0x18200] =	vst v63  }
0x1b5: {  	v3 =	vadd.s32 v1, v3  }
0x1b6: {  	[tilespmem:s13], [sflag:$0x2] =	stream.indirect_vreg.gather [hbm4b:s9+s4], $0x80, v4, vm0, $0xb8;
	[tilespmem:$0x18200] =	vst v63  }
0x1b7: {  	_ = 	snop  }
0x1b8: {  	[tilespmem:s14], [sflag:$0x2] =	stream.indirect_vreg.gather [hbm4b:s10+s4], $0x80, v4, vm0, $0xb8;
	[tilespmem:$0x18200] =	vst v63  }
0x1b9: {  	_ = 	snop  }
0x1ba: {  	[tilespmem:s15], [sflag:$0x2] =	stream.indirect_vreg.gather [hbm4b:s3+s4], $0x80, v3, vm0, $0xb8;
	[tilespmem:$0x18200] =	vst v63  }
0x1bb: {  	_ = 	snop  }
0x1bc: {  	[tilespmem:s24], [sflag:$0x2] =	stream.indirect_vreg.gather [hbm4b:s9+s4], $0x80, v3, vm0, $0xb8;
	[tilespmem:$0x18200] =	vst v63  }
0x1bd: {  	_ = 	snop  }
0x1be: {  	[tilespmem:s25], [sflag:$0x2] =	stream.indirect_vreg.gather [hbm4b:s10+s4], $0x80, v3, vm0, $0xb8;
	[tilespmem:$0x18200] =	vst v63  }
0x1bf: {  	_ =	swait.ge [sflag:s26], $0xC000  }
0x1c0: {  	p0 =	seq.s32 s30, $0x9000;
	[sflag:s26] =	ssyncset.done $0x0;
	s2 =	rddreg [dreg:$0xa]  }
.Ltmp8:
0x1c1: {  	[sflag:s26] =	ssyncadd.s32 $0xFFFF4000;
	s2 =	sadd.s32 s30, s2;
	(pc) =	sbr.rel @p0 .LBB2_8-.Ltmp8, $4  }
0x1c2: {  	[hbm4b:s2+s4] =	stream.linear.scatter [tilespmem:s17], [sflag:$0x4], $0xC000, $0x38;
	[tilespmem:$0x18200] =	vst v63  }
0x1c3: {  	_ =	swait.ge [sflag:s28], $0xC000  }
0x1c4: {  	[sflag:s28] =	ssyncset.done $0x0  }
0x1c5: {  	[sflag:s28] =	ssyncadd.s32 $0xFFFF4000  }
0x1c6: {  	v3 =	vld [tilespmem:s31+$0x20];
	_ =	sdelay $0x4  }
0x1c7: {  	v4 =	vshrl.u32 v3, $0x3  }
0x1c8: {  	v4 =	vmul.u32 $0x30, v4  }
0x1c9: {  	v3 =	vand.u32 $0x7, v3  }
0x1ca: {  	v3 =	vor.u32 v3, v4  }
0x1cb: {  	v4 =	vperm.xlane v3, v0;
	_ =	sdelay $0x1  }
0x1cc: {  	v4 =	vadd.s32 v1, v4;
	_ =	sdelay $0x3  }
0x1cd: {  	v3 =	vperm.xlane v3, v2  }
0x1ce: {  	[tilespmem:s17], [sflag:$0x1] =	stream.indirect_vreg.gather [hbm4b:s3+s4], $0x80, v4, vm0, $0xb8;
	[tilespmem:$0x18200] =	vst v63  }
0x1cf: {  	s2 =	simm.s32 $0xA00;
	v3 =	vadd.s32 v1, v3  }
0x1d0: {  	[tilespmem:s2], [sflag:$0x1] =	stream.indirect_vreg.gather [hbm4b:s9+s4], $0x80, v4, vm0, $0xb8;
	[tilespmem:$0x18200] =	vst v63  }
0x1d1: {  	s2 =	simm.s32 $0x1200  }
0x1d2: {  	[tilespmem:s2], [sflag:$0x1] =	stream.indirect_vreg.gather [hbm4b:s10+s4], $0x80, v4, vm0, $0xb8;
	[tilespmem:$0x18200] =	vst v63  }
0x1d3: {  	s2 =	simm.s32 $0x1A00  }
0x1d4: {  	[tilespmem:s2], [sflag:$0x1] =	stream.indirect_vreg.gather [hbm4b:s3+s4], $0x80, v3, vm0, $0xb8;
	[tilespmem:$0x18200] =	vst v63  }
0x1d5: {  	s2 =	simm.s32 $0x2200  }
0x1d6: {  	[tilespmem:s2], [sflag:$0x1] =	stream.indirect_vreg.gather [hbm4b:s9+s4], $0x80, v3, vm0, $0xb8;
	[tilespmem:$0x18200] =	vst v63  }
0x1d7: {  	s2 =	simm.s32 $0x2A00  }
0x1d8: {  	[tilespmem:s2], [sflag:$0x1] =	stream.indirect_vreg.gather [hbm4b:s10+s4], $0x80, v3, vm0, $0xb8;
	[tilespmem:$0x18200] =	vst v63  }
0x1d9: {  	v3 =	vld [tilespmem:s31+$0x30];
	_ =	sdelay $0x4  }
0x1da: {  	v61 =	vshrl.u32 v3, $0x3  }
0x1db: {  	v4 =	vmul.u32 $0x30, v61  }
0x1dc: {  	v3 =	vand.u32 $0x7, v3  }
0x1dd: {  	v3 =	vor.u32 v3, v4  }
0x1de: {  	v4 =	vperm.xlane v3, v0;
	_ =	sdelay $0x1  }
0x1df: {  	v4 =	vadd.s32 v1, v4;
	_ =	sdelay $0x3  }
0x1e0: {  	s2 =	simm.s32 $0x3200;
	v3 =	vperm.xlane v3, v2  }
0x1e1: {  	[tilespmem:s2], [sflag:$0x1] =	stream.indirect_vreg.gather [hbm4b:s3+s4], $0x80, v4, vm0, $0xb8;
	[tilespmem:$0x18200] =	vst v63  }
0x1e2: {  	v3 =	vadd.s32 v1, v3;
	s2 =	simm.s32 $0x3A00  }
0x1e3: {  	[tilespmem:s2], [sflag:$0x1] =	stream.indirect_vreg.gather [hbm4b:s9+s4], $0x80, v4, vm0, $0xb8;
	[tilespmem:$0x18200] =	vst v63  }
0x1e4: {  	s2 =	simm.s32 $0x4200  }
0x1e5: {  	[tilespmem:s2], [sflag:$0x1] =	stream.indirect_vreg.gather [hbm4b:s10+s4], $0x80, v4, vm0, $0xb8;
	[tilespmem:$0x18200] =	vst v63  }
0x1e6: {  	s2 =	simm.s32 $0x4A00  }
0x1e7: {  	[tilespmem:s2], [sflag:$0x1] =	stream.indirect_vreg.gather [hbm4b:s3+s4], $0x80, v3, vm0, $0xb8;
	[tilespmem:$0x18200] =	vst v63  }
0x1e8: {  	s2 =	simm.s32 $0x5200  }
0x1e9: {  	[tilespmem:s2], [sflag:$0x1] =	stream.indirect_vreg.gather [hbm4b:s9+s4], $0x80, v3, vm0, $0xb8;
	[tilespmem:$0x18200] =	vst v63  }
0x1ea: {  	s2 =	simm.s32 $0x5A00  }
0x1eb: {  	[tilespmem:s2], [sflag:$0x1] =	stream.indirect_vreg.gather [hbm4b:s10+s4], $0x80, v3, vm0, $0xb8;
	[tilespmem:$0x18200] =	vst v63  }
0x1ec: {  	v3 =	vld [tilespmem:s31+$0x40];
	_ =	sdelay $0x4  }
0x1ed: {  	v62 =	vshrl.u32 v3, $0x3  }
0x1ee: {  	v4 =	vmul.u32 $0x30, v62  }
0x1ef: {  	v3 =	vand.u32 $0x7, v3  }
0x1f0: {  	v3 =	vor.u32 v3, v4  }
0x1f1: {  	v4 =	vperm.xlane v3, v0;
	_ =	sdelay $0x1  }
0x1f2: {  	v4 =	vadd.s32 v1, v4;
	_ =	sdelay $0x3  }
0x1f3: {  	s2 =	simm.s32 $0x6200;
	v3 =	vperm.xlane v3, v2  }
0x1f4: {  	[tilespmem:s2], [sflag:$0x1] =	stream.indirect_vreg.gather [hbm4b:s3+s4], $0x80, v4, vm0, $0xb8;
	[tilespmem:$0x18200] =	vst v63  }
0x1f5: {  	v3 =	vadd.s32 v1, v3;
	s2 =	simm.s32 $0x6A00  }
0x1f6: {  	[tilespmem:s2], [sflag:$0x1] =	stream.indirect_vreg.gather [hbm4b:s9+s4], $0x80, v4, vm0, $0xb8;
	[tilespmem:$0x18200] =	vst v63  }
0x1f7: {  	s2 =	simm.s32 $0x7200  }
0x1f8: {  	[tilespmem:s2], [sflag:$0x1] =	stream.indirect_vreg.gather [hbm4b:s10+s4], $0x80, v4, vm0, $0xb8;
	[tilespmem:$0x18200] =	vst v63  }
0x1f9: {  	s2 =	simm.s32 $0x7A00  }
0x1fa: {  	[tilespmem:s2], [sflag:$0x1] =	stream.indirect_vreg.gather [hbm4b:s3+s4], $0x80, v3, vm0, $0xb8;
	[tilespmem:$0x18200] =	vst v63  }
0x1fb: {  	s2 =	simm.s32 $0x8200  }
0x1fc: {  	[tilespmem:s2], [sflag:$0x1] =	stream.indirect_vreg.gather [hbm4b:s9+s4], $0x80, v3, vm0, $0xb8;
	[tilespmem:$0x18200] =	vst v63  }
0x1fd: {  	s2 =	simm.s32 $0x8A00  }
0x1fe: {  	[tilespmem:s2], [sflag:$0x1] =	stream.indirect_vreg.gather [hbm4b:s10+s4], $0x80, v3, vm0, $0xb8;
	[tilespmem:$0x18200] =	vst v63  }
0x1ff: {  	v3 =	vld [tilespmem:s31+$0x50];
	_ =	sdelay $0x4  }
0x200: {  	v63 =	vshrl.u32 v3, $0x3  }
0x201: {  	v4 =	vmul.u32 $0x30, v63  }
0x202: {  	v3 =	vand.u32 $0x7, v3  }
0x203: {  	v3 =	vor.u32 v3, v4  }
0x204: {  	v4 =	vperm.xlane v3, v0;
	_ =	sdelay $0x1  }
0x205: {  	v4 =	vadd.s32 v1, v4;
	_ =	sdelay $0x3  }
0x206: {  	s2 =	simm.s32 $0x9200;
	v3 =	vperm.xlane v3, v2  }
0x207: {  	[tilespmem:s2], [sflag:$0x1] =	stream.indirect_vreg.gather [hbm4b:s3+s4], $0x80, v4, vm0, $0xb8;
	[tilespmem:$0x18200] =	vst v63  }
0x208: {  	v3 =	vadd.s32 v1, v3;
	s2 =	simm.s32 $0x9A00  }
0x209: {  	[tilespmem:s2], [sflag:$0x1] =	stream.indirect_vreg.gather [hbm4b:s9+s4], $0x80, v4, vm0, $0xb8;
	[tilespmem:$0x18200] =	vst v63  }
0x20a: {  	s2 =	simm.s32 $0xA200  }
0x20b: {  	[tilespmem:s2], [sflag:$0x1] =	stream.indirect_vreg.gather [hbm4b:s10+s4], $0x80, v4, vm0, $0xb8;
	[tilespmem:$0x18200] =	vst v63  }
0x20c: {  	s2 =	simm.s32 $0xAA00  }
0x20d: {  	[tilespmem:s2], [sflag:$0x1] =	stream.indirect_vreg.gather [hbm4b:s3+s4], $0x80, v3, vm0, $0xb8;
	[tilespmem:$0x18200] =	vst v63  }
.Ltmp9:
0x20e: {  	_ = 	snop;
	(pc) =	sbr.rel .LBB2_8-.Ltmp9, $4  }
0x20f: {  	s2 =	simm.s32 $0xB200  }
0x210: {  	[tilespmem:s2], [sflag:$0x1] =	stream.indirect_vreg.gather [hbm4b:s9+s4], $0x80, v3, vm0, $0xb8;
	[tilespmem:$0x18200] =	vst v63  }
0x211: {  	s2 =	simm.s32 $0xBA00  }
0x212: {  	[tilespmem:s2], [sflag:$0x1] =	stream.indirect_vreg.gather [hbm4b:s10+s4], $0x80, v3, vm0, $0xb8;
	[tilespmem:$0x18200] =	vst v63  }
.LBB2_10:
0x213: {  	_ =	sfence.sel $0x180000  }
0x214: {  	[bflag:$0x0] =	sbarrier.arrive $0xFFFF  }
0x215: {  	_ =	strace $0x90000050  }
0x216: {  	s0 =	stileid.u32;
	[bflag:$0x2] =	sbarrier.arrive $0xFFFF  }
0x217: {  	p0 =	sne.s32 s0, $0x0;
	s0 =	rddreg [dreg:$0x3]  }
0x218: {  	s0 =	sadd.s32 @!p0 $0x100000, s0  }
0x219: {  	[sflag:s0] =	ssyncadd.tile.s32 @!p0 $0x1;
	_ =	shalt  }
.Lfunc_end2:
_tile_overlayer_lowered:
.L_overlay_start_2:
0x21a: {  	(tag) =	ssettag $0x2  }
0x21b: {  	s0 =	rddreg [dreg:$0x0];
	s2 =	stileid.u32  }
0x21c: {  	s1 =	rddreg [dreg:$0x1];
	p0 =	sne.s32 s2, $0x0  }
0x21d: {  	s3 =	rddreg [dreg:$0x2];
	[bflag:$0x3] =	sbarrier.arrive $0xFFFF;
	s2 =	simm.s32 @!p0 $0x1C03  }
0x21e: {  	[timem:s3], [sflag:s2] =	dma.local @!p0 [hbm:s0], s1  }
0x21f: {  	s0 =	simm.s32 @!p0 $0x3  }
0x220: {  	_ =	swait.ge @!p0 [sflag:s0], s1  }
0x221: {  	s1 =	ssub.s32 @!p0 $0x0, s1;
	[sflag:s0] =	ssyncset.done @!p0 $0x0  }
0x222: {  	[sflag:s0] =	ssyncadd.s32 @!p0 s1  }
0x223: {  	[bflag:$0x3] =	sbarrier.arrive $0xFFFF  }
0x224: {  	_ =	shalt  }

// kernel: kernel.24.cloned.1.call-start
scs
__scs_entry_jumppad:
0x0: {  	(pc) =	sbr.rel $0x88, $3  }
0x1: {  	(tag) =	ssettag $0x0;
	lr =	simm.s32 $0x1  }
0x2: {  	[smem:$0x3F8F] =	sst lr;
	_ =	strace $0xD0000000  }
0x3: {  	_ = 	snop  }
0x4: {  	_ = 	snop  }
0x5: {  	_ = 	snop  }
0x6: {  	_ = 	snop  }
0x7: {  	_ = 	snop  }
__scs_overlays_trampoline_lowered:
0x8: {  	[smem:$0x3F9E] =	sst s0  }
0x9: {  	[smem:$0x3F9F] =	sst s1  }
0xa: {  	[smem:$0x3FA0] =	sst s2  }
0xb: {  	[smem:$0x3FA1] =	sst s3  }
0xc: {  	[smem:$0x3FA2] =	sst s4  }
0xd: {  	[smem:$0x3FA3] =	sst s5  }
0xe: {  	[smem:$0x3FA4] =	sst s6  }
0xf: {  	[smem:$0x3FA5] =	sst s7  }
0x10: {  	[smem:$0x3FA6] =	sst s8  }
0x11: {  	[smem:$0x3FA7] =	sst s9;
	s0 =	simm.s32 @!p0 $0x0  }
0x12: {  	s1 =	sld [smem:$0x3F8D];
	s0 =	simm.s32 @p0 $0x1  }
0x13: {  	[smem:$0x3FA8] =	sst s0;
	s0 =	simm.s32 @!p1 $0x0  }
0x14: {  	s2 =	sld [smem:$0x3F8C];
	s0 =	simm.s32 @p1 $0x1  }
0x15: {  	[smem:$0x3FA9] =	sst s0;
	s0 =	simm.s32 @!p2 $0x0  }
0x16: {  	s3 =	sld [smem:$0x3FDB];
	s0 =	simm.s32 @p2 $0x1  }
0x17: {  	s4 =	simm.s32 $0x1BF5;
	[smem:$0x3FAB] =	sst s0  }
0x18: {  	s0 =	sld [smem:$0x3F8E];
	_ =	swait.ge [sflag:s4], $0x0  }
0x19: {  	s7 =	sld [smem:$0x3F8F]  }
0x1a: {  	s8 =	sadd.s32 $0xFFFFE003, lr  }
0x1b: {  	s9 =	sadd.s32 $0xFFFFFEF7, lr;
	s5 =	simm.s32 $0xFFFFFFFF;
	p2 =	slt.u32 s8, $0xFFFFF086  }
0x1c: {  	p1 =	slt.u32 s9, $0xF7A;
	s5 =	simm.s32 @!p2 $0x0  }
0x1d: {  	s5 =	simm.s32 @p1 $0x1;
	p0 =	seq.s32 s7, s2  }
0x1e: {  	s7 =	smul.u32 @!p0 $0xF7A, s2;
	p2 =	seq.s32 @!p0 s5, $0x0  }
0x1f: {  	s9 =	smul.u32 $0xF7A, s1;
	s8 =	simm.s32 @!p0 $0x1BF5;
	p2 =	por !p2, p0  }
0x20: {  	[sflag:s8] =	ssyncset.s32 @!p0 $0xFFFFF086;
	s6 =	sadd.s32 @!p0 s3, s7;
	s7 =	simm.s32 @!p0 $0x108  }
0x21: {  	s3 =	sadd.s32 s3, s9;
	s6 =	sadd.s32 @!p0 $0x88, s6;
	s7 =	simm.s32 @p2 $0x1082  }
0x22: {  	[simem:s7], [sflag:s8] =	dma.local @!p0 [hbm:s6], $0xF7A  }
0x23: {  	s9 =	sor.u32 $0xD0000000, s2;
	s6 =	simm.s32 $0x108;
	_ =	swait.ge @!p0 [sflag:s8], $0x0  }
0x24: {  	s3 =	sadd.s32 $0x88, s3;
	s6 =	simm.s32 @!p1 $0x1082;
	[sflag:s4] =	ssyncset.s32 $0xFFFFF086  }
0x25: {  	[simem:s6], [sflag:s4] =	dma.local [hbm:s3], $0xF7A  }
0x26: {  	[smem:$0x3F8F] =	sst s1;
	(tag) =	ssettag s2;
	_ =	strace s9  }
0x27: {  	s1 =	sld [smem:$0x3F9F]  }
0x28: {  	s2 =	sld [smem:$0x3FA0]  }
0x29: {  	s4 =	sld [smem:$0x3FA2]  }
0x2a: {  	p0 =	seq.s32 s5, $0x0;
	s5 =	sld [smem:$0x3FA3]  }
0x2b: {  	s6 =	sld [smem:$0x3FA4]  }
0x2c: {  	s7 =	sld [smem:$0x3FA5]  }
0x2d: {  	s3 =	simm.s32 $0x108;
	s8 =	sld [smem:$0x3FA6]  }
0x2e: {  	s3 =	simm.s32 @!p0 $0x1082;
	s9 =	sld [smem:$0x3FA7]  }
0x2f: {  	lr =	sadd.s32 s0, s3;
	s0 =	sld [smem:$0x3F9E]  }
0x30: {  	s3 =	sld [smem:$0x3FA1]  }
0x31: {  	[smem:$0x3FAA] =	sst s10  }
0x32: {  	s10 =	sld [smem:$0x3FA8];
	_ =	sdelay $0x3  }
0x33: {  	p0 =	seq.s32 s10, $0x1;
	s10 =	sld [smem:$0x3FAA];
	_ =	sdelay $0x3  }
0x34: {  	[smem:$0x3FAA] =	sst s10  }
0x35: {  	s10 =	sld [smem:$0x3FA9];
	_ =	sdelay $0x3  }
0x36: {  	p1 =	seq.s32 s10, $0x1;
	s10 =	sld [smem:$0x3FAA];
	_ =	sdelay $0x3  }
0x37: {  	[smem:$0x3FAA] =	sst s10  }
0x38: {  	s10 =	sld [smem:$0x3FAB]  }
0x39: {  	_ = 	snop;
	(pc) =	sbr.ind lr, $3  }
0x3a: {  	_ = 	snop  }
0x3b: {  	_ = 	snop  }
0x3c: {  	p2 =	seq.s32 s10, $0x1;
	s10 =	sld [smem:$0x3FAA]  }
0x3d: {  	_ =	shalt  }
0x3e: {  	_ =	shalt  }
0x3f: {  	_ =	shalt  }
0x40: {  	_ =	shalt  }
0x41: {  	_ =	shalt  }
0x42: {  	_ =	shalt  }
0x43: {  	_ =	shalt  }
0x44: {  	_ =	shalt  }
0x45: {  	_ =	shalt  }
0x46: {  	_ =	shalt  }
0x47: {  	_ =	shalt  }
0x48: {  	_ =	shalt  }
0x49: {  	_ =	shalt  }
0x4a: {  	_ =	shalt  }
0x4b: {  	_ =	shalt  }
0x4c: {  	_ =	shalt  }
0x4d: {  	_ =	shalt  }
0x4e: {  	_ =	shalt  }
0x4f: {  	_ =	shalt  }
0x50: {  	_ =	shalt  }
0x51: {  	_ =	shalt  }
0x52: {  	_ =	shalt  }
0x53: {  	_ =	shalt  }
0x54: {  	_ =	shalt  }
0x55: {  	_ =	shalt  }
0x56: {  	_ =	shalt  }
0x57: {  	_ =	shalt  }
0x58: {  	_ =	shalt  }
0x59: {  	_ =	shalt  }
0x5a: {  	_ =	shalt  }
0x5b: {  	_ =	shalt  }
0x5c: {  	_ =	shalt  }
0x5d: {  	_ =	shalt  }
0x5e: {  	_ =	shalt  }
0x5f: {  	_ =	shalt  }
0x60: {  	_ =	shalt  }
0x61: {  	_ =	shalt  }
0x62: {  	_ =	shalt  }
0x63: {  	_ =	shalt  }
0x64: {  	_ =	shalt  }
0x65: {  	_ =	shalt  }
0x66: {  	_ =	shalt  }
0x67: {  	_ =	shalt  }
0x68: {  	_ =	shalt  }
0x69: {  	_ =	shalt  }
0x6a: {  	_ =	shalt  }
0x6b: {  	_ =	shalt  }
0x6c: {  	_ =	shalt  }
0x6d: {  	_ =	shalt  }
0x6e: {  	_ =	shalt  }
0x6f: {  	_ =	shalt  }
0x70: {  	_ =	shalt  }
0x71: {  	_ =	shalt  }
0x72: {  	_ =	shalt  }
0x73: {  	_ =	shalt  }
0x74: {  	_ =	shalt  }
0x75: {  	_ =	shalt  }
0x76: {  	_ =	shalt  }
0x77: {  	_ =	shalt  }
0x78: {  	_ =	shalt  }
0x79: {  	_ =	shalt  }
0x7a: {  	_ =	shalt  }
0x7b: {  	_ =	shalt  }
0x7c: {  	_ =	shalt  }
0x7d: {  	_ =	shalt  }
0x7e: {  	_ =	shalt  }
0x7f: {  	_ =	shalt  }
0x80: {  	_ =	shalt  }
0x81: {  	_ =	shalt  }
0x82: {  	_ =	shalt  }
0x83: {  	_ =	shalt  }
0x84: {  	_ =	shalt  }
0x85: {  	_ =	shalt  }
0x86: {  	_ =	shalt  }
0x87: {  	_ =	shalt  }
.Lfunc_end0:
.L_simem_size_0:
called_computation.4_lowered:
.L_overlay_start_0:
0x88: {  	s2 =	sld [smem:$0x3FD9]  }
0x89: {  	s3 =	sld [smem:$0x3FFE];
	_ =	sdelay $0x1  }
0x8a: {  	s1 =	srdreg.scid  }
0x8b: {  	s0 =	sand.u32 $0x1, s1  }
0x8c: {  	s17 =	sshll.u32 s0, $0xA;
	s2 =	sadd.s32 s3, s2  }
0x8d: {  	s2 =	sadd.s32 s2, s17  }
0x8e: {  	[smem:$0x3FB6] =	sst s2  }
0x8f: {  	_ = 	snop  }
0x90: {  	s4 =	sld [smem:$0x3FC4]  }
0x91: {  	s18 =	sld [smem:$0x3FC1];
	(tm) =	ssettm $0x1  }
0x92: {  	s19 =	sld [smem:$0x3FFB];
	_ =	sdelay $0x3  }
0x93: {  	_ =	strace s19  }
0x94: {  	s2 =	sld [smem:$0x3FFC];
	_ =	sdelay $0x3  }
0x95: {  	_ =	strace s2  }
0x96: {  	s2 =	sld [smem:$0x3FFD];
	_ =	sdelay $0x3  }
0x97: {  	_ =	strace s2  }
0x98: {  	_ =	strace $0x8FFFFFFF  }
0x99: {  	s20 =	sld [smem:$0x3FDB];
	_ =	sdelay $0x1  }
0x9a: {  	s5 =	simm.s32 $_scs_section_size  }
0x9b: {  	s6 =	simm.s32 $_size__tile_overlayer_lowered;
	s7 =	simm.s32 $_tile_overlayer_lowered  }
0x9c: {  	s8 =	simm.s32 $0x1BFF;
	s21 =	sshll.u32 s7, $0x1;
	s5 =	sadd.s32 s5, s20  }
0x9d: {  	s22 =	simm.s32 $0x0;
	s6 =	sshll.u32 s6, $0x1;
	s7 =	sadd.s32 s21, s5  }
0x9e: {  	[timem:s22], [sflag:s8] =	dma.local [hbm:s7], s6  }
0x9f: {  	_ =	swait.ge [sflag:s8], s6  }
0xa0: {  	s6 =	ssub.s32 $0x0, s6;
	[sflag:s8] =	ssyncset.done $0x0  }
0xa1: {  	[sflag:s8] =	ssyncadd.s32 s6;
	_ =	sdelay $0x1  }
0xa2: {  	s23 =	simm.s32 $0x1B8B  }
0xa3: {  	_ =	swait.ge [sflag:s23], $0x1  }
0xa4: {  	[sflag:s23] =	ssyncset.done $0x0  }
0xa5: {  	[sflag:s23] =	ssyncadd.s32 $0xFFFFFFFF  }
0xa6: {  	s6 =	sld [smem:$0x0]  }
0xa7: {  	s7 =	sand.u32 $0xFFFFFFFE, s1  }
0xa8: {  	p0 =	sne.s32 s1, s7  }
0xa9: {  	s7 =	sshll.u32 @p0 s7, $0xE  }
0xaa: {  	s7 =	sadd.s32 @p0 $0x11B8D, s7;
	s8 =	sshll.u32 @p0 s6, $0x11  }
0xab: {  	s7 =	sor.u32 @p0 s8, s7  }
0xac: {  	[sflag:s7] =	ssyncadd.remote.s32 @p0 $0x1;
	_ =	sdelay $0x1  }
0xad: {  	s7 =	simm.s32 @p0 $0x1B8D  }
0xae: {  	_ =	swait.eq @p0 [sflag:s7], $0x1  }
0xaf: {  	[sflag:s7] =	ssyncadd.s32 @p0 $0xFFFFFFFF  }
0xb0: {  	s8 =	sshll.u32 @!p0 s1, $0xE  }
0xb1: {  	s8 =	sor.u32 @!p0 $0x4000, s8;
	s7 =	simm.s32 @!p0 $0x1B8D  }
0xb2: {  	s6 =	sshll.u32 @!p0 s6, $0x11;
	s8 =	sadd.s32 @!p0 $0x11B8D, s8;
	_ =	swait.eq @!p0 [sflag:s7], $0x1  }
0xb3: {  	s6 =	sor.u32 @!p0 s6, s8;
	[sflag:s7] =	ssyncadd.s32 @!p0 $0xFFFFFFFF  }
0xb4: {  	s25 =	simm.s32 $0x1B8E;
	s24 =	sld [smem:$0x3FFE];
	[sflag:s6] =	ssyncadd.remote.s32 @!p0 $0x1  }
0xb5: {  	s26 =	simm.s32 $execute0_lowered;
	[smem:$0x3FD2] =	sst s25  }
0xb6: {  	s7 =	sshll.u32 s26, $0x1;
	_ =	strace $0x80000052;
	[dreg:$0x1] =	wrdreg $0xFFFFFFFF  }
0xb7: {  	s28 =	simm.s32 $_size_execute0_lowered;
	s5 =	sadd.s32 s5, s7;
	[dreg:$0x0] =	wrdreg $0x0  }
0xb8: {  	s7 =	sshll.u32 s28, $0x1;
	[dreg:$0x2] =	wrdreg s5  }
0xb9: {  	[dreg:$0x3] =	wrdreg s7  }
0xba: {  	[dreg:$0x4] =	wrdreg $0xC0  }
0xbb: {  	_ =	task [dreg:s22], $0x5FFFF  }
0xbc: {  	[dreg:$0x1] =	wrdreg $0xFFFFFFFF  }
0xbd: {  	[dreg:$0x0] =	wrdreg $0x60  }
0xbe: {  	[dreg:$0x2] =	wrdreg s4  }
0xbf: {  	[dreg:$0x3] =	wrdreg s24  }
0xc0: {  	[dreg:$0x4] =	wrdreg s18  }
0xc1: {  	[dreg:$0x5] =	wrdreg $0xD  }
0xc2: {  	_ =	task.clear_ibuf [dreg:s22], $0x6FFFF;
	_ =	strace $0x90000052  }
0xc3: {  	s29 =	simm.s32 $0xD;
	_ =	strace $0x80000054  }
0xc4: {  	_ =	swait.ge [sflag:s29], $0x1  }
0xc5: {  	[sflag:s29] =	ssyncadd.s32 $0xFFFFFFFF  }
0xc6: {  	_ =	strace $0x90000054  }
0xc7: {  	_ =	sfence  }
0xc8: {  	s30 =	sld [smem:$0x0];
	_ =	sdelay $0x2  }
0xc9: {  	s31 =	sshll.u32 s1, $0xD;
	s1 =	sshrl.u32 s1, $0x2  }
0xca: {  	s4 =	sand.u32 $0x4000, s31;
	s1 =	sadd.s32 s1, s30  }
0xcb: {  	s0 =	sor.u32 s4, s0;
	s1 =	sshll.u32 s1, $0x11  }
0xcc: {  	s0 =	sor.u32 s1, s0  }
0xcd: {  	s0 =	sadd.s32 $0x8F2B, s0  }
0xce: {  	[sflag:s0] =	ssyncadd.remote.s32 $0x1  }
0xcf: {  	_ =	sfence.sel $0xFFFF  }
0xd0: {  	[dreg:$0x0] =	wrdreg $0xFFFFFFFF;
	(pc) =	sbr.abs _section_cstart, $3  }
0xd1: {  	[dreg:$0x1] =	wrdreg $0xFFFFFFFF  }
0xd2: {  	_ =	task.clear_ibuf [dreg:s22], $0x2FFFF;
	_ =	strace $0x9FFFFFFF  }
0xd3: {  	(tm) =	ssettm $0x7FFFFFFF  }
tec
execute0_lowered:
.L_overlay_start_1:
0x0: {  	(tag) =	ssettag $0x1  }
0x1: {  	s1 =	rddreg [dreg:$0x0];
	s0 =	srdreg.scid  }
0x2: {  	s2 =	rddreg [dreg:$0x1];
	s4 =	stileid.u32  }
0x3: {  	s3 =	rddreg [dreg:$0x2];
	s16 =	simm.s32 $0x3;
	s17 =	simm.s32 $0x200  }
0x4: {  	s18 =	simm.s32 $0x12A00;
	s19 =	simm.s32 $0x13200;
	s20 =	simm.s32 $0x13A00  }
0x5: {  	s21 =	simm.s32 $0x14200;
	s12 =	simm.s32 $0x15200;
	s13 =	simm.s32 $0x15A00  }
0x6: {  	s14 =	simm.s32 $0x16200;
	s15 =	simm.s32 $0x16A00;
	s28 =	simm.s32 $0x4  }
0x7: {  	s29 =	simm.s32 $0x2;
	s30 =	simm.s32 $0x0;
	s0 =	sand.u32 $0x1, s0  }
0x8: {  	s5 =	sshll.u32 s4, $0xA;
	s4 =	simm.s32 $0x0;
	s11 =	sadd.s32 $0x909400, s2  }
0x9: {  	s7 =	sadd.s32 $0x200, s1;
	s10 =	sadd.s32 $0x200, s3;
	s6 =	sshll.u32 s0, $0x9  }
0xa: {  	[smem:$0x7FF] =	sst s4;
	s0 =	ssub.s32 $0x2, s0;
	s5 =	sor.u32 s6, s5  }
0xb: {  	_ =	strace $0x80000053;
	s22 =	sshrl.u32 s0, $0x1;
	s6 =	sadd.s32 $0x100, s1  }
0xc: {  	s8 =	sshrl.u32 s5, $0x3;
	s5 =	sor.u32 $0x40, s5;
	s0 =	ssub.s32 s0, s22  }
0xd: {  	s22 =	simm.s32 $0x14A00;
	s9 =	sadd.s32 s8, s2;
	s2 =	sadd.s32 $0xA89400, s2  }
0xe: {  	s5 =	sshrl.u32 s5, $0x3;
	s8 =	smul.u32 $0x300, s8;
	s0 =	smax.u32 s0, $0x1  }
0xf: {  	s23 =	sadd.s32 $0x6C00, s9;
	s5 =	smul.u32 $0x300, s5;
	[dreg:$0x6] =	wrdreg s0  }
0x10: {  	s9 =	sadd.s32 $0x8C00, s9;
	s0 =	simm.s32 $0x10A00;
	[dreg:$0x4] =	wrdreg s23  }
0x11: {  	[dreg:$0x5] =	wrdreg s9;
	s9 =	sadd.s32 $0x100, s3;
	s25 =	sadd.s32 s8, s11  }
.Ltmp0:
0x12: {  	s31 =	sadd.s32 s8, s2;
	s23 =	simm.s32 $0xC200;
	(pc) =	sbr.rel .LBB2_1-.Ltmp0, $4  }
0x13: {  	s8 =	simm.s32 $0x11A00;
	s24 =	sadd.s32 s5, s11;
	[dreg:$0x8] =	wrdreg s25  }
0x14: {  	v2 =	vlaneseq.u32;
	s26 =	sadd.s32 s5, s2;
	[dreg:$0xa] =	wrdreg s31;
	s5 =	simm.s32 $0x11200  }
0x15: {  	vm0 =	vmmov $0xffff;
	v1 =	vshrl.u32 v2, $0x3;
	s11 =	simm.s32 $0x12200;
	s25 =	simm.s32 $0x17A00;
	[dreg:$0x7] =	wrdreg s24  }
0x16: {  	v0 =	vand.u32 $0x7, v2;
	v2 =	vor.u32 $0x8, v2;
	v1 =	vmul.u32 $0x8, v1;
	[dreg:$0x9] =	wrdreg s26;
	s24 =	simm.s32 $0x17200;
	s26 =	simm.s32 $0x1  }
.LBB2_9:
0x17: {  	s30 =	rddreg [dreg:$0xb]  }
0x18: {  	s2 =	rddreg [dreg:$0x6];
	s30 =	sadd.s32 $0x1, s30  }
0x19: {  	p0 =	sne.s32 s30, s2  }
.Ltmp1:
0x1a: {  	_ = 	snop;
	(pc) =	sbr.rel @!p0 .LBB2_10-.Ltmp1, $1  }
0x1b: {  	_ =	sdelay $0x3  }
.LBB2_1:
0x1c: {  	[dreg:$0xb] =	wrdreg s30  }
0x1d: {  	s2 =	rddreg [dreg:$0x4]  }
0x1e: {  	[tilespmem:s4], [sflag:$0x3] =	stream.linear.gather [hbm4b:s2+s4], $0x200, $0x38;
	[tilespmem:$0x18200] =	vst v63  }
0x1f: {  	_ =	swait.ge [sflag:s16], $0x200  }
0x20: {  	[sflag:s16] =	ssyncset.done $0x0  }
0x21: {  	[sflag:s16] =	ssyncadd.s32 $0xFFFFFE00  }
0x22: {  	v3 =	vld [tilespmem:$0x0];
	_ =	sdelay $0x4  }
0x23: {  	v4 =	vshrl.u32 v3, $0x3  }
0x24: {  	v4 =	vmul.u32 $0x30, v4  }
0x25: {  	v3 =	vand.u32 $0x7, v3  }
0x26: {  	v3 =	vor.u32 v3, v4  }
0x27: {  	v4 =	vperm.xlane v3, v0;
	_ =	sdelay $0x1  }
0x28: {  	v4 =	vadd.s32 v1, v4;
	_ =	sdelay $0x3  }
0x29: {  	v3 =	vperm.xlane v3, v2  }
0x2a: {  	[tilespmem:s17], [sflag:$0x1] =	stream.indirect_vreg.gather [hbm4b:s1+s4], $0x80, v4, vm0, $0xb8;
	[tilespmem:$0x18200] =	vst v63  }
0x2b: {  	s2 =	simm.s32 $0xA00;
	v3 =	vadd.s32 v1, v3  }
0x2c: {  	[tilespmem:s2], [sflag:$0x1] =	stream.indirect_vreg.gather [hbm4b:s6+s4], $0x80, v4, vm0, $0xb8;
	[tilespmem:$0x18200] =	vst v63  }
0x2d: {  	s2 =	simm.s32 $0x1200  }
0x2e: {  	[tilespmem:s2], [sflag:$0x1] =	stream.indirect_vreg.gather [hbm4b:s7+s4], $0x80, v4, vm0, $0xb8;
	[tilespmem:$0x18200] =	vst v63  }
0x2f: {  	s2 =	simm.s32 $0x1A00  }
0x30: {  	[tilespmem:s2], [sflag:$0x1] =	stream.indirect_vreg.gather [hbm4b:s1+s4], $0x80, v3, vm0, $0xb8;
	[tilespmem:$0x18200] =	vst v63  }
0x31: {  	s2 =	simm.s32 $0x2200  }
0x32: {  	[tilespmem:s2], [sflag:$0x1] =	stream.indirect_vreg.gather [hbm4b:s6+s4], $0x80, v3, vm0, $0xb8;
	[tilespmem:$0x18200] =	vst v63  }
0x33: {  	s2 =	simm.s32 $0x2A00  }
0x34: {  	[tilespmem:s2], [sflag:$0x1] =	stream.indirect_vreg.gather [hbm4b:s7+s4], $0x80, v3, vm0, $0xb8;
	[tilespmem:$0x18200] =	vst v63  }
0x35: {  	v3 =	vld [tilespmem:$0x10];
	_ =	sdelay $0x4  }
0x36: {  	v61 =	vshrl.u32 v3, $0x3  }
0x37: {  	v4 =	vmul.u32 $0x30, v61  }
0x38: {  	v3 =	vand.u32 $0x7, v3  }
0x39: {  	v3 =	vor.u32 v3, v4  }
0x3a: {  	v4 =	vperm.xlane v3, v0;
	_ =	sdelay $0x1  }
0x3b: {  	v4 =	vadd.s32 v1, v4;
	_ =	sdelay $0x3  }
0x3c: {  	s2 =	simm.s32 $0x3200;
	v3 =	vperm.xlane v3, v2  }
0x3d: {  	[tilespmem:s2], [sflag:$0x1] =	stream.indirect_vreg.gather [hbm4b:s1+s4], $0x80, v4, vm0, $0xb8;
	[tilespmem:$0x18200] =	vst v63  }
0x3e: {  	v3 =	vadd.s32 v1, v3;
	s2 =	simm.s32 $0x3A00  }
0x3f: {  	[tilespmem:s2], [sflag:$0x1] =	stream.indirect_vreg.gather [hbm4b:s6+s4], $0x80, v4, vm0, $0xb8;
	[tilespmem:$0x18200] =	vst v63  }
0x40: {  	s2 =	simm.s32 $0x4200  }
0x41: {  	[tilespmem:s2], [sflag:$0x1] =	stream.indirect_vreg.gather [hbm4b:s7+s4], $0x80, v4, vm0, $0xb8;
	[tilespmem:$0x18200] =	vst v63  }
0x42: {  	s2 =	simm.s32 $0x4A00  }
0x43: {  	[tilespmem:s2], [sflag:$0x1] =	stream.indirect_vreg.gather [hbm4b:s1+s4], $0x80, v3, vm0, $0xb8;
	[tilespmem:$0x18200] =	vst v63  }
0x44: {  	s2 =	simm.s32 $0x5200  }
0x45: {  	[tilespmem:s2], [sflag:$0x1] =	stream.indirect_vreg.gather [hbm4b:s6+s4], $0x80, v3, vm0, $0xb8;
	[tilespmem:$0x18200] =	vst v63  }
0x46: {  	s2 =	simm.s32 $0x5A00  }
0x47: {  	[tilespmem:s2], [sflag:$0x1] =	stream.indirect_vreg.gather [hbm4b:s7+s4], $0x80, v3, vm0, $0xb8;
	[tilespmem:$0x18200] =	vst v63  }
0x48: {  	v3 =	vld [tilespmem:$0x20];
	_ =	sdelay $0x4  }
0x49: {  	v62 =	vshrl.u32 v3, $0x3  }
0x4a: {  	v4 =	vmul.u32 $0x30, v62  }
0x4b: {  	v3 =	vand.u32 $0x7, v3  }
0x4c: {  	v3 =	vor.u32 v3, v4  }
0x4d: {  	v4 =	vperm.xlane v3, v0;
	_ =	sdelay $0x1  }
0x4e: {  	v4 =	vadd.s32 v1, v4;
	_ =	sdelay $0x3  }
0x4f: {  	s2 =	simm.s32 $0x6200;
	v3 =	vperm.xlane v3, v2  }
0x50: {  	[tilespmem:s2], [sflag:$0x1] =	stream.indirect_vreg.gather [hbm4b:s1+s4], $0x80, v4, vm0, $0xb8;
	[tilespmem:$0x18200] =	vst v63  }
0x51: {  	v3 =	vadd.s32 v1, v3;
	s2 =	simm.s32 $0x6A00  }
0x52: {  	[tilespmem:s2], [sflag:$0x1] =	stream.indirect_vreg.gather [hbm4b:s6+s4], $0x80, v4, vm0, $0xb8;
	[tilespmem:$0x18200] =	vst v63  }
0x53: {  	s2 =	simm.s32 $0x7200  }
0x54: {  	[tilespmem:s2], [sflag:$0x1] =	stream.indirect_vreg.gather [hbm4b:s7+s4], $0x80, v4, vm0, $0xb8;
	[tilespmem:$0x18200] =	vst v63  }
0x55: {  	s2 =	simm.s32 $0x7A00  }
0x56: {  	[tilespmem:s2], [sflag:$0x1] =	stream.indirect_vreg.gather [hbm4b:s1+s4], $0x80, v3, vm0, $0xb8;
	[tilespmem:$0x18200] =	vst v63  }
0x57: {  	s2 =	simm.s32 $0x8200  }
0x58: {  	[tilespmem:s2], [sflag:$0x1] =	stream.indirect_vreg.gather [hbm4b:s6+s4], $0x80, v3, vm0, $0xb8;
	[tilespmem:$0x18200] =	vst v63  }
0x59: {  	s2 =	simm.s32 $0x8A00  }
0x5a: {  	[tilespmem:s2], [sflag:$0x1] =	stream.indirect_vreg.gather [hbm4b:s7+s4], $0x80, v3, vm0, $0xb8;
	[tilespmem:$0x18200] =	vst v63  }
0x5b: {  	v3 =	vld [tilespmem:$0x30];
	_ =	sdelay $0x4  }
0x5c: {  	v63 =	vshrl.u32 v3, $0x3  }
0x5d: {  	v4 =	vmul.u32 $0x30, v63  }
0x5e: {  	v3 =	vand.u32 $0x7, v3  }
0x5f: {  	v3 =	vor.u32 v3, v4  }
0x60: {  	v4 =	vperm.xlane v3, v0;
	_ =	sdelay $0x1  }
0x61: {  	v4 =	vadd.s32 v1, v4;
	_ =	sdelay $0x3  }
0x62: {  	s2 =	simm.s32 $0x9200;
	v3 =	vperm.xlane v3, v2  }
0x63: {  	[tilespmem:s2], [sflag:$0x1] =	stream.indirect_vreg.gather [hbm4b:s1+s4], $0x80, v4, vm0, $0xb8;
	[tilespmem:$0x18200] =	vst v63  }
0x64: {  	v3 =	vadd.s32 v1, v3;
	s2 =	simm.s32 $0x9A00  }
0x65: {  	[tilespmem:s2], [sflag:$0x1] =	stream.indirect_vreg.gather [hbm4b:s6+s4], $0x80, v4, vm0, $0xb8;
	[tilespmem:$0x18200] =	vst v63  }
0x66: {  	s2 =	simm.s32 $0xA200  }
0x67: {  	[tilespmem:s2], [sflag:$0x1] =	stream.indirect_vreg.gather [hbm4b:s7+s4], $0x80, v4, vm0, $0xb8;
	[tilespmem:$0x18200] =	vst v63  }
0x68: {  	s2 =	simm.s32 $0xAA00  }
0x69: {  	[tilespmem:s2], [sflag:$0x1] =	stream.indirect_vreg.gather [hbm4b:s1+s4], $0x80, v3, vm0, $0xb8;
	[tilespmem:$0x18200] =	vst v63  }
.Ltmp2:
0x6a: {  	_ = 	snop;
	(pc) =	sbr.rel .LBB2_2-.Ltmp2, $4  }
0x6b: {  	s2 =	simm.s32 $0xB200  }
0x6c: {  	[tilespmem:s2], [sflag:$0x1] =	stream.indirect_vreg.gather [hbm4b:s6+s4], $0x80, v3, vm0, $0xb8;
	[tilespmem:$0x18200] =	vst v63  }
0x6d: {  	s30 =	simm.s32 $0x60;
	s31 =	simm.s32 $0x0;
	s2 =	simm.s32 $0xBA00  }
0x6e: {  	[tilespmem:s2], [sflag:$0x1] =	stream.indirect_vreg.gather [hbm4b:s7+s4], $0x80, v3, vm0, $0xb8;
	[tilespmem:$0x18200] =	vst v63  }
.LBB2_4:
0x6f: {  	_ =	swait.ge [sflag:s29], $0xC000  }
0x70: {  	s2 =	rddreg [dreg:$0x7]  }
0x71: {  	s2 =	sadd.s32 s31, s2;
	s31 =	sadd.s32 $0x3000, s31  }
0x72: {  	[sflag:s29] =	ssyncset.done $0x0;
	p0 =	sne.s32 s31, $0xC000  }
.Ltmp3:
0x73: {  	[sflag:s29] =	ssyncadd.s32 $0xFFFF4000;
	(pc) =	sbr.rel @!p0 .LBB2_5-.Ltmp3, $4  }
0x74: {  	[hbm4b:s2+s4] =	stream.linear.scatter [tilespmem:s23], [sflag:$0x3], $0xC000, $0x38;
	[tilespmem:$0x18200] =	vst v63  }
0x75: {  	_ =	swait.ge [sflag:s16], $0xC000  }
0x76: {  	[sflag:s16] =	ssyncset.done $0x0  }
0x77: {  	s30 =	sadd.s32 $0x80, s30;
	[sflag:s16] =	ssyncadd.s32 $0xFFFF4000  }
.LBB2_2:
0x78: {  	v3 =	vld [tilespmem:s30+$0xFFFFFFE0];
	_ =	sdelay $0x4  }
0x79: {  	v4 =	vshrl.u32 v3, $0x3  }
0x7a: {  	v4 =	vmul.u32 $0x30, v4  }
0x7b: {  	v3 =	vand.u32 $0x7, v3  }
0x7c: {  	v3 =	vor.u32 v3, v4  }
0x7d: {  	v4 =	vperm.xlane v3, v0;
	_ =	sdelay $0x1  }
0x7e: {  	v4 =	vadd.s32 v1, v4;
	_ =	sdelay $0x3  }
0x7f: {  	v3 =	vperm.xlane v3, v2  }
0x80: {  	[tilespmem:s23], [sflag:$0x2] =	stream.indirect_vreg.gather [hbm4b:s1+s4], $0x80, v4, vm0, $0xb8;
	[tilespmem:$0x18200] =	vst v63  }
0x81: {  	s2 =	simm.s32 $0xCA00;
	v3 =	vadd.s32 v1, v3  }
0x82: {  	[tilespmem:s2], [sflag:$0x2] =	stream.indirect_vreg.gather [hbm4b:s6+s4], $0x80, v4, vm0, $0xb8;
	[tilespmem:$0x18200] =	vst v63  }
0x83: {  	s2 =	simm.s32 $0xD200  }
0x84: {  	[tilespmem:s2], [sflag:$0x2] =	stream.indirect_vreg.gather [hbm4b:s7+s4], $0x80, v4, vm0, $0xb8;
	[tilespmem:$0x18200] =	vst v63  }
0x85: {  	s2 =	simm.s32 $0xDA00  }
0x86: {  	[tilespmem:s2], [sflag:$0x2] =	stream.indirect_vreg.gather [hbm4b:s1+s4], $0x80, v3, vm0, $0xb8;
	[tilespmem:$0x18200] =	vst v63  }
0x87: {  	s2 =	simm.s32 $0xE200  }
0x88: {  	[tilespmem:s2], [sflag:$0x2] =	stream.indirect_vreg.gather [hbm4b:s6+s4], $0x80, v3, vm0, $0xb8;
	[tilespmem:$0x18200] =	vst v63  }
0x89: {  	s2 =	simm.s32 $0xEA00  }
0x8a: {  	[tilespmem:s2], [sflag:$0x2] =	stream.indirect_vreg.gather [hbm4b:s7+s4], $0x80, v3, vm0, $0xb8;
	[tilespmem:$0x18200] =	vst v63  }
0x8b: {  	v3 =	vld [tilespmem:s30+$0xFFFFFFF0];
	_ =	sdelay $0x4  }
0x8c: {  	v61 =	vshrl.u32 v3, $0x3  }
0x8d: {  	v4 =	vmul.u32 $0x30, v61  }
0x8e: {  	v3 =	vand.u32 $0x7, v3  }
0x8f: {  	v3 =	vor.u32 v3, v4  }
0x90: {  	v4 =	vperm.xlane v3, v0;
	_ =	sdelay $0x1  }
0x91: {  	v4 =	vadd.s32 v1, v4;
	_ =	sdelay $0x3  }
0x92: {  	s2 =	simm.s32 $0xF200;
	v3 =	vperm.xlane v3, v2  }
0x93: {  	[tilespmem:s2], [sflag:$0x2] =	stream.indirect_vreg.gather [hbm4b:s1+s4], $0x80, v4, vm0, $0xb8;
	[tilespmem:$0x18200] =	vst v63  }
0x94: {  	v3 =	vadd.s32 v1, v3;
	s2 =	simm.s32 $0xFA00  }
0x95: {  	[tilespmem:s2], [sflag:$0x2] =	stream.indirect_vreg.gather [hbm4b:s6+s4], $0x80, v4, vm0, $0xb8;
	[tilespmem:$0x18200] =	vst v63  }
0x96: {  	s2 =	simm.s32 $0x10200  }
0x97: {  	[tilespmem:s2], [sflag:$0x2] =	stream.indirect_vreg.gather [hbm4b:s7+s4], $0x80, v4, vm0, $0xb8;
	[tilespmem:$0x18200] =	vst v63  }
0x98: {  	_ = 	snop  }
0x99: {  	[tilespmem:s0], [sflag:$0x2] =	stream.indirect_vreg.gather [hbm4b:s1+s4], $0x80, v3, vm0, $0xb8;
	[tilespmem:$0x18200] =	vst v63  }
0x9a: {  	_ = 	snop  }
0x9b: {  	[tilespmem:s5], [sflag:$0x2] =	stream.indirect_vreg.gather [hbm4b:s6+s4], $0x80, v3, vm0, $0xb8;
	[tilespmem:$0x18200] =	vst v63  }
0x9c: {  	_ = 	snop  }
0x9d: {  	[tilespmem:s8], [sflag:$0x2] =	stream.indirect_vreg.gather [hbm4b:s7+s4], $0x80, v3, vm0, $0xb8;
	[tilespmem:$0x18200] =	vst v63  }
0x9e: {  	v3 =	vld [tilespmem:s30+$0x0];
	_ =	sdelay $0x4  }
0x9f: {  	v62 =	vshrl.u32 v3, $0x3  }
0xa0: {  	v4 =	vmul.u32 $0x30, v62  }
0xa1: {  	v3 =	vand.u32 $0x7, v3  }
0xa2: {  	v3 =	vor.u32 v3, v4  }
0xa3: {  	v4 =	vperm.xlane v3, v0;
	_ =	sdelay $0x1  }
0xa4: {  	v4 =	vadd.s32 v1, v4;
	_ =	sdelay $0x3  }
0xa5: {  	v3 =	vperm.xlane v3, v2  }
0xa6: {  	[tilespmem:s11], [sflag:$0x2] =	stream.indirect_vreg.gather [hbm4b:s1+s4], $0x80, v4, vm0, $0xb8;
	[tilespmem:$0x18200] =	vst v63  }
0xa7: {  	v3 =	vadd.s32 v1, v3  }
0xa8: {  	[tilespmem:s18], [sflag:$0x2] =	stream.indirect_vreg.gather [hbm4b:s6+s4], $0x80, v4, vm0, $0xb8;
	[tilespmem:$0x18200] =	vst v63  }
0xa9: {  	_ = 	snop  }
0xaa: {  	[tilespmem:s19], [sflag:$0x2] =	stream.indirect_vreg.gather [hbm4b:s7+s4], $0x80, v4, vm0, $0xb8;
	[tilespmem:$0x18200] =	vst v63  }
0xab: {  	_ = 	snop  }
0xac: {  	[tilespmem:s20], [sflag:$0x2] =	stream.indirect_vreg.gather [hbm4b:s1+s4], $0x80, v3, vm0, $0xb8;
	[tilespmem:$0x18200] =	vst v63  }
0xad: {  	_ = 	snop  }
0xae: {  	[tilespmem:s21], [sflag:$0x2] =	stream.indirect_vreg.gather [hbm4b:s6+s4], $0x80, v3, vm0, $0xb8;
	[tilespmem:$0x18200] =	vst v63  }
0xaf: {  	_ = 	snop  }
0xb0: {  	[tilespmem:s22], [sflag:$0x2] =	stream.indirect_vreg.gather [hbm4b:s7+s4], $0x80, v3, vm0, $0xb8;
	[tilespmem:$0x18200] =	vst v63  }
0xb1: {  	v3 =	vld [tilespmem:s30+$0x10];
	_ =	sdelay $0x4  }
0xb2: {  	v63 =	vshrl.u32 v3, $0x3  }
0xb3: {  	v4 =	vmul.u32 $0x30, v63  }
0xb4: {  	v3 =	vand.u32 $0x7, v3  }
0xb5: {  	v3 =	vor.u32 v3, v4  }
0xb6: {  	v4 =	vperm.xlane v3, v0;
	_ =	sdelay $0x1  }
0xb7: {  	v4 =	vadd.s32 v1, v4;
	_ =	sdelay $0x3  }
0xb8: {  	v3 =	vperm.xlane v3, v2  }
0xb9: {  	[tilespmem:s12], [sflag:$0x2] =	stream.indirect_vreg.gather [hbm4b:s1+s4], $0x80, v4, vm0, $0xb8;
	[tilespmem:$0x18200] =	vst v63  }
0xba: {  	v3 =	vadd.s32 v1, v3  }
0xbb: {  	[tilespmem:s13], [sflag:$0x2] =	stream.indirect_vreg.gather [hbm4b:s6+s4], $0x80, v4, vm0, $0xb8;
	[tilespmem:$0x18200] =	vst v63  }
0xbc: {  	_ = 	snop  }
0xbd: {  	[tilespmem:s14], [sflag:$0x2] =	stream.indirect_vreg.gather [hbm4b:s7+s4], $0x80, v4, vm0, $0xb8;
	[tilespmem:$0x18200] =	vst v63  }
0xbe: {  	_ = 	snop  }
0xbf: {  	[tilespmem:s15], [sflag:$0x2] =	stream.indirect_vreg.gather [hbm4b:s1+s4], $0x80, v3, vm0, $0xb8;
	[tilespmem:$0x18200] =	vst v63  }
0xc0: {  	_ = 	snop  }
0xc1: {  	[tilespmem:s24], [sflag:$0x2] =	stream.indirect_vreg.gather [hbm4b:s6+s4], $0x80, v3, vm0, $0xb8;
	[tilespmem:$0x18200] =	vst v63  }
0xc2: {  	_ = 	snop  }
0xc3: {  	[tilespmem:s25], [sflag:$0x2] =	stream.indirect_vreg.gather [hbm4b:s7+s4], $0x80, v3, vm0, $0xb8;
	[tilespmem:$0x18200] =	vst v63  }
0xc4: {  	_ =	swait.ge [sflag:s26], $0xC000  }
0xc5: {  	p0 =	seq.s32 s31, $0x9000;
	[sflag:s26] =	ssyncset.done $0x0;
	s2 =	rddreg [dreg:$0x8]  }
.Ltmp4:
0xc6: {  	[sflag:s26] =	ssyncadd.s32 $0xFFFF4000;
	s2 =	sadd.s32 s31, s2;
	(pc) =	sbr.rel @p0 .LBB2_4-.Ltmp4, $4  }
0xc7: {  	[hbm4b:s2+s4] =	stream.linear.scatter [tilespmem:s17], [sflag:$0x4], $0xC000, $0x38;
	[tilespmem:$0x18200] =	vst v63  }
0xc8: {  	_ =	swait.ge [sflag:s28], $0xC000  }
0xc9: {  	[sflag:s28] =	ssyncset.done $0x0  }
0xca: {  	[sflag:s28] =	ssyncadd.s32 $0xFFFF4000  }
0xcb: {  	v3 =	vld [tilespmem:s30+$0x20];
	_ =	sdelay $0x4  }
0xcc: {  	v4 =	vshrl.u32 v3, $0x3  }
0xcd: {  	v4 =	vmul.u32 $0x30, v4  }
0xce: {  	v3 =	vand.u32 $0x7, v3  }
0xcf: {  	v3 =	vor.u32 v3, v4  }
0xd0: {  	v4 =	vperm.xlane v3, v0;
	_ =	sdelay $0x1  }
0xd1: {  	v4 =	vadd.s32 v1, v4;
	_ =	sdelay $0x3  }
0xd2: {  	v3 =	vperm.xlane v3, v2  }
0xd3: {  	[tilespmem:s17], [sflag:$0x1] =	stream.indirect_vreg.gather [hbm4b:s1+s4], $0x80, v4, vm0, $0xb8;
	[tilespmem:$0x18200] =	vst v63  }
0xd4: {  	s2 =	simm.s32 $0xA00;
	v3 =	vadd.s32 v1, v3  }
0xd5: {  	[tilespmem:s2], [sflag:$0x1] =	stream.indirect_vreg.gather [hbm4b:s6+s4], $0x80, v4, vm0, $0xb8;
	[tilespmem:$0x18200] =	vst v63  }
0xd6: {  	s2 =	simm.s32 $0x1200  }
0xd7: {  	[tilespmem:s2], [sflag:$0x1] =	stream.indirect_vreg.gather [hbm4b:s7+s4], $0x80, v4, vm0, $0xb8;
	[tilespmem:$0x18200] =	vst v63  }
0xd8: {  	s2 =	simm.s32 $0x1A00  }
0xd9: {  	[tilespmem:s2], [sflag:$0x1] =	stream.indirect_vreg.gather [hbm4b:s1+s4], $0x80, v3, vm0, $0xb8;
	[tilespmem:$0x18200] =	vst v63  }
0xda: {  	s2 =	simm.s32 $0x2200  }
0xdb: {  	[tilespmem:s2], [sflag:$0x1] =	stream.indirect_vreg.gather [hbm4b:s6+s4], $0x80, v3, vm0, $0xb8;
	[tilespmem:$0x18200] =	vst v63  }
0xdc: {  	s2 =	simm.s32 $0x2A00  }
0xdd: {  	[tilespmem:s2], [sflag:$0x1] =	stream.indirect_vreg.gather [hbm4b:s7+s4], $0x80, v3, vm0, $0xb8;
	[tilespmem:$0x18200] =	vst v63  }
0xde: {  	v3 =	vld [tilespmem:s30+$0x30];
	_ =	sdelay $0x4  }
0xdf: {  	v61 =	vshrl.u32 v3, $0x3  }
0xe0: {  	v4 =	vmul.u32 $0x30, v61  }
0xe1: {  	v3 =	vand.u32 $0x7, v3  }
0xe2: {  	v3 =	vor.u32 v3, v4  }
0xe3: {  	v4 =	vperm.xlane v3, v0;
	_ =	sdelay $0x1  }
0xe4: {  	v4 =	vadd.s32 v1, v4;
	_ =	sdelay $0x3  }
0xe5: {  	s2 =	simm.s32 $0x3200;
	v3 =	vperm.xlane v3, v2  }
0xe6: {  	[tilespmem:s2], [sflag:$0x1] =	stream.indirect_vreg.gather [hbm4b:s1+s4], $0x80, v4, vm0, $0xb8;
	[tilespmem:$0x18200] =	vst v63  }
0xe7: {  	v3 =	vadd.s32 v1, v3;
	s2 =	simm.s32 $0x3A00  }
0xe8: {  	[tilespmem:s2], [sflag:$0x1] =	stream.indirect_vreg.gather [hbm4b:s6+s4], $0x80, v4, vm0, $0xb8;
	[tilespmem:$0x18200] =	vst v63  }
0xe9: {  	s2 =	simm.s32 $0x4200  }
0xea: {  	[tilespmem:s2], [sflag:$0x1] =	stream.indirect_vreg.gather [hbm4b:s7+s4], $0x80, v4, vm0, $0xb8;
	[tilespmem:$0x18200] =	vst v63  }
0xeb: {  	s2 =	simm.s32 $0x4A00  }
0xec: {  	[tilespmem:s2], [sflag:$0x1] =	stream.indirect_vreg.gather [hbm4b:s1+s4], $0x80, v3, vm0, $0xb8;
	[tilespmem:$0x18200] =	vst v63  }
0xed: {  	s2 =	simm.s32 $0x5200  }
0xee: {  	[tilespmem:s2], [sflag:$0x1] =	stream.indirect_vreg.gather [hbm4b:s6+s4], $0x80, v3, vm0, $0xb8;
	[tilespmem:$0x18200] =	vst v63  }
0xef: {  	s2 =	simm.s32 $0x5A00  }
0xf0: {  	[tilespmem:s2], [sflag:$0x1] =	stream.indirect_vreg.gather [hbm4b:s7+s4], $0x80, v3, vm0, $0xb8;
	[tilespmem:$0x18200] =	vst v63  }
0xf1: {  	v3 =	vld [tilespmem:s30+$0x40];
	_ =	sdelay $0x4  }
0xf2: {  	v62 =	vshrl.u32 v3, $0x3  }
0xf3: {  	v4 =	vmul.u32 $0x30, v62  }
0xf4: {  	v3 =	vand.u32 $0x7, v3  }
0xf5: {  	v3 =	vor.u32 v3, v4  }
0xf6: {  	v4 =	vperm.xlane v3, v0;
	_ =	sdelay $0x1  }
0xf7: {  	v4 =	vadd.s32 v1, v4;
	_ =	sdelay $0x3  }
0xf8: {  	s2 =	simm.s32 $0x6200;
	v3 =	vperm.xlane v3, v2  }
0xf9: {  	[tilespmem:s2], [sflag:$0x1] =	stream.indirect_vreg.gather [hbm4b:s1+s4], $0x80, v4, vm0, $0xb8;
	[tilespmem:$0x18200] =	vst v63  }
0xfa: {  	v3 =	vadd.s32 v1, v3;
	s2 =	simm.s32 $0x6A00  }
0xfb: {  	[tilespmem:s2], [sflag:$0x1] =	stream.indirect_vreg.gather [hbm4b:s6+s4], $0x80, v4, vm0, $0xb8;
	[tilespmem:$0x18200] =	vst v63  }
0xfc: {  	s2 =	simm.s32 $0x7200  }
0xfd: {  	[tilespmem:s2], [sflag:$0x1] =	stream.indirect_vreg.gather [hbm4b:s7+s4], $0x80, v4, vm0, $0xb8;
	[tilespmem:$0x18200] =	vst v63  }
0xfe: {  	s2 =	simm.s32 $0x7A00  }
0xff: {  	[tilespmem:s2], [sflag:$0x1] =	stream.indirect_vreg.gather [hbm4b:s1+s4], $0x80, v3, vm0, $0xb8;
	[tilespmem:$0x18200] =	vst v63  }
0x100: {  	s2 =	simm.s32 $0x8200  }
0x101: {  	[tilespmem:s2], [sflag:$0x1] =	stream.indirect_vreg.gather [hbm4b:s6+s4], $0x80, v3, vm0, $0xb8;
	[tilespmem:$0x18200] =	vst v63  }
0x102: {  	s2 =	simm.s32 $0x8A00  }
0x103: {  	[tilespmem:s2], [sflag:$0x1] =	stream.indirect_vreg.gather [hbm4b:s7+s4], $0x80, v3, vm0, $0xb8;
	[tilespmem:$0x18200] =	vst v63  }
0x104: {  	v3 =	vld [tilespmem:s30+$0x50];
	_ =	sdelay $0x4  }
0x105: {  	v63 =	vshrl.u32 v3, $0x3  }
0x106: {  	v4 =	vmul.u32 $0x30, v63  }
0x107: {  	v3 =	vand.u32 $0x7, v3  }
0x108: {  	v3 =	vor.u32 v3, v4  }
0x109: {  	v4 =	vperm.xlane v3, v0;
	_ =	sdelay $0x1  }
0x10a: {  	v4 =	vadd.s32 v1, v4;
	_ =	sdelay $0x3  }
0x10b: {  	s2 =	simm.s32 $0x9200;
	v3 =	vperm.xlane v3, v2  }
0x10c: {  	[tilespmem:s2], [sflag:$0x1] =	stream.indirect_vreg.gather [hbm4b:s1+s4], $0x80, v4, vm0, $0xb8;
	[tilespmem:$0x18200] =	vst v63  }
0x10d: {  	v3 =	vadd.s32 v1, v3;
	s2 =	simm.s32 $0x9A00  }
0x10e: {  	[tilespmem:s2], [sflag:$0x1] =	stream.indirect_vreg.gather [hbm4b:s6+s4], $0x80, v4, vm0, $0xb8;
	[tilespmem:$0x18200] =	vst v63  }
0x10f: {  	s2 =	simm.s32 $0xA200  }
0x110: {  	[tilespmem:s2], [sflag:$0x1] =	stream.indirect_vreg.gather [hbm4b:s7+s4], $0x80, v4, vm0, $0xb8;
	[tilespmem:$0x18200] =	vst v63  }
0x111: {  	s2 =	simm.s32 $0xAA00  }
0x112: {  	[tilespmem:s2], [sflag:$0x1] =	stream.indirect_vreg.gather [hbm4b:s1+s4], $0x80, v3, vm0, $0xb8;
	[tilespmem:$0x18200] =	vst v63  }
.Ltmp5:
0x113: {  	_ = 	snop;
	(pc) =	sbr.rel .LBB2_4-.Ltmp5, $4  }
0x114: {  	s2 =	simm.s32 $0xB200  }
0x115: {  	[tilespmem:s2], [sflag:$0x1] =	stream.indirect_vreg.gather [hbm4b:s6+s4], $0x80, v3, vm0, $0xb8;
	[tilespmem:$0x18200] =	vst v63  }
0x116: {  	s2 =	simm.s32 $0xBA00  }
0x117: {  	[tilespmem:s2], [sflag:$0x1] =	stream.indirect_vreg.gather [hbm4b:s7+s4], $0x80, v3, vm0, $0xb8;
	[tilespmem:$0x18200] =	vst v63  }
.LBB2_5:
0x118: {  	s30 =	simm.s32 $0x0;
	s2 =	rddreg [dreg:$0x5]  }
0x119: {  	[tilespmem:s30], [sflag:$0x3] =	stream.linear.gather [hbm4b:s2+s30], $0x200, $0x38;
	[tilespmem:$0x18200] =	vst v63  }
0x11a: {  	_ =	swait.ge [sflag:s16], $0x200  }
0x11b: {  	[sflag:s16] =	ssyncset.done $0x0  }
0x11c: {  	[sflag:s16] =	ssyncadd.s32 $0xFFFFFE00  }
0x11d: {  	v3 =	vld [tilespmem:$0x0];
	_ =	sdelay $0x4  }
0x11e: {  	v4 =	vshrl.u32 v3, $0x3  }
0x11f: {  	v4 =	vmul.u32 $0x30, v4  }
0x120: {  	v3 =	vand.u32 $0x7, v3  }
0x121: {  	v3 =	vor.u32 v3, v4  }
0x122: {  	v4 =	vperm.xlane v3, v0;
	_ =	sdelay $0x1  }
0x123: {  	v4 =	vadd.s32 v1, v4;
	_ =	sdelay $0x3  }
0x124: {  	v3 =	vperm.xlane v3, v2  }
0x125: {  	[tilespmem:s17], [sflag:$0x1] =	stream.indirect_vreg.gather [hbm4b:s3+s30], $0x80, v4, vm0, $0xb8;
	[tilespmem:$0x18200] =	vst v63  }
0x126: {  	s2 =	simm.s32 $0xA00;
	v3 =	vadd.s32 v1, v3  }
0x127: {  	[tilespmem:s2], [sflag:$0x1] =	stream.indirect_vreg.gather [hbm4b:s9+s30], $0x80, v4, vm0, $0xb8;
	[tilespmem:$0x18200] =	vst v63  }
0x128: {  	s2 =	simm.s32 $0x1200  }
0x129: {  	[tilespmem:s2], [sflag:$0x1] =	stream.indirect_vreg.gather [hbm4b:s10+s30], $0x80, v4, vm0, $0xb8;
	[tilespmem:$0x18200] =	vst v63  }
0x12a: {  	s2 =	simm.s32 $0x1A00  }
0x12b: {  	[tilespmem:s2], [sflag:$0x1] =	stream.indirect_vreg.gather [hbm4b:s3+s30], $0x80, v3, vm0, $0xb8;
	[tilespmem:$0x18200] =	vst v63  }
0x12c: {  	s2 =	simm.s32 $0x2200  }
0x12d: {  	[tilespmem:s2], [sflag:$0x1] =	stream.indirect_vreg.gather [hbm4b:s9+s30], $0x80, v3, vm0, $0xb8;
	[tilespmem:$0x18200] =	vst v63  }
0x12e: {  	s2 =	simm.s32 $0x2A00  }
0x12f: {  	[tilespmem:s2], [sflag:$0x1] =	stream.indirect_vreg.gather [hbm4b:s10+s30], $0x80, v3, vm0, $0xb8;
	[tilespmem:$0x18200] =	vst v63  }
0x130: {  	v3 =	vld [tilespmem:$0x10];
	_ =	sdelay $0x4  }
0x131: {  	v61 =	vshrl.u32 v3, $0x3  }
0x132: {  	v4 =	vmul.u32 $0x30, v61  }
0x133: {  	v3 =	vand.u32 $0x7, v3  }
0x134: {  	v3 =	vor.u32 v3, v4  }
0x135: {  	v4 =	vperm.xlane v3, v0;
	_ =	sdelay $0x1  }
0x136: {  	v4 =	vadd.s32 v1, v4;
	_ =	sdelay $0x3  }
0x137: {  	s2 =	simm.s32 $0x3200;
	v3 =	vperm.xlane v3, v2  }
0x138: {  	[tilespmem:s2], [sflag:$0x1] =	stream.indirect_vreg.gather [hbm4b:s3+s30], $0x80, v4, vm0, $0xb8;
	[tilespmem:$0x18200] =	vst v63  }
0x139: {  	v3 =	vadd.s32 v1, v3;
	s2 =	simm.s32 $0x3A00  }
0x13a: {  	[tilespmem:s2], [sflag:$0x1] =	stream.indirect_vreg.gather [hbm4b:s9+s30], $0x80, v4, vm0, $0xb8;
	[tilespmem:$0x18200] =	vst v63  }
0x13b: {  	s2 =	simm.s32 $0x4200  }
0x13c: {  	[tilespmem:s2], [sflag:$0x1] =	stream.indirect_vreg.gather [hbm4b:s10+s30], $0x80, v4, vm0, $0xb8;
	[tilespmem:$0x18200] =	vst v63  }
0x13d: {  	s2 =	simm.s32 $0x4A00  }
0x13e: {  	[tilespmem:s2], [sflag:$0x1] =	stream.indirect_vreg.gather [hbm4b:s3+s30], $0x80, v3, vm0, $0xb8;
	[tilespmem:$0x18200] =	vst v63  }
0x13f: {  	s2 =	simm.s32 $0x5200  }
0x140: {  	[tilespmem:s2], [sflag:$0x1] =	stream.indirect_vreg.gather [hbm4b:s9+s30], $0x80, v3, vm0, $0xb8;
	[tilespmem:$0x18200] =	vst v63  }
0x141: {  	s2 =	simm.s32 $0x5A00  }
0x142: {  	[tilespmem:s2], [sflag:$0x1] =	stream.indirect_vreg.gather [hbm4b:s10+s30], $0x80, v3, vm0, $0xb8;
	[tilespmem:$0x18200] =	vst v63  }
0x143: {  	v3 =	vld [tilespmem:$0x20];
	_ =	sdelay $0x4  }
0x144: {  	v62 =	vshrl.u32 v3, $0x3  }
0x145: {  	v4 =	vmul.u32 $0x30, v62  }
0x146: {  	v3 =	vand.u32 $0x7, v3  }
0x147: {  	v3 =	vor.u32 v3, v4  }
0x148: {  	v4 =	vperm.xlane v3, v0;
	_ =	sdelay $0x1  }
0x149: {  	v4 =	vadd.s32 v1, v4;
	_ =	sdelay $0x3  }
0x14a: {  	s2 =	simm.s32 $0x6200;
	v3 =	vperm.xlane v3, v2  }
0x14b: {  	[tilespmem:s2], [sflag:$0x1] =	stream.indirect_vreg.gather [hbm4b:s3+s30], $0x80, v4, vm0, $0xb8;
	[tilespmem:$0x18200] =	vst v63  }
0x14c: {  	v3 =	vadd.s32 v1, v3;
	s2 =	simm.s32 $0x6A00  }
0x14d: {  	[tilespmem:s2], [sflag:$0x1] =	stream.indirect_vreg.gather [hbm4b:s9+s30], $0x80, v4, vm0, $0xb8;
	[tilespmem:$0x18200] =	vst v63  }
0x14e: {  	s2 =	simm.s32 $0x7200  }
0x14f: {  	[tilespmem:s2], [sflag:$0x1] =	stream.indirect_vreg.gather [hbm4b:s10+s30], $0x80, v4, vm0, $0xb8;
	[tilespmem:$0x18200] =	vst v63  }
0x150: {  	s2 =	simm.s32 $0x7A00  }
0x151: {  	[tilespmem:s2], [sflag:$0x1] =	stream.indirect_vreg.gather [hbm4b:s3+s30], $0x80, v3, vm0, $0xb8;
	[tilespmem:$0x18200] =	vst v63  }
0x152: {  	s2 =	simm.s32 $0x8200  }
0x153: {  	[tilespmem:s2], [sflag:$0x1] =	stream.indirect_vreg.gather [hbm4b:s9+s30], $0x80, v3, vm0, $0xb8;
	[tilespmem:$0x18200] =	vst v63  }
0x154: {  	s2 =	simm.s32 $0x8A00  }
0x155: {  	[tilespmem:s2], [sflag:$0x1] =	stream.indirect_vreg.gather [hbm4b:s10+s30], $0x80, v3, vm0, $0xb8;
	[tilespmem:$0x18200] =	vst v63  }
0x156: {  	v3 =	vld [tilespmem:$0x30];
	_ =	sdelay $0x4  }
0x157: {  	v63 =	vshrl.u32 v3, $0x3  }
0x158: {  	v4 =	vmul.u32 $0x30, v63  }
0x159: {  	v3 =	vand.u32 $0x7, v3  }
0x15a: {  	v3 =	vor.u32 v3, v4  }
0x15b: {  	v4 =	vperm.xlane v3, v0;
	_ =	sdelay $0x1  }
0x15c: {  	v4 =	vadd.s32 v1, v4;
	_ =	sdelay $0x3  }
0x15d: {  	s2 =	simm.s32 $0x9200;
	v3 =	vperm.xlane v3, v2  }
0x15e: {  	[tilespmem:s2], [sflag:$0x1] =	stream.indirect_vreg.gather [hbm4b:s3+s30], $0x80, v4, vm0, $0xb8;
	[tilespmem:$0x18200] =	vst v63  }
0x15f: {  	v3 =	vadd.s32 v1, v3;
	s2 =	simm.s32 $0x9A00  }
0x160: {  	[tilespmem:s2], [sflag:$0x1] =	stream.indirect_vreg.gather [hbm4b:s9+s30], $0x80, v4, vm0, $0xb8;
	[tilespmem:$0x18200] =	vst v63  }
0x161: {  	s2 =	simm.s32 $0xA200  }
0x162: {  	[tilespmem:s2], [sflag:$0x1] =	stream.indirect_vreg.gather [hbm4b:s10+s30], $0x80, v4, vm0, $0xb8;
	[tilespmem:$0x18200] =	vst v63  }
0x163: {  	s2 =	simm.s32 $0xAA00  }
0x164: {  	[tilespmem:s2], [sflag:$0x1] =	stream.indirect_vreg.gather [hbm4b:s3+s30], $0x80, v3, vm0, $0xb8;
	[tilespmem:$0x18200] =	vst v63  }
.Ltmp6:
0x165: {  	_ = 	snop;
	(pc) =	sbr.rel .LBB2_6-.Ltmp6, $4  }
0x166: {  	s2 =	simm.s32 $0xB200  }
0x167: {  	[tilespmem:s2], [sflag:$0x1] =	stream.indirect_vreg.gather [hbm4b:s9+s30], $0x80, v3, vm0, $0xb8;
	[tilespmem:$0x18200] =	vst v63  }
0x168: {  	s31 =	simm.s32 $0x60;
	s2 =	simm.s32 $0xBA00  }
0x169: {  	[tilespmem:s2], [sflag:$0x1] =	stream.indirect_vreg.gather [hbm4b:s10+s30], $0x80, v3, vm0, $0xb8;
	[tilespmem:$0x18200] =	vst v63  }
.LBB2_8:
0x16a: {  	_ =	swait.ge [sflag:s29], $0xC000  }
0x16b: {  	s2 =	rddreg [dreg:$0x9]  }
0x16c: {  	s2 =	sadd.s32 s30, s2;
	s30 =	sadd.s32 $0x3000, s30  }
0x16d: {  	[sflag:s29] =	ssyncset.done $0x0;
	p0 =	sne.s32 s30, $0xC000  }
.Ltmp7:
0x16e: {  	[sflag:s29] =	ssyncadd.s32 $0xFFFF4000;
	(pc) =	sbr.rel @!p0 .LBB2_9-.Ltmp7, $4  }
0x16f: {  	[hbm4b:s2+s4] =	stream.linear.scatter [tilespmem:s23], [sflag:$0x3], $0xC000, $0x38;
	[tilespmem:$0x18200] =	vst v63  }
0x170: {  	_ =	swait.ge [sflag:s16], $0xC000  }
0x171: {  	[sflag:s16] =	ssyncset.done $0x0  }
0x172: {  	s31 =	sadd.s32 $0x80, s31;
	[sflag:s16] =	ssyncadd.s32 $0xFFFF4000  }
.LBB2_6:
0x173: {  	v3 =	vld [tilespmem:s31+$0xFFFFFFE0];
	_ =	sdelay $0x4  }
0x174: {  	v4 =	vshrl.u32 v3, $0x3  }
0x175: {  	v4 =	vmul.u32 $0x30, v4  }
0x176: {  	v3 =	vand.u32 $0x7, v3  }
0x177: {  	v3 =	vor.u32 v3, v4  }
0x178: {  	v4 =	vperm.xlane v3, v0;
	_ =	sdelay $0x1  }
0x179: {  	v4 =	vadd.s32 v1, v4;
	_ =	sdelay $0x3  }
0x17a: {  	v3 =	vperm.xlane v3, v2  }
0x17b: {  	[tilespmem:s23], [sflag:$0x2] =	stream.indirect_vreg.gather [hbm4b:s3+s4], $0x80, v4, vm0, $0xb8;
	[tilespmem:$0x18200] =	vst v63  }
0x17c: {  	s2 =	simm.s32 $0xCA00;
	v3 =	vadd.s32 v1, v3  }
0x17d: {  	[tilespmem:s2], [sflag:$0x2] =	stream.indirect_vreg.gather [hbm4b:s9+s4], $0x80, v4, vm0, $0xb8;
	[tilespmem:$0x18200] =	vst v63  }
0x17e: {  	s2 =	simm.s32 $0xD200  }
0x17f: {  	[tilespmem:s2], [sflag:$0x2] =	stream.indirect_vreg.gather [hbm4b:s10+s4], $0x80, v4, vm0, $0xb8;
	[tilespmem:$0x18200] =	vst v63  }
0x180: {  	s2 =	simm.s32 $0xDA00  }
0x181: {  	[tilespmem:s2], [sflag:$0x2] =	stream.indirect_vreg.gather [hbm4b:s3+s4], $0x80, v3, vm0, $0xb8;
	[tilespmem:$0x18200] =	vst v63  }
0x182: {  	s2 =	simm.s32 $0xE200  }
0x183: {  	[tilespmem:s2], [sflag:$0x2] =	stream.indirect_vreg.gather [hbm4b:s9+s4], $0x80, v3, vm0, $0xb8;
	[tilespmem:$0x18200] =	vst v63  }
0x184: {  	s2 =	simm.s32 $0xEA00  }
0x185: {  	[tilespmem:s2], [sflag:$0x2] =	stream.indirect_vreg.gather [hbm4b:s10+s4], $0x80, v3, vm0, $0xb8;
	[tilespmem:$0x18200] =	vst v63  }
0x186: {  	v3 =	vld [tilespmem:s31+$0xFFFFFFF0];
	_ =	sdelay $0x4  }
0x187: {  	v61 =	vshrl.u32 v3, $0x3  }
0x188: {  	v4 =	vmul.u32 $0x30, v61  }
0x189: {  	v3 =	vand.u32 $0x7, v3  }
0x18a: {  	v3 =	vor.u32 v3, v4  }
0x18b: {  	v4 =	vperm.xlane v3, v0;
	_ =	sdelay $0x1  }
0x18c: {  	v4 =	vadd.s32 v1, v4;
	_ =	sdelay $0x3  }
0x18d: {  	s2 =	simm.s32 $0xF200;
	v3 =	vperm.xlane v3, v2  }
0x18e: {  	[tilespmem:s2], [sflag:$0x2] =	stream.indirect_vreg.gather [hbm4b:s3+s4], $0x80, v4, vm0, $0xb8;
	[tilespmem:$0x18200] =	vst v63  }
0x18f: {  	v3 =	vadd.s32 v1, v3;
	s2 =	simm.s32 $0xFA00  }
0x190: {  	[tilespmem:s2], [sflag:$0x2] =	stream.indirect_vreg.gather [hbm4b:s9+s4], $0x80, v4, vm0, $0xb8;
	[tilespmem:$0x18200] =	vst v63  }
0x191: {  	s2 =	simm.s32 $0x10200  }
0x192: {  	[tilespmem:s2], [sflag:$0x2] =	stream.indirect_vreg.gather [hbm4b:s10+s4], $0x80, v4, vm0, $0xb8;
	[tilespmem:$0x18200] =	vst v63  }
0x193: {  	_ = 	snop  }
0x194: {  	[tilespmem:s0], [sflag:$0x2] =	stream.indirect_vreg.gather [hbm4b:s3+s4], $0x80, v3, vm0, $0xb8;
	[tilespmem:$0x18200] =	vst v63  }
0x195: {  	_ = 	snop  }
0x196: {  	[tilespmem:s5], [sflag:$0x2] =	stream.indirect_vreg.gather [hbm4b:s9+s4], $0x80, v3, vm0, $0xb8;
	[tilespmem:$0x18200] =	vst v63  }
0x197: {  	_ = 	snop  }
0x198: {  	[tilespmem:s8], [sflag:$0x2] =	stream.indirect_vreg.gather [hbm4b:s10+s4], $0x80, v3, vm0, $0xb8;
	[tilespmem:$0x18200] =	vst v63  }
0x199: {  	v3 =	vld [tilespmem:s31+$0x0];
	_ =	sdelay $0x4  }
0x19a: {  	v62 =	vshrl.u32 v3, $0x3  }
0x19b: {  	v4 =	vmul.u32 $0x30, v62  }
0x19c: {  	v3 =	vand.u32 $0x7, v3  }
0x19d: {  	v3 =	vor.u32 v3, v4  }
0x19e: {  	v4 =	vperm.xlane v3, v0;
	_ =	sdelay $0x1  }
0x19f: {  	v4 =	vadd.s32 v1, v4;
	_ =	sdelay $0x3  }
0x1a0: {  	v3 =	vperm.xlane v3, v2  }
0x1a1: {  	[tilespmem:s11], [sflag:$0x2] =	stream.indirect_vreg.gather [hbm4b:s3+s4], $0x80, v4, vm0, $0xb8;
	[tilespmem:$0x18200] =	vst v63  }
0x1a2: {  	v3 =	vadd.s32 v1, v3  }
0x1a3: {  	[tilespmem:s18], [sflag:$0x2] =	stream.indirect_vreg.gather [hbm4b:s9+s4], $0x80, v4, vm0, $0xb8;
	[tilespmem:$0x18200] =	vst v63  }
0x1a4: {  	_ = 	snop  }
0x1a5: {  	[tilespmem:s19], [sflag:$0x2] =	stream.indirect_vreg.gather [hbm4b:s10+s4], $0x80, v4, vm0, $0xb8;
	[tilespmem:$0x18200] =	vst v63  }
0x1a6: {  	_ = 	snop  }
0x1a7: {  	[tilespmem:s20], [sflag:$0x2] =	stream.indirect_vreg.gather [hbm4b:s3+s4], $0x80, v3, vm0, $0xb8;
	[tilespmem:$0x18200] =	vst v63  }
0x1a8: {  	_ = 	snop  }
0x1a9: {  	[tilespmem:s21], [sflag:$0x2] =	stream.indirect_vreg.gather [hbm4b:s9+s4], $0x80, v3, vm0, $0xb8;
	[tilespmem:$0x18200] =	vst v63  }
0x1aa: {  	_ = 	snop  }
0x1ab: {  	[tilespmem:s22], [sflag:$0x2] =	stream.indirect_vreg.gather [hbm4b:s10+s4], $0x80, v3, vm0, $0xb8;
	[tilespmem:$0x18200] =	vst v63  }
0x1ac: {  	v3 =	vld [tilespmem:s31+$0x10];
	_ =	sdelay $0x4  }
0x1ad: {  	v63 =	vshrl.u32 v3, $0x3  }
0x1ae: {  	v4 =	vmul.u32 $0x30, v63  }
0x1af: {  	v3 =	vand.u32 $0x7, v3  }
0x1b0: {  	v3 =	vor.u32 v3, v4  }
0x1b1: {  	v4 =	vperm.xlane v3, v0;
	_ =	sdelay $0x1  }
0x1b2: {  	v4 =	vadd.s32 v1, v4;
	_ =	sdelay $0x3  }
0x1b3: {  	v3 =	vperm.xlane v3, v2  }
0x1b4: {  	[tilespmem:s12], [sflag:$0x2] =	stream.indirect_vreg.gather [hbm4b:s3+s4], $0x80, v4, vm0, $0xb8;
	[tilespmem:$0x18200] =	vst v63  }
0x1b5: {  	v3 =	vadd.s32 v1, v3  }
0x1b6: {  	[tilespmem:s13], [sflag:$0x2] =	stream.indirect_vreg.gather [hbm4b:s9+s4], $0x80, v4, vm0, $0xb8;
	[tilespmem:$0x18200] =	vst v63  }
0x1b7: {  	_ = 	snop  }
0x1b8: {  	[tilespmem:s14], [sflag:$0x2] =	stream.indirect_vreg.gather [hbm4b:s10+s4], $0x80, v4, vm0, $0xb8;
	[tilespmem:$0x18200] =	vst v63  }
0x1b9: {  	_ = 	snop  }
0x1ba: {  	[tilespmem:s15], [sflag:$0x2] =	stream.indirect_vreg.gather [hbm4b:s3+s4], $0x80, v3, vm0, $0xb8;
	[tilespmem:$0x18200] =	vst v63  }
0x1bb: {  	_ = 	snop  }
0x1bc: {  	[tilespmem:s24], [sflag:$0x2] =	stream.indirect_vreg.gather [hbm4b:s9+s4], $0x80, v3, vm0, $0xb8;
	[tilespmem:$0x18200] =	vst v63  }
0x1bd: {  	_ = 	snop  }
0x1be: {  	[tilespmem:s25], [sflag:$0x2] =	stream.indirect_vreg.gather [hbm4b:s10+s4], $0x80, v3, vm0, $0xb8;
	[tilespmem:$0x18200] =	vst v63  }
0x1bf: {  	_ =	swait.ge [sflag:s26], $0xC000  }
0x1c0: {  	p0 =	seq.s32 s30, $0x9000;
	[sflag:s26] =	ssyncset.done $0x0;
	s2 =	rddreg [dreg:$0xa]  }
.Ltmp8:
0x1c1: {  	[sflag:s26] =	ssyncadd.s32 $0xFFFF4000;
	s2 =	sadd.s32 s30, s2;
	(pc) =	sbr.rel @p0 .LBB2_8-.Ltmp8, $4  }
0x1c2: {  	[hbm4b:s2+s4] =	stream.linear.scatter [tilespmem:s17], [sflag:$0x4], $0xC000, $0x38;
	[tilespmem:$0x18200] =	vst v63  }
0x1c3: {  	_ =	swait.ge [sflag:s28], $0xC000  }
0x1c4: {  	[sflag:s28] =	ssyncset.done $0x0  }
0x1c5: {  	[sflag:s28] =	ssyncadd.s32 $0xFFFF4000  }
0x1c6: {  	v3 =	vld [tilespmem:s31+$0x20];
	_ =	sdelay $0x4  }
0x1c7: {  	v4 =	vshrl.u32 v3, $0x3  }
0x1c8: {  	v4 =	vmul.u32 $0x30, v4  }
0x1c9: {  	v3 =	vand.u32 $0x7, v3  }
0x1ca: {  	v3 =	vor.u32 v3, v4  }
0x1cb: {  	v4 =	vperm.xlane v3, v0;
	_ =	sdelay $0x1  }
0x1cc: {  	v4 =	vadd.s32 v1, v4;
	_ =	sdelay $0x3  }
0x1cd: {  	v3 =	vperm.xlane v3, v2  }
0x1ce: {  	[tilespmem:s17], [sflag:$0x1] =	stream.indirect_vreg.gather [hbm4b:s3+s4], $0x80, v4, vm0, $0xb8;
	[tilespmem:$0x18200] =	vst v63  }
0x1cf: {  	s2 =	simm.s32 $0xA00;
	v3 =	vadd.s32 v1, v3  }
0x1d0: {  	[tilespmem:s2], [sflag:$0x1] =	stream.indirect_vreg.gather [hbm4b:s9+s4], $0x80, v4, vm0, $0xb8;
	[tilespmem:$0x18200] =	vst v63  }
0x1d1: {  	s2 =	simm.s32 $0x1200  }
0x1d2: {  	[tilespmem:s2], [sflag:$0x1] =	stream.indirect_vreg.gather [hbm4b:s10+s4], $0x80, v4, vm0, $0xb8;
	[tilespmem:$0x18200] =	vst v63  }
0x1d3: {  	s2 =	simm.s32 $0x1A00  }
0x1d4: {  	[tilespmem:s2], [sflag:$0x1] =	stream.indirect_vreg.gather [hbm4b:s3+s4], $0x80, v3, vm0, $0xb8;
	[tilespmem:$0x18200] =	vst v63  }
0x1d5: {  	s2 =	simm.s32 $0x2200  }
0x1d6: {  	[tilespmem:s2], [sflag:$0x1] =	stream.indirect_vreg.gather [hbm4b:s9+s4], $0x80, v3, vm0, $0xb8;
	[tilespmem:$0x18200] =	vst v63  }
0x1d7: {  	s2 =	simm.s32 $0x2A00  }
0x1d8: {  	[tilespmem:s2], [sflag:$0x1] =	stream.indirect_vreg.gather [hbm4b:s10+s4], $0x80, v3, vm0, $0xb8;
	[tilespmem:$0x18200] =	vst v63  }
0x1d9: {  	v3 =	vld [tilespmem:s31+$0x30];
	_ =	sdelay $0x4  }
0x1da: {  	v61 =	vshrl.u32 v3, $0x3  }
0x1db: {  	v4 =	vmul.u32 $0x30, v61  }
0x1dc: {  	v3 =	vand.u32 $0x7, v3  }
0x1dd: {  	v3 =	vor.u32 v3, v4  }
0x1de: {  	v4 =	vperm.xlane v3, v0;
	_ =	sdelay $0x1  }
0x1df: {  	v4 =	vadd.s32 v1, v4;
	_ =	sdelay $0x3  }
0x1e0: {  	s2 =	simm.s32 $0x3200;
	v3 =	vperm.xlane v3, v2  }
0x1e1: {  	[tilespmem:s2], [sflag:$0x1] =	stream.indirect_vreg.gather [hbm4b:s3+s4], $0x80, v4, vm0, $0xb8;
	[tilespmem:$0x18200] =	vst v63  }
0x1e2: {  	v3 =	vadd.s32 v1, v3;
	s2 =	simm.s32 $0x3A00  }
0x1e3: {  	[tilespmem:s2], [sflag:$0x1] =	stream.indirect_vreg.gather [hbm4b:s9+s4], $0x80, v4, vm0, $0xb8;
	[tilespmem:$0x18200] =	vst v63  }
0x1e4: {  	s2 =	simm.s32 $0x4200  }
0x1e5: {  	[tilespmem:s2], [sflag:$0x1] =	stream.indirect_vreg.gather [hbm4b:s10+s4], $0x80, v4, vm0, $0xb8;
	[tilespmem:$0x18200] =	vst v63  }
0x1e6: {  	s2 =	simm.s32 $0x4A00  }
0x1e7: {  	[tilespmem:s2], [sflag:$0x1] =	stream.indirect_vreg.gather [hbm4b:s3+s4], $0x80, v3, vm0, $0xb8;
	[tilespmem:$0x18200] =	vst v63  }
0x1e8: {  	s2 =	simm.s32 $0x5200  }
0x1e9: {  	[tilespmem:s2], [sflag:$0x1] =	stream.indirect_vreg.gather [hbm4b:s9+s4], $0x80, v3, vm0, $0xb8;
	[tilespmem:$0x18200] =	vst v63  }
0x1ea: {  	s2 =	simm.s32 $0x5A00  }
0x1eb: {  	[tilespmem:s2], [sflag:$0x1] =	stream.indirect_vreg.gather [hbm4b:s10+s4], $0x80, v3, vm0, $0xb8;
	[tilespmem:$0x18200] =	vst v63  }
0x1ec: {  	v3 =	vld [tilespmem:s31+$0x40];
	_ =	sdelay $0x4  }
0x1ed: {  	v62 =	vshrl.u32 v3, $0x3  }
0x1ee: {  	v4 =	vmul.u32 $0x30, v62  }
0x1ef: {  	v3 =	vand.u32 $0x7, v3  }
0x1f0: {  	v3 =	vor.u32 v3, v4  }
0x1f1: {  	v4 =	vperm.xlane v3, v0;
	_ =	sdelay $0x1  }
0x1f2: {  	v4 =	vadd.s32 v1, v4;
	_ =	sdelay $0x3  }
0x1f3: {  	s2 =	simm.s32 $0x6200;
	v3 =	vperm.xlane v3, v2  }
0x1f4: {  	[tilespmem:s2], [sflag:$0x1] =	stream.indirect_vreg.gather [hbm4b:s3+s4], $0x80, v4, vm0, $0xb8;
	[tilespmem:$0x18200] =	vst v63  }
0x1f5: {  	v3 =	vadd.s32 v1, v3;
	s2 =	simm.s32 $0x6A00  }
0x1f6: {  	[tilespmem:s2], [sflag:$0x1] =	stream.indirect_vreg.gather [hbm4b:s9+s4], $0x80, v4, vm0, $0xb8;
	[tilespmem:$0x18200] =	vst v63  }
0x1f7: {  	s2 =	simm.s32 $0x7200  }
0x1f8: {  	[tilespmem:s2], [sflag:$0x1] =	stream.indirect_vreg.gather [hbm4b:s10+s4], $0x80, v4, vm0, $0xb8;
	[tilespmem:$0x18200] =	vst v63  }
0x1f9: {  	s2 =	simm.s32 $0x7A00  }
0x1fa: {  	[tilespmem:s2], [sflag:$0x1] =	stream.indirect_vreg.gather [hbm4b:s3+s4], $0x80, v3, vm0, $0xb8;
	[tilespmem:$0x18200] =	vst v63  }
0x1fb: {  	s2 =	simm.s32 $0x8200  }
0x1fc: {  	[tilespmem:s2], [sflag:$0x1] =	stream.indirect_vreg.gather [hbm4b:s9+s4], $0x80, v3, vm0, $0xb8;
	[tilespmem:$0x18200] =	vst v63  }
0x1fd: {  	s2 =	simm.s32 $0x8A00  }
0x1fe: {  	[tilespmem:s2], [sflag:$0x1] =	stream.indirect_vreg.gather [hbm4b:s10+s4], $0x80, v3, vm0, $0xb8;
	[tilespmem:$0x18200] =	vst v63  }
0x1ff: {  	v3 =	vld [tilespmem:s31+$0x50];
	_ =	sdelay $0x4  }
0x200: {  	v63 =	vshrl.u32 v3, $0x3  }
0x201: {  	v4 =	vmul.u32 $0x30, v63  }
0x202: {  	v3 =	vand.u32 $0x7, v3  }
0x203: {  	v3 =	vor.u32 v3, v4  }
0x204: {  	v4 =	vperm.xlane v3, v0;
	_ =	sdelay $0x1  }
0x205: {  	v4 =	vadd.s32 v1, v4;
	_ =	sdelay $0x3  }
0x206: {  	s2 =	simm.s32 $0x9200;
	v3 =	vperm.xlane v3, v2  }
0x207: {  	[tilespmem:s2], [sflag:$0x1] =	stream.indirect_vreg.gather [hbm4b:s3+s4], $0x80, v4, vm0, $0xb8;
	[tilespmem:$0x18200] =	vst v63  }
0x208: {  	v3 =	vadd.s32 v1, v3;
	s2 =	simm.s32 $0x9A00  }
0x209: {  	[tilespmem:s2], [sflag:$0x1] =	stream.indirect_vreg.gather [hbm4b:s9+s4], $0x80, v4, vm0, $0xb8;
	[tilespmem:$0x18200] =	vst v63  }
0x20a: {  	s2 =	simm.s32 $0xA200  }
0x20b: {  	[tilespmem:s2], [sflag:$0x1] =	stream.indirect_vreg.gather [hbm4b:s10+s4], $0x80, v4, vm0, $0xb8;
	[tilespmem:$0x18200] =	vst v63  }
0x20c: {  	s2 =	simm.s32 $0xAA00  }
0x20d: {  	[tilespmem:s2], [sflag:$0x1] =	stream.indirect_vreg.gather [hbm4b:s3+s4], $0x80, v3, vm0, $0xb8;
	[tilespmem:$0x18200] =	vst v63  }
.Ltmp9:
0x20e: {  	_ = 	snop;
	(pc) =	sbr.rel .LBB2_8-.Ltmp9, $4  }
0x20f: {  	s2 =	simm.s32 $0xB200  }
0x210: {  	[tilespmem:s2], [sflag:$0x1] =	stream.indirect_vreg.gather [hbm4b:s9+s4], $0x80, v3, vm0, $0xb8;
	[tilespmem:$0x18200] =	vst v63  }
0x211: {  	s2 =	simm.s32 $0xBA00  }
0x212: {  	[tilespmem:s2], [sflag:$0x1] =	stream.indirect_vreg.gather [hbm4b:s10+s4], $0x80, v3, vm0, $0xb8;
	[tilespmem:$0x18200] =	vst v63  }
.LBB2_10:
0x213: {  	_ =	sfence.sel $0x180000  }
0x214: {  	[bflag:$0x0] =	sbarrier.arrive $0xFFFF  }
0x215: {  	_ =	strace $0x90000053  }
0x216: {  	s0 =	stileid.u32;
	[bflag:$0x2] =	sbarrier.arrive $0xFFFF  }
0x217: {  	p0 =	sne.s32 s0, $0x0;
	s0 =	rddreg [dreg:$0x3]  }
0x218: {  	s0 =	sadd.s32 @!p0 $0x100000, s0  }
0x219: {  	[sflag:s0] =	ssyncadd.tile.s32 @!p0 $0x1;
	_ =	shalt  }
.Lfunc_end2:
_tile_overlayer_lowered:
.L_overlay_start_2:
0x21a: {  	(tag) =	ssettag $0x2  }
0x21b: {  	s0 =	rddreg [dreg:$0x0];
	s2 =	stileid.u32  }
0x21c: {  	s1 =	rddreg [dreg:$0x1];
	p0 =	sne.s32 s2, $0x0  }
0x21d: {  	s3 =	rddreg [dreg:$0x2];
	[bflag:$0x3] =	sbarrier.arrive $0xFFFF;
	s2 =	simm.s32 @!p0 $0x1C03  }
0x21e: {  	[timem:s3], [sflag:s2] =	dma.local @!p0 [hbm:s0], s1  }
0x21f: {  	s0 =	simm.s32 @!p0 $0x3  }
0x220: {  	_ =	swait.ge @!p0 [sflag:s0], s1  }
0x221: {  	s1 =	ssub.s32 @!p0 $0x0, s1;
	[sflag:s0] =	ssyncset.done @!p0 $0x0  }
0x222: {  	[sflag:s0] =	ssyncadd.s32 @!p0 s1  }
0x223: {  	[bflag:$0x3] =	sbarrier.arrive $0xFFFF  }
0x224: {  	_ =	shalt  }

</sc_bundles>
